<compile_context>
chip_gen: v7x
topology: tpu7x:2x2x1
jax: 0.10.2.dev20260603
libtpu: 0.0.44.dev20260713+nightly
codegen_flags: <defaults>
</compile_context>

<pallas_src>
import dataclasses
import functools

import jax
import jax.numpy as jnp
from jax import lax
from jax.experimental import pallas as pl
from jax.experimental.pallas import tpu as pltpu
from jax.experimental.pallas import tpu_sc as plsc

N_NODES = 10000
N_EDGES = 320000
D_IN = 128
H = 64

NC = 2
NS = 16
L = 16
NW = NC * NS
EPW = N_EDGES // NW
BLK = 80
N_PAD = 10112
STRIPE = N_PAD // NS

_vmesh = plsc.VectorSubcoreMesh(
    core_axis_name="c", subcore_axis_name="s", num_cores=NC, num_subcores=NS)

_sc_params = pltpu.CompilerParams(
    needs_layout_passes=False, use_tc_tiling_on_sc=False)



NH = N_NODES // 2


NHB = NH // 5


def _tc1_body(xqt_ref, xqb_ref, xat_ref, xab_ref,
              wq_ref, bq_ref, wa_ref, ba_ref,
              wl_ref, bl_ref, lg_ref,
              t_ref, zq_ref, wa_out_ref, ew_ref):
    wq = wq_ref[...]
    wa = wa_ref[...]
    wl = wl_ref[...]
    z64 = jnp.zeros((H, H), jnp.float32)
    wl2 = jnp.concatenate(
        [jnp.concatenate([wl, z64], axis=1),
         jnp.concatenate([z64, wl], axis=1)], axis=0)
    bb = jnp.concatenate([bl_ref[...], bl_ref[...]], axis=1)
    h_qt = jnp.maximum(jnp.dot(xqt_ref[...], wq,
                               preferred_element_type=jnp.float32)
                       + bq_ref[...], 0.0)
    h_qb = jnp.maximum(jnp.dot(xqb_ref[...], wq,
                               preferred_element_type=jnp.float32)
                       + bq_ref[...], 0.0)
    h128 = jnp.concatenate([h_qt, h_qb], axis=1)
    t128 = jnp.dot(h128, wl2, preferred_element_type=jnp.float32)
    t_ref[...] = t128
    zq_ref[...] = t128 + bb

    h_at = jnp.maximum(jnp.dot(xat_ref[...], wa,
                               preferred_element_type=jnp.float32)
                       + ba_ref[...], 0.0)
    h_ab = jnp.maximum(jnp.dot(xab_ref[...], wa,
                               preferred_element_type=jnp.float32)
                       + ba_ref[...], 0.0)
    a128 = jnp.concatenate([h_at, h_ab], axis=1)
    wa_out_ref[...] = (jnp.dot(a128, wl2,
                               preferred_element_type=jnp.float32)
                       + bb)

    ew_ref[...] = jax.nn.sigmoid(lg_ref[...])


def _tc1(xq, xa, wq, bq, wa, ba, wl, bl, lg2d):
    row_blk = lambda i: (i, 0)
    bot_blk = lambda i: (i + 5, 0)
    full = lambda shape: pl.BlockSpec(shape, lambda i: (0, 0))
    return pl.pallas_call(
        _tc1_body,
        grid=(5,),
        in_specs=[
            pl.BlockSpec((NHB, D_IN), row_blk),
            pl.BlockSpec((NHB, D_IN), bot_blk),
            pl.BlockSpec((NHB, D_IN), row_blk),
            pl.BlockSpec((NHB, D_IN), bot_blk),
            full((D_IN, H)), full((1, H)), full((D_IN, H)), full((1, H)),
            full((H, H)), full((1, H)),
            full((N_EDGES // D_IN, D_IN)),
        ],
        out_specs=(
            pl.BlockSpec((NHB, 2 * H), row_blk),
            pl.BlockSpec((NHB, 2 * H), row_blk),
            pl.BlockSpec((NHB, 2 * H), row_blk),
            full((N_EDGES // D_IN, D_IN)),
        ),
        out_shape=(
            jax.ShapeDtypeStruct((NH, 2 * H), jnp.float32),
            jax.ShapeDtypeStruct((NH, 2 * H), jnp.float32),
            jax.ShapeDtypeStruct((NH, 2 * H), jnp.float32),
            jax.ShapeDtypeStruct(lg2d.shape, jnp.float32),
        ),
        compiler_params=pltpu.CompilerParams(
            dimension_semantics=("parallel",)),
    )(xq, xq, xa, xa, wq, bq, wa, ba, wl, bl, lg2d)



NBUF = 5
NBLK = EPW // BLK


def _sc_msg_body(hq_hbm, src_hbm, dst_hbm, ew_hbm, zeros_hbm, agg_hbm,
                 src_v, dst_v, ew_v,
                 r0, r1, r2, r3, r4,
                 agg_sh,
                 g0s, g1s, g2s, g3s, g4s,
                 s0s, s1s, s2s, s3s, s4s):
    cid = lax.axis_index("c")
    sid = lax.axis_index("s")
    wid = sid * NC + cid
    rows = (r0, r1, r2, r3, r4)
    gsem = (g0s, g1s, g2s, g3s, g4s)
    ssem = (s0s, s1s, s2s, s3s, s4s)

    pltpu.sync_copy(zeros_hbm.at[pl.ds(sid * STRIPE, STRIPE)],
                    agg_sh.at[pl.ds(sid * STRIPE, STRIPE)])
    pltpu.sync_copy(src_hbm.at[wid], src_v)
    pltpu.sync_copy(dst_hbm.at[wid], dst_v)
    pltpu.sync_copy(ew_hbm.at[wid], ew_v)
    plsc.subcore_barrier()

    def issue_gather(g, b):
        pltpu.async_copy(hq_hbm.at[src_v.at[pl.ds(g * BLK, BLK)]],
                         rows[b], gsem[b])

    for b in range(3):
        issue_gather(b, b)

    @pl.loop(0, NBLK, step=NBUF)
    def _(blk0):
        for b in range(NBUF):
            g = blk0 + b
            pltpu.make_async_copy(hq_hbm.at[src_v.at[pl.ds(g * BLK, BLK)]],
                                  rows[b], gsem[b]).wait()

            @plsc.parallel_loop(0, BLK, unroll=4)
            def _(i):
                wv = plsc.load_gather(
                    ew_v, [jnp.full((L,), g * BLK + i, jnp.int32)])
                for j in range(H // L):
                    sl = pl.ds(j * L, L)
                    rows[b][i, sl] = rows[b][i, sl] * wv

            pltpu.async_copy(rows[b], agg_sh.at[dst_v.at[g]],
                             ssem[b], add=True)

            h = g + 3
            bh = (b + 3) % NBUF

            @pl.when(jnp.logical_and(h >= NBUF, h < NBLK))
            def _():
                pltpu.make_async_copy(rows[bh], agg_sh.at[dst_v.at[h]],
                                      ssem[bh]).wait()

            @pl.when(h < NBLK)
            def _():
                issue_gather(h, bh)

    for b in range(NBUF):
        pltpu.make_async_copy(rows[b], agg_sh.at[dst_v.at[0]], ssem[b]).wait()
    plsc.subcore_barrier()
    pltpu.sync_copy(agg_sh.at[pl.ds(sid * STRIPE, STRIPE)],
                    agg_hbm.at[cid].at[pl.ds(sid * STRIPE, STRIPE)])


def _sc_msg(hq, src, dst, ew, zeros):
    kern = functools.partial(
        pl.kernel,
        out_type=jax.ShapeDtypeStruct((NC, N_PAD, H), jnp.float32),
        mesh=_vmesh,
        scratch_types=(
            [pltpu.VMEM((EPW,), jnp.int32),
             pltpu.VMEM((NBLK, BLK), jnp.int32),
             pltpu.VMEM((EPW,), jnp.float32)]
            + [pltpu.VMEM((BLK, H), jnp.float32) for _ in range(NBUF)]
            + [pltpu.VMEM_SHARED((N_PAD, H), jnp.float32)]
            + [pltpu.SemaphoreType.DMA for _ in range(2 * NBUF)]
        ),
        compiler_params=_sc_params,
    )(_sc_msg_body)
    return kern(hq, src, dst, ew, zeros)



def _tc2_body(wa_ref, agg0_ref, agg1_ref, za_ref):
    za_ref[...] = (wa_ref[...] + agg0_ref[0, :, :]
                   + agg1_ref[0, :, :])


def _tc2(wa128, aggs128):
    row_blk = lambda i: (i, 0)
    return pl.pallas_call(
        _tc2_body,
        grid=(5,),
        in_specs=[
            pl.BlockSpec((NHB, 2 * H), row_blk),
            pl.BlockSpec((1, NHB, 2 * H), lambda i: (0, i, 0)),
            pl.BlockSpec((1, NHB, 2 * H), lambda i: (1, i, 0)),
        ],
        out_specs=pl.BlockSpec((NHB, 2 * H), row_blk),
        out_shape=jax.ShapeDtypeStruct((NH, 2 * H), jnp.float32),
        compiler_params=pltpu.CompilerParams(
            dimension_semantics=("parallel",)),
    )(wa128, aggs128, aggs128)



def _sc_dec_body(zq_hbm, za_hbm, qi_hbm, ai_hbm, pred_hbm,
                 qi_v, ai_v,
                 q0, q1, q2, q3, q4, a0, a1, a2, a3, a4,
                 tmp_v, out_v,
                 sq0, sq1, sq2, sq3, sq4, sa0, sa1, sa2, sa3, sa4):
    cid = lax.axis_index("c")
    sid = lax.axis_index("s")
    wid = sid * NC + cid
    base = wid * EPW
    qrs = (q0, q1, q2, q3, q4)
    ars = (a0, a1, a2, a3, a4)
    qsem = (sq0, sq1, sq2, sq3, sq4)
    asem = (sa0, sa1, sa2, sa3, sa4)

    pltpu.sync_copy(qi_hbm.at[wid], qi_v)
    pltpu.sync_copy(ai_hbm.at[wid], ai_v)

    def issue_gather(g, b):
        sl = pl.ds(g * BLK, BLK)
        pltpu.async_copy(zq_hbm.at[qi_v.at[sl]], qrs[b], qsem[b])
        pltpu.async_copy(za_hbm.at[ai_v.at[sl]], ars[b], asem[b])

    for b in range(3):
        issue_gather(b, b)

    @pl.loop(0, NBLK, step=NBUF)
    def _(blk0):
        for b in range(NBUF):
            g = blk0 + b
            sl = pl.ds(g * BLK, BLK)
            pltpu.make_async_copy(zq_hbm.at[qi_v.at[sl]],
                                  qrs[b], qsem[b]).wait()
            pltpu.make_async_copy(za_hbm.at[ai_v.at[sl]],
                                  ars[b], asem[b]).wait()

            last_lane = lax.iota(jnp.int32, L) == (L - 1)

            @plsc.parallel_loop(0, BLK, unroll=4)
            def _(i):
                acc = qrs[b][i, pl.ds(0, L)] * ars[b][i, pl.ds(0, L)]
                for j in range(1, H // L):
                    slj = pl.ds(j * L, L)
                    acc = acc + qrs[b][i, slj] * ars[b][i, slj]
                tot = plsc.cumsum(acc)
                plsc.store_scatter(out_v, [jnp.full((L,), i, jnp.int32)],
                                   tot, mask=last_lane)

            for grp in range(BLK // L):
                sl = pl.ds(grp * L, L)
                out_v[sl] = 1.0 / (1.0 + jnp.exp(-out_v[sl]))

            pltpu.sync_copy(out_v, pred_hbm.at[pl.ds(base + g * BLK, BLK)])

            h = g + 3

            @pl.when(h < NBLK)
            def _():
                issue_gather(h, (b + 3) % NBUF)


def _sc_dec(zq, za, qi, ai):
    kern = functools.partial(
        pl.kernel,
        out_type=jax.ShapeDtypeStruct((N_EDGES,), jnp.float32),
        mesh=_vmesh,
        scratch_types=(
            [pltpu.VMEM((EPW,), jnp.int32),
             pltpu.VMEM((EPW,), jnp.int32)]
            + [pltpu.VMEM((BLK, H), jnp.float32) for _ in range(2 * NBUF)]
            + [pltpu.VMEM((BLK * L,), jnp.float32),
               pltpu.VMEM((BLK,), jnp.float32)]
            + [pltpu.SemaphoreType.DMA for _ in range(2 * NBUF)]
        ),
        compiler_params=_sc_params,
    )(_sc_dec_body)
    return kern(zq, za, qi, ai)



def _renumber(i):
    return jnp.where(i < NH, 2 * i, 2 * i - (N_NODES - 1))


def kernel(x_question, x_answer, edge_index, edge_label_index,
           Wq, bq, Wa, ba, W_lin, b_lin, edge_weight_logits):
    lg2d = edge_weight_logits.reshape(N_EDGES // D_IN, D_IN)

    t128, zq128, wa128, ew2d = _tc1(
        x_question, x_answer, Wq, bq.reshape(1, H), Wa, ba.reshape(1, H),
        W_lin, b_lin.reshape(1, H), lg2d)
    ew = ew2d.reshape(NW, EPW)

    src = _renumber(edge_index[0]).reshape(NW, EPW)
    dst = _renumber(edge_index[1]).reshape(NW, NBLK, BLK)
    zeros = jnp.zeros((N_PAD, H), jnp.float32)
    aggs = _sc_msg(t128.reshape(N_NODES, H), src, dst, ew, zeros)

    za128 = _tc2(wa128, aggs.reshape(NC, N_PAD // 2, 2 * H))

    return _sc_dec(zq128.reshape(N_NODES, H), za128.reshape(N_NODES, H),
                   _renumber(edge_label_index[0]).reshape(NW, EPW),
                   _renumber(edge_label_index[1]).reshape(NW, EPW))

# --- scband reference (transcript-rebuilt; emitter-appended) ---
"""Pipeline reference for scband-model-39908836114981 (READ-ONLY COPY).

The authoritative reference and input builder live on the scoring server;
editing this copy changes nothing except your own understanding.
"""

import jax, jax.numpy as jnp
import numpy as np

N = 10000   # nodes per type (question / answer)
E = 320000  # edges (message passing) and edge labels (decoder)
D = 128     # raw node feature dim
H = 64      # hidden_channels = out_channels = 64 (from Model.__init__)


def setup_inputs(seed: int = 0) -> dict:
    key = jax.random.key(seed)
    ks = jax.random.split(key, 10)
    x_question = jax.random.normal(ks[0], (N, D), dtype=jnp.float32)
    x_answer = jax.random.normal(ks[1], (N, D), dtype=jnp.float32)
    edge_index = jax.random.randint(ks[2], (2, E), 0, N, dtype=jnp.int32)
    edge_label_index = jax.random.randint(ks[3], (2, E), 0, N, dtype=jnp.int32)
    # learned parameters (lin_dict per node type, final lin, per-edge weight logits)
    Wq = jax.random.normal(ks[4], (D, H), dtype=jnp.float32) * (1.0 / np.sqrt(D))
    bq = jnp.zeros((H,), dtype=jnp.float32)
    Wa = jax.random.normal(ks[5], (D, H), dtype=jnp.float32) * (1.0 / np.sqrt(D))
    ba = jnp.zeros((H,), dtype=jnp.float32)
    W_lin = jax.random.normal(ks[6], (H, H), dtype=jnp.float32) * (1.0 / np.sqrt(H))
    b_lin = jnp.zeros((H,), dtype=jnp.float32)
    edge_weight_logits = jax.random.normal(ks[7], (E,), dtype=jnp.float32)
    return {
        "x_question": x_question,
        "x_answer": x_answer,
        "edge_index": edge_index,
        "edge_label_index": edge_label_index,
        "Wq": Wq, "bq": bq, "Wa": Wa, "ba": ba,
        "W_lin": W_lin, "b_lin": b_lin,
        "edge_weight_logits": edge_weight_logits,
    }


def reference(x_question, x_answer, edge_index, edge_label_index,
              Wq, bq, Wa, ba, W_lin, b_lin, edge_weight_logits):
    # lin_dict[node_type](x).relu_()
    hq = jax.nn.relu(x_question @ Wq + bq)
    ha = jax.nn.relu(x_answer @ Wa + ba)
    # edge weights: sigmoid of learned per-edge parameter (Model.edge_weights_dict)
    ew = jax.nn.sigmoid(edge_weight_logits)
    # weighted hetero message passing question -> answer (group='sum'):
    # gather source features, scale by per-edge weight, scatter-add to dst
    msg = hq[edge_index[0]] * ew[:, None]
    agg = jax.ops.segment_sum(msg, edge_index[1], num_segments=ha.shape[0])
    ha2 = ha + agg
    # final projection (self.lin)
    zq = hq @ W_lin + b_lin
    za = ha2 @ W_lin + b_lin
    # Decoder: gather endpoint embeddings along edge_label_index, dot product
    ef_q = zq[edge_label_index[0]]
    ef_a = za[edge_label_index[1]]
    pred = jnp.sum(ef_q * ef_a, axis=-1)
    return jax.nn.sigmoid(pred)

if __name__ == "__main__":
    import jax
    _d = setup_inputs()
    print(jax.jit(kernel)(*tuple(_d.values())))

</pallas_src>

<mosaic_0001>
#map = affine_map<(d0, d1) -> (0, 0)>
#map1 = affine_map<(d0, d1) -> (0)>
module attributes {stable_mosaic.version = 14 : i64} {
  func.func @_sc_dec_body(%arg0: i32, %arg1: i32, %arg2: memref<10000x64xf32, #tpu.memory_space<hbm>>, %arg3: memref<10000x64xf32, #tpu.memory_space<hbm>>, %arg4: memref<32x10000xi32, #tpu.memory_space<hbm>>, %arg5: memref<32x10000xi32, #tpu.memory_space<hbm>>, %arg6: memref<320000xf32, #tpu.memory_space<hbm>>, %arg7: memref<10000xi32, #tpu.memory_space<vmem>>, %arg8: memref<10000xi32, #tpu.memory_space<vmem>>, %arg9: memref<80x64xf32, #tpu.memory_space<vmem>>, %arg10: memref<80x64xf32, #tpu.memory_space<vmem>>, %arg11: memref<80x64xf32, #tpu.memory_space<vmem>>, %arg12: memref<80x64xf32, #tpu.memory_space<vmem>>, %arg13: memref<80x64xf32, #tpu.memory_space<vmem>>, %arg14: memref<80x64xf32, #tpu.memory_space<vmem>>, %arg15: memref<80x64xf32, #tpu.memory_space<vmem>>, %arg16: memref<80x64xf32, #tpu.memory_space<vmem>>, %arg17: memref<80x64xf32, #tpu.memory_space<vmem>>, %arg18: memref<80x64xf32, #tpu.memory_space<vmem>>, %arg19: memref<1280xf32, #tpu.memory_space<vmem>>, %arg20: memref<80xf32, #tpu.memory_space<vmem>>, %arg21: memref<!tpu.dma_semaphore, #tpu.memory_space<semaphore_mem>>, %arg22: memref<!tpu.dma_semaphore, #tpu.memory_space<semaphore_mem>>, %arg23: memref<!tpu.dma_semaphore, #tpu.memory_space<semaphore_mem>>, %arg24: memref<!tpu.dma_semaphore, #tpu.memory_space<semaphore_mem>>, %arg25: memref<!tpu.dma_semaphore, #tpu.memory_space<semaphore_mem>>, %arg26: memref<!tpu.dma_semaphore, #tpu.memory_space<semaphore_mem>>, %arg27: memref<!tpu.dma_semaphore, #tpu.memory_space<semaphore_mem>>, %arg28: memref<!tpu.dma_semaphore, #tpu.memory_space<semaphore_mem>>, %arg29: memref<!tpu.dma_semaphore, #tpu.memory_space<semaphore_mem>>, %arg30: memref<!tpu.dma_semaphore, #tpu.memory_space<semaphore_mem>>) attributes {dimension_semantics = [#tpu.dimension_semantics<core_parallel>, #tpu.dimension_semantics<subcore_parallel>], iteration_bounds = array<i64: 2, 16>, scalar_prefetch = 0 : i64, scratch_operands = 24 : i64, tpu.core_type = #tpu.core_type<sc_vector_subcore>, window_params = [{transform_indices = #map}, {transform_indices = #map}, {transform_indices = #map}, {transform_indices = #map}, {transform_indices = #map1}]} {
    %mul3A = arith.constant 2 : i32
    %mul3A_0 = arith.muli %arg1, %mul3A : i32
    %add3A = arith.addi %mul3A_0, %arg0 : i32
    %mul3A_1 = arith.constant 10000 : i32
    %mul3A_2 = arith.muli %add3A, %mul3A_1 : i32
    "tpu.region"() ({
      %run_scoped3A = tpu.sem_alloc : memref<!tpu.dma_semaphore, #tpu.memory_space<semaphore_mem>>
      %dma_start3A_36 = arith.constant 0 : i32
      %dma_start3A_37 = tpu.memref_slice %arg4[%add3A, %dma_start3A_36] : memref<32x10000xi32, #tpu.memory_space<hbm>> -> memref<1x10000xi32, #tpu.memory_space<hbm>>
      %dma_start3A_38 = tpu.memref_squeeze %dma_start3A_37 : memref<1x10000xi32, #tpu.memory_space<hbm>> -> memref<10000xi32, #tpu.memory_space<hbm>>
      %dma_start3A_39 = arith.constant 0 : i32
      %dma_start3A_40 = tpu.memref_slice %arg4[%add3A, %dma_start3A_39] : memref<32x10000xi32, #tpu.memory_space<hbm>> -> memref<1x10000xi32, #tpu.memory_space<hbm>>
      %dma_start3A_41 = tpu.memref_squeeze %dma_start3A_40 : memref<1x10000xi32, #tpu.memory_space<hbm>> -> memref<10000xi32, #tpu.memory_space<hbm>>
      tpu.enqueue_dma source(%dma_start3A_41 : memref<10000xi32, #tpu.memory_space<hbm>>) target(%arg7 : memref<10000xi32, #tpu.memory_space<vmem>>) target_semaphore(%run_scoped3A : memref<!tpu.dma_semaphore, #tpu.memory_space<semaphore_mem>>)
      %dma_wait3A = arith.constant 0 : i32
      %dma_wait3A_42 = tpu.memref_slice %arg4[%add3A, %dma_wait3A] : memref<32x10000xi32, #tpu.memory_space<hbm>> -> memref<1x10000xi32, #tpu.memory_space<hbm>>
      %dma_wait3A_43 = tpu.memref_squeeze %dma_wait3A_42 : memref<1x10000xi32, #tpu.memory_space<hbm>> -> memref<10000xi32, #tpu.memory_space<hbm>>
      %dma_wait3A_44 = arith.constant 0 : i32
      %dma_wait3A_45 = tpu.memref_slice %arg4[%add3A, %dma_wait3A_44] : memref<32x10000xi32, #tpu.memory_space<hbm>> -> memref<1x10000xi32, #tpu.memory_space<hbm>>
      %dma_wait3A_46 = tpu.memref_squeeze %dma_wait3A_45 : memref<1x10000xi32, #tpu.memory_space<hbm>> -> memref<10000xi32, #tpu.memory_space<hbm>>
      tpu.wait_dma2 semaphore(%run_scoped3A : memref<!tpu.dma_semaphore, #tpu.memory_space<semaphore_mem>>) src(%dma_wait3A_46 : memref<10000xi32, #tpu.memory_space<hbm>>) dst(%arg7 : memref<10000xi32, #tpu.memory_space<vmem>>)
      tpu.yield
    }) : () -> ()
    "tpu.region"() ({
      %run_scoped3A = tpu.sem_alloc : memref<!tpu.dma_semaphore, #tpu.memory_space<semaphore_mem>>
      %dma_start3A_36 = arith.constant 0 : i32
      %dma_start3A_37 = tpu.memref_slice %arg5[%add3A, %dma_start3A_36] : memref<32x10000xi32, #tpu.memory_space<hbm>> -> memref<1x10000xi32, #tpu.memory_space<hbm>>
      %dma_start3A_38 = tpu.memref_squeeze %dma_start3A_37 : memref<1x10000xi32, #tpu.memory_space<hbm>> -> memref<10000xi32, #tpu.memory_space<hbm>>
      %dma_start3A_39 = arith.constant 0 : i32
      %dma_start3A_40 = tpu.memref_slice %arg5[%add3A, %dma_start3A_39] : memref<32x10000xi32, #tpu.memory_space<hbm>> -> memref<1x10000xi32, #tpu.memory_space<hbm>>
      %dma_start3A_41 = tpu.memref_squeeze %dma_start3A_40 : memref<1x10000xi32, #tpu.memory_space<hbm>> -> memref<10000xi32, #tpu.memory_space<hbm>>
      tpu.enqueue_dma source(%dma_start3A_41 : memref<10000xi32, #tpu.memory_space<hbm>>) target(%arg8 : memref<10000xi32, #tpu.memory_space<vmem>>) target_semaphore(%run_scoped3A : memref<!tpu.dma_semaphore, #tpu.memory_space<semaphore_mem>>)
      %dma_wait3A = arith.constant 0 : i32
      %dma_wait3A_42 = tpu.memref_slice %arg5[%add3A, %dma_wait3A] : memref<32x10000xi32, #tpu.memory_space<hbm>> -> memref<1x10000xi32, #tpu.memory_space<hbm>>
      %dma_wait3A_43 = tpu.memref_squeeze %dma_wait3A_42 : memref<1x10000xi32, #tpu.memory_space<hbm>> -> memref<10000xi32, #tpu.memory_space<hbm>>
      %dma_wait3A_44 = arith.constant 0 : i32
      %dma_wait3A_45 = tpu.memref_slice %arg5[%add3A, %dma_wait3A_44] : memref<32x10000xi32, #tpu.memory_space<hbm>> -> memref<1x10000xi32, #tpu.memory_space<hbm>>
      %dma_wait3A_46 = tpu.memref_squeeze %dma_wait3A_45 : memref<1x10000xi32, #tpu.memory_space<hbm>> -> memref<10000xi32, #tpu.memory_space<hbm>>
      tpu.wait_dma2 semaphore(%run_scoped3A : memref<!tpu.dma_semaphore, #tpu.memory_space<semaphore_mem>>) src(%dma_wait3A_46 : memref<10000xi32, #tpu.memory_space<hbm>>) dst(%arg8 : memref<10000xi32, #tpu.memory_space<vmem>>)
      tpu.yield
    }) : () -> ()
    %dma_start3A = arith.constant 0 : i32
    %dma_start3A_3 = tpu.memref_slice %arg7[%dma_start3A] : memref<10000xi32, #tpu.memory_space<vmem>> -> memref<80xi32, #tpu.memory_space<vmem>>
    %dma_start3A_4 = arith.constant 0 : i32
    %dma_start3A_5 = arith.constant 0 : i32
    %dma_start3A_6 = tpu.memref_slice %arg2[%dma_start3A_4, %dma_start3A_5] : memref<10000x64xf32, #tpu.memory_space<hbm>> -> memref<10000x64xf32, #tpu.memory_space<hbm>>
    tpu.enqueue_indirect_dma source(%dma_start3A_6 : memref<10000x64xf32, #tpu.memory_space<hbm>>) target(%arg9 : memref<80x64xf32, #tpu.memory_space<vmem>>) offsets(%dma_start3A_3 : memref<80xi32, #tpu.memory_space<vmem>>) semaphore(%arg21 : memref<!tpu.dma_semaphore, #tpu.memory_space<semaphore_mem>>)
    %dma_start3A_7 = arith.constant 0 : i32
    %dma_start3A_8 = tpu.memref_slice %arg8[%dma_start3A_7] : memref<10000xi32, #tpu.memory_space<vmem>> -> memref<80xi32, #tpu.memory_space<vmem>>
    %dma_start3A_9 = arith.constant 0 : i32
    %dma_start3A_10 = arith.constant 0 : i32
    %dma_start3A_11 = tpu.memref_slice %arg3[%dma_start3A_9, %dma_start3A_10] : memref<10000x64xf32, #tpu.memory_space<hbm>> -> memref<10000x64xf32, #tpu.memory_space<hbm>>
    tpu.enqueue_indirect_dma source(%dma_start3A_11 : memref<10000x64xf32, #tpu.memory_space<hbm>>) target(%arg14 : memref<80x64xf32, #tpu.memory_space<vmem>>) offsets(%dma_start3A_8 : memref<80xi32, #tpu.memory_space<vmem>>) semaphore(%arg26 : memref<!tpu.dma_semaphore, #tpu.memory_space<semaphore_mem>>)
    %dma_start3A_12 = arith.constant 80 : i32
    %dma_start3A_13 = tpu.memref_slice %arg7[%dma_start3A_12] : memref<10000xi32, #tpu.memory_space<vmem>> -> memref<80xi32, #tpu.memory_space<vmem>>
    %dma_start3A_14 = arith.constant 0 : i32
    %dma_start3A_15 = arith.constant 0 : i32
    %dma_start3A_16 = tpu.memref_slice %arg2[%dma_start3A_14, %dma_start3A_15] : memref<10000x64xf32, #tpu.memory_space<hbm>> -> memref<10000x64xf32, #tpu.memory_space<hbm>>
    tpu.enqueue_indirect_dma source(%dma_start3A_16 : memref<10000x64xf32, #tpu.memory_space<hbm>>) target(%arg10 : memref<80x64xf32, #tpu.memory_space<vmem>>) offsets(%dma_start3A_13 : memref<80xi32, #tpu.memory_space<vmem>>) semaphore(%arg22 : memref<!tpu.dma_semaphore, #tpu.memory_space<semaphore_mem>>)
    %dma_start3A_17 = arith.constant 80 : i32
    %dma_start3A_18 = tpu.memref_slice %arg8[%dma_start3A_17] : memref<10000xi32, #tpu.memory_space<vmem>> -> memref<80xi32, #tpu.memory_space<vmem>>
    %dma_start3A_19 = arith.constant 0 : i32
    %dma_start3A_20 = arith.constant 0 : i32
    %dma_start3A_21 = tpu.memref_slice %arg3[%dma_start3A_19, %dma_start3A_20] : memref<10000x64xf32, #tpu.memory_space<hbm>> -> memref<10000x64xf32, #tpu.memory_space<hbm>>
    tpu.enqueue_indirect_dma source(%dma_start3A_21 : memref<10000x64xf32, #tpu.memory_space<hbm>>) target(%arg15 : memref<80x64xf32, #tpu.memory_space<vmem>>) offsets(%dma_start3A_18 : memref<80xi32, #tpu.memory_space<vmem>>) semaphore(%arg27 : memref<!tpu.dma_semaphore, #tpu.memory_space<semaphore_mem>>)
    %dma_start3A_22 = arith.constant 160 : i32
    %dma_start3A_23 = tpu.memref_slice %arg7[%dma_start3A_22] : memref<10000xi32, #tpu.memory_space<vmem>> -> memref<80xi32, #tpu.memory_space<vmem>>
    %dma_start3A_24 = arith.constant 0 : i32
    %dma_start3A_25 = arith.constant 0 : i32
    %dma_start3A_26 = tpu.memref_slice %arg2[%dma_start3A_24, %dma_start3A_25] : memref<10000x64xf32, #tpu.memory_space<hbm>> -> memref<10000x64xf32, #tpu.memory_space<hbm>>
    tpu.enqueue_indirect_dma source(%dma_start3A_26 : memref<10000x64xf32, #tpu.memory_space<hbm>>) target(%arg11 : memref<80x64xf32, #tpu.memory_space<vmem>>) offsets(%dma_start3A_23 : memref<80xi32, #tpu.memory_space<vmem>>) semaphore(%arg23 : memref<!tpu.dma_semaphore, #tpu.memory_space<semaphore_mem>>)
    %dma_start3A_27 = arith.constant 160 : i32
    %dma_start3A_28 = tpu.memref_slice %arg8[%dma_start3A_27] : memref<10000xi32, #tpu.memory_space<vmem>> -> memref<80xi32, #tpu.memory_space<vmem>>
    %dma_start3A_29 = arith.constant 0 : i32
    %dma_start3A_30 = arith.constant 0 : i32
    %dma_start3A_31 = tpu.memref_slice %arg3[%dma_start3A_29, %dma_start3A_30] : memref<10000x64xf32, #tpu.memory_space<hbm>> -> memref<10000x64xf32, #tpu.memory_space<hbm>>
    tpu.enqueue_indirect_dma source(%dma_start3A_31 : memref<10000x64xf32, #tpu.memory_space<hbm>>) target(%arg16 : memref<80x64xf32, #tpu.memory_space<vmem>>) offsets(%dma_start3A_28 : memref<80xi32, #tpu.memory_space<vmem>>) semaphore(%arg28 : memref<!tpu.dma_semaphore, #tpu.memory_space<semaphore_mem>>)
    %scan3A = arith.constant 0 : i32
    %scan3A_32 = arith.constant 25 : i32
    %scan3A_33 = arith.addi %scan3A, %scan3A_32 : i32
    %scan3A_34 = arith.constant 1 : i32
    scf.for %scan3A_36 = %scan3A to %scan3A_33 step %scan3A_34  : i32 {
      %mul3A_37 = arith.constant 5 : i32
      %mul3A_38 = arith.muli %scan3A_36, %mul3A_37 : i32
      %add3A_39 = arith.constant 0 : i32
      %add3A_40 = arith.addi %add3A_39, %mul3A_38 : i32
      %add3A_41 = arith.constant 0 : i32
      %add3A_42 = arith.addi %add3A_40, %add3A_41 : i32
      %mul3A_43 = arith.constant 80 : i32
      %mul3A_44 = arith.muli %add3A_42, %mul3A_43 : i32
      %dma_wait3A = tpu.memref_slice %arg7[%mul3A_44] : memref<10000xi32, #tpu.memory_space<vmem>> -> memref<80xi32, #tpu.memory_space<vmem>>
      %dma_wait3A_45 = arith.constant 0 : i32
      %dma_wait3A_46 = arith.constant 0 : i32
      %dma_wait3A_47 = tpu.memref_slice %arg2[%dma_wait3A_45, %dma_wait3A_46] : memref<10000x64xf32, #tpu.memory_space<hbm>> -> memref<10000x64xf32, #tpu.memory_space<hbm>>
      tpu.wait_indirect_dma semaphore(%arg21 : memref<!tpu.dma_semaphore, #tpu.memory_space<semaphore_mem>>) src(%dma_wait3A_47 : memref<10000x64xf32, #tpu.memory_space<hbm>>) dst(%arg9 : memref<80x64xf32, #tpu.memory_space<vmem>>)
      %dma_wait3A_48 = tpu.memref_slice %arg8[%mul3A_44] : memref<10000xi32, #tpu.memory_space<vmem>> -> memref<80xi32, #tpu.memory_space<vmem>>
      %dma_wait3A_49 = arith.constant 0 : i32
      %dma_wait3A_50 = arith.constant 0 : i32
      %dma_wait3A_51 = tpu.memref_slice %arg3[%dma_wait3A_49, %dma_wait3A_50] : memref<10000x64xf32, #tpu.memory_space<hbm>> -> memref<10000x64xf32, #tpu.memory_space<hbm>>
      tpu.wait_indirect_dma semaphore(%arg26 : memref<!tpu.dma_semaphore, #tpu.memory_space<semaphore_mem>>) src(%dma_wait3A_51 : memref<10000x64xf32, #tpu.memory_space<hbm>>) dst(%arg14 : memref<80x64xf32, #tpu.memory_space<vmem>>)
      %iota3A = tpu.iota {dimensions = array<i32: 0>} : vector<16xi32>
      %eq3A = arith.constant 15 : i32
      %eq3A_52 = vector.broadcast %eq3A : i32 to vector<16xi32>
      %eq3A_53 = arith.cmpi eq, %iota3A, %eq3A_52 : vector<16xi32>
      %parallel_loop3A = arith.constant 0 : i32
      %parallel_loop3A_54 = arith.constant 80 : i32
      %parallel_loop3A_55 = arith.constant 1 : i32
      scf.for %parallel_loop3A_524 = %parallel_loop3A to %parallel_loop3A_54 step %parallel_loop3A_55  : i32 {
        %parallel_loop3A_525 = arith.index_cast %parallel_loop3A_524 : i32 to index
        %parallel_loop3A_526 = arith.constant 0 : index
        %parallel_loop3A_527 = tpu.vector_load %arg9[%parallel_loop3A_525, %parallel_loop3A_526] {strides = array<i32>} : memref<80x64xf32, #tpu.memory_space<vmem>>, vector<16xf32>,
        %parallel_loop3A_528 = arith.index_cast %parallel_loop3A_524 : i32 to index
        %parallel_loop3A_529 = arith.constant 0 : index
        %parallel_loop3A_530 = tpu.vector_load %arg14[%parallel_loop3A_528, %parallel_loop3A_529] {strides = array<i32>} : memref<80x64xf32, #tpu.memory_space<vmem>>, vector<16xf32>,
        %parallel_loop3A_531 = arith.mulf %parallel_loop3A_527, %parallel_loop3A_530 : vector<16xf32>
        %parallel_loop3A_532 = arith.index_cast %parallel_loop3A_524 : i32 to index
        %parallel_loop3A_533 = arith.constant 16 : index
        %parallel_loop3A_534 = tpu.vector_load %arg9[%parallel_loop3A_532, %parallel_loop3A_533] {strides = array<i32>} : memref<80x64xf32, #tpu.memory_space<vmem>>, vector<16xf32>,
        %parallel_loop3A_535 = arith.index_cast %parallel_loop3A_524 : i32 to index
        %parallel_loop3A_536 = arith.constant 16 : index
        %parallel_loop3A_537 = tpu.vector_load %arg14[%parallel_loop3A_535, %parallel_loop3A_536] {strides = array<i32>} : memref<80x64xf32, #tpu.memory_space<vmem>>, vector<16xf32>,
        %parallel_loop3A_538 = arith.mulf %parallel_loop3A_534, %parallel_loop3A_537 : vector<16xf32>
        %parallel_loop3A_539 = arith.addf %parallel_loop3A_531, %parallel_loop3A_538 : vector<16xf32>
        %parallel_loop3A_540 = arith.index_cast %parallel_loop3A_524 : i32 to index
        %parallel_loop3A_541 = arith.constant 32 : index
        %parallel_loop3A_542 = tpu.vector_load %arg9[%parallel_loop3A_540, %parallel_loop3A_541] {strides = array<i32>} : memref<80x64xf32, #tpu.memory_space<vmem>>, vector<16xf32>,
        %parallel_loop3A_543 = arith.index_cast %parallel_loop3A_524 : i32 to index
        %parallel_loop3A_544 = arith.constant 32 : index
        %parallel_loop3A_545 = tpu.vector_load %arg14[%parallel_loop3A_543, %parallel_loop3A_544] {strides = array<i32>} : memref<80x64xf32, #tpu.memory_space<vmem>>, vector<16xf32>,
        %parallel_loop3A_546 = arith.mulf %parallel_loop3A_542, %parallel_loop3A_545 : vector<16xf32>
        %parallel_loop3A_547 = arith.addf %parallel_loop3A_539, %parallel_loop3A_546 : vector<16xf32>
        %parallel_loop3A_548 = arith.index_cast %parallel_loop3A_524 : i32 to index
        %parallel_loop3A_549 = arith.constant 48 : index
        %parallel_loop3A_550 = tpu.vector_load %arg9[%parallel_loop3A_548, %parallel_loop3A_549] {strides = array<i32>} : memref<80x64xf32, #tpu.memory_space<vmem>>, vector<16xf32>,
        %parallel_loop3A_551 = arith.index_cast %parallel_loop3A_524 : i32 to index
        %parallel_loop3A_552 = arith.constant 48 : index
        %parallel_loop3A_553 = tpu.vector_load %arg14[%parallel_loop3A_551, %parallel_loop3A_552] {strides = array<i32>} : memref<80x64xf32, #tpu.memory_space<vmem>>, vector<16xf32>,
        %parallel_loop3A_554 = arith.mulf %parallel_loop3A_550, %parallel_loop3A_553 : vector<16xf32>
        %parallel_loop3A_555 = arith.addf %parallel_loop3A_547, %parallel_loop3A_554 : vector<16xf32>
        %parallel_loop3A_556 = arith.constant true
        %parallel_loop3A_557 = vector.broadcast %parallel_loop3A_556 : i1 to vector<16xi1>
        %parallel_loop3A_558 = tpu.scan <sum>, %parallel_loop3A_555 masked %parallel_loop3A_557 : vector<16xf32>, vector<16xi1> -> vector<16xf32>
        %parallel_loop3A_559 = vector.broadcast %parallel_loop3A_524 : i32 to vector<16xi32>
        tpu.vector_store_idx %arg20[%parallel_loop3A_559], %parallel_loop3A_558 masked %eq3A_53 : memref<80xf32, #tpu.memory_space<vmem>>[vector<16xi32>], vector<16xf32>, vector<16xi1>
      } {sc.loop_unroll_factor = 4 : i64, sc.parallel_access}
      %get3A = arith.constant 0 : index
      %get3A_56 = tpu.vector_load %arg20[%get3A] {strides = array<i32>} : memref<80xf32, #tpu.memory_space<vmem>>, vector<16xf32>,
      %neg3A = arith.constant 0.000000e+00 : f32
      %neg3A_57 = vector.broadcast %neg3A : f32 to vector<16xf32>
      %neg3A_58 = arith.subf %neg3A_57, %get3A_56 : vector<16xf32>
      %exp3A = math.exp %neg3A_58 : vector<16xf32>
      %add3A_59 = arith.constant 1.000000e+00 : f32
      %add3A_60 = vector.broadcast %add3A_59 : f32 to vector<16xf32>
      %add3A_61 = arith.addf %add3A_60, %exp3A : vector<16xf32>
      %div3A = arith.constant 1.000000e+00 : f32
      %div3A_62 = vector.broadcast %div3A : f32 to vector<16xf32>
      %div3A_63 = arith.divf %div3A_62, %add3A_61 : vector<16xf32>
      %swap3A = arith.constant 0 : index
      %swap3A_64 = tpu.vector_load %arg20[%swap3A] {strides = array<i32>} : memref<80xf32, #tpu.memory_space<vmem>>, vector<16xf32>,
      tpu.vector_store %arg20[%swap3A], %div3A_63 {strides = array<i32>} : memref<80xf32, #tpu.memory_space<vmem>>, vector<16xf32>,
      %get3A_65 = arith.constant 16 : index
      %get3A_66 = tpu.vector_load %arg20[%get3A_65] {strides = array<i32>} : memref<80xf32, #tpu.memory_space<vmem>>, vector<16xf32>,
      %neg3A_67 = arith.constant 0.000000e+00 : f32
      %neg3A_68 = vector.broadcast %neg3A_67 : f32 to vector<16xf32>
      %neg3A_69 = arith.subf %neg3A_68, %get3A_66 : vector<16xf32>
      %exp3A_70 = math.exp %neg3A_69 : vector<16xf32>
      %add3A_71 = arith.constant 1.000000e+00 : f32
      %add3A_72 = vector.broadcast %add3A_71 : f32 to vector<16xf32>
      %add3A_73 = arith.addf %add3A_72, %exp3A_70 : vector<16xf32>
      %div3A_74 = arith.constant 1.000000e+00 : f32
      %div3A_75 = vector.broadcast %div3A_74 : f32 to vector<16xf32>
      %div3A_76 = arith.divf %div3A_75, %add3A_73 : vector<16xf32>
      %swap3A_77 = arith.constant 16 : index
      %swap3A_78 = tpu.vector_load %arg20[%swap3A_77] {strides = array<i32>} : memref<80xf32, #tpu.memory_space<vmem>>, vector<16xf32>,
      tpu.vector_store %arg20[%swap3A_77], %div3A_76 {strides = array<i32>} : memref<80xf32, #tpu.memory_space<vmem>>, vector<16xf32>,
      %get3A_79 = arith.constant 32 : index
      %get3A_80 = tpu.vector_load %arg20[%get3A_79] {strides = array<i32>} : memref<80xf32, #tpu.memory_space<vmem>>, vector<16xf32>,
      %neg3A_81 = arith.constant 0.000000e+00 : f32
      %neg3A_82 = vector.broadcast %neg3A_81 : f32 to vector<16xf32>
      %neg3A_83 = arith.subf %neg3A_82, %get3A_80 : vector<16xf32>
      %exp3A_84 = math.exp %neg3A_83 : vector<16xf32>
      %add3A_85 = arith.constant 1.000000e+00 : f32
      %add3A_86 = vector.broadcast %add3A_85 : f32 to vector<16xf32>
      %add3A_87 = arith.addf %add3A_86, %exp3A_84 : vector<16xf32>
      %div3A_88 = arith.constant 1.000000e+00 : f32
      %div3A_89 = vector.broadcast %div3A_88 : f32 to vector<16xf32>
      %div3A_90 = arith.divf %div3A_89, %add3A_87 : vector<16xf32>
      %swap3A_91 = arith.constant 32 : index
      %swap3A_92 = tpu.vector_load %arg20[%swap3A_91] {strides = array<i32>} : memref<80xf32, #tpu.memory_space<vmem>>, vector<16xf32>,
      tpu.vector_store %arg20[%swap3A_91], %div3A_90 {strides = array<i32>} : memref<80xf32, #tpu.memory_space<vmem>>, vector<16xf32>,
      %get3A_93 = arith.constant 48 : index
      %get3A_94 = tpu.vector_load %arg20[%get3A_93] {strides = array<i32>} : memref<80xf32, #tpu.memory_space<vmem>>, vector<16xf32>,
      %neg3A_95 = arith.constant 0.000000e+00 : f32
      %neg3A_96 = vector.broadcast %neg3A_95 : f32 to vector<16xf32>
      %neg3A_97 = arith.subf %neg3A_96, %get3A_94 : vector<16xf32>
      %exp3A_98 = math.exp %neg3A_97 : vector<16xf32>
      %add3A_99 = arith.constant 1.000000e+00 : f32
      %add3A_100 = vector.broadcast %add3A_99 : f32 to vector<16xf32>
      %add3A_101 = arith.addf %add3A_100, %exp3A_98 : vector<16xf32>
      %div3A_102 = arith.constant 1.000000e+00 : f32
      %div3A_103 = vector.broadcast %div3A_102 : f32 to vector<16xf32>
      %div3A_104 = arith.divf %div3A_103, %add3A_101 : vector<16xf32>
      %swap3A_105 = arith.constant 48 : index
      %swap3A_106 = tpu.vector_load %arg20[%swap3A_105] {strides = array<i32>} : memref<80xf32, #tpu.memory_space<vmem>>, vector<16xf32>,
      tpu.vector_store %arg20[%swap3A_105], %div3A_104 {strides = array<i32>} : memref<80xf32, #tpu.memory_space<vmem>>, vector<16xf32>,
      %get3A_107 = arith.constant 64 : index
      %get3A_108 = tpu.vector_load %arg20[%get3A_107] {strides = array<i32>} : memref<80xf32, #tpu.memory_space<vmem>>, vector<16xf32>,
      %neg3A_109 = arith.constant 0.000000e+00 : f32
      %neg3A_110 = vector.broadcast %neg3A_109 : f32 to vector<16xf32>
      %neg3A_111 = arith.subf %neg3A_110, %get3A_108 : vector<16xf32>
      %exp3A_112 = math.exp %neg3A_111 : vector<16xf32>
      %add3A_113 = arith.constant 1.000000e+00 : f32
      %add3A_114 = vector.broadcast %add3A_113 : f32 to vector<16xf32>
      %add3A_115 = arith.addf %add3A_114, %exp3A_112 : vector<16xf32>
      %div3A_116 = arith.constant 1.000000e+00 : f32
      %div3A_117 = vector.broadcast %div3A_116 : f32 to vector<16xf32>
      %div3A_118 = arith.divf %div3A_117, %add3A_115 : vector<16xf32>
      %swap3A_119 = arith.constant 64 : index
      %swap3A_120 = tpu.vector_load %arg20[%swap3A_119] {strides = array<i32>} : memref<80xf32, #tpu.memory_space<vmem>>, vector<16xf32>,
      tpu.vector_store %arg20[%swap3A_119], %div3A_118 {strides = array<i32>} : memref<80xf32, #tpu.memory_space<vmem>>, vector<16xf32>,
      %mul3A_121 = arith.constant 80 : i32
      %mul3A_122 = arith.muli %add3A_42, %mul3A_121 : i32
      %add3A_123 = arith.addi %mul3A_2, %mul3A_122 : i32
      "tpu.region"() ({
        %run_scoped3A = tpu.sem_alloc : memref<!tpu.dma_semaphore, #tpu.memory_space<semaphore_mem>>
        %dma_start3A_524 = tpu.memref_slice %arg6[%add3A_123] : memref<320000xf32, #tpu.memory_space<hbm>> -> memref<80xf32, #tpu.memory_space<hbm>>
        %dma_start3A_525 = tpu.memref_slice %arg6[%add3A_123] : memref<320000xf32, #tpu.memory_space<hbm>> -> memref<80xf32, #tpu.memory_space<hbm>>
        tpu.enqueue_dma source(%arg20 : memref<80xf32, #tpu.memory_space<vmem>>) target(%dma_start3A_525 : memref<80xf32, #tpu.memory_space<hbm>>) target_semaphore(%run_scoped3A : memref<!tpu.dma_semaphore, #tpu.memory_space<semaphore_mem>>)
        %dma_wait3A_526 = tpu.memref_slice %arg6[%add3A_123] : memref<320000xf32, #tpu.memory_space<hbm>> -> memref<80xf32, #tpu.memory_space<hbm>>
        %dma_wait3A_527 = tpu.memref_slice %arg6[%add3A_123] : memref<320000xf32, #tpu.memory_space<hbm>> -> memref<80xf32, #tpu.memory_space<hbm>>
        tpu.wait_dma2 semaphore(%run_scoped3A : memref<!tpu.dma_semaphore, #tpu.memory_space<semaphore_mem>>) src(%arg20 : memref<80xf32, #tpu.memory_space<vmem>>) dst(%dma_wait3A_527 : memref<80xf32, #tpu.memory_space<hbm>>)
        tpu.yield
      }) : () -> ()
      %add3A_124 = arith.constant 3 : i32
      %add3A_125 = arith.addi %add3A_42, %add3A_124 : i32
      %lt3A = arith.constant 125 : i32
      %lt3A_126 = arith.cmpi slt, %add3A_125, %lt3A : i32
      %convert_element_type3A = arith.extui %lt3A_126 : i1 to i32
      %cond3A = arith.constant 0 : i32
      %cond3A_127 = arith.cmpi ne, %convert_element_type3A, %cond3A : i32
      scf.if %cond3A_127 {
        %mul3A_524 = arith.constant 80 : i32
        %mul3A_525 = arith.muli %add3A_125, %mul3A_524 : i32
        %dma_start3A_526 = tpu.memref_slice %arg7[%mul3A_525] : memref<10000xi32, #tpu.memory_space<vmem>> -> memref<80xi32, #tpu.memory_space<vmem>>
        %dma_start3A_527 = arith.constant 0 : i32
        %dma_start3A_528 = arith.constant 0 : i32
        %dma_start3A_529 = tpu.memref_slice %arg2[%dma_start3A_527, %dma_start3A_528] : memref<10000x64xf32, #tpu.memory_space<hbm>> -> memref<10000x64xf32, #tpu.memory_space<hbm>>
        tpu.enqueue_indirect_dma source(%dma_start3A_529 : memref<10000x64xf32, #tpu.memory_space<hbm>>) target(%arg12 : memref<80x64xf32, #tpu.memory_space<vmem>>) offsets(%dma_start3A_526 : memref<80xi32, #tpu.memory_space<vmem>>) semaphore(%arg24 : memref<!tpu.dma_semaphore, #tpu.memory_space<semaphore_mem>>)
        %dma_start3A_530 = tpu.memref_slice %arg8[%mul3A_525] : memref<10000xi32, #tpu.memory_space<vmem>> -> memref<80xi32, #tpu.memory_space<vmem>>
        %dma_start3A_531 = arith.constant 0 : i32
        %dma_start3A_532 = arith.constant 0 : i32
        %dma_start3A_533 = tpu.memref_slice %arg3[%dma_start3A_531, %dma_start3A_532] : memref<10000x64xf32, #tpu.memory_space<hbm>> -> memref<10000x64xf32, #tpu.memory_space<hbm>>
        tpu.enqueue_indirect_dma source(%dma_start3A_533 : memref<10000x64xf32, #tpu.memory_space<hbm>>) target(%arg17 : memref<80x64xf32, #tpu.memory_space<vmem>>) offsets(%dma_start3A_530 : memref<80xi32, #tpu.memory_space<vmem>>) semaphore(%arg29 : memref<!tpu.dma_semaphore, #tpu.memory_space<semaphore_mem>>)
      } else {
      }
      %add3A_128 = arith.constant 1 : i32
      %add3A_129 = arith.addi %add3A_40, %add3A_128 : i32
      %mul3A_130 = arith.constant 80 : i32
      %mul3A_131 = arith.muli %add3A_129, %mul3A_130 : i32
      %dma_wait3A_132 = tpu.memref_slice %arg7[%mul3A_131] : memref<10000xi32, #tpu.memory_space<vmem>> -> memref<80xi32, #tpu.memory_space<vmem>>
      %dma_wait3A_133 = arith.constant 0 : i32
      %dma_wait3A_134 = arith.constant 0 : i32
      %dma_wait3A_135 = tpu.memref_slice %arg2[%dma_wait3A_133, %dma_wait3A_134] : memref<10000x64xf32, #tpu.memory_space<hbm>> -> memref<10000x64xf32, #tpu.memory_space<hbm>>
      tpu.wait_indirect_dma semaphore(%arg22 : memref<!tpu.dma_semaphore, #tpu.memory_space<semaphore_mem>>) src(%dma_wait3A_135 : memref<10000x64xf32, #tpu.memory_space<hbm>>) dst(%arg10 : memref<80x64xf32, #tpu.memory_space<vmem>>)
      %dma_wait3A_136 = tpu.memref_slice %arg8[%mul3A_131] : memref<10000xi32, #tpu.memory_space<vmem>> -> memref<80xi32, #tpu.memory_space<vmem>>
      %dma_wait3A_137 = arith.constant 0 : i32
      %dma_wait3A_138 = arith.constant 0 : i32
      %dma_wait3A_139 = tpu.memref_slice %arg3[%dma_wait3A_137, %dma_wait3A_138] : memref<10000x64xf32, #tpu.memory_space<hbm>> -> memref<10000x64xf32, #tpu.memory_space<hbm>>
      tpu.wait_indirect_dma semaphore(%arg27 : memref<!tpu.dma_semaphore, #tpu.memory_space<semaphore_mem>>) src(%dma_wait3A_139 : memref<10000x64xf32, #tpu.memory_space<hbm>>) dst(%arg15 : memref<80x64xf32, #tpu.memory_space<vmem>>)
      %iota3A_140 = tpu.iota {dimensions = array<i32: 0>} : vector<16xi32>
      %eq3A_141 = arith.constant 15 : i32
      %eq3A_142 = vector.broadcast %eq3A_141 : i32 to vector<16xi32>
      %eq3A_143 = arith.cmpi eq, %iota3A_140, %eq3A_142 : vector<16xi32>
      %parallel_loop3A_144 = arith.constant 0 : i32
      %parallel_loop3A_145 = arith.constant 80 : i32
      %parallel_loop3A_146 = arith.constant 1 : i32
      scf.for %parallel_loop3A_524 = %parallel_loop3A_144 to %parallel_loop3A_145 step %parallel_loop3A_146  : i32 {
        %parallel_loop3A_525 = arith.index_cast %parallel_loop3A_524 : i32 to index
        %parallel_loop3A_526 = arith.constant 0 : index
        %parallel_loop3A_527 = tpu.vector_load %arg10[%parallel_loop3A_525, %parallel_loop3A_526] {strides = array<i32>} : memref<80x64xf32, #tpu.memory_space<vmem>>, vector<16xf32>,
        %parallel_loop3A_528 = arith.index_cast %parallel_loop3A_524 : i32 to index
        %parallel_loop3A_529 = arith.constant 0 : index
        %parallel_loop3A_530 = tpu.vector_load %arg15[%parallel_loop3A_528, %parallel_loop3A_529] {strides = array<i32>} : memref<80x64xf32, #tpu.memory_space<vmem>>, vector<16xf32>,
        %parallel_loop3A_531 = arith.mulf %parallel_loop3A_527, %parallel_loop3A_530 : vector<16xf32>
        %parallel_loop3A_532 = arith.index_cast %parallel_loop3A_524 : i32 to index
        %parallel_loop3A_533 = arith.constant 16 : index
        %parallel_loop3A_534 = tpu.vector_load %arg10[%parallel_loop3A_532, %parallel_loop3A_533] {strides = array<i32>} : memref<80x64xf32, #tpu.memory_space<vmem>>, vector<16xf32>,
        %parallel_loop3A_535 = arith.index_cast %parallel_loop3A_524 : i32 to index
        %parallel_loop3A_536 = arith.constant 16 : index
        %parallel_loop3A_537 = tpu.vector_load %arg15[%parallel_loop3A_535, %parallel_loop3A_536] {strides = array<i32>} : memref<80x64xf32, #tpu.memory_space<vmem>>, vector<16xf32>,
        %parallel_loop3A_538 = arith.mulf %parallel_loop3A_534, %parallel_loop3A_537 : vector<16xf32>
        %parallel_loop3A_539 = arith.addf %parallel_loop3A_531, %parallel_loop3A_538 : vector<16xf32>
        %parallel_loop3A_540 = arith.index_cast %parallel_loop3A_524 : i32 to index
        %parallel_loop3A_541 = arith.constant 32 : index
        %parallel_loop3A_542 = tpu.vector_load %arg10[%parallel_loop3A_540, %parallel_loop3A_541] {strides = array<i32>} : memref<80x64xf32, #tpu.memory_space<vmem>>, vector<16xf32>,
        %parallel_loop3A_543 = arith.index_cast %parallel_loop3A_524 : i32 to index
        %parallel_loop3A_544 = arith.constant 32 : index
        %parallel_loop3A_545 = tpu.vector_load %arg15[%parallel_loop3A_543, %parallel_loop3A_544] {strides = array<i32>} : memref<80x64xf32, #tpu.memory_space<vmem>>, vector<16xf32>,
        %parallel_loop3A_546 = arith.mulf %parallel_loop3A_542, %parallel_loop3A_545 : vector<16xf32>
        %parallel_loop3A_547 = arith.addf %parallel_loop3A_539, %parallel_loop3A_546 : vector<16xf32>
        %parallel_loop3A_548 = arith.index_cast %parallel_loop3A_524 : i32 to index
        %parallel_loop3A_549 = arith.constant 48 : index
        %parallel_loop3A_550 = tpu.vector_load %arg10[%parallel_loop3A_548, %parallel_loop3A_549] {strides = array<i32>} : memref<80x64xf32, #tpu.memory_space<vmem>>, vector<16xf32>,
        %parallel_loop3A_551 = arith.index_cast %parallel_loop3A_524 : i32 to index
        %parallel_loop3A_552 = arith.constant 48 : index
        %parallel_loop3A_553 = tpu.vector_load %arg15[%parallel_loop3A_551, %parallel_loop3A_552] {strides = array<i32>} : memref<80x64xf32, #tpu.memory_space<vmem>>, vector<16xf32>,
        %parallel_loop3A_554 = arith.mulf %parallel_loop3A_550, %parallel_loop3A_553 : vector<16xf32>
        %parallel_loop3A_555 = arith.addf %parallel_loop3A_547, %parallel_loop3A_554 : vector<16xf32>
        %parallel_loop3A_556 = arith.constant true
        %parallel_loop3A_557 = vector.broadcast %parallel_loop3A_556 : i1 to vector<16xi1>
        %parallel_loop3A_558 = tpu.scan <sum>, %parallel_loop3A_555 masked %parallel_loop3A_557 : vector<16xf32>, vector<16xi1> -> vector<16xf32>
        %parallel_loop3A_559 = vector.broadcast %parallel_loop3A_524 : i32 to vector<16xi32>
        tpu.vector_store_idx %arg20[%parallel_loop3A_559], %parallel_loop3A_558 masked %eq3A_143 : memref<80xf32, #tpu.memory_space<vmem>>[vector<16xi32>], vector<16xf32>, vector<16xi1>
      } {sc.loop_unroll_factor = 4 : i64, sc.parallel_access}
      %get3A_147 = arith.constant 0 : index
      %get3A_148 = tpu.vector_load %arg20[%get3A_147] {strides = array<i32>} : memref<80xf32, #tpu.memory_space<vmem>>, vector<16xf32>,
      %neg3A_149 = arith.constant 0.000000e+00 : f32
      %neg3A_150 = vector.broadcast %neg3A_149 : f32 to vector<16xf32>
      %neg3A_151 = arith.subf %neg3A_150, %get3A_148 : vector<16xf32>
      %exp3A_152 = math.exp %neg3A_151 : vector<16xf32>
      %add3A_153 = arith.constant 1.000000e+00 : f32
      %add3A_154 = vector.broadcast %add3A_153 : f32 to vector<16xf32>
      %add3A_155 = arith.addf %add3A_154, %exp3A_152 : vector<16xf32>
      %div3A_156 = arith.constant 1.000000e+00 : f32
      %div3A_157 = vector.broadcast %div3A_156 : f32 to vector<16xf32>
      %div3A_158 = arith.divf %div3A_157, %add3A_155 : vector<16xf32>
      %swap3A_159 = arith.constant 0 : index
      %swap3A_160 = tpu.vector_load %arg20[%swap3A_159] {strides = array<i32>} : memref<80xf32, #tpu.memory_space<vmem>>, vector<16xf32>,
      tpu.vector_store %arg20[%swap3A_159], %div3A_158 {strides = array<i32>} : memref<80xf32, #tpu.memory_space<vmem>>, vector<16xf32>,
      %get3A_161 = arith.constant 16 : index
      %get3A_162 = tpu.vector_load %arg20[%get3A_161] {strides = array<i32>} : memref<80xf32, #tpu.memory_space<vmem>>, vector<16xf32>,
      %neg3A_163 = arith.constant 0.000000e+00 : f32
      %neg3A_164 = vector.broadcast %neg3A_163 : f32 to vector<16xf32>
      %neg3A_165 = arith.subf %neg3A_164, %get3A_162 : vector<16xf32>
      %exp3A_166 = math.exp %neg3A_165 : vector<16xf32>
      %add3A_167 = arith.constant 1.000000e+00 : f32
      %add3A_168 = vector.broadcast %add3A_167 : f32 to vector<16xf32>
      %add3A_169 = arith.addf %add3A_168, %exp3A_166 : vector<16xf32>
      %div3A_170 = arith.constant 1.000000e+00 : f32
      %div3A_171 = vector.broadcast %div3A_170 : f32 to vector<16xf32>
      %div3A_172 = arith.divf %div3A_171, %add3A_169 : vector<16xf32>
      %swap3A_173 = arith.constant 16 : index
      %swap3A_174 = tpu.vector_load %arg20[%swap3A_173] {strides = array<i32>} : memref<80xf32, #tpu.memory_space<vmem>>, vector<16xf32>,
      tpu.vector_store %arg20[%swap3A_173], %div3A_172 {strides = array<i32>} : memref<80xf32, #tpu.memory_space<vmem>>, vector<16xf32>,
      %get3A_175 = arith.constant 32 : index
      %get3A_176 = tpu.vector_load %arg20[%get3A_175] {strides = array<i32>} : memref<80xf32, #tpu.memory_space<vmem>>, vector<16xf32>,
      %neg3A_177 = arith.constant 0.000000e+00 : f32
      %neg3A_178 = vector.broadcast %neg3A_177 : f32 to vector<16xf32>
      %neg3A_179 = arith.subf %neg3A_178, %get3A_176 : vector<16xf32>
      %exp3A_180 = math.exp %neg3A_179 : vector<16xf32>
      %add3A_181 = arith.constant 1.000000e+00 : f32
      %add3A_182 = vector.broadcast %add3A_181 : f32 to vector<16xf32>
      %add3A_183 = arith.addf %add3A_182, %exp3A_180 : vector<16xf32>
      %div3A_184 = arith.constant 1.000000e+00 : f32
      %div3A_185 = vector.broadcast %div3A_184 : f32 to vector<16xf32>
      %div3A_186 = arith.divf %div3A_185, %add3A_183 : vector<16xf32>
      %swap3A_187 = arith.constant 32 : index
      %swap3A_188 = tpu.vector_load %arg20[%swap3A_187] {strides = array<i32>} : memref<80xf32, #tpu.memory_space<vmem>>, vector<16xf32>,
      tpu.vector_store %arg20[%swap3A_187], %div3A_186 {strides = array<i32>} : memref<80xf32, #tpu.memory_space<vmem>>, vector<16xf32>,
      %get3A_189 = arith.constant 48 : index
      %get3A_190 = tpu.vector_load %arg20[%get3A_189] {strides = array<i32>} : memref<80xf32, #tpu.memory_space<vmem>>, vector<16xf32>,
      %neg3A_191 = arith.constant 0.000000e+00 : f32
      %neg3A_192 = vector.broadcast %neg3A_191 : f32 to vector<16xf32>
      %neg3A_193 = arith.subf %neg3A_192, %get3A_190 : vector<16xf32>
      %exp3A_194 = math.exp %neg3A_193 : vector<16xf32>
      %add3A_195 = arith.constant 1.000000e+00 : f32
      %add3A_196 = vector.broadcast %add3A_195 : f32 to vector<16xf32>
      %add3A_197 = arith.addf %add3A_196, %exp3A_194 : vector<16xf32>
      %div3A_198 = arith.constant 1.000000e+00 : f32
      %div3A_199 = vector.broadcast %div3A_198 : f32 to vector<16xf32>
      %div3A_200 = arith.divf %div3A_199, %add3A_197 : vector<16xf32>
      %swap3A_201 = arith.constant 48 : index
      %swap3A_202 = tpu.vector_load %arg20[%swap3A_201] {strides = array<i32>} : memref<80xf32, #tpu.memory_space<vmem>>, vector<16xf32>,
      tpu.vector_store %arg20[%swap3A_201], %div3A_200 {strides = array<i32>} : memref<80xf32, #tpu.memory_space<vmem>>, vector<16xf32>,
      %get3A_203 = arith.constant 64 : index
      %get3A_204 = tpu.vector_load %arg20[%get3A_203] {strides = array<i32>} : memref<80xf32, #tpu.memory_space<vmem>>, vector<16xf32>,
      %neg3A_205 = arith.constant 0.000000e+00 : f32
      %neg3A_206 = vector.broadcast %neg3A_205 : f32 to vector<16xf32>
      %neg3A_207 = arith.subf %neg3A_206, %get3A_204 : vector<16xf32>
      %exp3A_208 = math.exp %neg3A_207 : vector<16xf32>
      %add3A_209 = arith.constant 1.000000e+00 : f32
      %add3A_210 = vector.broadcast %add3A_209 : f32 to vector<16xf32>
      %add3A_211 = arith.addf %add3A_210, %exp3A_208 : vector<16xf32>
      %div3A_212 = arith.constant 1.000000e+00 : f32
      %div3A_213 = vector.broadcast %div3A_212 : f32 to vector<16xf32>
      %div3A_214 = arith.divf %div3A_213, %add3A_211 : vector<16xf32>
      %swap3A_215 = arith.constant 64 : index
      %swap3A_216 = tpu.vector_load %arg20[%swap3A_215] {strides = array<i32>} : memref<80xf32, #tpu.memory_space<vmem>>, vector<16xf32>,
      tpu.vector_store %arg20[%swap3A_215], %div3A_214 {strides = array<i32>} : memref<80xf32, #tpu.memory_space<vmem>>, vector<16xf32>,
      %mul3A_217 = arith.constant 80 : i32
      %mul3A_218 = arith.muli %add3A_129, %mul3A_217 : i32
      %add3A_219 = arith.addi %mul3A_2, %mul3A_218 : i32
      "tpu.region"() ({
        %run_scoped3A = tpu.sem_alloc : memref<!tpu.dma_semaphore, #tpu.memory_space<semaphore_mem>>
        %dma_start3A_524 = tpu.memref_slice %arg6[%add3A_219] : memref<320000xf32, #tpu.memory_space<hbm>> -> memref<80xf32, #tpu.memory_space<hbm>>
        %dma_start3A_525 = tpu.memref_slice %arg6[%add3A_219] : memref<320000xf32, #tpu.memory_space<hbm>> -> memref<80xf32, #tpu.memory_space<hbm>>
        tpu.enqueue_dma source(%arg20 : memref<80xf32, #tpu.memory_space<vmem>>) target(%dma_start3A_525 : memref<80xf32, #tpu.memory_space<hbm>>) target_semaphore(%run_scoped3A : memref<!tpu.dma_semaphore, #tpu.memory_space<semaphore_mem>>)
        %dma_wait3A_526 = tpu.memref_slice %arg6[%add3A_219] : memref<320000xf32, #tpu.memory_space<hbm>> -> memref<80xf32, #tpu.memory_space<hbm>>
        %dma_wait3A_527 = tpu.memref_slice %arg6[%add3A_219] : memref<320000xf32, #tpu.memory_space<hbm>> -> memref<80xf32, #tpu.memory_space<hbm>>
        tpu.wait_dma2 semaphore(%run_scoped3A : memref<!tpu.dma_semaphore, #tpu.memory_space<semaphore_mem>>) src(%arg20 : memref<80xf32, #tpu.memory_space<vmem>>) dst(%dma_wait3A_527 : memref<80xf32, #tpu.memory_space<hbm>>)
        tpu.yield
      }) : () -> ()
      %add3A_220 = arith.constant 3 : i32
      %add3A_221 = arith.addi %add3A_129, %add3A_220 : i32
      %lt3A_222 = arith.constant 125 : i32
      %lt3A_223 = arith.cmpi slt, %add3A_221, %lt3A_222 : i32
      %convert_element_type3A_224 = arith.extui %lt3A_223 : i1 to i32
      %cond3A_225 = arith.constant 0 : i32
      %cond3A_226 = arith.cmpi ne, %convert_element_type3A_224, %cond3A_225 : i32
      scf.if %cond3A_226 {
        %mul3A_524 = arith.constant 80 : i32
        %mul3A_525 = arith.muli %add3A_221, %mul3A_524 : i32
        %dma_start3A_526 = tpu.memref_slice %arg7[%mul3A_525] : memref<10000xi32, #tpu.memory_space<vmem>> -> memref<80xi32, #tpu.memory_space<vmem>>
        %dma_start3A_527 = arith.constant 0 : i32
        %dma_start3A_528 = arith.constant 0 : i32
        %dma_start3A_529 = tpu.memref_slice %arg2[%dma_start3A_527, %dma_start3A_528] : memref<10000x64xf32, #tpu.memory_space<hbm>> -> memref<10000x64xf32, #tpu.memory_space<hbm>>
        tpu.enqueue_indirect_dma source(%dma_start3A_529 : memref<10000x64xf32, #tpu.memory_space<hbm>>) target(%arg13 : memref<80x64xf32, #tpu.memory_space<vmem>>) offsets(%dma_start3A_526 : memref<80xi32, #tpu.memory_space<vmem>>) semaphore(%arg25 : memref<!tpu.dma_semaphore, #tpu.memory_space<semaphore_mem>>)
        %dma_start3A_530 = tpu.memref_slice %arg8[%mul3A_525] : memref<10000xi32, #tpu.memory_space<vmem>> -> memref<80xi32, #tpu.memory_space<vmem>>
        %dma_start3A_531 = arith.constant 0 : i32
        %dma_start3A_532 = arith.constant 0 : i32
        %dma_start3A_533 = tpu.memref_slice %arg3[%dma_start3A_531, %dma_start3A_532] : memref<10000x64xf32, #tpu.memory_space<hbm>> -> memref<10000x64xf32, #tpu.memory_space<hbm>>
        tpu.enqueue_indirect_dma source(%dma_start3A_533 : memref<10000x64xf32, #tpu.memory_space<hbm>>) target(%arg18 : memref<80x64xf32, #tpu.memory_space<vmem>>) offsets(%dma_start3A_530 : memref<80xi32, #tpu.memory_space<vmem>>) semaphore(%arg30 : memref<!tpu.dma_semaphore, #tpu.memory_space<semaphore_mem>>)
      } else {
      }
      %add3A_227 = arith.constant 2 : i32
      %add3A_228 = arith.addi %add3A_40, %add3A_227 : i32
      %mul3A_229 = arith.constant 80 : i32
      %mul3A_230 = arith.muli %add3A_228, %mul3A_229 : i32
      %dma_wait3A_231 = tpu.memref_slice %arg7[%mul3A_230] : memref<10000xi32, #tpu.memory_space<vmem>> -> memref<80xi32, #tpu.memory_space<vmem>>
      %dma_wait3A_232 = arith.constant 0 : i32
      %dma_wait3A_233 = arith.constant 0 : i32
      %dma_wait3A_234 = tpu.memref_slice %arg2[%dma_wait3A_232, %dma_wait3A_233] : memref<10000x64xf32, #tpu.memory_space<hbm>> -> memref<10000x64xf32, #tpu.memory_space<hbm>>
      tpu.wait_indirect_dma semaphore(%arg23 : memref<!tpu.dma_semaphore, #tpu.memory_space<semaphore_mem>>) src(%dma_wait3A_234 : memref<10000x64xf32, #tpu.memory_space<hbm>>) dst(%arg11 : memref<80x64xf32, #tpu.memory_space<vmem>>)
      %dma_wait3A_235 = tpu.memref_slice %arg8[%mul3A_230] : memref<10000xi32, #tpu.memory_space<vmem>> -> memref<80xi32, #tpu.memory_space<vmem>>
      %dma_wait3A_236 = arith.constant 0 : i32
      %dma_wait3A_237 = arith.constant 0 : i32
      %dma_wait3A_238 = tpu.memref_slice %arg3[%dma_wait3A_236, %dma_wait3A_237] : memref<10000x64xf32, #tpu.memory_space<hbm>> -> memref<10000x64xf32, #tpu.memory_space<hbm>>
      tpu.wait_indirect_dma semaphore(%arg28 : memref<!tpu.dma_semaphore, #tpu.memory_space<semaphore_mem>>) src(%dma_wait3A_238 : memref<10000x64xf32, #tpu.memory_space<hbm>>) dst(%arg16 : memref<80x64xf32, #tpu.memory_space<vmem>>)
      %iota3A_239 = tpu.iota {dimensions = array<i32: 0>} : vector<16xi32>
      %eq3A_240 = arith.constant 15 : i32
      %eq3A_241 = vector.broadcast %eq3A_240 : i32 to vector<16xi32>
      %eq3A_242 = arith.cmpi eq, %iota3A_239, %eq3A_241 : vector<16xi32>
      %parallel_loop3A_243 = arith.constant 0 : i32
      %parallel_loop3A_244 = arith.constant 80 : i32
      %parallel_loop3A_245 = arith.constant 1 : i32
      scf.for %parallel_loop3A_524 = %parallel_loop3A_243 to %parallel_loop3A_244 step %parallel_loop3A_245  : i32 {
        %parallel_loop3A_525 = arith.index_cast %parallel_loop3A_524 : i32 to index
        %parallel_loop3A_526 = arith.constant 0 : index
        %parallel_loop3A_527 = tpu.vector_load %arg11[%parallel_loop3A_525, %parallel_loop3A_526] {strides = array<i32>} : memref<80x64xf32, #tpu.memory_space<vmem>>, vector<16xf32>,
        %parallel_loop3A_528 = arith.index_cast %parallel_loop3A_524 : i32 to index
        %parallel_loop3A_529 = arith.constant 0 : index
        %parallel_loop3A_530 = tpu.vector_load %arg16[%parallel_loop3A_528, %parallel_loop3A_529] {strides = array<i32>} : memref<80x64xf32, #tpu.memory_space<vmem>>, vector<16xf32>,
        %parallel_loop3A_531 = arith.mulf %parallel_loop3A_527, %parallel_loop3A_530 : vector<16xf32>
        %parallel_loop3A_532 = arith.index_cast %parallel_loop3A_524 : i32 to index
        %parallel_loop3A_533 = arith.constant 16 : index
        %parallel_loop3A_534 = tpu.vector_load %arg11[%parallel_loop3A_532, %parallel_loop3A_533] {strides = array<i32>} : memref<80x64xf32, #tpu.memory_space<vmem>>, vector<16xf32>,
        %parallel_loop3A_535 = arith.index_cast %parallel_loop3A_524 : i32 to index
        %parallel_loop3A_536 = arith.constant 16 : index
        %parallel_loop3A_537 = tpu.vector_load %arg16[%parallel_loop3A_535, %parallel_loop3A_536] {strides = array<i32>} : memref<80x64xf32, #tpu.memory_space<vmem>>, vector<16xf32>,
        %parallel_loop3A_538 = arith.mulf %parallel_loop3A_534, %parallel_loop3A_537 : vector<16xf32>
        %parallel_loop3A_539 = arith.addf %parallel_loop3A_531, %parallel_loop3A_538 : vector<16xf32>
        %parallel_loop3A_540 = arith.index_cast %parallel_loop3A_524 : i32 to index
        %parallel_loop3A_541 = arith.constant 32 : index
        %parallel_loop3A_542 = tpu.vector_load %arg11[%parallel_loop3A_540, %parallel_loop3A_541] {strides = array<i32>} : memref<80x64xf32, #tpu.memory_space<vmem>>, vector<16xf32>,
        %parallel_loop3A_543 = arith.index_cast %parallel_loop3A_524 : i32 to index
        %parallel_loop3A_544 = arith.constant 32 : index
        %parallel_loop3A_545 = tpu.vector_load %arg16[%parallel_loop3A_543, %parallel_loop3A_544] {strides = array<i32>} : memref<80x64xf32, #tpu.memory_space<vmem>>, vector<16xf32>,
        %parallel_loop3A_546 = arith.mulf %parallel_loop3A_542, %parallel_loop3A_545 : vector<16xf32>
        %parallel_loop3A_547 = arith.addf %parallel_loop3A_539, %parallel_loop3A_546 : vector<16xf32>
        %parallel_loop3A_548 = arith.index_cast %parallel_loop3A_524 : i32 to index
        %parallel_loop3A_549 = arith.constant 48 : index
        %parallel_loop3A_550 = tpu.vector_load %arg11[%parallel_loop3A_548, %parallel_loop3A_549] {strides = array<i32>} : memref<80x64xf32, #tpu.memory_space<vmem>>, vector<16xf32>,
        %parallel_loop3A_551 = arith.index_cast %parallel_loop3A_524 : i32 to index
        %parallel_loop3A_552 = arith.constant 48 : index
        %parallel_loop3A_553 = tpu.vector_load %arg16[%parallel_loop3A_551, %parallel_loop3A_552] {strides = array<i32>} : memref<80x64xf32, #tpu.memory_space<vmem>>, vector<16xf32>,
        %parallel_loop3A_554 = arith.mulf %parallel_loop3A_550, %parallel_loop3A_553 : vector<16xf32>
        %parallel_loop3A_555 = arith.addf %parallel_loop3A_547, %parallel_loop3A_554 : vector<16xf32>
        %parallel_loop3A_556 = arith.constant true
        %parallel_loop3A_557 = vector.broadcast %parallel_loop3A_556 : i1 to vector<16xi1>
        %parallel_loop3A_558 = tpu.scan <sum>, %parallel_loop3A_555 masked %parallel_loop3A_557 : vector<16xf32>, vector<16xi1> -> vector<16xf32>
        %parallel_loop3A_559 = vector.broadcast %parallel_loop3A_524 : i32 to vector<16xi32>
        tpu.vector_store_idx %arg20[%parallel_loop3A_559], %parallel_loop3A_558 masked %eq3A_242 : memref<80xf32, #tpu.memory_space<vmem>>[vector<16xi32>], vector<16xf32>, vector<16xi1>
      } {sc.loop_unroll_factor = 4 : i64, sc.parallel_access}
      %get3A_246 = arith.constant 0 : index
      %get3A_247 = tpu.vector_load %arg20[%get3A_246] {strides = array<i32>} : memref<80xf32, #tpu.memory_space<vmem>>, vector<16xf32>,
      %neg3A_248 = arith.constant 0.000000e+00 : f32
      %neg3A_249 = vector.broadcast %neg3A_248 : f32 to vector<16xf32>
      %neg3A_250 = arith.subf %neg3A_249, %get3A_247 : vector<16xf32>
      %exp3A_251 = math.exp %neg3A_250 : vector<16xf32>
      %add3A_252 = arith.constant 1.000000e+00 : f32
      %add3A_253 = vector.broadcast %add3A_252 : f32 to vector<16xf32>
      %add3A_254 = arith.addf %add3A_253, %exp3A_251 : vector<16xf32>
      %div3A_255 = arith.constant 1.000000e+00 : f32
      %div3A_256 = vector.broadcast %div3A_255 : f32 to vector<16xf32>
      %div3A_257 = arith.divf %div3A_256, %add3A_254 : vector<16xf32>
      %swap3A_258 = arith.constant 0 : index
      %swap3A_259 = tpu.vector_load %arg20[%swap3A_258] {strides = array<i32>} : memref<80xf32, #tpu.memory_space<vmem>>, vector<16xf32>,
      tpu.vector_store %arg20[%swap3A_258], %div3A_257 {strides = array<i32>} : memref<80xf32, #tpu.memory_space<vmem>>, vector<16xf32>,
      %get3A_260 = arith.constant 16 : index
      %get3A_261 = tpu.vector_load %arg20[%get3A_260] {strides = array<i32>} : memref<80xf32, #tpu.memory_space<vmem>>, vector<16xf32>,
      %neg3A_262 = arith.constant 0.000000e+00 : f32
      %neg3A_263 = vector.broadcast %neg3A_262 : f32 to vector<16xf32>
      %neg3A_264 = arith.subf %neg3A_263, %get3A_261 : vector<16xf32>
      %exp3A_265 = math.exp %neg3A_264 : vector<16xf32>
      %add3A_266 = arith.constant 1.000000e+00 : f32
      %add3A_267 = vector.broadcast %add3A_266 : f32 to vector<16xf32>
      %add3A_268 = arith.addf %add3A_267, %exp3A_265 : vector<16xf32>
      %div3A_269 = arith.constant 1.000000e+00 : f32
      %div3A_270 = vector.broadcast %div3A_269 : f32 to vector<16xf32>
      %div3A_271 = arith.divf %div3A_270, %add3A_268 : vector<16xf32>
      %swap3A_272 = arith.constant 16 : index
      %swap3A_273 = tpu.vector_load %arg20[%swap3A_272] {strides = array<i32>} : memref<80xf32, #tpu.memory_space<vmem>>, vector<16xf32>,
      tpu.vector_store %arg20[%swap3A_272], %div3A_271 {strides = array<i32>} : memref<80xf32, #tpu.memory_space<vmem>>, vector<16xf32>,
      %get3A_274 = arith.constant 32 : index
      %get3A_275 = tpu.vector_load %arg20[%get3A_274] {strides = array<i32>} : memref<80xf32, #tpu.memory_space<vmem>>, vector<16xf32>,
      %neg3A_276 = arith.constant 0.000000e+00 : f32
      %neg3A_277 = vector.broadcast %neg3A_276 : f32 to vector<16xf32>
      %neg3A_278 = arith.subf %neg3A_277, %get3A_275 : vector<16xf32>
      %exp3A_279 = math.exp %neg3A_278 : vector<16xf32>
      %add3A_280 = arith.constant 1.000000e+00 : f32
      %add3A_281 = vector.broadcast %add3A_280 : f32 to vector<16xf32>
      %add3A_282 = arith.addf %add3A_281, %exp3A_279 : vector<16xf32>
      %div3A_283 = arith.constant 1.000000e+00 : f32
      %div3A_284 = vector.broadcast %div3A_283 : f32 to vector<16xf32>
      %div3A_285 = arith.divf %div3A_284, %add3A_282 : vector<16xf32>
      %swap3A_286 = arith.constant 32 : index
      %swap3A_287 = tpu.vector_load %arg20[%swap3A_286] {strides = array<i32>} : memref<80xf32, #tpu.memory_space<vmem>>, vector<16xf32>,
      tpu.vector_store %arg20[%swap3A_286], %div3A_285 {strides = array<i32>} : memref<80xf32, #tpu.memory_space<vmem>>, vector<16xf32>,
      %get3A_288 = arith.constant 48 : index
      %get3A_289 = tpu.vector_load %arg20[%get3A_288] {strides = array<i32>} : memref<80xf32, #tpu.memory_space<vmem>>, vector<16xf32>,
      %neg3A_290 = arith.constant 0.000000e+00 : f32
      %neg3A_291 = vector.broadcast %neg3A_290 : f32 to vector<16xf32>
      %neg3A_292 = arith.subf %neg3A_291, %get3A_289 : vector<16xf32>
      %exp3A_293 = math.exp %neg3A_292 : vector<16xf32>
      %add3A_294 = arith.constant 1.000000e+00 : f32
      %add3A_295 = vector.broadcast %add3A_294 : f32 to vector<16xf32>
      %add3A_296 = arith.addf %add3A_295, %exp3A_293 : vector<16xf32>
      %div3A_297 = arith.constant 1.000000e+00 : f32
      %div3A_298 = vector.broadcast %div3A_297 : f32 to vector<16xf32>
      %div3A_299 = arith.divf %div3A_298, %add3A_296 : vector<16xf32>
      %swap3A_300 = arith.constant 48 : index
      %swap3A_301 = tpu.vector_load %arg20[%swap3A_300] {strides = array<i32>} : memref<80xf32, #tpu.memory_space<vmem>>, vector<16xf32>,
      tpu.vector_store %arg20[%swap3A_300], %div3A_299 {strides = array<i32>} : memref<80xf32, #tpu.memory_space<vmem>>, vector<16xf32>,
      %get3A_302 = arith.constant 64 : index
      %get3A_303 = tpu.vector_load %arg20[%get3A_302] {strides = array<i32>} : memref<80xf32, #tpu.memory_space<vmem>>, vector<16xf32>,
      %neg3A_304 = arith.constant 0.000000e+00 : f32
      %neg3A_305 = vector.broadcast %neg3A_304 : f32 to vector<16xf32>
      %neg3A_306 = arith.subf %neg3A_305, %get3A_303 : vector<16xf32>
      %exp3A_307 = math.exp %neg3A_306 : vector<16xf32>
      %add3A_308 = arith.constant 1.000000e+00 : f32
      %add3A_309 = vector.broadcast %add3A_308 : f32 to vector<16xf32>
      %add3A_310 = arith.addf %add3A_309, %exp3A_307 : vector<16xf32>
      %div3A_311 = arith.constant 1.000000e+00 : f32
      %div3A_312 = vector.broadcast %div3A_311 : f32 to vector<16xf32>
      %div3A_313 = arith.divf %div3A_312, %add3A_310 : vector<16xf32>
      %swap3A_314 = arith.constant 64 : index
      %swap3A_315 = tpu.vector_load %arg20[%swap3A_314] {strides = array<i32>} : memref<80xf32, #tpu.memory_space<vmem>>, vector<16xf32>,
      tpu.vector_store %arg20[%swap3A_314], %div3A_313 {strides = array<i32>} : memref<80xf32, #tpu.memory_space<vmem>>, vector<16xf32>,
      %mul3A_316 = arith.constant 80 : i32
      %mul3A_317 = arith.muli %add3A_228, %mul3A_316 : i32
      %add3A_318 = arith.addi %mul3A_2, %mul3A_317 : i32
      "tpu.region"() ({
        %run_scoped3A = tpu.sem_alloc : memref<!tpu.dma_semaphore, #tpu.memory_space<semaphore_mem>>
        %dma_start3A_524 = tpu.memref_slice %arg6[%add3A_318] : memref<320000xf32, #tpu.memory_space<hbm>> -> memref<80xf32, #tpu.memory_space<hbm>>
        %dma_start3A_525 = tpu.memref_slice %arg6[%add3A_318] : memref<320000xf32, #tpu.memory_space<hbm>> -> memref<80xf32, #tpu.memory_space<hbm>>
        tpu.enqueue_dma source(%arg20 : memref<80xf32, #tpu.memory_space<vmem>>) target(%dma_start3A_525 : memref<80xf32, #tpu.memory_space<hbm>>) target_semaphore(%run_scoped3A : memref<!tpu.dma_semaphore, #tpu.memory_space<semaphore_mem>>)
        %dma_wait3A_526 = tpu.memref_slice %arg6[%add3A_318] : memref<320000xf32, #tpu.memory_space<hbm>> -> memref<80xf32, #tpu.memory_space<hbm>>
        %dma_wait3A_527 = tpu.memref_slice %arg6[%add3A_318] : memref<320000xf32, #tpu.memory_space<hbm>> -> memref<80xf32, #tpu.memory_space<hbm>>
        tpu.wait_dma2 semaphore(%run_scoped3A : memref<!tpu.dma_semaphore, #tpu.memory_space<semaphore_mem>>) src(%arg20 : memref<80xf32, #tpu.memory_space<vmem>>) dst(%dma_wait3A_527 : memref<80xf32, #tpu.memory_space<hbm>>)
        tpu.yield
      }) : () -> ()
      %add3A_319 = arith.constant 3 : i32
      %add3A_320 = arith.addi %add3A_228, %add3A_319 : i32
      %lt3A_321 = arith.constant 125 : i32
      %lt3A_322 = arith.cmpi slt, %add3A_320, %lt3A_321 : i32
      %convert_element_type3A_323 = arith.extui %lt3A_322 : i1 to i32
      %cond3A_324 = arith.constant 0 : i32
      %cond3A_325 = arith.cmpi ne, %convert_element_type3A_323, %cond3A_324 : i32
      scf.if %cond3A_325 {
        %mul3A_524 = arith.constant 80 : i32
        %mul3A_525 = arith.muli %add3A_320, %mul3A_524 : i32
        %dma_start3A_526 = tpu.memref_slice %arg7[%mul3A_525] : memref<10000xi32, #tpu.memory_space<vmem>> -> memref<80xi32, #tpu.memory_space<vmem>>
        %dma_start3A_527 = arith.constant 0 : i32
        %dma_start3A_528 = arith.constant 0 : i32
        %dma_start3A_529 = tpu.memref_slice %arg2[%dma_start3A_527, %dma_start3A_528] : memref<10000x64xf32, #tpu.memory_space<hbm>> -> memref<10000x64xf32, #tpu.memory_space<hbm>>
        tpu.enqueue_indirect_dma source(%dma_start3A_529 : memref<10000x64xf32, #tpu.memory_space<hbm>>) target(%arg9 : memref<80x64xf32, #tpu.memory_space<vmem>>) offsets(%dma_start3A_526 : memref<80xi32, #tpu.memory_space<vmem>>) semaphore(%arg21 : memref<!tpu.dma_semaphore, #tpu.memory_space<semaphore_mem>>)
        %dma_start3A_530 = tpu.memref_slice %arg8[%mul3A_525] : memref<10000xi32, #tpu.memory_space<vmem>> -> memref<80xi32, #tpu.memory_space<vmem>>
        %dma_start3A_531 = arith.constant 0 : i32
        %dma_start3A_532 = arith.constant 0 : i32
        %dma_start3A_533 = tpu.memref_slice %arg3[%dma_start3A_531, %dma_start3A_532] : memref<10000x64xf32, #tpu.memory_space<hbm>> -> memref<10000x64xf32, #tpu.memory_space<hbm>>
        tpu.enqueue_indirect_dma source(%dma_start3A_533 : memref<10000x64xf32, #tpu.memory_space<hbm>>) target(%arg14 : memref<80x64xf32, #tpu.memory_space<vmem>>) offsets(%dma_start3A_530 : memref<80xi32, #tpu.memory_space<vmem>>) semaphore(%arg26 : memref<!tpu.dma_semaphore, #tpu.memory_space<semaphore_mem>>)
      } else {
      }
      %add3A_326 = arith.constant 3 : i32
      %add3A_327 = arith.addi %add3A_40, %add3A_326 : i32
      %mul3A_328 = arith.constant 80 : i32
      %mul3A_329 = arith.muli %add3A_327, %mul3A_328 : i32
      %dma_wait3A_330 = tpu.memref_slice %arg7[%mul3A_329] : memref<10000xi32, #tpu.memory_space<vmem>> -> memref<80xi32, #tpu.memory_space<vmem>>
      %dma_wait3A_331 = arith.constant 0 : i32
      %dma_wait3A_332 = arith.constant 0 : i32
      %dma_wait3A_333 = tpu.memref_slice %arg2[%dma_wait3A_331, %dma_wait3A_332] : memref<10000x64xf32, #tpu.memory_space<hbm>> -> memref<10000x64xf32, #tpu.memory_space<hbm>>
      tpu.wait_indirect_dma semaphore(%arg24 : memref<!tpu.dma_semaphore, #tpu.memory_space<semaphore_mem>>) src(%dma_wait3A_333 : memref<10000x64xf32, #tpu.memory_space<hbm>>) dst(%arg12 : memref<80x64xf32, #tpu.memory_space<vmem>>)
      %dma_wait3A_334 = tpu.memref_slice %arg8[%mul3A_329] : memref<10000xi32, #tpu.memory_space<vmem>> -> memref<80xi32, #tpu.memory_space<vmem>>
      %dma_wait3A_335 = arith.constant 0 : i32
      %dma_wait3A_336 = arith.constant 0 : i32
      %dma_wait3A_337 = tpu.memref_slice %arg3[%dma_wait3A_335, %dma_wait3A_336] : memref<10000x64xf32, #tpu.memory_space<hbm>> -> memref<10000x64xf32, #tpu.memory_space<hbm>>
      tpu.wait_indirect_dma semaphore(%arg29 : memref<!tpu.dma_semaphore, #tpu.memory_space<semaphore_mem>>) src(%dma_wait3A_337 : memref<10000x64xf32, #tpu.memory_space<hbm>>) dst(%arg17 : memref<80x64xf32, #tpu.memory_space<vmem>>)
      %iota3A_338 = tpu.iota {dimensions = array<i32: 0>} : vector<16xi32>
      %eq3A_339 = arith.constant 15 : i32
      %eq3A_340 = vector.broadcast %eq3A_339 : i32 to vector<16xi32>
      %eq3A_341 = arith.cmpi eq, %iota3A_338, %eq3A_340 : vector<16xi32>
      %parallel_loop3A_342 = arith.constant 0 : i32
      %parallel_loop3A_343 = arith.constant 80 : i32
      %parallel_loop3A_344 = arith.constant 1 : i32
      scf.for %parallel_loop3A_524 = %parallel_loop3A_342 to %parallel_loop3A_343 step %parallel_loop3A_344  : i32 {
        %parallel_loop3A_525 = arith.index_cast %parallel_loop3A_524 : i32 to index
        %parallel_loop3A_526 = arith.constant 0 : index
        %parallel_loop3A_527 = tpu.vector_load %arg12[%parallel_loop3A_525, %parallel_loop3A_526] {strides = array<i32>} : memref<80x64xf32, #tpu.memory_space<vmem>>, vector<16xf32>,
        %parallel_loop3A_528 = arith.index_cast %parallel_loop3A_524 : i32 to index
        %parallel_loop3A_529 = arith.constant 0 : index
        %parallel_loop3A_530 = tpu.vector_load %arg17[%parallel_loop3A_528, %parallel_loop3A_529] {strides = array<i32>} : memref<80x64xf32, #tpu.memory_space<vmem>>, vector<16xf32>,
        %parallel_loop3A_531 = arith.mulf %parallel_loop3A_527, %parallel_loop3A_530 : vector<16xf32>
        %parallel_loop3A_532 = arith.index_cast %parallel_loop3A_524 : i32 to index
        %parallel_loop3A_533 = arith.constant 16 : index
        %parallel_loop3A_534 = tpu.vector_load %arg12[%parallel_loop3A_532, %parallel_loop3A_533] {strides = array<i32>} : memref<80x64xf32, #tpu.memory_space<vmem>>, vector<16xf32>,
        %parallel_loop3A_535 = arith.index_cast %parallel_loop3A_524 : i32 to index
        %parallel_loop3A_536 = arith.constant 16 : index
        %parallel_loop3A_537 = tpu.vector_load %arg17[%parallel_loop3A_535, %parallel_loop3A_536] {strides = array<i32>} : memref<80x64xf32, #tpu.memory_space<vmem>>, vector<16xf32>,
        %parallel_loop3A_538 = arith.mulf %parallel_loop3A_534, %parallel_loop3A_537 : vector<16xf32>
        %parallel_loop3A_539 = arith.addf %parallel_loop3A_531, %parallel_loop3A_538 : vector<16xf32>
        %parallel_loop3A_540 = arith.index_cast %parallel_loop3A_524 : i32 to index
        %parallel_loop3A_541 = arith.constant 32 : index
        %parallel_loop3A_542 = tpu.vector_load %arg12[%parallel_loop3A_540, %parallel_loop3A_541] {strides = array<i32>} : memref<80x64xf32, #tpu.memory_space<vmem>>, vector<16xf32>,
        %parallel_loop3A_543 = arith.index_cast %parallel_loop3A_524 : i32 to index
        %parallel_loop3A_544 = arith.constant 32 : index
        %parallel_loop3A_545 = tpu.vector_load %arg17[%parallel_loop3A_543, %parallel_loop3A_544] {strides = array<i32>} : memref<80x64xf32, #tpu.memory_space<vmem>>, vector<16xf32>,
        %parallel_loop3A_546 = arith.mulf %parallel_loop3A_542, %parallel_loop3A_545 : vector<16xf32>
        %parallel_loop3A_547 = arith.addf %parallel_loop3A_539, %parallel_loop3A_546 : vector<16xf32>
        %parallel_loop3A_548 = arith.index_cast %parallel_loop3A_524 : i32 to index
        %parallel_loop3A_549 = arith.constant 48 : index
        %parallel_loop3A_550 = tpu.vector_load %arg12[%parallel_loop3A_548, %parallel_loop3A_549] {strides = array<i32>} : memref<80x64xf32, #tpu.memory_space<vmem>>, vector<16xf32>,
        %parallel_loop3A_551 = arith.index_cast %parallel_loop3A_524 : i32 to index
        %parallel_loop3A_552 = arith.constant 48 : index
        %parallel_loop3A_553 = tpu.vector_load %arg17[%parallel_loop3A_551, %parallel_loop3A_552] {strides = array<i32>} : memref<80x64xf32, #tpu.memory_space<vmem>>, vector<16xf32>,
        %parallel_loop3A_554 = arith.mulf %parallel_loop3A_550, %parallel_loop3A_553 : vector<16xf32>
        %parallel_loop3A_555 = arith.addf %parallel_loop3A_547, %parallel_loop3A_554 : vector<16xf32>
        %parallel_loop3A_556 = arith.constant true
        %parallel_loop3A_557 = vector.broadcast %parallel_loop3A_556 : i1 to vector<16xi1>
        %parallel_loop3A_558 = tpu.scan <sum>, %parallel_loop3A_555 masked %parallel_loop3A_557 : vector<16xf32>, vector<16xi1> -> vector<16xf32>
        %parallel_loop3A_559 = vector.broadcast %parallel_loop3A_524 : i32 to vector<16xi32>
        tpu.vector_store_idx %arg20[%parallel_loop3A_559], %parallel_loop3A_558 masked %eq3A_341 : memref<80xf32, #tpu.memory_space<vmem>>[vector<16xi32>], vector<16xf32>, vector<16xi1>
      } {sc.loop_unroll_factor = 4 : i64, sc.parallel_access}
      %get3A_345 = arith.constant 0 : index
      %get3A_346 = tpu.vector_load %arg20[%get3A_345] {strides = array<i32>} : memref<80xf32, #tpu.memory_space<vmem>>, vector<16xf32>,
      %neg3A_347 = arith.constant 0.000000e+00 : f32
      %neg3A_348 = vector.broadcast %neg3A_347 : f32 to vector<16xf32>
      %neg3A_349 = arith.subf %neg3A_348, %get3A_346 : vector<16xf32>
      %exp3A_350 = math.exp %neg3A_349 : vector<16xf32>
      %add3A_351 = arith.constant 1.000000e+00 : f32
      %add3A_352 = vector.broadcast %add3A_351 : f32 to vector<16xf32>
      %add3A_353 = arith.addf %add3A_352, %exp3A_350 : vector<16xf32>
      %div3A_354 = arith.constant 1.000000e+00 : f32
      %div3A_355 = vector.broadcast %div3A_354 : f32 to vector<16xf32>
      %div3A_356 = arith.divf %div3A_355, %add3A_353 : vector<16xf32>
      %swap3A_357 = arith.constant 0 : index
      %swap3A_358 = tpu.vector_load %arg20[%swap3A_357] {strides = array<i32>} : memref<80xf32, #tpu.memory_space<vmem>>, vector<16xf32>,
      tpu.vector_store %arg20[%swap3A_357], %div3A_356 {strides = array<i32>} : memref<80xf32, #tpu.memory_space<vmem>>, vector<16xf32>,
      %get3A_359 = arith.constant 16 : index
      %get3A_360 = tpu.vector_load %arg20[%get3A_359] {strides = array<i32>} : memref<80xf32, #tpu.memory_space<vmem>>, vector<16xf32>,
      %neg3A_361 = arith.constant 0.000000e+00 : f32
      %neg3A_362 = vector.broadcast %neg3A_361 : f32 to vector<16xf32>
      %neg3A_363 = arith.subf %neg3A_362, %get3A_360 : vector<16xf32>
      %exp3A_364 = math.exp %neg3A_363 : vector<16xf32>
      %add3A_365 = arith.constant 1.000000e+00 : f32
      %add3A_366 = vector.broadcast %add3A_365 : f32 to vector<16xf32>
      %add3A_367 = arith.addf %add3A_366, %exp3A_364 : vector<16xf32>
      %div3A_368 = arith.constant 1.000000e+00 : f32
      %div3A_369 = vector.broadcast %div3A_368 : f32 to vector<16xf32>
      %div3A_370 = arith.divf %div3A_369, %add3A_367 : vector<16xf32>
      %swap3A_371 = arith.constant 16 : index
      %swap3A_372 = tpu.vector_load %arg20[%swap3A_371] {strides = array<i32>} : memref<80xf32, #tpu.memory_space<vmem>>, vector<16xf32>,
      tpu.vector_store %arg20[%swap3A_371], %div3A_370 {strides = array<i32>} : memref<80xf32, #tpu.memory_space<vmem>>, vector<16xf32>,
      %get3A_373 = arith.constant 32 : index
      %get3A_374 = tpu.vector_load %arg20[%get3A_373] {strides = array<i32>} : memref<80xf32, #tpu.memory_space<vmem>>, vector<16xf32>,
      %neg3A_375 = arith.constant 0.000000e+00 : f32
      %neg3A_376 = vector.broadcast %neg3A_375 : f32 to vector<16xf32>
      %neg3A_377 = arith.subf %neg3A_376, %get3A_374 : vector<16xf32>
      %exp3A_378 = math.exp %neg3A_377 : vector<16xf32>
      %add3A_379 = arith.constant 1.000000e+00 : f32
      %add3A_380 = vector.broadcast %add3A_379 : f32 to vector<16xf32>
      %add3A_381 = arith.addf %add3A_380, %exp3A_378 : vector<16xf32>
      %div3A_382 = arith.constant 1.000000e+00 : f32
      %div3A_383 = vector.broadcast %div3A_382 : f32 to vector<16xf32>
      %div3A_384 = arith.divf %div3A_383, %add3A_381 : vector<16xf32>
      %swap3A_385 = arith.constant 32 : index
      %swap3A_386 = tpu.vector_load %arg20[%swap3A_385] {strides = array<i32>} : memref<80xf32, #tpu.memory_space<vmem>>, vector<16xf32>,
      tpu.vector_store %arg20[%swap3A_385], %div3A_384 {strides = array<i32>} : memref<80xf32, #tpu.memory_space<vmem>>, vector<16xf32>,
      %get3A_387 = arith.constant 48 : index
      %get3A_388 = tpu.vector_load %arg20[%get3A_387] {strides = array<i32>} : memref<80xf32, #tpu.memory_space<vmem>>, vector<16xf32>,
      %neg3A_389 = arith.constant 0.000000e+00 : f32
      %neg3A_390 = vector.broadcast %neg3A_389 : f32 to vector<16xf32>
      %neg3A_391 = arith.subf %neg3A_390, %get3A_388 : vector<16xf32>
      %exp3A_392 = math.exp %neg3A_391 : vector<16xf32>
      %add3A_393 = arith.constant 1.000000e+00 : f32
      %add3A_394 = vector.broadcast %add3A_393 : f32 to vector<16xf32>
      %add3A_395 = arith.addf %add3A_394, %exp3A_392 : vector<16xf32>
      %div3A_396 = arith.constant 1.000000e+00 : f32
      %div3A_397 = vector.broadcast %div3A_396 : f32 to vector<16xf32>
      %div3A_398 = arith.divf %div3A_397, %add3A_395 : vector<16xf32>
      %swap3A_399 = arith.constant 48 : index
      %swap3A_400 = tpu.vector_load %arg20[%swap3A_399] {strides = array<i32>} : memref<80xf32, #tpu.memory_space<vmem>>, vector<16xf32>,
      tpu.vector_store %arg20[%swap3A_399], %div3A_398 {strides = array<i32>} : memref<80xf32, #tpu.memory_space<vmem>>, vector<16xf32>,
      %get3A_401 = arith.constant 64 : index
      %get3A_402 = tpu.vector_load %arg20[%get3A_401] {strides = array<i32>} : memref<80xf32, #tpu.memory_space<vmem>>, vector<16xf32>,
      %neg3A_403 = arith.constant 0.000000e+00 : f32
      %neg3A_404 = vector.broadcast %neg3A_403 : f32 to vector<16xf32>
      %neg3A_405 = arith.subf %neg3A_404, %get3A_402 : vector<16xf32>
      %exp3A_406 = math.exp %neg3A_405 : vector<16xf32>
      %add3A_407 = arith.constant 1.000000e+00 : f32
      %add3A_408 = vector.broadcast %add3A_407 : f32 to vector<16xf32>
      %add3A_409 = arith.addf %add3A_408, %exp3A_406 : vector<16xf32>
      %div3A_410 = arith.constant 1.000000e+00 : f32
      %div3A_411 = vector.broadcast %div3A_410 : f32 to vector<16xf32>
      %div3A_412 = arith.divf %div3A_411, %add3A_409 : vector<16xf32>
      %swap3A_413 = arith.constant 64 : index
      %swap3A_414 = tpu.vector_load %arg20[%swap3A_413] {strides = array<i32>} : memref<80xf32, #tpu.memory_space<vmem>>, vector<16xf32>,
      tpu.vector_store %arg20[%swap3A_413], %div3A_412 {strides = array<i32>} : memref<80xf32, #tpu.memory_space<vmem>>, vector<16xf32>,
      %mul3A_415 = arith.constant 80 : i32
      %mul3A_416 = arith.muli %add3A_327, %mul3A_415 : i32
      %add3A_417 = arith.addi %mul3A_2, %mul3A_416 : i32
      "tpu.region"() ({
        %run_scoped3A = tpu.sem_alloc : memref<!tpu.dma_semaphore, #tpu.memory_space<semaphore_mem>>
        %dma_start3A_524 = tpu.memref_slice %arg6[%add3A_417] : memref<320000xf32, #tpu.memory_space<hbm>> -> memref<80xf32, #tpu.memory_space<hbm>>
        %dma_start3A_525 = tpu.memref_slice %arg6[%add3A_417] : memref<320000xf32, #tpu.memory_space<hbm>> -> memref<80xf32, #tpu.memory_space<hbm>>
        tpu.enqueue_dma source(%arg20 : memref<80xf32, #tpu.memory_space<vmem>>) target(%dma_start3A_525 : memref<80xf32, #tpu.memory_space<hbm>>) target_semaphore(%run_scoped3A : memref<!tpu.dma_semaphore, #tpu.memory_space<semaphore_mem>>)
        %dma_wait3A_526 = tpu.memref_slice %arg6[%add3A_417] : memref<320000xf32, #tpu.memory_space<hbm>> -> memref<80xf32, #tpu.memory_space<hbm>>
        %dma_wait3A_527 = tpu.memref_slice %arg6[%add3A_417] : memref<320000xf32, #tpu.memory_space<hbm>> -> memref<80xf32, #tpu.memory_space<hbm>>
        tpu.wait_dma2 semaphore(%run_scoped3A : memref<!tpu.dma_semaphore, #tpu.memory_space<semaphore_mem>>) src(%arg20 : memref<80xf32, #tpu.memory_space<vmem>>) dst(%dma_wait3A_527 : memref<80xf32, #tpu.memory_space<hbm>>)
        tpu.yield
      }) : () -> ()
      %add3A_418 = arith.constant 3 : i32
      %add3A_419 = arith.addi %add3A_327, %add3A_418 : i32
      %lt3A_420 = arith.constant 125 : i32
      %lt3A_421 = arith.cmpi slt, %add3A_419, %lt3A_420 : i32
      %convert_element_type3A_422 = arith.extui %lt3A_421 : i1 to i32
      %cond3A_423 = arith.constant 0 : i32
      %cond3A_424 = arith.cmpi ne, %convert_element_type3A_422, %cond3A_423 : i32
      scf.if %cond3A_424 {
        %mul3A_524 = arith.constant 80 : i32
        %mul3A_525 = arith.muli %add3A_419, %mul3A_524 : i32
        %dma_start3A_526 = tpu.memref_slice %arg7[%mul3A_525] : memref<10000xi32, #tpu.memory_space<vmem>> -> memref<80xi32, #tpu.memory_space<vmem>>
        %dma_start3A_527 = arith.constant 0 : i32
        %dma_start3A_528 = arith.constant 0 : i32
        %dma_start3A_529 = tpu.memref_slice %arg2[%dma_start3A_527, %dma_start3A_528] : memref<10000x64xf32, #tpu.memory_space<hbm>> -> memref<10000x64xf32, #tpu.memory_space<hbm>>
        tpu.enqueue_indirect_dma source(%dma_start3A_529 : memref<10000x64xf32, #tpu.memory_space<hbm>>) target(%arg10 : memref<80x64xf32, #tpu.memory_space<vmem>>) offsets(%dma_start3A_526 : memref<80xi32, #tpu.memory_space<vmem>>) semaphore(%arg22 : memref<!tpu.dma_semaphore, #tpu.memory_space<semaphore_mem>>)
        %dma_start3A_530 = tpu.memref_slice %arg8[%mul3A_525] : memref<10000xi32, #tpu.memory_space<vmem>> -> memref<80xi32, #tpu.memory_space<vmem>>
        %dma_start3A_531 = arith.constant 0 : i32
        %dma_start3A_532 = arith.constant 0 : i32
        %dma_start3A_533 = tpu.memref_slice %arg3[%dma_start3A_531, %dma_start3A_532] : memref<10000x64xf32, #tpu.memory_space<hbm>> -> memref<10000x64xf32, #tpu.memory_space<hbm>>
        tpu.enqueue_indirect_dma source(%dma_start3A_533 : memref<10000x64xf32, #tpu.memory_space<hbm>>) target(%arg15 : memref<80x64xf32, #tpu.memory_space<vmem>>) offsets(%dma_start3A_530 : memref<80xi32, #tpu.memory_space<vmem>>) semaphore(%arg27 : memref<!tpu.dma_semaphore, #tpu.memory_space<semaphore_mem>>)
      } else {
      }
      %add3A_425 = arith.constant 4 : i32
      %add3A_426 = arith.addi %add3A_40, %add3A_425 : i32
      %mul3A_427 = arith.constant 80 : i32
      %mul3A_428 = arith.muli %add3A_426, %mul3A_427 : i32
      %dma_wait3A_429 = tpu.memref_slice %arg7[%mul3A_428] : memref<10000xi32, #tpu.memory_space<vmem>> -> memref<80xi32, #tpu.memory_space<vmem>>
      %dma_wait3A_430 = arith.constant 0 : i32
      %dma_wait3A_431 = arith.constant 0 : i32
      %dma_wait3A_432 = tpu.memref_slice %arg2[%dma_wait3A_430, %dma_wait3A_431] : memref<10000x64xf32, #tpu.memory_space<hbm>> -> memref<10000x64xf32, #tpu.memory_space<hbm>>
      tpu.wait_indirect_dma semaphore(%arg25 : memref<!tpu.dma_semaphore, #tpu.memory_space<semaphore_mem>>) src(%dma_wait3A_432 : memref<10000x64xf32, #tpu.memory_space<hbm>>) dst(%arg13 : memref<80x64xf32, #tpu.memory_space<vmem>>)
      %dma_wait3A_433 = tpu.memref_slice %arg8[%mul3A_428] : memref<10000xi32, #tpu.memory_space<vmem>> -> memref<80xi32, #tpu.memory_space<vmem>>
      %dma_wait3A_434 = arith.constant 0 : i32
      %dma_wait3A_435 = arith.constant 0 : i32
      %dma_wait3A_436 = tpu.memref_slice %arg3[%dma_wait3A_434, %dma_wait3A_435] : memref<10000x64xf32, #tpu.memory_space<hbm>> -> memref<10000x64xf32, #tpu.memory_space<hbm>>
      tpu.wait_indirect_dma semaphore(%arg30 : memref<!tpu.dma_semaphore, #tpu.memory_space<semaphore_mem>>) src(%dma_wait3A_436 : memref<10000x64xf32, #tpu.memory_space<hbm>>) dst(%arg18 : memref<80x64xf32, #tpu.memory_space<vmem>>)
      %iota3A_437 = tpu.iota {dimensions = array<i32: 0>} : vector<16xi32>
      %eq3A_438 = arith.constant 15 : i32
      %eq3A_439 = vector.broadcast %eq3A_438 : i32 to vector<16xi32>
      %eq3A_440 = arith.cmpi eq, %iota3A_437, %eq3A_439 : vector<16xi32>
      %parallel_loop3A_441 = arith.constant 0 : i32
      %parallel_loop3A_442 = arith.constant 80 : i32
      %parallel_loop3A_443 = arith.constant 1 : i32
      scf.for %parallel_loop3A_524 = %parallel_loop3A_441 to %parallel_loop3A_442 step %parallel_loop3A_443  : i32 {
        %parallel_loop3A_525 = arith.index_cast %parallel_loop3A_524 : i32 to index
        %parallel_loop3A_526 = arith.constant 0 : index
        %parallel_loop3A_527 = tpu.vector_load %arg13[%parallel_loop3A_525, %parallel_loop3A_526] {strides = array<i32>} : memref<80x64xf32, #tpu.memory_space<vmem>>, vector<16xf32>,
        %parallel_loop3A_528 = arith.index_cast %parallel_loop3A_524 : i32 to index
        %parallel_loop3A_529 = arith.constant 0 : index
        %parallel_loop3A_530 = tpu.vector_load %arg18[%parallel_loop3A_528, %parallel_loop3A_529] {strides = array<i32>} : memref<80x64xf32, #tpu.memory_space<vmem>>, vector<16xf32>,
        %parallel_loop3A_531 = arith.mulf %parallel_loop3A_527, %parallel_loop3A_530 : vector<16xf32>
        %parallel_loop3A_532 = arith.index_cast %parallel_loop3A_524 : i32 to index
        %parallel_loop3A_533 = arith.constant 16 : index
        %parallel_loop3A_534 = tpu.vector_load %arg13[%parallel_loop3A_532, %parallel_loop3A_533] {strides = array<i32>} : memref<80x64xf32, #tpu.memory_space<vmem>>, vector<16xf32>,
        %parallel_loop3A_535 = arith.index_cast %parallel_loop3A_524 : i32 to index
        %parallel_loop3A_536 = arith.constant 16 : index
        %parallel_loop3A_537 = tpu.vector_load %arg18[%parallel_loop3A_535, %parallel_loop3A_536] {strides = array<i32>} : memref<80x64xf32, #tpu.memory_space<vmem>>, vector<16xf32>,
        %parallel_loop3A_538 = arith.mulf %parallel_loop3A_534, %parallel_loop3A_537 : vector<16xf32>
        %parallel_loop3A_539 = arith.addf %parallel_loop3A_531, %parallel_loop3A_538 : vector<16xf32>
        %parallel_loop3A_540 = arith.index_cast %parallel_loop3A_524 : i32 to index
        %parallel_loop3A_541 = arith.constant 32 : index
        %parallel_loop3A_542 = tpu.vector_load %arg13[%parallel_loop3A_540, %parallel_loop3A_541] {strides = array<i32>} : memref<80x64xf32, #tpu.memory_space<vmem>>, vector<16xf32>,
        %parallel_loop3A_543 = arith.index_cast %parallel_loop3A_524 : i32 to index
        %parallel_loop3A_544 = arith.constant 32 : index
        %parallel_loop3A_545 = tpu.vector_load %arg18[%parallel_loop3A_543, %parallel_loop3A_544] {strides = array<i32>} : memref<80x64xf32, #tpu.memory_space<vmem>>, vector<16xf32>,
        %parallel_loop3A_546 = arith.mulf %parallel_loop3A_542, %parallel_loop3A_545 : vector<16xf32>
        %parallel_loop3A_547 = arith.addf %parallel_loop3A_539, %parallel_loop3A_546 : vector<16xf32>
        %parallel_loop3A_548 = arith.index_cast %parallel_loop3A_524 : i32 to index
        %parallel_loop3A_549 = arith.constant 48 : index
        %parallel_loop3A_550 = tpu.vector_load %arg13[%parallel_loop3A_548, %parallel_loop3A_549] {strides = array<i32>} : memref<80x64xf32, #tpu.memory_space<vmem>>, vector<16xf32>,
        %parallel_loop3A_551 = arith.index_cast %parallel_loop3A_524 : i32 to index
        %parallel_loop3A_552 = arith.constant 48 : index
        %parallel_loop3A_553 = tpu.vector_load %arg18[%parallel_loop3A_551, %parallel_loop3A_552] {strides = array<i32>} : memref<80x64xf32, #tpu.memory_space<vmem>>, vector<16xf32>,
        %parallel_loop3A_554 = arith.mulf %parallel_loop3A_550, %parallel_loop3A_553 : vector<16xf32>
        %parallel_loop3A_555 = arith.addf %parallel_loop3A_547, %parallel_loop3A_554 : vector<16xf32>
        %parallel_loop3A_556 = arith.constant true
        %parallel_loop3A_557 = vector.broadcast %parallel_loop3A_556 : i1 to vector<16xi1>
        %parallel_loop3A_558 = tpu.scan <sum>, %parallel_loop3A_555 masked %parallel_loop3A_557 : vector<16xf32>, vector<16xi1> -> vector<16xf32>
        %parallel_loop3A_559 = vector.broadcast %parallel_loop3A_524 : i32 to vector<16xi32>
        tpu.vector_store_idx %arg20[%parallel_loop3A_559], %parallel_loop3A_558 masked %eq3A_440 : memref<80xf32, #tpu.memory_space<vmem>>[vector<16xi32>], vector<16xf32>, vector<16xi1>
      } {sc.loop_unroll_factor = 4 : i64, sc.parallel_access}
      %get3A_444 = arith.constant 0 : index
      %get3A_445 = tpu.vector_load %arg20[%get3A_444] {strides = array<i32>} : memref<80xf32, #tpu.memory_space<vmem>>, vector<16xf32>,
      %neg3A_446 = arith.constant 0.000000e+00 : f32
      %neg3A_447 = vector.broadcast %neg3A_446 : f32 to vector<16xf32>
      %neg3A_448 = arith.subf %neg3A_447, %get3A_445 : vector<16xf32>
      %exp3A_449 = math.exp %neg3A_448 : vector<16xf32>
      %add3A_450 = arith.constant 1.000000e+00 : f32
      %add3A_451 = vector.broadcast %add3A_450 : f32 to vector<16xf32>
      %add3A_452 = arith.addf %add3A_451, %exp3A_449 : vector<16xf32>
      %div3A_453 = arith.constant 1.000000e+00 : f32
      %div3A_454 = vector.broadcast %div3A_453 : f32 to vector<16xf32>
      %div3A_455 = arith.divf %div3A_454, %add3A_452 : vector<16xf32>
      %swap3A_456 = arith.constant 0 : index
      %swap3A_457 = tpu.vector_load %arg20[%swap3A_456] {strides = array<i32>} : memref<80xf32, #tpu.memory_space<vmem>>, vector<16xf32>,
      tpu.vector_store %arg20[%swap3A_456], %div3A_455 {strides = array<i32>} : memref<80xf32, #tpu.memory_space<vmem>>, vector<16xf32>,
      %get3A_458 = arith.constant 16 : index
      %get3A_459 = tpu.vector_load %arg20[%get3A_458] {strides = array<i32>} : memref<80xf32, #tpu.memory_space<vmem>>, vector<16xf32>,
      %neg3A_460 = arith.constant 0.000000e+00 : f32
      %neg3A_461 = vector.broadcast %neg3A_460 : f32 to vector<16xf32>
      %neg3A_462 = arith.subf %neg3A_461, %get3A_459 : vector<16xf32>
      %exp3A_463 = math.exp %neg3A_462 : vector<16xf32>
      %add3A_464 = arith.constant 1.000000e+00 : f32
      %add3A_465 = vector.broadcast %add3A_464 : f32 to vector<16xf32>
      %add3A_466 = arith.addf %add3A_465, %exp3A_463 : vector<16xf32>
      %div3A_467 = arith.constant 1.000000e+00 : f32
      %div3A_468 = vector.broadcast %div3A_467 : f32 to vector<16xf32>
      %div3A_469 = arith.divf %div3A_468, %add3A_466 : vector<16xf32>
      %swap3A_470 = arith.constant 16 : index
      %swap3A_471 = tpu.vector_load %arg20[%swap3A_470] {strides = array<i32>} : memref<80xf32, #tpu.memory_space<vmem>>, vector<16xf32>,
      tpu.vector_store %arg20[%swap3A_470], %div3A_469 {strides = array<i32>} : memref<80xf32, #tpu.memory_space<vmem>>, vector<16xf32>,
      %get3A_472 = arith.constant 32 : index
      %get3A_473 = tpu.vector_load %arg20[%get3A_472] {strides = array<i32>} : memref<80xf32, #tpu.memory_space<vmem>>, vector<16xf32>,
      %neg3A_474 = arith.constant 0.000000e+00 : f32
      %neg3A_475 = vector.broadcast %neg3A_474 : f32 to vector<16xf32>
      %neg3A_476 = arith.subf %neg3A_475, %get3A_473 : vector<16xf32>
      %exp3A_477 = math.exp %neg3A_476 : vector<16xf32>
      %add3A_478 = arith.constant 1.000000e+00 : f32
      %add3A_479 = vector.broadcast %add3A_478 : f32 to vector<16xf32>
      %add3A_480 = arith.addf %add3A_479, %exp3A_477 : vector<16xf32>
      %div3A_481 = arith.constant 1.000000e+00 : f32
      %div3A_482 = vector.broadcast %div3A_481 : f32 to vector<16xf32>
      %div3A_483 = arith.divf %div3A_482, %add3A_480 : vector<16xf32>
      %swap3A_484 = arith.constant 32 : index
      %swap3A_485 = tpu.vector_load %arg20[%swap3A_484] {strides = array<i32>} : memref<80xf32, #tpu.memory_space<vmem>>, vector<16xf32>,
      tpu.vector_store %arg20[%swap3A_484], %div3A_483 {strides = array<i32>} : memref<80xf32, #tpu.memory_space<vmem>>, vector<16xf32>,
      %get3A_486 = arith.constant 48 : index
      %get3A_487 = tpu.vector_load %arg20[%get3A_486] {strides = array<i32>} : memref<80xf32, #tpu.memory_space<vmem>>, vector<16xf32>,
      %neg3A_488 = arith.constant 0.000000e+00 : f32
      %neg3A_489 = vector.broadcast %neg3A_488 : f32 to vector<16xf32>
      %neg3A_490 = arith.subf %neg3A_489, %get3A_487 : vector<16xf32>
      %exp3A_491 = math.exp %neg3A_490 : vector<16xf32>
      %add3A_492 = arith.constant 1.000000e+00 : f32
      %add3A_493 = vector.broadcast %add3A_492 : f32 to vector<16xf32>
      %add3A_494 = arith.addf %add3A_493, %exp3A_491 : vector<16xf32>
      %div3A_495 = arith.constant 1.000000e+00 : f32
      %div3A_496 = vector.broadcast %div3A_495 : f32 to vector<16xf32>
      %div3A_497 = arith.divf %div3A_496, %add3A_494 : vector<16xf32>
      %swap3A_498 = arith.constant 48 : index
      %swap3A_499 = tpu.vector_load %arg20[%swap3A_498] {strides = array<i32>} : memref<80xf32, #tpu.memory_space<vmem>>, vector<16xf32>,
      tpu.vector_store %arg20[%swap3A_498], %div3A_497 {strides = array<i32>} : memref<80xf32, #tpu.memory_space<vmem>>, vector<16xf32>,
      %get3A_500 = arith.constant 64 : index
      %get3A_501 = tpu.vector_load %arg20[%get3A_500] {strides = array<i32>} : memref<80xf32, #tpu.memory_space<vmem>>, vector<16xf32>,
      %neg3A_502 = arith.constant 0.000000e+00 : f32
      %neg3A_503 = vector.broadcast %neg3A_502 : f32 to vector<16xf32>
      %neg3A_504 = arith.subf %neg3A_503, %get3A_501 : vector<16xf32>
      %exp3A_505 = math.exp %neg3A_504 : vector<16xf32>
      %add3A_506 = arith.constant 1.000000e+00 : f32
      %add3A_507 = vector.broadcast %add3A_506 : f32 to vector<16xf32>
      %add3A_508 = arith.addf %add3A_507, %exp3A_505 : vector<16xf32>
      %div3A_509 = arith.constant 1.000000e+00 : f32
      %div3A_510 = vector.broadcast %div3A_509 : f32 to vector<16xf32>
      %div3A_511 = arith.divf %div3A_510, %add3A_508 : vector<16xf32>
      %swap3A_512 = arith.constant 64 : index
      %swap3A_513 = tpu.vector_load %arg20[%swap3A_512] {strides = array<i32>} : memref<80xf32, #tpu.memory_space<vmem>>, vector<16xf32>,
      tpu.vector_store %arg20[%swap3A_512], %div3A_511 {strides = array<i32>} : memref<80xf32, #tpu.memory_space<vmem>>, vector<16xf32>,
      %mul3A_514 = arith.constant 80 : i32
      %mul3A_515 = arith.muli %add3A_426, %mul3A_514 : i32
      %add3A_516 = arith.addi %mul3A_2, %mul3A_515 : i32
      "tpu.region"() ({
        %run_scoped3A = tpu.sem_alloc : memref<!tpu.dma_semaphore, #tpu.memory_space<semaphore_mem>>
        %dma_start3A_524 = tpu.memref_slice %arg6[%add3A_516] : memref<320000xf32, #tpu.memory_space<hbm>> -> memref<80xf32, #tpu.memory_space<hbm>>
        %dma_start3A_525 = tpu.memref_slice %arg6[%add3A_516] : memref<320000xf32, #tpu.memory_space<hbm>> -> memref<80xf32, #tpu.memory_space<hbm>>
        tpu.enqueue_dma source(%arg20 : memref<80xf32, #tpu.memory_space<vmem>>) target(%dma_start3A_525 : memref<80xf32, #tpu.memory_space<hbm>>) target_semaphore(%run_scoped3A : memref<!tpu.dma_semaphore, #tpu.memory_space<semaphore_mem>>)
        %dma_wait3A_526 = tpu.memref_slice %arg6[%add3A_516] : memref<320000xf32, #tpu.memory_space<hbm>> -> memref<80xf32, #tpu.memory_space<hbm>>
        %dma_wait3A_527 = tpu.memref_slice %arg6[%add3A_516] : memref<320000xf32, #tpu.memory_space<hbm>> -> memref<80xf32, #tpu.memory_space<hbm>>
        tpu.wait_dma2 semaphore(%run_scoped3A : memref<!tpu.dma_semaphore, #tpu.memory_space<semaphore_mem>>) src(%arg20 : memref<80xf32, #tpu.memory_space<vmem>>) dst(%dma_wait3A_527 : memref<80xf32, #tpu.memory_space<hbm>>)
        tpu.yield
      }) : () -> ()
      %add3A_517 = arith.constant 3 : i32
      %add3A_518 = arith.addi %add3A_426, %add3A_517 : i32
      %lt3A_519 = arith.constant 125 : i32
      %lt3A_520 = arith.cmpi slt, %add3A_518, %lt3A_519 : i32
      %convert_element_type3A_521 = arith.extui %lt3A_520 : i1 to i32
      %cond3A_522 = arith.constant 0 : i32
      %cond3A_523 = arith.cmpi ne, %convert_element_type3A_521, %cond3A_522 : i32
      scf.if %cond3A_523 {
        %mul3A_524 = arith.constant 80 : i32
        %mul3A_525 = arith.muli %add3A_518, %mul3A_524 : i32
        %dma_start3A_526 = tpu.memref_slice %arg7[%mul3A_525] : memref<10000xi32, #tpu.memory_space<vmem>> -> memref<80xi32, #tpu.memory_space<vmem>>
        %dma_start3A_527 = arith.constant 0 : i32
        %dma_start3A_528 = arith.constant 0 : i32
        %dma_start3A_529 = tpu.memref_slice %arg2[%dma_start3A_527, %dma_start3A_528] : memref<10000x64xf32, #tpu.memory_space<hbm>> -> memref<10000x64xf32, #tpu.memory_space<hbm>>
        tpu.enqueue_indirect_dma source(%dma_start3A_529 : memref<10000x64xf32, #tpu.memory_space<hbm>>) target(%arg11 : memref<80x64xf32, #tpu.memory_space<vmem>>) offsets(%dma_start3A_526 : memref<80xi32, #tpu.memory_space<vmem>>) semaphore(%arg23 : memref<!tpu.dma_semaphore, #tpu.memory_space<semaphore_mem>>)
        %dma_start3A_530 = tpu.memref_slice %arg8[%mul3A_525] : memref<10000xi32, #tpu.memory_space<vmem>> -> memref<80xi32, #tpu.memory_space<vmem>>
        %dma_start3A_531 = arith.constant 0 : i32
        %dma_start3A_532 = arith.constant 0 : i32
        %dma_start3A_533 = tpu.memref_slice %arg3[%dma_start3A_531, %dma_start3A_532] : memref<10000x64xf32, #tpu.memory_space<hbm>> -> memref<10000x64xf32, #tpu.memory_space<hbm>>
        tpu.enqueue_indirect_dma source(%dma_start3A_533 : memref<10000x64xf32, #tpu.memory_space<hbm>>) target(%arg16 : memref<80x64xf32, #tpu.memory_space<vmem>>) offsets(%dma_start3A_530 : memref<80xi32, #tpu.memory_space<vmem>>) semaphore(%arg28 : memref<!tpu.dma_semaphore, #tpu.memory_space<semaphore_mem>>)
      } else {
      }
    }
    %scan3A_35 = arith.constant 25 : i32
    return
  }
}

#map = affine_map<(d0, d1) -> (0, 0)>
#map1 = affine_map<(d0, d1) -> (0, 0, 0)>
module attributes {stable_mosaic.version = 14 : i64} {
  func.func @_sc_msg_body(%arg0: i32, %arg1: i32, %arg2: memref<10000x64xf32, #tpu.memory_space<hbm>>, %arg3: memref<32x10000xi32, #tpu.memory_space<hbm>>, %arg4: memref<32x125x80xi32, #tpu.memory_space<hbm>>, %arg5: memref<32x10000xf32, #tpu.memory_space<hbm>>, %arg6: memref<10112x64xf32, #tpu.memory_space<hbm>>, %arg7: memref<2x10112x64xf32, #tpu.memory_space<hbm>>, %arg8: memref<10000xi32, #tpu.memory_space<vmem>>, %arg9: memref<125x80xi32, #tpu.memory_space<vmem>>, %arg10: memref<10000xf32, #tpu.memory_space<vmem>>, %arg11: memref<80x64xf32, #tpu.memory_space<vmem>>, %arg12: memref<80x64xf32, #tpu.memory_space<vmem>>, %arg13: memref<80x64xf32, #tpu.memory_space<vmem>>, %arg14: memref<80x64xf32, #tpu.memory_space<vmem>>, %arg15: memref<80x64xf32, #tpu.memory_space<vmem>>, %arg16: memref<10112x64xf32, #tpu.memory_space<vmem_shared>>, %arg17: memref<!tpu.dma_semaphore, #tpu.memory_space<semaphore_mem>>, %arg18: memref<!tpu.dma_semaphore, #tpu.memory_space<semaphore_mem>>, %arg19: memref<!tpu.dma_semaphore, #tpu.memory_space<semaphore_mem>>, %arg20: memref<!tpu.dma_semaphore, #tpu.memory_space<semaphore_mem>>, %arg21: memref<!tpu.dma_semaphore, #tpu.memory_space<semaphore_mem>>, %arg22: memref<!tpu.dma_semaphore, #tpu.memory_space<semaphore_mem>>, %arg23: memref<!tpu.dma_semaphore, #tpu.memory_space<semaphore_mem>>, %arg24: memref<!tpu.dma_semaphore, #tpu.memory_space<semaphore_mem>>, %arg25: memref<!tpu.dma_semaphore, #tpu.memory_space<semaphore_mem>>, %arg26: memref<!tpu.dma_semaphore, #tpu.memory_space<semaphore_mem>>) attributes {dimension_semantics = [#tpu.dimension_semantics<core_parallel>, #tpu.dimension_semantics<subcore_parallel>], iteration_bounds = array<i64: 2, 16>, scalar_prefetch = 0 : i64, scratch_operands = 19 : i64, tpu.core_type = #tpu.core_type<sc_vector_subcore>, window_params = [{transform_indices = #map}, {transform_indices = #map}, {transform_indices = #map1}, {transform_indices = #map}, {transform_indices = #map}, {transform_indices = #map1}]} {
    %mul3A = arith.constant 2 : i32
    %mul3A_0 = arith.muli %arg1, %mul3A : i32
    %add3A = arith.addi %mul3A_0, %arg0 : i32
    %mul3A_1 = arith.constant 632 : i32
    %mul3A_2 = arith.muli %arg1, %mul3A_1 : i32
    %mul3A_3 = arith.constant 632 : i32
    %mul3A_4 = arith.muli %arg1, %mul3A_3 : i32
    "tpu.region"() ({
      %run_scoped3A = tpu.sem_alloc : memref<!tpu.dma_semaphore, #tpu.memory_space<semaphore_mem>>
      %dma_start3A_62 = arith.constant 0 : i32
      %dma_start3A_63 = tpu.memref_slice %arg16[%mul3A_4, %dma_start3A_62] : memref<10112x64xf32, #tpu.memory_space<vmem_shared>> -> memref<632x64xf32, #tpu.memory_space<vmem_shared>>
      %dma_start3A_64 = arith.constant 0 : i32
      %dma_start3A_65 = tpu.memref_slice %arg6[%mul3A_2, %dma_start3A_64] : memref<10112x64xf32, #tpu.memory_space<hbm>> -> memref<632x64xf32, #tpu.memory_space<hbm>>
      tpu.enqueue_dma source(%dma_start3A_65 : memref<632x64xf32, #tpu.memory_space<hbm>>) target(%dma_start3A_63 : memref<632x64xf32, #tpu.memory_space<vmem_shared>>) target_semaphore(%run_scoped3A : memref<!tpu.dma_semaphore, #tpu.memory_space<semaphore_mem>>)
      %dma_wait3A_66 = arith.constant 0 : i32
      %dma_wait3A_67 = tpu.memref_slice %arg16[%mul3A_4, %dma_wait3A_66] : memref<10112x64xf32, #tpu.memory_space<vmem_shared>> -> memref<632x64xf32, #tpu.memory_space<vmem_shared>>
      %dma_wait3A_68 = arith.constant 0 : i32
      %dma_wait3A_69 = tpu.memref_slice %arg6[%mul3A_2, %dma_wait3A_68] : memref<10112x64xf32, #tpu.memory_space<hbm>> -> memref<632x64xf32, #tpu.memory_space<hbm>>
      tpu.wait_dma2 semaphore(%run_scoped3A : memref<!tpu.dma_semaphore, #tpu.memory_space<semaphore_mem>>) src(%dma_wait3A_69 : memref<632x64xf32, #tpu.memory_space<hbm>>) dst(%dma_wait3A_67 : memref<632x64xf32, #tpu.memory_space<vmem_shared>>)
      tpu.yield
    }) : () -> ()
    "tpu.region"() ({
      %run_scoped3A = tpu.sem_alloc : memref<!tpu.dma_semaphore, #tpu.memory_space<semaphore_mem>>
      %dma_start3A_62 = arith.constant 0 : i32
      %dma_start3A_63 = tpu.memref_slice %arg3[%add3A, %dma_start3A_62] : memref<32x10000xi32, #tpu.memory_space<hbm>> -> memref<1x10000xi32, #tpu.memory_space<hbm>>
      %dma_start3A_64 = tpu.memref_squeeze %dma_start3A_63 : memref<1x10000xi32, #tpu.memory_space<hbm>> -> memref<10000xi32, #tpu.memory_space<hbm>>
      %dma_start3A_65 = arith.constant 0 : i32
      %dma_start3A_66 = tpu.memref_slice %arg3[%add3A, %dma_start3A_65] : memref<32x10000xi32, #tpu.memory_space<hbm>> -> memref<1x10000xi32, #tpu.memory_space<hbm>>
      %dma_start3A_67 = tpu.memref_squeeze %dma_start3A_66 : memref<1x10000xi32, #tpu.memory_space<hbm>> -> memref<10000xi32, #tpu.memory_space<hbm>>
      tpu.enqueue_dma source(%dma_start3A_67 : memref<10000xi32, #tpu.memory_space<hbm>>) target(%arg8 : memref<10000xi32, #tpu.memory_space<vmem>>) target_semaphore(%run_scoped3A : memref<!tpu.dma_semaphore, #tpu.memory_space<semaphore_mem>>)
      %dma_wait3A_68 = arith.constant 0 : i32
      %dma_wait3A_69 = tpu.memref_slice %arg3[%add3A, %dma_wait3A_68] : memref<32x10000xi32, #tpu.memory_space<hbm>> -> memref<1x10000xi32, #tpu.memory_space<hbm>>
      %dma_wait3A_70 = tpu.memref_squeeze %dma_wait3A_69 : memref<1x10000xi32, #tpu.memory_space<hbm>> -> memref<10000xi32, #tpu.memory_space<hbm>>
      %dma_wait3A_71 = arith.constant 0 : i32
      %dma_wait3A_72 = tpu.memref_slice %arg3[%add3A, %dma_wait3A_71] : memref<32x10000xi32, #tpu.memory_space<hbm>> -> memref<1x10000xi32, #tpu.memory_space<hbm>>
      %dma_wait3A_73 = tpu.memref_squeeze %dma_wait3A_72 : memref<1x10000xi32, #tpu.memory_space<hbm>> -> memref<10000xi32, #tpu.memory_space<hbm>>
      tpu.wait_dma2 semaphore(%run_scoped3A : memref<!tpu.dma_semaphore, #tpu.memory_space<semaphore_mem>>) src(%dma_wait3A_73 : memref<10000xi32, #tpu.memory_space<hbm>>) dst(%arg8 : memref<10000xi32, #tpu.memory_space<vmem>>)
      tpu.yield
    }) : () -> ()
    "tpu.region"() ({
      %run_scoped3A = tpu.sem_alloc : memref<!tpu.dma_semaphore, #tpu.memory_space<semaphore_mem>>
      %dma_start3A_62 = arith.constant 0 : i32
      %dma_start3A_63 = arith.constant 0 : i32
      %dma_start3A_64 = tpu.memref_slice %arg4[%add3A, %dma_start3A_62, %dma_start3A_63] : memref<32x125x80xi32, #tpu.memory_space<hbm>> -> memref<1x125x80xi32, #tpu.memory_space<hbm>>
      %dma_start3A_65 = tpu.memref_squeeze %dma_start3A_64 : memref<1x125x80xi32, #tpu.memory_space<hbm>> -> memref<125x80xi32, #tpu.memory_space<hbm>>
      %dma_start3A_66 = arith.constant 0 : i32
      %dma_start3A_67 = arith.constant 0 : i32
      %dma_start3A_68 = tpu.memref_slice %arg4[%add3A, %dma_start3A_66, %dma_start3A_67] : memref<32x125x80xi32, #tpu.memory_space<hbm>> -> memref<1x125x80xi32, #tpu.memory_space<hbm>>
      %dma_start3A_69 = tpu.memref_squeeze %dma_start3A_68 : memref<1x125x80xi32, #tpu.memory_space<hbm>> -> memref<125x80xi32, #tpu.memory_space<hbm>>
      tpu.enqueue_dma source(%dma_start3A_69 : memref<125x80xi32, #tpu.memory_space<hbm>>) target(%arg9 : memref<125x80xi32, #tpu.memory_space<vmem>>) target_semaphore(%run_scoped3A : memref<!tpu.dma_semaphore, #tpu.memory_space<semaphore_mem>>)
      %dma_wait3A_70 = arith.constant 0 : i32
      %dma_wait3A_71 = arith.constant 0 : i32
      %dma_wait3A_72 = tpu.memref_slice %arg4[%add3A, %dma_wait3A_70, %dma_wait3A_71] : memref<32x125x80xi32, #tpu.memory_space<hbm>> -> memref<1x125x80xi32, #tpu.memory_space<hbm>>
      %dma_wait3A_73 = tpu.memref_squeeze %dma_wait3A_72 : memref<1x125x80xi32, #tpu.memory_space<hbm>> -> memref<125x80xi32, #tpu.memory_space<hbm>>
      %dma_wait3A_74 = arith.constant 0 : i32
      %dma_wait3A_75 = arith.constant 0 : i32
      %dma_wait3A_76 = tpu.memref_slice %arg4[%add3A, %dma_wait3A_74, %dma_wait3A_75] : memref<32x125x80xi32, #tpu.memory_space<hbm>> -> memref<1x125x80xi32, #tpu.memory_space<hbm>>
      %dma_wait3A_77 = tpu.memref_squeeze %dma_wait3A_76 : memref<1x125x80xi32, #tpu.memory_space<hbm>> -> memref<125x80xi32, #tpu.memory_space<hbm>>
      tpu.wait_dma2 semaphore(%run_scoped3A : memref<!tpu.dma_semaphore, #tpu.memory_space<semaphore_mem>>) src(%dma_wait3A_77 : memref<125x80xi32, #tpu.memory_space<hbm>>) dst(%arg9 : memref<125x80xi32, #tpu.memory_space<vmem>>)
      tpu.yield
    }) : () -> ()
    "tpu.region"() ({
      %run_scoped3A = tpu.sem_alloc : memref<!tpu.dma_semaphore, #tpu.memory_space<semaphore_mem>>
      %dma_start3A_62 = arith.constant 0 : i32
      %dma_start3A_63 = tpu.memref_slice %arg5[%add3A, %dma_start3A_62] : memref<32x10000xf32, #tpu.memory_space<hbm>> -> memref<1x10000xf32, #tpu.memory_space<hbm>>
      %dma_start3A_64 = tpu.memref_squeeze %dma_start3A_63 : memref<1x10000xf32, #tpu.memory_space<hbm>> -> memref<10000xf32, #tpu.memory_space<hbm>>
      %dma_start3A_65 = arith.constant 0 : i32
      %dma_start3A_66 = tpu.memref_slice %arg5[%add3A, %dma_start3A_65] : memref<32x10000xf32, #tpu.memory_space<hbm>> -> memref<1x10000xf32, #tpu.memory_space<hbm>>
      %dma_start3A_67 = tpu.memref_squeeze %dma_start3A_66 : memref<1x10000xf32, #tpu.memory_space<hbm>> -> memref<10000xf32, #tpu.memory_space<hbm>>
      tpu.enqueue_dma source(%dma_start3A_67 : memref<10000xf32, #tpu.memory_space<hbm>>) target(%arg10 : memref<10000xf32, #tpu.memory_space<vmem>>) target_semaphore(%run_scoped3A : memref<!tpu.dma_semaphore, #tpu.memory_space<semaphore_mem>>)
      %dma_wait3A_68 = arith.constant 0 : i32
      %dma_wait3A_69 = tpu.memref_slice %arg5[%add3A, %dma_wait3A_68] : memref<32x10000xf32, #tpu.memory_space<hbm>> -> memref<1x10000xf32, #tpu.memory_space<hbm>>
      %dma_wait3A_70 = tpu.memref_squeeze %dma_wait3A_69 : memref<1x10000xf32, #tpu.memory_space<hbm>> -> memref<10000xf32, #tpu.memory_space<hbm>>
      %dma_wait3A_71 = arith.constant 0 : i32
      %dma_wait3A_72 = tpu.memref_slice %arg5[%add3A, %dma_wait3A_71] : memref<32x10000xf32, #tpu.memory_space<hbm>> -> memref<1x10000xf32, #tpu.memory_space<hbm>>
      %dma_wait3A_73 = tpu.memref_squeeze %dma_wait3A_72 : memref<1x10000xf32, #tpu.memory_space<hbm>> -> memref<10000xf32, #tpu.memory_space<hbm>>
      tpu.wait_dma2 semaphore(%run_scoped3A : memref<!tpu.dma_semaphore, #tpu.memory_space<semaphore_mem>>) src(%dma_wait3A_73 : memref<10000xf32, #tpu.memory_space<hbm>>) dst(%arg10 : memref<10000xf32, #tpu.memory_space<vmem>>)
      tpu.yield
    }) : () -> ()
    %barrier3A = arith.constant 0 : index
    tpu.barrier barrier_id(%barrier3A)
    %dma_start3A = arith.constant 0 : i32
    %dma_start3A_5 = tpu.memref_slice %arg8[%dma_start3A] : memref<10000xi32, #tpu.memory_space<vmem>> -> memref<80xi32, #tpu.memory_space<vmem>>
    %dma_start3A_6 = arith.constant 0 : i32
    %dma_start3A_7 = arith.constant 0 : i32
    %dma_start3A_8 = tpu.memref_slice %arg2[%dma_start3A_6, %dma_start3A_7] : memref<10000x64xf32, #tpu.memory_space<hbm>> -> memref<10000x64xf32, #tpu.memory_space<hbm>>
    tpu.enqueue_indirect_dma source(%dma_start3A_8 : memref<10000x64xf32, #tpu.memory_space<hbm>>) target(%arg11 : memref<80x64xf32, #tpu.memory_space<vmem>>) offsets(%dma_start3A_5 : memref<80xi32, #tpu.memory_space<vmem>>) semaphore(%arg17 : memref<!tpu.dma_semaphore, #tpu.memory_space<semaphore_mem>>)
    %dma_start3A_9 = arith.constant 80 : i32
    %dma_start3A_10 = tpu.memref_slice %arg8[%dma_start3A_9] : memref<10000xi32, #tpu.memory_space<vmem>> -> memref<80xi32, #tpu.memory_space<vmem>>
    %dma_start3A_11 = arith.constant 0 : i32
    %dma_start3A_12 = arith.constant 0 : i32
    %dma_start3A_13 = tpu.memref_slice %arg2[%dma_start3A_11, %dma_start3A_12] : memref<10000x64xf32, #tpu.memory_space<hbm>> -> memref<10000x64xf32, #tpu.memory_space<hbm>>
    tpu.enqueue_indirect_dma source(%dma_start3A_13 : memref<10000x64xf32, #tpu.memory_space<hbm>>) target(%arg12 : memref<80x64xf32, #tpu.memory_space<vmem>>) offsets(%dma_start3A_10 : memref<80xi32, #tpu.memory_space<vmem>>) semaphore(%arg18 : memref<!tpu.dma_semaphore, #tpu.memory_space<semaphore_mem>>)
    %dma_start3A_14 = arith.constant 160 : i32
    %dma_start3A_15 = tpu.memref_slice %arg8[%dma_start3A_14] : memref<10000xi32, #tpu.memory_space<vmem>> -> memref<80xi32, #tpu.memory_space<vmem>>
    %dma_start3A_16 = arith.constant 0 : i32
    %dma_start3A_17 = arith.constant 0 : i32
    %dma_start3A_18 = tpu.memref_slice %arg2[%dma_start3A_16, %dma_start3A_17] : memref<10000x64xf32, #tpu.memory_space<hbm>> -> memref<10000x64xf32, #tpu.memory_space<hbm>>
    tpu.enqueue_indirect_dma source(%dma_start3A_18 : memref<10000x64xf32, #tpu.memory_space<hbm>>) target(%arg13 : memref<80x64xf32, #tpu.memory_space<vmem>>) offsets(%dma_start3A_15 : memref<80xi32, #tpu.memory_space<vmem>>) semaphore(%arg19 : memref<!tpu.dma_semaphore, #tpu.memory_space<semaphore_mem>>)
    %scan3A = arith.constant 0 : i32
    %scan3A_19 = arith.constant 25 : i32
    %scan3A_20 = arith.addi %scan3A, %scan3A_19 : i32
    %scan3A_21 = arith.constant 1 : i32
    scf.for %scan3A_62 = %scan3A to %scan3A_20 step %scan3A_21  : i32 {
      %mul3A_63 = arith.constant 5 : i32
      %mul3A_64 = arith.muli %scan3A_62, %mul3A_63 : i32
      %add3A_65 = arith.constant 0 : i32
      %add3A_66 = arith.addi %add3A_65, %mul3A_64 : i32
      %add3A_67 = arith.constant 0 : i32
      %add3A_68 = arith.addi %add3A_66, %add3A_67 : i32
      %mul3A_69 = arith.constant 80 : i32
      %mul3A_70 = arith.muli %add3A_68, %mul3A_69 : i32
      %dma_wait3A_71 = tpu.memref_slice %arg8[%mul3A_70] : memref<10000xi32, #tpu.memory_space<vmem>> -> memref<80xi32, #tpu.memory_space<vmem>>
      %dma_wait3A_72 = arith.constant 0 : i32
      %dma_wait3A_73 = arith.constant 0 : i32
      %dma_wait3A_74 = tpu.memref_slice %arg2[%dma_wait3A_72, %dma_wait3A_73] : memref<10000x64xf32, #tpu.memory_space<hbm>> -> memref<10000x64xf32, #tpu.memory_space<hbm>>
      tpu.wait_indirect_dma semaphore(%arg17 : memref<!tpu.dma_semaphore, #tpu.memory_space<semaphore_mem>>) src(%dma_wait3A_74 : memref<10000x64xf32, #tpu.memory_space<hbm>>) dst(%arg11 : memref<80x64xf32, #tpu.memory_space<vmem>>)
      %parallel_loop3A = arith.constant 0 : i32
      %parallel_loop3A_75 = arith.constant 80 : i32
      %parallel_loop3A_76 = arith.constant 1 : i32
      scf.for %parallel_loop3A_221 = %parallel_loop3A to %parallel_loop3A_75 step %parallel_loop3A_76  : i32 {
        %parallel_loop3A_222 = arith.constant 80 : i32
        %parallel_loop3A_223 = arith.muli %add3A_68, %parallel_loop3A_222 : i32
        %parallel_loop3A_224 = arith.addi %parallel_loop3A_223, %parallel_loop3A_221 : i32
        %parallel_loop3A_225 = vector.broadcast %parallel_loop3A_224 : i32 to vector<16xi32>
        %parallel_loop3A_226 = tpu.vector_load_idx %arg10[%parallel_loop3A_225] : memref<10000xf32, #tpu.memory_space<vmem>>[vector<16xi32>], vector<16xf32>,
        %parallel_loop3A_227 = arith.index_cast %parallel_loop3A_221 : i32 to index
        %parallel_loop3A_228 = arith.constant 0 : index
        %parallel_loop3A_229 = tpu.vector_load %arg11[%parallel_loop3A_227, %parallel_loop3A_228] {strides = array<i32>} : memref<80x64xf32, #tpu.memory_space<vmem>>, vector<16xf32>,
        %parallel_loop3A_230 = arith.mulf %parallel_loop3A_229, %parallel_loop3A_226 : vector<16xf32>
        %parallel_loop3A_231 = arith.index_cast %parallel_loop3A_221 : i32 to index
        %parallel_loop3A_232 = arith.constant 0 : index
        %parallel_loop3A_233 = tpu.vector_load %arg11[%parallel_loop3A_231, %parallel_loop3A_232] {strides = array<i32>} : memref<80x64xf32, #tpu.memory_space<vmem>>, vector<16xf32>,
        tpu.vector_store %arg11[%parallel_loop3A_231, %parallel_loop3A_232], %parallel_loop3A_230 {strides = array<i32>} : memref<80x64xf32, #tpu.memory_space<vmem>>, vector<16xf32>,
        %parallel_loop3A_234 = arith.index_cast %parallel_loop3A_221 : i32 to index
        %parallel_loop3A_235 = arith.constant 16 : index
        %parallel_loop3A_236 = tpu.vector_load %arg11[%parallel_loop3A_234, %parallel_loop3A_235] {strides = array<i32>} : memref<80x64xf32, #tpu.memory_space<vmem>>, vector<16xf32>,
        %parallel_loop3A_237 = arith.mulf %parallel_loop3A_236, %parallel_loop3A_226 : vector<16xf32>
        %parallel_loop3A_238 = arith.index_cast %parallel_loop3A_221 : i32 to index
        %parallel_loop3A_239 = arith.constant 16 : index
        %parallel_loop3A_240 = tpu.vector_load %arg11[%parallel_loop3A_238, %parallel_loop3A_239] {strides = array<i32>} : memref<80x64xf32, #tpu.memory_space<vmem>>, vector<16xf32>,
        tpu.vector_store %arg11[%parallel_loop3A_238, %parallel_loop3A_239], %parallel_loop3A_237 {strides = array<i32>} : memref<80x64xf32, #tpu.memory_space<vmem>>, vector<16xf32>,
        %parallel_loop3A_241 = arith.index_cast %parallel_loop3A_221 : i32 to index
        %parallel_loop3A_242 = arith.constant 32 : index
        %parallel_loop3A_243 = tpu.vector_load %arg11[%parallel_loop3A_241, %parallel_loop3A_242] {strides = array<i32>} : memref<80x64xf32, #tpu.memory_space<vmem>>, vector<16xf32>,
        %parallel_loop3A_244 = arith.mulf %parallel_loop3A_243, %parallel_loop3A_226 : vector<16xf32>
        %parallel_loop3A_245 = arith.index_cast %parallel_loop3A_221 : i32 to index
        %parallel_loop3A_246 = arith.constant 32 : index
        %parallel_loop3A_247 = tpu.vector_load %arg11[%parallel_loop3A_245, %parallel_loop3A_246] {strides = array<i32>} : memref<80x64xf32, #tpu.memory_space<vmem>>, vector<16xf32>,
        tpu.vector_store %arg11[%parallel_loop3A_245, %parallel_loop3A_246], %parallel_loop3A_244 {strides = array<i32>} : memref<80x64xf32, #tpu.memory_space<vmem>>, vector<16xf32>,
        %parallel_loop3A_248 = arith.index_cast %parallel_loop3A_221 : i32 to index
        %parallel_loop3A_249 = arith.constant 48 : index
        %parallel_loop3A_250 = tpu.vector_load %arg11[%parallel_loop3A_248, %parallel_loop3A_249] {strides = array<i32>} : memref<80x64xf32, #tpu.memory_space<vmem>>, vector<16xf32>,
        %parallel_loop3A_251 = arith.mulf %parallel_loop3A_250, %parallel_loop3A_226 : vector<16xf32>
        %parallel_loop3A_252 = arith.index_cast %parallel_loop3A_221 : i32 to index
        %parallel_loop3A_253 = arith.constant 48 : index
        %parallel_loop3A_254 = tpu.vector_load %arg11[%parallel_loop3A_252, %parallel_loop3A_253] {strides = array<i32>} : memref<80x64xf32, #tpu.memory_space<vmem>>, vector<16xf32>,
        tpu.vector_store %arg11[%parallel_loop3A_252, %parallel_loop3A_253], %parallel_loop3A_251 {strides = array<i32>} : memref<80x64xf32, #tpu.memory_space<vmem>>, vector<16xf32>,
      } {sc.loop_unroll_factor = 4 : i64, sc.parallel_access}
      %dma_start3A_77 = arith.constant 0 : i32
      %dma_start3A_78 = tpu.memref_slice %arg9[%add3A_68, %dma_start3A_77] : memref<125x80xi32, #tpu.memory_space<vmem>> -> memref<1x80xi32, #tpu.memory_space<vmem>>
      %dma_start3A_79 = tpu.memref_squeeze %dma_start3A_78 : memref<1x80xi32, #tpu.memory_space<vmem>> -> memref<80xi32, #tpu.memory_space<vmem>>
      %dma_start3A_80 = arith.constant 0 : i32
      %dma_start3A_81 = arith.constant 0 : i32
      %dma_start3A_82 = tpu.memref_slice %arg16[%dma_start3A_80, %dma_start3A_81] : memref<10112x64xf32, #tpu.memory_space<vmem_shared>> -> memref<10112x64xf32, #tpu.memory_space<vmem_shared>>
      tpu.enqueue_indirect_dma source(%arg11 : memref<80x64xf32, #tpu.memory_space<vmem>>) target(%dma_start3A_82 : memref<10112x64xf32, #tpu.memory_space<vmem_shared>>) offsets(%dma_start3A_79 : memref<80xi32, #tpu.memory_space<vmem>>) semaphore(%arg22 : memref<!tpu.dma_semaphore, #tpu.memory_space<semaphore_mem>>) {add = true}
      %add3A_83 = arith.constant 3 : i32
      %add3A_84 = arith.addi %add3A_68, %add3A_83 : i32
      %ge3A = arith.constant 5 : i32
      %ge3A_85 = arith.cmpi sge, %add3A_84, %ge3A : i32
      %lt3A = arith.constant 125 : i32
      %lt3A_86 = arith.cmpi slt, %add3A_84, %lt3A : i32
      %and3A = arith.andi %ge3A_85, %lt3A_86 : i1
      %convert_element_type3A = arith.extui %and3A : i1 to i32
      %cond3A = arith.constant 0 : i32
      %cond3A_87 = arith.cmpi ne, %convert_element_type3A, %cond3A : i32
      scf.if %cond3A_87 {
        %dma_wait3A_221 = arith.constant 0 : i32
        %dma_wait3A_222 = tpu.memref_slice %arg9[%add3A_84, %dma_wait3A_221] : memref<125x80xi32, #tpu.memory_space<vmem>> -> memref<1x80xi32, #tpu.memory_space<vmem>>
        %dma_wait3A_223 = tpu.memref_squeeze %dma_wait3A_222 : memref<1x80xi32, #tpu.memory_space<vmem>> -> memref<80xi32, #tpu.memory_space<vmem>>
        %dma_wait3A_224 = arith.constant 0 : i32
        %dma_wait3A_225 = arith.constant 0 : i32
        %dma_wait3A_226 = tpu.memref_slice %arg16[%dma_wait3A_224, %dma_wait3A_225] : memref<10112x64xf32, #tpu.memory_space<vmem_shared>> -> memref<10112x64xf32, #tpu.memory_space<vmem_shared>>
        tpu.wait_indirect_dma semaphore(%arg25 : memref<!tpu.dma_semaphore, #tpu.memory_space<semaphore_mem>>) src(%arg14 : memref<80x64xf32, #tpu.memory_space<vmem>>) dst(%dma_wait3A_226 : memref<10112x64xf32, #tpu.memory_space<vmem_shared>>)
      } else {
      }
      %lt3A_88 = arith.constant 125 : i32
      %lt3A_89 = arith.cmpi slt, %add3A_84, %lt3A_88 : i32
      %convert_element_type3A_90 = arith.extui %lt3A_89 : i1 to i32
      %cond3A_91 = arith.constant 0 : i32
      %cond3A_92 = arith.cmpi ne, %convert_element_type3A_90, %cond3A_91 : i32
      scf.if %cond3A_92 {
        %mul3A_221 = arith.constant 80 : i32
        %mul3A_222 = arith.muli %add3A_84, %mul3A_221 : i32
        %dma_start3A_223 = tpu.memref_slice %arg8[%mul3A_222] : memref<10000xi32, #tpu.memory_space<vmem>> -> memref<80xi32, #tpu.memory_space<vmem>>
        %dma_start3A_224 = arith.constant 0 : i32
        %dma_start3A_225 = arith.constant 0 : i32
        %dma_start3A_226 = tpu.memref_slice %arg2[%dma_start3A_224, %dma_start3A_225] : memref<10000x64xf32, #tpu.memory_space<hbm>> -> memref<10000x64xf32, #tpu.memory_space<hbm>>
        tpu.enqueue_indirect_dma source(%dma_start3A_226 : memref<10000x64xf32, #tpu.memory_space<hbm>>) target(%arg14 : memref<80x64xf32, #tpu.memory_space<vmem>>) offsets(%dma_start3A_223 : memref<80xi32, #tpu.memory_space<vmem>>) semaphore(%arg20 : memref<!tpu.dma_semaphore, #tpu.memory_space<semaphore_mem>>)
      } else {
      }
      %add3A_93 = arith.constant 1 : i32
      %add3A_94 = arith.addi %add3A_66, %add3A_93 : i32
      %mul3A_95 = arith.constant 80 : i32
      %mul3A_96 = arith.muli %add3A_94, %mul3A_95 : i32
      %dma_wait3A_97 = tpu.memref_slice %arg8[%mul3A_96] : memref<10000xi32, #tpu.memory_space<vmem>> -> memref<80xi32, #tpu.memory_space<vmem>>
      %dma_wait3A_98 = arith.constant 0 : i32
      %dma_wait3A_99 = arith.constant 0 : i32
      %dma_wait3A_100 = tpu.memref_slice %arg2[%dma_wait3A_98, %dma_wait3A_99] : memref<10000x64xf32, #tpu.memory_space<hbm>> -> memref<10000x64xf32, #tpu.memory_space<hbm>>
      tpu.wait_indirect_dma semaphore(%arg18 : memref<!tpu.dma_semaphore, #tpu.memory_space<semaphore_mem>>) src(%dma_wait3A_100 : memref<10000x64xf32, #tpu.memory_space<hbm>>) dst(%arg12 : memref<80x64xf32, #tpu.memory_space<vmem>>)
      %parallel_loop3A_101 = arith.constant 0 : i32
      %parallel_loop3A_102 = arith.constant 80 : i32
      %parallel_loop3A_103 = arith.constant 1 : i32
      scf.for %parallel_loop3A_221 = %parallel_loop3A_101 to %parallel_loop3A_102 step %parallel_loop3A_103  : i32 {
        %parallel_loop3A_222 = arith.constant 80 : i32
        %parallel_loop3A_223 = arith.muli %add3A_94, %parallel_loop3A_222 : i32
        %parallel_loop3A_224 = arith.addi %parallel_loop3A_223, %parallel_loop3A_221 : i32
        %parallel_loop3A_225 = vector.broadcast %parallel_loop3A_224 : i32 to vector<16xi32>
        %parallel_loop3A_226 = tpu.vector_load_idx %arg10[%parallel_loop3A_225] : memref<10000xf32, #tpu.memory_space<vmem>>[vector<16xi32>], vector<16xf32>,
        %parallel_loop3A_227 = arith.index_cast %parallel_loop3A_221 : i32 to index
        %parallel_loop3A_228 = arith.constant 0 : index
        %parallel_loop3A_229 = tpu.vector_load %arg12[%parallel_loop3A_227, %parallel_loop3A_228] {strides = array<i32>} : memref<80x64xf32, #tpu.memory_space<vmem>>, vector<16xf32>,
        %parallel_loop3A_230 = arith.mulf %parallel_loop3A_229, %parallel_loop3A_226 : vector<16xf32>
        %parallel_loop3A_231 = arith.index_cast %parallel_loop3A_221 : i32 to index
        %parallel_loop3A_232 = arith.constant 0 : index
        %parallel_loop3A_233 = tpu.vector_load %arg12[%parallel_loop3A_231, %parallel_loop3A_232] {strides = array<i32>} : memref<80x64xf32, #tpu.memory_space<vmem>>, vector<16xf32>,
        tpu.vector_store %arg12[%parallel_loop3A_231, %parallel_loop3A_232], %parallel_loop3A_230 {strides = array<i32>} : memref<80x64xf32, #tpu.memory_space<vmem>>, vector<16xf32>,
        %parallel_loop3A_234 = arith.index_cast %parallel_loop3A_221 : i32 to index
        %parallel_loop3A_235 = arith.constant 16 : index
        %parallel_loop3A_236 = tpu.vector_load %arg12[%parallel_loop3A_234, %parallel_loop3A_235] {strides = array<i32>} : memref<80x64xf32, #tpu.memory_space<vmem>>, vector<16xf32>,
        %parallel_loop3A_237 = arith.mulf %parallel_loop3A_236, %parallel_loop3A_226 : vector<16xf32>
        %parallel_loop3A_238 = arith.index_cast %parallel_loop3A_221 : i32 to index
        %parallel_loop3A_239 = arith.constant 16 : index
        %parallel_loop3A_240 = tpu.vector_load %arg12[%parallel_loop3A_238, %parallel_loop3A_239] {strides = array<i32>} : memref<80x64xf32, #tpu.memory_space<vmem>>, vector<16xf32>,
        tpu.vector_store %arg12[%parallel_loop3A_238, %parallel_loop3A_239], %parallel_loop3A_237 {strides = array<i32>} : memref<80x64xf32, #tpu.memory_space<vmem>>, vector<16xf32>,
        %parallel_loop3A_241 = arith.index_cast %parallel_loop3A_221 : i32 to index
        %parallel_loop3A_242 = arith.constant 32 : index
        %parallel_loop3A_243 = tpu.vector_load %arg12[%parallel_loop3A_241, %parallel_loop3A_242] {strides = array<i32>} : memref<80x64xf32, #tpu.memory_space<vmem>>, vector<16xf32>,
        %parallel_loop3A_244 = arith.mulf %parallel_loop3A_243, %parallel_loop3A_226 : vector<16xf32>
        %parallel_loop3A_245 = arith.index_cast %parallel_loop3A_221 : i32 to index
        %parallel_loop3A_246 = arith.constant 32 : index
        %parallel_loop3A_247 = tpu.vector_load %arg12[%parallel_loop3A_245, %parallel_loop3A_246] {strides = array<i32>} : memref<80x64xf32, #tpu.memory_space<vmem>>, vector<16xf32>,
        tpu.vector_store %arg12[%parallel_loop3A_245, %parallel_loop3A_246], %parallel_loop3A_244 {strides = array<i32>} : memref<80x64xf32, #tpu.memory_space<vmem>>, vector<16xf32>,
        %parallel_loop3A_248 = arith.index_cast %parallel_loop3A_221 : i32 to index
        %parallel_loop3A_249 = arith.constant 48 : index
        %parallel_loop3A_250 = tpu.vector_load %arg12[%parallel_loop3A_248, %parallel_loop3A_249] {strides = array<i32>} : memref<80x64xf32, #tpu.memory_space<vmem>>, vector<16xf32>,
        %parallel_loop3A_251 = arith.mulf %parallel_loop3A_250, %parallel_loop3A_226 : vector<16xf32>
        %parallel_loop3A_252 = arith.index_cast %parallel_loop3A_221 : i32 to index
        %parallel_loop3A_253 = arith.constant 48 : index
        %parallel_loop3A_254 = tpu.vector_load %arg12[%parallel_loop3A_252, %parallel_loop3A_253] {strides = array<i32>} : memref<80x64xf32, #tpu.memory_space<vmem>>, vector<16xf32>,
        tpu.vector_store %arg12[%parallel_loop3A_252, %parallel_loop3A_253], %parallel_loop3A_251 {strides = array<i32>} : memref<80x64xf32, #tpu.memory_space<vmem>>, vector<16xf32>,
      } {sc.loop_unroll_factor = 4 : i64, sc.parallel_access}
      %dma_start3A_104 = arith.constant 0 : i32
      %dma_start3A_105 = tpu.memref_slice %arg9[%add3A_94, %dma_start3A_104] : memref<125x80xi32, #tpu.memory_space<vmem>> -> memref<1x80xi32, #tpu.memory_space<vmem>>
      %dma_start3A_106 = tpu.memref_squeeze %dma_start3A_105 : memref<1x80xi32, #tpu.memory_space<vmem>> -> memref<80xi32, #tpu.memory_space<vmem>>
      %dma_start3A_107 = arith.constant 0 : i32
      %dma_start3A_108 = arith.constant 0 : i32
      %dma_start3A_109 = tpu.memref_slice %arg16[%dma_start3A_107, %dma_start3A_108] : memref<10112x64xf32, #tpu.memory_space<vmem_shared>> -> memref<10112x64xf32, #tpu.memory_space<vmem_shared>>
      tpu.enqueue_indirect_dma source(%arg12 : memref<80x64xf32, #tpu.memory_space<vmem>>) target(%dma_start3A_109 : memref<10112x64xf32, #tpu.memory_space<vmem_shared>>) offsets(%dma_start3A_106 : memref<80xi32, #tpu.memory_space<vmem>>) semaphore(%arg23 : memref<!tpu.dma_semaphore, #tpu.memory_space<semaphore_mem>>) {add = true}
      %add3A_110 = arith.constant 3 : i32
      %add3A_111 = arith.addi %add3A_94, %add3A_110 : i32
      %ge3A_112 = arith.constant 5 : i32
      %ge3A_113 = arith.cmpi sge, %add3A_111, %ge3A_112 : i32
      %lt3A_114 = arith.constant 125 : i32
      %lt3A_115 = arith.cmpi slt, %add3A_111, %lt3A_114 : i32
      %and3A_116 = arith.andi %ge3A_113, %lt3A_115 : i1
      %convert_element_type3A_117 = arith.extui %and3A_116 : i1 to i32
      %cond3A_118 = arith.constant 0 : i32
      %cond3A_119 = arith.cmpi ne, %convert_element_type3A_117, %cond3A_118 : i32
      scf.if %cond3A_119 {
        %dma_wait3A_221 = arith.constant 0 : i32
        %dma_wait3A_222 = tpu.memref_slice %arg9[%add3A_111, %dma_wait3A_221] : memref<125x80xi32, #tpu.memory_space<vmem>> -> memref<1x80xi32, #tpu.memory_space<vmem>>
        %dma_wait3A_223 = tpu.memref_squeeze %dma_wait3A_222 : memref<1x80xi32, #tpu.memory_space<vmem>> -> memref<80xi32, #tpu.memory_space<vmem>>
        %dma_wait3A_224 = arith.constant 0 : i32
        %dma_wait3A_225 = arith.constant 0 : i32
        %dma_wait3A_226 = tpu.memref_slice %arg16[%dma_wait3A_224, %dma_wait3A_225] : memref<10112x64xf32, #tpu.memory_space<vmem_shared>> -> memref<10112x64xf32, #tpu.memory_space<vmem_shared>>
        tpu.wait_indirect_dma semaphore(%arg26 : memref<!tpu.dma_semaphore, #tpu.memory_space<semaphore_mem>>) src(%arg15 : memref<80x64xf32, #tpu.memory_space<vmem>>) dst(%dma_wait3A_226 : memref<10112x64xf32, #tpu.memory_space<vmem_shared>>)
      } else {
      }
      %lt3A_120 = arith.constant 125 : i32
      %lt3A_121 = arith.cmpi slt, %add3A_111, %lt3A_120 : i32
      %convert_element_type3A_122 = arith.extui %lt3A_121 : i1 to i32
      %cond3A_123 = arith.constant 0 : i32
      %cond3A_124 = arith.cmpi ne, %convert_element_type3A_122, %cond3A_123 : i32
      scf.if %cond3A_124 {
        %mul3A_221 = arith.constant 80 : i32
        %mul3A_222 = arith.muli %add3A_111, %mul3A_221 : i32
        %dma_start3A_223 = tpu.memref_slice %arg8[%mul3A_222] : memref<10000xi32, #tpu.memory_space<vmem>> -> memref<80xi32, #tpu.memory_space<vmem>>
        %dma_start3A_224 = arith.constant 0 : i32
        %dma_start3A_225 = arith.constant 0 : i32
        %dma_start3A_226 = tpu.memref_slice %arg2[%dma_start3A_224, %dma_start3A_225] : memref<10000x64xf32, #tpu.memory_space<hbm>> -> memref<10000x64xf32, #tpu.memory_space<hbm>>
        tpu.enqueue_indirect_dma source(%dma_start3A_226 : memref<10000x64xf32, #tpu.memory_space<hbm>>) target(%arg15 : memref<80x64xf32, #tpu.memory_space<vmem>>) offsets(%dma_start3A_223 : memref<80xi32, #tpu.memory_space<vmem>>) semaphore(%arg21 : memref<!tpu.dma_semaphore, #tpu.memory_space<semaphore_mem>>)
      } else {
      }
      %add3A_125 = arith.constant 2 : i32
      %add3A_126 = arith.addi %add3A_66, %add3A_125 : i32
      %mul3A_127 = arith.constant 80 : i32
      %mul3A_128 = arith.muli %add3A_126, %mul3A_127 : i32
      %dma_wait3A_129 = tpu.memref_slice %arg8[%mul3A_128] : memref<10000xi32, #tpu.memory_space<vmem>> -> memref<80xi32, #tpu.memory_space<vmem>>
      %dma_wait3A_130 = arith.constant 0 : i32
      %dma_wait3A_131 = arith.constant 0 : i32
      %dma_wait3A_132 = tpu.memref_slice %arg2[%dma_wait3A_130, %dma_wait3A_131] : memref<10000x64xf32, #tpu.memory_space<hbm>> -> memref<10000x64xf32, #tpu.memory_space<hbm>>
      tpu.wait_indirect_dma semaphore(%arg19 : memref<!tpu.dma_semaphore, #tpu.memory_space<semaphore_mem>>) src(%dma_wait3A_132 : memref<10000x64xf32, #tpu.memory_space<hbm>>) dst(%arg13 : memref<80x64xf32, #tpu.memory_space<vmem>>)
      %parallel_loop3A_133 = arith.constant 0 : i32
      %parallel_loop3A_134 = arith.constant 80 : i32
      %parallel_loop3A_135 = arith.constant 1 : i32
      scf.for %parallel_loop3A_221 = %parallel_loop3A_133 to %parallel_loop3A_134 step %parallel_loop3A_135  : i32 {
        %parallel_loop3A_222 = arith.constant 80 : i32
        %parallel_loop3A_223 = arith.muli %add3A_126, %parallel_loop3A_222 : i32
        %parallel_loop3A_224 = arith.addi %parallel_loop3A_223, %parallel_loop3A_221 : i32
        %parallel_loop3A_225 = vector.broadcast %parallel_loop3A_224 : i32 to vector<16xi32>
        %parallel_loop3A_226 = tpu.vector_load_idx %arg10[%parallel_loop3A_225] : memref<10000xf32, #tpu.memory_space<vmem>>[vector<16xi32>], vector<16xf32>,
        %parallel_loop3A_227 = arith.index_cast %parallel_loop3A_221 : i32 to index
        %parallel_loop3A_228 = arith.constant 0 : index
        %parallel_loop3A_229 = tpu.vector_load %arg13[%parallel_loop3A_227, %parallel_loop3A_228] {strides = array<i32>} : memref<80x64xf32, #tpu.memory_space<vmem>>, vector<16xf32>,
        %parallel_loop3A_230 = arith.mulf %parallel_loop3A_229, %parallel_loop3A_226 : vector<16xf32>
        %parallel_loop3A_231 = arith.index_cast %parallel_loop3A_221 : i32 to index
        %parallel_loop3A_232 = arith.constant 0 : index
        %parallel_loop3A_233 = tpu.vector_load %arg13[%parallel_loop3A_231, %parallel_loop3A_232] {strides = array<i32>} : memref<80x64xf32, #tpu.memory_space<vmem>>, vector<16xf32>,
        tpu.vector_store %arg13[%parallel_loop3A_231, %parallel_loop3A_232], %parallel_loop3A_230 {strides = array<i32>} : memref<80x64xf32, #tpu.memory_space<vmem>>, vector<16xf32>,
        %parallel_loop3A_234 = arith.index_cast %parallel_loop3A_221 : i32 to index
        %parallel_loop3A_235 = arith.constant 16 : index
        %parallel_loop3A_236 = tpu.vector_load %arg13[%parallel_loop3A_234, %parallel_loop3A_235] {strides = array<i32>} : memref<80x64xf32, #tpu.memory_space<vmem>>, vector<16xf32>,
        %parallel_loop3A_237 = arith.mulf %parallel_loop3A_236, %parallel_loop3A_226 : vector<16xf32>
        %parallel_loop3A_238 = arith.index_cast %parallel_loop3A_221 : i32 to index
        %parallel_loop3A_239 = arith.constant 16 : index
        %parallel_loop3A_240 = tpu.vector_load %arg13[%parallel_loop3A_238, %parallel_loop3A_239] {strides = array<i32>} : memref<80x64xf32, #tpu.memory_space<vmem>>, vector<16xf32>,
        tpu.vector_store %arg13[%parallel_loop3A_238, %parallel_loop3A_239], %parallel_loop3A_237 {strides = array<i32>} : memref<80x64xf32, #tpu.memory_space<vmem>>, vector<16xf32>,
        %parallel_loop3A_241 = arith.index_cast %parallel_loop3A_221 : i32 to index
        %parallel_loop3A_242 = arith.constant 32 : index
        %parallel_loop3A_243 = tpu.vector_load %arg13[%parallel_loop3A_241, %parallel_loop3A_242] {strides = array<i32>} : memref<80x64xf32, #tpu.memory_space<vmem>>, vector<16xf32>,
        %parallel_loop3A_244 = arith.mulf %parallel_loop3A_243, %parallel_loop3A_226 : vector<16xf32>
        %parallel_loop3A_245 = arith.index_cast %parallel_loop3A_221 : i32 to index
        %parallel_loop3A_246 = arith.constant 32 : index
        %parallel_loop3A_247 = tpu.vector_load %arg13[%parallel_loop3A_245, %parallel_loop3A_246] {strides = array<i32>} : memref<80x64xf32, #tpu.memory_space<vmem>>, vector<16xf32>,
        tpu.vector_store %arg13[%parallel_loop3A_245, %parallel_loop3A_246], %parallel_loop3A_244 {strides = array<i32>} : memref<80x64xf32, #tpu.memory_space<vmem>>, vector<16xf32>,
        %parallel_loop3A_248 = arith.index_cast %parallel_loop3A_221 : i32 to index
        %parallel_loop3A_249 = arith.constant 48 : index
        %parallel_loop3A_250 = tpu.vector_load %arg13[%parallel_loop3A_248, %parallel_loop3A_249] {strides = array<i32>} : memref<80x64xf32, #tpu.memory_space<vmem>>, vector<16xf32>,
        %parallel_loop3A_251 = arith.mulf %parallel_loop3A_250, %parallel_loop3A_226 : vector<16xf32>
        %parallel_loop3A_252 = arith.index_cast %parallel_loop3A_221 : i32 to index
        %parallel_loop3A_253 = arith.constant 48 : index
        %parallel_loop3A_254 = tpu.vector_load %arg13[%parallel_loop3A_252, %parallel_loop3A_253] {strides = array<i32>} : memref<80x64xf32, #tpu.memory_space<vmem>>, vector<16xf32>,
        tpu.vector_store %arg13[%parallel_loop3A_252, %parallel_loop3A_253], %parallel_loop3A_251 {strides = array<i32>} : memref<80x64xf32, #tpu.memory_space<vmem>>, vector<16xf32>,
      } {sc.loop_unroll_factor = 4 : i64, sc.parallel_access}
      %dma_start3A_136 = arith.constant 0 : i32
      %dma_start3A_137 = tpu.memref_slice %arg9[%add3A_126, %dma_start3A_136] : memref<125x80xi32, #tpu.memory_space<vmem>> -> memref<1x80xi32, #tpu.memory_space<vmem>>
      %dma_start3A_138 = tpu.memref_squeeze %dma_start3A_137 : memref<1x80xi32, #tpu.memory_space<vmem>> -> memref<80xi32, #tpu.memory_space<vmem>>
      %dma_start3A_139 = arith.constant 0 : i32
      %dma_start3A_140 = arith.constant 0 : i32
      %dma_start3A_141 = tpu.memref_slice %arg16[%dma_start3A_139, %dma_start3A_140] : memref<10112x64xf32, #tpu.memory_space<vmem_shared>> -> memref<10112x64xf32, #tpu.memory_space<vmem_shared>>
      tpu.enqueue_indirect_dma source(%arg13 : memref<80x64xf32, #tpu.memory_space<vmem>>) target(%dma_start3A_141 : memref<10112x64xf32, #tpu.memory_space<vmem_shared>>) offsets(%dma_start3A_138 : memref<80xi32, #tpu.memory_space<vmem>>) semaphore(%arg24 : memref<!tpu.dma_semaphore, #tpu.memory_space<semaphore_mem>>) {add = true}
      %add3A_142 = arith.constant 3 : i32
      %add3A_143 = arith.addi %add3A_126, %add3A_142 : i32
      %ge3A_144 = arith.constant 5 : i32
      %ge3A_145 = arith.cmpi sge, %add3A_143, %ge3A_144 : i32
      %lt3A_146 = arith.constant 125 : i32
      %lt3A_147 = arith.cmpi slt, %add3A_143, %lt3A_146 : i32
      %and3A_148 = arith.andi %ge3A_145, %lt3A_147 : i1
      %convert_element_type3A_149 = arith.extui %and3A_148 : i1 to i32
      %cond3A_150 = arith.constant 0 : i32
      %cond3A_151 = arith.cmpi ne, %convert_element_type3A_149, %cond3A_150 : i32
      scf.if %cond3A_151 {
        %dma_wait3A_221 = arith.constant 0 : i32
        %dma_wait3A_222 = tpu.memref_slice %arg9[%add3A_143, %dma_wait3A_221] : memref<125x80xi32, #tpu.memory_space<vmem>> -> memref<1x80xi32, #tpu.memory_space<vmem>>
        %dma_wait3A_223 = tpu.memref_squeeze %dma_wait3A_222 : memref<1x80xi32, #tpu.memory_space<vmem>> -> memref<80xi32, #tpu.memory_space<vmem>>
        %dma_wait3A_224 = arith.constant 0 : i32
        %dma_wait3A_225 = arith.constant 0 : i32
        %dma_wait3A_226 = tpu.memref_slice %arg16[%dma_wait3A_224, %dma_wait3A_225] : memref<10112x64xf32, #tpu.memory_space<vmem_shared>> -> memref<10112x64xf32, #tpu.memory_space<vmem_shared>>
        tpu.wait_indirect_dma semaphore(%arg22 : memref<!tpu.dma_semaphore, #tpu.memory_space<semaphore_mem>>) src(%arg11 : memref<80x64xf32, #tpu.memory_space<vmem>>) dst(%dma_wait3A_226 : memref<10112x64xf32, #tpu.memory_space<vmem_shared>>)
      } else {
      }
      %lt3A_152 = arith.constant 125 : i32
      %lt3A_153 = arith.cmpi slt, %add3A_143, %lt3A_152 : i32
      %convert_element_type3A_154 = arith.extui %lt3A_153 : i1 to i32
      %cond3A_155 = arith.constant 0 : i32
      %cond3A_156 = arith.cmpi ne, %convert_element_type3A_154, %cond3A_155 : i32
      scf.if %cond3A_156 {
        %mul3A_221 = arith.constant 80 : i32
        %mul3A_222 = arith.muli %add3A_143, %mul3A_221 : i32
        %dma_start3A_223 = tpu.memref_slice %arg8[%mul3A_222] : memref<10000xi32, #tpu.memory_space<vmem>> -> memref<80xi32, #tpu.memory_space<vmem>>
        %dma_start3A_224 = arith.constant 0 : i32
        %dma_start3A_225 = arith.constant 0 : i32
        %dma_start3A_226 = tpu.memref_slice %arg2[%dma_start3A_224, %dma_start3A_225] : memref<10000x64xf32, #tpu.memory_space<hbm>> -> memref<10000x64xf32, #tpu.memory_space<hbm>>
        tpu.enqueue_indirect_dma source(%dma_start3A_226 : memref<10000x64xf32, #tpu.memory_space<hbm>>) target(%arg11 : memref<80x64xf32, #tpu.memory_space<vmem>>) offsets(%dma_start3A_223 : memref<80xi32, #tpu.memory_space<vmem>>) semaphore(%arg17 : memref<!tpu.dma_semaphore, #tpu.memory_space<semaphore_mem>>)
      } else {
      }
      %add3A_157 = arith.constant 3 : i32
      %add3A_158 = arith.addi %add3A_66, %add3A_157 : i32
      %mul3A_159 = arith.constant 80 : i32
      %mul3A_160 = arith.muli %add3A_158, %mul3A_159 : i32
      %dma_wait3A_161 = tpu.memref_slice %arg8[%mul3A_160] : memref<10000xi32, #tpu.memory_space<vmem>> -> memref<80xi32, #tpu.memory_space<vmem>>
      %dma_wait3A_162 = arith.constant 0 : i32
      %dma_wait3A_163 = arith.constant 0 : i32
      %dma_wait3A_164 = tpu.memref_slice %arg2[%dma_wait3A_162, %dma_wait3A_163] : memref<10000x64xf32, #tpu.memory_space<hbm>> -> memref<10000x64xf32, #tpu.memory_space<hbm>>
      tpu.wait_indirect_dma semaphore(%arg20 : memref<!tpu.dma_semaphore, #tpu.memory_space<semaphore_mem>>) src(%dma_wait3A_164 : memref<10000x64xf32, #tpu.memory_space<hbm>>) dst(%arg14 : memref<80x64xf32, #tpu.memory_space<vmem>>)
      %parallel_loop3A_165 = arith.constant 0 : i32
      %parallel_loop3A_166 = arith.constant 80 : i32
      %parallel_loop3A_167 = arith.constant 1 : i32
      scf.for %parallel_loop3A_221 = %parallel_loop3A_165 to %parallel_loop3A_166 step %parallel_loop3A_167  : i32 {
        %parallel_loop3A_222 = arith.constant 80 : i32
        %parallel_loop3A_223 = arith.muli %add3A_158, %parallel_loop3A_222 : i32
        %parallel_loop3A_224 = arith.addi %parallel_loop3A_223, %parallel_loop3A_221 : i32
        %parallel_loop3A_225 = vector.broadcast %parallel_loop3A_224 : i32 to vector<16xi32>
        %parallel_loop3A_226 = tpu.vector_load_idx %arg10[%parallel_loop3A_225] : memref<10000xf32, #tpu.memory_space<vmem>>[vector<16xi32>], vector<16xf32>,
        %parallel_loop3A_227 = arith.index_cast %parallel_loop3A_221 : i32 to index
        %parallel_loop3A_228 = arith.constant 0 : index
        %parallel_loop3A_229 = tpu.vector_load %arg14[%parallel_loop3A_227, %parallel_loop3A_228] {strides = array<i32>} : memref<80x64xf32, #tpu.memory_space<vmem>>, vector<16xf32>,
        %parallel_loop3A_230 = arith.mulf %parallel_loop3A_229, %parallel_loop3A_226 : vector<16xf32>
        %parallel_loop3A_231 = arith.index_cast %parallel_loop3A_221 : i32 to index
        %parallel_loop3A_232 = arith.constant 0 : index
        %parallel_loop3A_233 = tpu.vector_load %arg14[%parallel_loop3A_231, %parallel_loop3A_232] {strides = array<i32>} : memref<80x64xf32, #tpu.memory_space<vmem>>, vector<16xf32>,
        tpu.vector_store %arg14[%parallel_loop3A_231, %parallel_loop3A_232], %parallel_loop3A_230 {strides = array<i32>} : memref<80x64xf32, #tpu.memory_space<vmem>>, vector<16xf32>,
        %parallel_loop3A_234 = arith.index_cast %parallel_loop3A_221 : i32 to index
        %parallel_loop3A_235 = arith.constant 16 : index
        %parallel_loop3A_236 = tpu.vector_load %arg14[%parallel_loop3A_234, %parallel_loop3A_235] {strides = array<i32>} : memref<80x64xf32, #tpu.memory_space<vmem>>, vector<16xf32>,
        %parallel_loop3A_237 = arith.mulf %parallel_loop3A_236, %parallel_loop3A_226 : vector<16xf32>
        %parallel_loop3A_238 = arith.index_cast %parallel_loop3A_221 : i32 to index
        %parallel_loop3A_239 = arith.constant 16 : index
        %parallel_loop3A_240 = tpu.vector_load %arg14[%parallel_loop3A_238, %parallel_loop3A_239] {strides = array<i32>} : memref<80x64xf32, #tpu.memory_space<vmem>>, vector<16xf32>,
        tpu.vector_store %arg14[%parallel_loop3A_238, %parallel_loop3A_239], %parallel_loop3A_237 {strides = array<i32>} : memref<80x64xf32, #tpu.memory_space<vmem>>, vector<16xf32>,
        %parallel_loop3A_241 = arith.index_cast %parallel_loop3A_221 : i32 to index
        %parallel_loop3A_242 = arith.constant 32 : index
        %parallel_loop3A_243 = tpu.vector_load %arg14[%parallel_loop3A_241, %parallel_loop3A_242] {strides = array<i32>} : memref<80x64xf32, #tpu.memory_space<vmem>>, vector<16xf32>,
        %parallel_loop3A_244 = arith.mulf %parallel_loop3A_243, %parallel_loop3A_226 : vector<16xf32>
        %parallel_loop3A_245 = arith.index_cast %parallel_loop3A_221 : i32 to index
        %parallel_loop3A_246 = arith.constant 32 : index
        %parallel_loop3A_247 = tpu.vector_load %arg14[%parallel_loop3A_245, %parallel_loop3A_246] {strides = array<i32>} : memref<80x64xf32, #tpu.memory_space<vmem>>, vector<16xf32>,
        tpu.vector_store %arg14[%parallel_loop3A_245, %parallel_loop3A_246], %parallel_loop3A_244 {strides = array<i32>} : memref<80x64xf32, #tpu.memory_space<vmem>>, vector<16xf32>,
        %parallel_loop3A_248 = arith.index_cast %parallel_loop3A_221 : i32 to index
        %parallel_loop3A_249 = arith.constant 48 : index
        %parallel_loop3A_250 = tpu.vector_load %arg14[%parallel_loop3A_248, %parallel_loop3A_249] {strides = array<i32>} : memref<80x64xf32, #tpu.memory_space<vmem>>, vector<16xf32>,
        %parallel_loop3A_251 = arith.mulf %parallel_loop3A_250, %parallel_loop3A_226 : vector<16xf32>
        %parallel_loop3A_252 = arith.index_cast %parallel_loop3A_221 : i32 to index
        %parallel_loop3A_253 = arith.constant 48 : index
        %parallel_loop3A_254 = tpu.vector_load %arg14[%parallel_loop3A_252, %parallel_loop3A_253] {strides = array<i32>} : memref<80x64xf32, #tpu.memory_space<vmem>>, vector<16xf32>,
        tpu.vector_store %arg14[%parallel_loop3A_252, %parallel_loop3A_253], %parallel_loop3A_251 {strides = array<i32>} : memref<80x64xf32, #tpu.memory_space<vmem>>, vector<16xf32>,
      } {sc.loop_unroll_factor = 4 : i64, sc.parallel_access}
      %dma_start3A_168 = arith.constant 0 : i32
      %dma_start3A_169 = tpu.memref_slice %arg9[%add3A_158, %dma_start3A_168] : memref<125x80xi32, #tpu.memory_space<vmem>> -> memref<1x80xi32, #tpu.memory_space<vmem>>
      %dma_start3A_170 = tpu.memref_squeeze %dma_start3A_169 : memref<1x80xi32, #tpu.memory_space<vmem>> -> memref<80xi32, #tpu.memory_space<vmem>>
      %dma_start3A_171 = arith.constant 0 : i32
      %dma_start3A_172 = arith.constant 0 : i32
      %dma_start3A_173 = tpu.memref_slice %arg16[%dma_start3A_171, %dma_start3A_172] : memref<10112x64xf32, #tpu.memory_space<vmem_shared>> -> memref<10112x64xf32, #tpu.memory_space<vmem_shared>>
      tpu.enqueue_indirect_dma source(%arg14 : memref<80x64xf32, #tpu.memory_space<vmem>>) target(%dma_start3A_173 : memref<10112x64xf32, #tpu.memory_space<vmem_shared>>) offsets(%dma_start3A_170 : memref<80xi32, #tpu.memory_space<vmem>>) semaphore(%arg25 : memref<!tpu.dma_semaphore, #tpu.memory_space<semaphore_mem>>) {add = true}
      %add3A_174 = arith.constant 3 : i32
      %add3A_175 = arith.addi %add3A_158, %add3A_174 : i32
      %ge3A_176 = arith.constant 5 : i32
      %ge3A_177 = arith.cmpi sge, %add3A_175, %ge3A_176 : i32
      %lt3A_178 = arith.constant 125 : i32
      %lt3A_179 = arith.cmpi slt, %add3A_175, %lt3A_178 : i32
      %and3A_180 = arith.andi %ge3A_177, %lt3A_179 : i1
      %convert_element_type3A_181 = arith.extui %and3A_180 : i1 to i32
      %cond3A_182 = arith.constant 0 : i32
      %cond3A_183 = arith.cmpi ne, %convert_element_type3A_181, %cond3A_182 : i32
      scf.if %cond3A_183 {
        %dma_wait3A_221 = arith.constant 0 : i32
        %dma_wait3A_222 = tpu.memref_slice %arg9[%add3A_175, %dma_wait3A_221] : memref<125x80xi32, #tpu.memory_space<vmem>> -> memref<1x80xi32, #tpu.memory_space<vmem>>
        %dma_wait3A_223 = tpu.memref_squeeze %dma_wait3A_222 : memref<1x80xi32, #tpu.memory_space<vmem>> -> memref<80xi32, #tpu.memory_space<vmem>>
        %dma_wait3A_224 = arith.constant 0 : i32
        %dma_wait3A_225 = arith.constant 0 : i32
        %dma_wait3A_226 = tpu.memref_slice %arg16[%dma_wait3A_224, %dma_wait3A_225] : memref<10112x64xf32, #tpu.memory_space<vmem_shared>> -> memref<10112x64xf32, #tpu.memory_space<vmem_shared>>
        tpu.wait_indirect_dma semaphore(%arg23 : memref<!tpu.dma_semaphore, #tpu.memory_space<semaphore_mem>>) src(%arg12 : memref<80x64xf32, #tpu.memory_space<vmem>>) dst(%dma_wait3A_226 : memref<10112x64xf32, #tpu.memory_space<vmem_shared>>)
      } else {
      }
      %lt3A_184 = arith.constant 125 : i32
      %lt3A_185 = arith.cmpi slt, %add3A_175, %lt3A_184 : i32
      %convert_element_type3A_186 = arith.extui %lt3A_185 : i1 to i32
      %cond3A_187 = arith.constant 0 : i32
      %cond3A_188 = arith.cmpi ne, %convert_element_type3A_186, %cond3A_187 : i32
      scf.if %cond3A_188 {
        %mul3A_221 = arith.constant 80 : i32
        %mul3A_222 = arith.muli %add3A_175, %mul3A_221 : i32
        %dma_start3A_223 = tpu.memref_slice %arg8[%mul3A_222] : memref<10000xi32, #tpu.memory_space<vmem>> -> memref<80xi32, #tpu.memory_space<vmem>>
        %dma_start3A_224 = arith.constant 0 : i32
        %dma_start3A_225 = arith.constant 0 : i32
        %dma_start3A_226 = tpu.memref_slice %arg2[%dma_start3A_224, %dma_start3A_225] : memref<10000x64xf32, #tpu.memory_space<hbm>> -> memref<10000x64xf32, #tpu.memory_space<hbm>>
        tpu.enqueue_indirect_dma source(%dma_start3A_226 : memref<10000x64xf32, #tpu.memory_space<hbm>>) target(%arg12 : memref<80x64xf32, #tpu.memory_space<vmem>>) offsets(%dma_start3A_223 : memref<80xi32, #tpu.memory_space<vmem>>) semaphore(%arg18 : memref<!tpu.dma_semaphore, #tpu.memory_space<semaphore_mem>>)
      } else {
      }
      %add3A_189 = arith.constant 4 : i32
      %add3A_190 = arith.addi %add3A_66, %add3A_189 : i32
      %mul3A_191 = arith.constant 80 : i32
      %mul3A_192 = arith.muli %add3A_190, %mul3A_191 : i32
      %dma_wait3A_193 = tpu.memref_slice %arg8[%mul3A_192] : memref<10000xi32, #tpu.memory_space<vmem>> -> memref<80xi32, #tpu.memory_space<vmem>>
      %dma_wait3A_194 = arith.constant 0 : i32
      %dma_wait3A_195 = arith.constant 0 : i32
      %dma_wait3A_196 = tpu.memref_slice %arg2[%dma_wait3A_194, %dma_wait3A_195] : memref<10000x64xf32, #tpu.memory_space<hbm>> -> memref<10000x64xf32, #tpu.memory_space<hbm>>
      tpu.wait_indirect_dma semaphore(%arg21 : memref<!tpu.dma_semaphore, #tpu.memory_space<semaphore_mem>>) src(%dma_wait3A_196 : memref<10000x64xf32, #tpu.memory_space<hbm>>) dst(%arg15 : memref<80x64xf32, #tpu.memory_space<vmem>>)
      %parallel_loop3A_197 = arith.constant 0 : i32
      %parallel_loop3A_198 = arith.constant 80 : i32
      %parallel_loop3A_199 = arith.constant 1 : i32
      scf.for %parallel_loop3A_221 = %parallel_loop3A_197 to %parallel_loop3A_198 step %parallel_loop3A_199  : i32 {
        %parallel_loop3A_222 = arith.constant 80 : i32
        %parallel_loop3A_223 = arith.muli %add3A_190, %parallel_loop3A_222 : i32
        %parallel_loop3A_224 = arith.addi %parallel_loop3A_223, %parallel_loop3A_221 : i32
        %parallel_loop3A_225 = vector.broadcast %parallel_loop3A_224 : i32 to vector<16xi32>
        %parallel_loop3A_226 = tpu.vector_load_idx %arg10[%parallel_loop3A_225] : memref<10000xf32, #tpu.memory_space<vmem>>[vector<16xi32>], vector<16xf32>,
        %parallel_loop3A_227 = arith.index_cast %parallel_loop3A_221 : i32 to index
        %parallel_loop3A_228 = arith.constant 0 : index
        %parallel_loop3A_229 = tpu.vector_load %arg15[%parallel_loop3A_227, %parallel_loop3A_228] {strides = array<i32>} : memref<80x64xf32, #tpu.memory_space<vmem>>, vector<16xf32>,
        %parallel_loop3A_230 = arith.mulf %parallel_loop3A_229, %parallel_loop3A_226 : vector<16xf32>
        %parallel_loop3A_231 = arith.index_cast %parallel_loop3A_221 : i32 to index
        %parallel_loop3A_232 = arith.constant 0 : index
        %parallel_loop3A_233 = tpu.vector_load %arg15[%parallel_loop3A_231, %parallel_loop3A_232] {strides = array<i32>} : memref<80x64xf32, #tpu.memory_space<vmem>>, vector<16xf32>,
        tpu.vector_store %arg15[%parallel_loop3A_231, %parallel_loop3A_232], %parallel_loop3A_230 {strides = array<i32>} : memref<80x64xf32, #tpu.memory_space<vmem>>, vector<16xf32>,
        %parallel_loop3A_234 = arith.index_cast %parallel_loop3A_221 : i32 to index
        %parallel_loop3A_235 = arith.constant 16 : index
        %parallel_loop3A_236 = tpu.vector_load %arg15[%parallel_loop3A_234, %parallel_loop3A_235] {strides = array<i32>} : memref<80x64xf32, #tpu.memory_space<vmem>>, vector<16xf32>,
        %parallel_loop3A_237 = arith.mulf %parallel_loop3A_236, %parallel_loop3A_226 : vector<16xf32>
        %parallel_loop3A_238 = arith.index_cast %parallel_loop3A_221 : i32 to index
        %parallel_loop3A_239 = arith.constant 16 : index
        %parallel_loop3A_240 = tpu.vector_load %arg15[%parallel_loop3A_238, %parallel_loop3A_239] {strides = array<i32>} : memref<80x64xf32, #tpu.memory_space<vmem>>, vector<16xf32>,
        tpu.vector_store %arg15[%parallel_loop3A_238, %parallel_loop3A_239], %parallel_loop3A_237 {strides = array<i32>} : memref<80x64xf32, #tpu.memory_space<vmem>>, vector<16xf32>,
        %parallel_loop3A_241 = arith.index_cast %parallel_loop3A_221 : i32 to index
        %parallel_loop3A_242 = arith.constant 32 : index
        %parallel_loop3A_243 = tpu.vector_load %arg15[%parallel_loop3A_241, %parallel_loop3A_242] {strides = array<i32>} : memref<80x64xf32, #tpu.memory_space<vmem>>, vector<16xf32>,
        %parallel_loop3A_244 = arith.mulf %parallel_loop3A_243, %parallel_loop3A_226 : vector<16xf32>
        %parallel_loop3A_245 = arith.index_cast %parallel_loop3A_221 : i32 to index
        %parallel_loop3A_246 = arith.constant 32 : index
        %parallel_loop3A_247 = tpu.vector_load %arg15[%parallel_loop3A_245, %parallel_loop3A_246] {strides = array<i32>} : memref<80x64xf32, #tpu.memory_space<vmem>>, vector<16xf32>,
        tpu.vector_store %arg15[%parallel_loop3A_245, %parallel_loop3A_246], %parallel_loop3A_244 {strides = array<i32>} : memref<80x64xf32, #tpu.memory_space<vmem>>, vector<16xf32>,
        %parallel_loop3A_248 = arith.index_cast %parallel_loop3A_221 : i32 to index
        %parallel_loop3A_249 = arith.constant 48 : index
        %parallel_loop3A_250 = tpu.vector_load %arg15[%parallel_loop3A_248, %parallel_loop3A_249] {strides = array<i32>} : memref<80x64xf32, #tpu.memory_space<vmem>>, vector<16xf32>,
        %parallel_loop3A_251 = arith.mulf %parallel_loop3A_250, %parallel_loop3A_226 : vector<16xf32>
        %parallel_loop3A_252 = arith.index_cast %parallel_loop3A_221 : i32 to index
        %parallel_loop3A_253 = arith.constant 48 : index
        %parallel_loop3A_254 = tpu.vector_load %arg15[%parallel_loop3A_252, %parallel_loop3A_253] {strides = array<i32>} : memref<80x64xf32, #tpu.memory_space<vmem>>, vector<16xf32>,
        tpu.vector_store %arg15[%parallel_loop3A_252, %parallel_loop3A_253], %parallel_loop3A_251 {strides = array<i32>} : memref<80x64xf32, #tpu.memory_space<vmem>>, vector<16xf32>,
      } {sc.loop_unroll_factor = 4 : i64, sc.parallel_access}
      %dma_start3A_200 = arith.constant 0 : i32
      %dma_start3A_201 = tpu.memref_slice %arg9[%add3A_190, %dma_start3A_200] : memref<125x80xi32, #tpu.memory_space<vmem>> -> memref<1x80xi32, #tpu.memory_space<vmem>>
      %dma_start3A_202 = tpu.memref_squeeze %dma_start3A_201 : memref<1x80xi32, #tpu.memory_space<vmem>> -> memref<80xi32, #tpu.memory_space<vmem>>
      %dma_start3A_203 = arith.constant 0 : i32
      %dma_start3A_204 = arith.constant 0 : i32
      %dma_start3A_205 = tpu.memref_slice %arg16[%dma_start3A_203, %dma_start3A_204] : memref<10112x64xf32, #tpu.memory_space<vmem_shared>> -> memref<10112x64xf32, #tpu.memory_space<vmem_shared>>
      tpu.enqueue_indirect_dma source(%arg15 : memref<80x64xf32, #tpu.memory_space<vmem>>) target(%dma_start3A_205 : memref<10112x64xf32, #tpu.memory_space<vmem_shared>>) offsets(%dma_start3A_202 : memref<80xi32, #tpu.memory_space<vmem>>) semaphore(%arg26 : memref<!tpu.dma_semaphore, #tpu.memory_space<semaphore_mem>>) {add = true}
      %add3A_206 = arith.constant 3 : i32
      %add3A_207 = arith.addi %add3A_190, %add3A_206 : i32
      %ge3A_208 = arith.constant 5 : i32
      %ge3A_209 = arith.cmpi sge, %add3A_207, %ge3A_208 : i32
      %lt3A_210 = arith.constant 125 : i32
      %lt3A_211 = arith.cmpi slt, %add3A_207, %lt3A_210 : i32
      %and3A_212 = arith.andi %ge3A_209, %lt3A_211 : i1
      %convert_element_type3A_213 = arith.extui %and3A_212 : i1 to i32
      %cond3A_214 = arith.constant 0 : i32
      %cond3A_215 = arith.cmpi ne, %convert_element_type3A_213, %cond3A_214 : i32
      scf.if %cond3A_215 {
        %dma_wait3A_221 = arith.constant 0 : i32
        %dma_wait3A_222 = tpu.memref_slice %arg9[%add3A_207, %dma_wait3A_221] : memref<125x80xi32, #tpu.memory_space<vmem>> -> memref<1x80xi32, #tpu.memory_space<vmem>>
        %dma_wait3A_223 = tpu.memref_squeeze %dma_wait3A_222 : memref<1x80xi32, #tpu.memory_space<vmem>> -> memref<80xi32, #tpu.memory_space<vmem>>
        %dma_wait3A_224 = arith.constant 0 : i32
        %dma_wait3A_225 = arith.constant 0 : i32
        %dma_wait3A_226 = tpu.memref_slice %arg16[%dma_wait3A_224, %dma_wait3A_225] : memref<10112x64xf32, #tpu.memory_space<vmem_shared>> -> memref<10112x64xf32, #tpu.memory_space<vmem_shared>>
        tpu.wait_indirect_dma semaphore(%arg24 : memref<!tpu.dma_semaphore, #tpu.memory_space<semaphore_mem>>) src(%arg13 : memref<80x64xf32, #tpu.memory_space<vmem>>) dst(%dma_wait3A_226 : memref<10112x64xf32, #tpu.memory_space<vmem_shared>>)
      } else {
      }
      %lt3A_216 = arith.constant 125 : i32
      %lt3A_217 = arith.cmpi slt, %add3A_207, %lt3A_216 : i32
      %convert_element_type3A_218 = arith.extui %lt3A_217 : i1 to i32
      %cond3A_219 = arith.constant 0 : i32
      %cond3A_220 = arith.cmpi ne, %convert_element_type3A_218, %cond3A_219 : i32
      scf.if %cond3A_220 {
        %mul3A_221 = arith.constant 80 : i32
        %mul3A_222 = arith.muli %add3A_207, %mul3A_221 : i32
        %dma_start3A_223 = tpu.memref_slice %arg8[%mul3A_222] : memref<10000xi32, #tpu.memory_space<vmem>> -> memref<80xi32, #tpu.memory_space<vmem>>
        %dma_start3A_224 = arith.constant 0 : i32
        %dma_start3A_225 = arith.constant 0 : i32
        %dma_start3A_226 = tpu.memref_slice %arg2[%dma_start3A_224, %dma_start3A_225] : memref<10000x64xf32, #tpu.memory_space<hbm>> -> memref<10000x64xf32, #tpu.memory_space<hbm>>
        tpu.enqueue_indirect_dma source(%dma_start3A_226 : memref<10000x64xf32, #tpu.memory_space<hbm>>) target(%arg13 : memref<80x64xf32, #tpu.memory_space<vmem>>) offsets(%dma_start3A_223 : memref<80xi32, #tpu.memory_space<vmem>>) semaphore(%arg19 : memref<!tpu.dma_semaphore, #tpu.memory_space<semaphore_mem>>)
      } else {
      }
    }
    %scan3A_22 = arith.constant 25 : i32
    %dma_wait3A = arith.constant 0 : i32
    %dma_wait3A_23 = arith.constant 0 : i32
    %dma_wait3A_24 = tpu.memref_slice %arg9[%dma_wait3A, %dma_wait3A_23] : memref<125x80xi32, #tpu.memory_space<vmem>> -> memref<1x80xi32, #tpu.memory_space<vmem>>
    %dma_wait3A_25 = tpu.memref_squeeze %dma_wait3A_24 : memref<1x80xi32, #tpu.memory_space<vmem>> -> memref<80xi32, #tpu.memory_space<vmem>>
    %dma_wait3A_26 = arith.constant 0 : i32
    %dma_wait3A_27 = arith.constant 0 : i32
    %dma_wait3A_28 = tpu.memref_slice %arg16[%dma_wait3A_26, %dma_wait3A_27] : memref<10112x64xf32, #tpu.memory_space<vmem_shared>> -> memref<10112x64xf32, #tpu.memory_space<vmem_shared>>
    tpu.wait_indirect_dma semaphore(%arg22 : memref<!tpu.dma_semaphore, #tpu.memory_space<semaphore_mem>>) src(%arg11 : memref<80x64xf32, #tpu.memory_space<vmem>>) dst(%dma_wait3A_28 : memref<10112x64xf32, #tpu.memory_space<vmem_shared>>)
    %dma_wait3A_29 = arith.constant 0 : i32
    %dma_wait3A_30 = arith.constant 0 : i32
    %dma_wait3A_31 = tpu.memref_slice %arg9[%dma_wait3A_29, %dma_wait3A_30] : memref<125x80xi32, #tpu.memory_space<vmem>> -> memref<1x80xi32, #tpu.memory_space<vmem>>
    %dma_wait3A_32 = tpu.memref_squeeze %dma_wait3A_31 : memref<1x80xi32, #tpu.memory_space<vmem>> -> memref<80xi32, #tpu.memory_space<vmem>>
    %dma_wait3A_33 = arith.constant 0 : i32
    %dma_wait3A_34 = arith.constant 0 : i32
    %dma_wait3A_35 = tpu.memref_slice %arg16[%dma_wait3A_33, %dma_wait3A_34] : memref<10112x64xf32, #tpu.memory_space<vmem_shared>> -> memref<10112x64xf32, #tpu.memory_space<vmem_shared>>
    tpu.wait_indirect_dma semaphore(%arg23 : memref<!tpu.dma_semaphore, #tpu.memory_space<semaphore_mem>>) src(%arg12 : memref<80x64xf32, #tpu.memory_space<vmem>>) dst(%dma_wait3A_35 : memref<10112x64xf32, #tpu.memory_space<vmem_shared>>)
    %dma_wait3A_36 = arith.constant 0 : i32
    %dma_wait3A_37 = arith.constant 0 : i32
    %dma_wait3A_38 = tpu.memref_slice %arg9[%dma_wait3A_36, %dma_wait3A_37] : memref<125x80xi32, #tpu.memory_space<vmem>> -> memref<1x80xi32, #tpu.memory_space<vmem>>
    %dma_wait3A_39 = tpu.memref_squeeze %dma_wait3A_38 : memref<1x80xi32, #tpu.memory_space<vmem>> -> memref<80xi32, #tpu.memory_space<vmem>>
    %dma_wait3A_40 = arith.constant 0 : i32
    %dma_wait3A_41 = arith.constant 0 : i32
    %dma_wait3A_42 = tpu.memref_slice %arg16[%dma_wait3A_40, %dma_wait3A_41] : memref<10112x64xf32, #tpu.memory_space<vmem_shared>> -> memref<10112x64xf32, #tpu.memory_space<vmem_shared>>
    tpu.wait_indirect_dma semaphore(%arg24 : memref<!tpu.dma_semaphore, #tpu.memory_space<semaphore_mem>>) src(%arg13 : memref<80x64xf32, #tpu.memory_space<vmem>>) dst(%dma_wait3A_42 : memref<10112x64xf32, #tpu.memory_space<vmem_shared>>)
    %dma_wait3A_43 = arith.constant 0 : i32
    %dma_wait3A_44 = arith.constant 0 : i32
    %dma_wait3A_45 = tpu.memref_slice %arg9[%dma_wait3A_43, %dma_wait3A_44] : memref<125x80xi32, #tpu.memory_space<vmem>> -> memref<1x80xi32, #tpu.memory_space<vmem>>
    %dma_wait3A_46 = tpu.memref_squeeze %dma_wait3A_45 : memref<1x80xi32, #tpu.memory_space<vmem>> -> memref<80xi32, #tpu.memory_space<vmem>>
    %dma_wait3A_47 = arith.constant 0 : i32
    %dma_wait3A_48 = arith.constant 0 : i32
    %dma_wait3A_49 = tpu.memref_slice %arg16[%dma_wait3A_47, %dma_wait3A_48] : memref<10112x64xf32, #tpu.memory_space<vmem_shared>> -> memref<10112x64xf32, #tpu.memory_space<vmem_shared>>
    tpu.wait_indirect_dma semaphore(%arg25 : memref<!tpu.dma_semaphore, #tpu.memory_space<semaphore_mem>>) src(%arg14 : memref<80x64xf32, #tpu.memory_space<vmem>>) dst(%dma_wait3A_49 : memref<10112x64xf32, #tpu.memory_space<vmem_shared>>)
    %dma_wait3A_50 = arith.constant 0 : i32
    %dma_wait3A_51 = arith.constant 0 : i32
    %dma_wait3A_52 = tpu.memref_slice %arg9[%dma_wait3A_50, %dma_wait3A_51] : memref<125x80xi32, #tpu.memory_space<vmem>> -> memref<1x80xi32, #tpu.memory_space<vmem>>
    %dma_wait3A_53 = tpu.memref_squeeze %dma_wait3A_52 : memref<1x80xi32, #tpu.memory_space<vmem>> -> memref<80xi32, #tpu.memory_space<vmem>>
    %dma_wait3A_54 = arith.constant 0 : i32
    %dma_wait3A_55 = arith.constant 0 : i32
    %dma_wait3A_56 = tpu.memref_slice %arg16[%dma_wait3A_54, %dma_wait3A_55] : memref<10112x64xf32, #tpu.memory_space<vmem_shared>> -> memref<10112x64xf32, #tpu.memory_space<vmem_shared>>
    tpu.wait_indirect_dma semaphore(%arg26 : memref<!tpu.dma_semaphore, #tpu.memory_space<semaphore_mem>>) src(%arg15 : memref<80x64xf32, #tpu.memory_space<vmem>>) dst(%dma_wait3A_56 : memref<10112x64xf32, #tpu.memory_space<vmem_shared>>)
    %barrier3A_57 = arith.constant 0 : index
    tpu.barrier barrier_id(%barrier3A_57)
    %mul3A_58 = arith.constant 632 : i32
    %mul3A_59 = arith.muli %arg1, %mul3A_58 : i32
    %mul3A_60 = arith.constant 632 : i32
    %mul3A_61 = arith.muli %arg1, %mul3A_60 : i32
    "tpu.region"() ({
      %run_scoped3A = tpu.sem_alloc : memref<!tpu.dma_semaphore, #tpu.memory_space<semaphore_mem>>
      %dma_start3A_62 = arith.constant 0 : i32
      %dma_start3A_63 = arith.constant 0 : i32
      %dma_start3A_64 = tpu.memref_slice %arg7[%arg0, %dma_start3A_62, %dma_start3A_63] : memref<2x10112x64xf32, #tpu.memory_space<hbm>> -> memref<1x10112x64xf32, #tpu.memory_space<hbm>>
      %dma_start3A_65 = tpu.memref_squeeze %dma_start3A_64 : memref<1x10112x64xf32, #tpu.memory_space<hbm>> -> memref<10112x64xf32, #tpu.memory_space<hbm>>
      %dma_start3A_66 = arith.constant 0 : i32
      %dma_start3A_67 = tpu.memref_slice %dma_start3A_65[%mul3A_61, %dma_start3A_66] : memref<10112x64xf32, #tpu.memory_space<hbm>> -> memref<632x64xf32, #tpu.memory_space<hbm>>
      %dma_start3A_68 = arith.constant 0 : i32
      %dma_start3A_69 = tpu.memref_slice %arg16[%mul3A_59, %dma_start3A_68] : memref<10112x64xf32, #tpu.memory_space<vmem_shared>> -> memref<632x64xf32, #tpu.memory_space<vmem_shared>>
      tpu.enqueue_dma source(%dma_start3A_69 : memref<632x64xf32, #tpu.memory_space<vmem_shared>>) target(%dma_start3A_67 : memref<632x64xf32, #tpu.memory_space<hbm>>) target_semaphore(%run_scoped3A : memref<!tpu.dma_semaphore, #tpu.memory_space<semaphore_mem>>)
      %dma_wait3A_70 = arith.constant 0 : i32
      %dma_wait3A_71 = arith.constant 0 : i32
      %dma_wait3A_72 = tpu.memref_slice %arg7[%arg0, %dma_wait3A_70, %dma_wait3A_71] : memref<2x10112x64xf32, #tpu.memory_space<hbm>> -> memref<1x10112x64xf32, #tpu.memory_space<hbm>>
      %dma_wait3A_73 = tpu.memref_squeeze %dma_wait3A_72 : memref<1x10112x64xf32, #tpu.memory_space<hbm>> -> memref<10112x64xf32, #tpu.memory_space<hbm>>
      %dma_wait3A_74 = arith.constant 0 : i32
      %dma_wait3A_75 = tpu.memref_slice %dma_wait3A_73[%mul3A_61, %dma_wait3A_74] : memref<10112x64xf32, #tpu.memory_space<hbm>> -> memref<632x64xf32, #tpu.memory_space<hbm>>
      %dma_wait3A_76 = arith.constant 0 : i32
      %dma_wait3A_77 = tpu.memref_slice %arg16[%mul3A_59, %dma_wait3A_76] : memref<10112x64xf32, #tpu.memory_space<vmem_shared>> -> memref<632x64xf32, #tpu.memory_space<vmem_shared>>
      tpu.wait_dma2 semaphore(%run_scoped3A : memref<!tpu.dma_semaphore, #tpu.memory_space<semaphore_mem>>) src(%dma_wait3A_77 : memref<632x64xf32, #tpu.memory_space<vmem_shared>>) dst(%dma_wait3A_75 : memref<632x64xf32, #tpu.memory_space<hbm>>)
      tpu.yield
    }) : () -> ()
    return
  }
}

module attributes {stable_mosaic.version = 14 : i64} {
  func.func @_tc1_body(%arg0: i32, %arg1: memref<1000x128xf32, #tpu.memory_space<vmem>>, %arg2: memref<1000x128xf32, #tpu.memory_space<vmem>>, %arg3: memref<1000x128xf32, #tpu.memory_space<vmem>>, %arg4: memref<1000x128xf32, #tpu.memory_space<vmem>>, %arg5: memref<128x64xf32, #tpu.memory_space<vmem>>, %arg6: memref<1x64xf32, #tpu.memory_space<vmem>>, %arg7: memref<128x64xf32, #tpu.memory_space<vmem>>, %arg8: memref<1x64xf32, #tpu.memory_space<vmem>>, %arg9: memref<64x64xf32, #tpu.memory_space<vmem>>, %arg10: memref<1x64xf32, #tpu.memory_space<vmem>>, %arg11: memref<2500x128xf32, #tpu.memory_space<vmem>>, %arg12: memref<1000x128xf32, #tpu.memory_space<vmem>>, %arg13: memref<1000x128xf32, #tpu.memory_space<vmem>>, %arg14: memref<1000x128xf32, #tpu.memory_space<vmem>>, %arg15: memref<2500x128xf32, #tpu.memory_space<vmem>>) attributes {dimension_semantics = [#tpu.dimension_semantics<parallel>], iteration_bounds = array<i64: 5>, scalar_prefetch = 0 : i64, scratch_operands = 0 : i64, tpu.core_type = #tpu.core_type<tc>, window_params = [{transform_indices = @transform_0, window_bounds = array<i64: 1000, 128>}, {transform_indices = @transform_1, window_bounds = array<i64: 1000, 128>}, {transform_indices = @transform_2, window_bounds = array<i64: 1000, 128>}, {transform_indices = @transform_3, window_bounds = array<i64: 1000, 128>}, {pipeline_mode = #tpu.pipeline_mode<synchronous>, transform_indices = @transform_4, window_bounds = array<i64: 128, 64>}, {pipeline_mode = #tpu.pipeline_mode<synchronous>, transform_indices = @transform_5, window_bounds = array<i64: 1, 64>}, {pipeline_mode = #tpu.pipeline_mode<synchronous>, transform_indices = @transform_6, window_bounds = array<i64: 128, 64>}, {pipeline_mode = #tpu.pipeline_mode<synchronous>, transform_indices = @transform_7, window_bounds = array<i64: 1, 64>}, {pipeline_mode = #tpu.pipeline_mode<synchronous>, transform_indices = @transform_8, window_bounds = array<i64: 64, 64>}, {pipeline_mode = #tpu.pipeline_mode<synchronous>, transform_indices = @transform_9, window_bounds = array<i64: 1, 64>}, {pipeline_mode = #tpu.pipeline_mode<synchronous>, transform_indices = @transform_10, window_bounds = array<i64: 2500, 128>}, {transform_indices = @transform_11, window_bounds = array<i64: 1000, 128>}, {transform_indices = @transform_12, window_bounds = array<i64: 1000, 128>}, {transform_indices = @transform_13, window_bounds = array<i64: 1000, 128>}, {pipeline_mode = #tpu.pipeline_mode<synchronous>, transform_indices = @transform_14, window_bounds = array<i64: 2500, 128>}]} {
    %get3A = arith.constant 0 : index
    %get3A_0 = arith.constant 0 : index
    %get3A_1 = vector.load %arg5[%get3A, %get3A_0] : memref<128x64xf32, #tpu.memory_space<vmem>>, vector<128x64xf32>
    %get3A_2 = arith.constant 0 : index
    %get3A_3 = arith.constant 0 : index
    %get3A_4 = vector.load %arg7[%get3A_2, %get3A_3] : memref<128x64xf32, #tpu.memory_space<vmem>>, vector<128x64xf32>
    %get3A_5 = arith.constant 0 : index
    %get3A_6 = arith.constant 0 : index
    %get3A_7 = vector.load %arg9[%get3A_5, %get3A_6] : memref<64x64xf32, #tpu.memory_space<vmem>>, vector<64x64xf32>
    %broadcast_in_dim3A = arith.constant 0.000000e+00 : f32
    %broadcast_in_dim3A_8 = vector.broadcast %broadcast_in_dim3A : f32 to vector<64x64xf32>
    %concatenate3A = tpu.concatenate %get3A_7, %broadcast_in_dim3A_8 in 1 : vector<64x64xf32>, vector<64x64xf32> -> vector<64x128xf32>
    %concatenate3A_9 = tpu.concatenate %broadcast_in_dim3A_8, %get3A_7 in 1 : vector<64x64xf32>, vector<64x64xf32> -> vector<64x128xf32>
    %concatenate3A_10 = tpu.concatenate %concatenate3A, %concatenate3A_9 in 0 : vector<64x128xf32>, vector<64x128xf32> -> vector<128x128xf32>
    %get3A_11 = arith.constant 0 : index
    %get3A_12 = arith.constant 0 : index
    %get3A_13 = vector.load %arg10[%get3A_11, %get3A_12] : memref<1x64xf32, #tpu.memory_space<vmem>>, vector<1x64xf32>
    %get3A_14 = arith.constant 0 : index
    %get3A_15 = arith.constant 0 : index
    %get3A_16 = vector.load %arg10[%get3A_14, %get3A_15] : memref<1x64xf32, #tpu.memory_space<vmem>>, vector<1x64xf32>
    %concatenate3A_17 = tpu.concatenate %get3A_13, %get3A_16 in 1 : vector<1x64xf32>, vector<1x64xf32> -> vector<1x128xf32>
    %get3A_18 = arith.constant 0 : index
    %get3A_19 = arith.constant 0 : index
    %get3A_20 = vector.load %arg1[%get3A_18, %get3A_19] : memref<1000x128xf32, #tpu.memory_space<vmem>>, vector<1000x128xf32>
    %dot_general3A = arith.constant dense<0.000000e+00> : vector<1000x64xf32>
    %dot_general3A_21 = tpu.matmul %get3A_20, %get3A_1, %dot_general3A {dimension_numbers = #tpu.dot_dimension_numbers<[1], [0], [0], [1], [0, 0, 1, 1], [], []>, transpose_lhs_hint = false} : vector<1000x128xf32>, vector<128x64xf32>, vector<1000x64xf32> -> vector<1000x64xf32>
    %get3A_22 = arith.constant 0 : index
    %get3A_23 = arith.constant 0 : index
    %get3A_24 = vector.load %arg6[%get3A_22, %get3A_23] : memref<1x64xf32, #tpu.memory_space<vmem>>, vector<1x64xf32>
    %add3A = vector.broadcast %get3A_24 : vector<1x64xf32> to vector<1000x64xf32>
    %add3A_25 = arith.addf %dot_general3A_21, %add3A : vector<1000x64xf32>
    %max3A = arith.constant 0.000000e+00 : f32
    %max3A_26 = vector.broadcast %max3A : f32 to vector<1000x64xf32>
    %max3A_27 = arith.maximumf %add3A_25, %max3A_26 : vector<1000x64xf32>
    %get3A_28 = arith.constant 0 : index
    %get3A_29 = arith.constant 0 : index
    %get3A_30 = vector.load %arg2[%get3A_28, %get3A_29] : memref<1000x128xf32, #tpu.memory_space<vmem>>, vector<1000x128xf32>
    %dot_general3A_31 = arith.constant dense<0.000000e+00> : vector<1000x64xf32>
    %dot_general3A_32 = tpu.matmul %get3A_30, %get3A_1, %dot_general3A_31 {dimension_numbers = #tpu.dot_dimension_numbers<[1], [0], [0], [1], [0, 0, 1, 1], [], []>, transpose_lhs_hint = false} : vector<1000x128xf32>, vector<128x64xf32>, vector<1000x64xf32> -> vector<1000x64xf32>
    %get3A_33 = arith.constant 0 : index
    %get3A_34 = arith.constant 0 : index
    %get3A_35 = vector.load %arg6[%get3A_33, %get3A_34] : memref<1x64xf32, #tpu.memory_space<vmem>>, vector<1x64xf32>
    %add3A_36 = vector.broadcast %get3A_35 : vector<1x64xf32> to vector<1000x64xf32>
    %add3A_37 = arith.addf %dot_general3A_32, %add3A_36 : vector<1000x64xf32>
    %max3A_38 = arith.constant 0.000000e+00 : f32
    %max3A_39 = vector.broadcast %max3A_38 : f32 to vector<1000x64xf32>
    %max3A_40 = arith.maximumf %add3A_37, %max3A_39 : vector<1000x64xf32>
    %concatenate3A_41 = tpu.concatenate %max3A_27, %max3A_40 in 1 : vector<1000x64xf32>, vector<1000x64xf32> -> vector<1000x128xf32>
    %dot_general3A_42 = arith.constant dense<0.000000e+00> : vector<1000x128xf32>
    %dot_general3A_43 = tpu.matmul %concatenate3A_41, %concatenate3A_10, %dot_general3A_42 {dimension_numbers = #tpu.dot_dimension_numbers<[1], [0], [0], [1], [0, 0, 1, 1], [], []>, transpose_lhs_hint = false} : vector<1000x128xf32>, vector<128x128xf32>, vector<1000x128xf32> -> vector<1000x128xf32>
    %swap3A = arith.constant 0 : index
    %swap3A_44 = arith.constant 0 : index
    %swap3A_45 = vector.load %arg12[%swap3A, %swap3A_44] : memref<1000x128xf32, #tpu.memory_space<vmem>>, vector<1000x128xf32>
    tpu.vector_store %arg12[%swap3A, %swap3A_44], %dot_general3A_43 {strides = array<i32>} : memref<1000x128xf32, #tpu.memory_space<vmem>>, vector<1000x128xf32>,
    %add3A_46 = vector.broadcast %concatenate3A_17 : vector<1x128xf32> to vector<1000x128xf32>
    %add3A_47 = arith.addf %dot_general3A_43, %add3A_46 : vector<1000x128xf32>
    %swap3A_48 = arith.constant 0 : index
    %swap3A_49 = arith.constant 0 : index
    %swap3A_50 = vector.load %arg13[%swap3A_48, %swap3A_49] : memref<1000x128xf32, #tpu.memory_space<vmem>>, vector<1000x128xf32>
    tpu.vector_store %arg13[%swap3A_48, %swap3A_49], %add3A_47 {strides = array<i32>} : memref<1000x128xf32, #tpu.memory_space<vmem>>, vector<1000x128xf32>,
    %get3A_51 = arith.constant 0 : index
    %get3A_52 = arith.constant 0 : index
    %get3A_53 = vector.load %arg3[%get3A_51, %get3A_52] : memref<1000x128xf32, #tpu.memory_space<vmem>>, vector<1000x128xf32>
    %dot_general3A_54 = arith.constant dense<0.000000e+00> : vector<1000x64xf32>
    %dot_general3A_55 = tpu.matmul %get3A_53, %get3A_4, %dot_general3A_54 {dimension_numbers = #tpu.dot_dimension_numbers<[1], [0], [0], [1], [0, 0, 1, 1], [], []>, transpose_lhs_hint = false} : vector<1000x128xf32>, vector<128x64xf32>, vector<1000x64xf32> -> vector<1000x64xf32>
    %get3A_56 = arith.constant 0 : index
    %get3A_57 = arith.constant 0 : index
    %get3A_58 = vector.load %arg8[%get3A_56, %get3A_57] : memref<1x64xf32, #tpu.memory_space<vmem>>, vector<1x64xf32>
    %add3A_59 = vector.broadcast %get3A_58 : vector<1x64xf32> to vector<1000x64xf32>
    %add3A_60 = arith.addf %dot_general3A_55, %add3A_59 : vector<1000x64xf32>
    %max3A_61 = arith.constant 0.000000e+00 : f32
    %max3A_62 = vector.broadcast %max3A_61 : f32 to vector<1000x64xf32>
    %max3A_63 = arith.maximumf %add3A_60, %max3A_62 : vector<1000x64xf32>
    %get3A_64 = arith.constant 0 : index
    %get3A_65 = arith.constant 0 : index
    %get3A_66 = vector.load %arg4[%get3A_64, %get3A_65] : memref<1000x128xf32, #tpu.memory_space<vmem>>, vector<1000x128xf32>
    %dot_general3A_67 = arith.constant dense<0.000000e+00> : vector<1000x64xf32>
    %dot_general3A_68 = tpu.matmul %get3A_66, %get3A_4, %dot_general3A_67 {dimension_numbers = #tpu.dot_dimension_numbers<[1], [0], [0], [1], [0, 0, 1, 1], [], []>, transpose_lhs_hint = false} : vector<1000x128xf32>, vector<128x64xf32>, vector<1000x64xf32> -> vector<1000x64xf32>
    %get3A_69 = arith.constant 0 : index
    %get3A_70 = arith.constant 0 : index
    %get3A_71 = vector.load %arg8[%get3A_69, %get3A_70] : memref<1x64xf32, #tpu.memory_space<vmem>>, vector<1x64xf32>
    %add3A_72 = vector.broadcast %get3A_71 : vector<1x64xf32> to vector<1000x64xf32>
    %add3A_73 = arith.addf %dot_general3A_68, %add3A_72 : vector<1000x64xf32>
    %max3A_74 = arith.constant 0.000000e+00 : f32
    %max3A_75 = vector.broadcast %max3A_74 : f32 to vector<1000x64xf32>
    %max3A_76 = arith.maximumf %add3A_73, %max3A_75 : vector<1000x64xf32>
    %concatenate3A_77 = tpu.concatenate %max3A_63, %max3A_76 in 1 : vector<1000x64xf32>, vector<1000x64xf32> -> vector<1000x128xf32>
    %dot_general3A_78 = arith.constant dense<0.000000e+00> : vector<1000x128xf32>
    %dot_general3A_79 = tpu.matmul %concatenate3A_77, %concatenate3A_10, %dot_general3A_78 {dimension_numbers = #tpu.dot_dimension_numbers<[1], [0], [0], [1], [0, 0, 1, 1], [], []>, transpose_lhs_hint = false} : vector<1000x128xf32>, vector<128x128xf32>, vector<1000x128xf32> -> vector<1000x128xf32>
    %add3A_80 = vector.broadcast %concatenate3A_17 : vector<1x128xf32> to vector<1000x128xf32>
    %add3A_81 = arith.addf %dot_general3A_79, %add3A_80 : vector<1000x128xf32>
    %swap3A_82 = arith.constant 0 : index
    %swap3A_83 = arith.constant 0 : index
    %swap3A_84 = vector.load %arg14[%swap3A_82, %swap3A_83] : memref<1000x128xf32, #tpu.memory_space<vmem>>, vector<1000x128xf32>
    tpu.vector_store %arg14[%swap3A_82, %swap3A_83], %add3A_81 {strides = array<i32>} : memref<1000x128xf32, #tpu.memory_space<vmem>>, vector<1000x128xf32>,
    %get3A_85 = arith.constant 0 : index
    %get3A_86 = arith.constant 0 : index
    %get3A_87 = vector.load %arg11[%get3A_85, %get3A_86] : memref<2500x128xf32, #tpu.memory_space<vmem>>, vector<2500x128xf32>
    %logistic3A = arith.negf %get3A_87 : vector<2500x128xf32>
    %logistic3A_88 = math.exp %logistic3A : vector<2500x128xf32>
    %logistic3A_89 = arith.constant 1.000000e+00 : f32
    %logistic3A_90 = vector.broadcast %logistic3A_89 : f32 to vector<2500x128xf32>
    %logistic3A_91 = arith.addf %logistic3A_90, %logistic3A_88 : vector<2500x128xf32>
    %logistic3A_92 = arith.divf %logistic3A_90, %logistic3A_91 : vector<2500x128xf32>
    %swap3A_93 = arith.constant 0 : index
    %swap3A_94 = arith.constant 0 : index
    %swap3A_95 = vector.load %arg15[%swap3A_93, %swap3A_94] : memref<2500x128xf32, #tpu.memory_space<vmem>>, vector<2500x128xf32>
    tpu.vector_store %arg15[%swap3A_93, %swap3A_94], %logistic3A_92 {strides = array<i32>} : memref<2500x128xf32, #tpu.memory_space<vmem>>, vector<2500x128xf32>,
    return
  }
  func.func @transform_0(%arg0: i32) -> (i32, i32) {
    %c0_i32 = arith.constant 0 : i32
    %c0_i32_0 = arith.constant 0 : i32
    return %arg0, %c0_i32 : i32, i32
  }
  func.func @transform_1(%arg0: i32) -> (i32, i32) {
    %add3A = arith.constant 5 : i32
    %add3A_0 = arith.addi %arg0, %add3A : i32
    %c0_i32 = arith.constant 0 : i32
    %c0_i32_1 = arith.constant 0 : i32
    return %add3A_0, %c0_i32 : i32, i32
  }
  func.func @transform_2(%arg0: i32) -> (i32, i32) {
    %c0_i32 = arith.constant 0 : i32
    %c0_i32_0 = arith.constant 0 : i32
    return %arg0, %c0_i32 : i32, i32
  }
  func.func @transform_3(%arg0: i32) -> (i32, i32) {
    %add3A = arith.constant 5 : i32
    %add3A_0 = arith.addi %arg0, %add3A : i32
    %c0_i32 = arith.constant 0 : i32
    %c0_i32_1 = arith.constant 0 : i32
    return %add3A_0, %c0_i32 : i32, i32
  }
  func.func @transform_4(%arg0: i32) -> (i32, i32) {
    %c0_i32 = arith.constant 0 : i32
    %c0_i32_0 = arith.constant 0 : i32
    %c0_i32_1 = arith.constant 0 : i32
    return %c0_i32, %c0_i32_0 : i32, i32
  }
  func.func @transform_5(%arg0: i32) -> (i32, i32) {
    %c0_i32 = arith.constant 0 : i32
    %c0_i32_0 = arith.constant 0 : i32
    %c0_i32_1 = arith.constant 0 : i32
    return %c0_i32, %c0_i32_0 : i32, i32
  }
  func.func @transform_6(%arg0: i32) -> (i32, i32) {
    %c0_i32 = arith.constant 0 : i32
    %c0_i32_0 = arith.constant 0 : i32
    %c0_i32_1 = arith.constant 0 : i32
    return %c0_i32, %c0_i32_0 : i32, i32
  }
  func.func @transform_7(%arg0: i32) -> (i32, i32) {
    %c0_i32 = arith.constant 0 : i32
    %c0_i32_0 = arith.constant 0 : i32
    %c0_i32_1 = arith.constant 0 : i32
    return %c0_i32, %c0_i32_0 : i32, i32
  }
  func.func @transform_8(%arg0: i32) -> (i32, i32) {
    %c0_i32 = arith.constant 0 : i32
    %c0_i32_0 = arith.constant 0 : i32
    %c0_i32_1 = arith.constant 0 : i32
    return %c0_i32, %c0_i32_0 : i32, i32
  }
  func.func @transform_9(%arg0: i32) -> (i32, i32) {
    %c0_i32 = arith.constant 0 : i32
    %c0_i32_0 = arith.constant 0 : i32
    %c0_i32_1 = arith.constant 0 : i32
    return %c0_i32, %c0_i32_0 : i32, i32
  }
  func.func @transform_10(%arg0: i32) -> (i32, i32) {
    %c0_i32 = arith.constant 0 : i32
    %c0_i32_0 = arith.constant 0 : i32
    %c0_i32_1 = arith.constant 0 : i32
    return %c0_i32, %c0_i32_0 : i32, i32
  }
  func.func @transform_11(%arg0: i32) -> (i32, i32) {
    %c0_i32 = arith.constant 0 : i32
    %c0_i32_0 = arith.constant 0 : i32
    return %arg0, %c0_i32 : i32, i32
  }
  func.func @transform_12(%arg0: i32) -> (i32, i32) {
    %c0_i32 = arith.constant 0 : i32
    %c0_i32_0 = arith.constant 0 : i32
    return %arg0, %c0_i32 : i32, i32
  }
  func.func @transform_13(%arg0: i32) -> (i32, i32) {
    %c0_i32 = arith.constant 0 : i32
    %c0_i32_0 = arith.constant 0 : i32
    return %arg0, %c0_i32 : i32, i32
  }
  func.func @transform_14(%arg0: i32) -> (i32, i32) {
    %c0_i32 = arith.constant 0 : i32
    %c0_i32_0 = arith.constant 0 : i32
    %c0_i32_1 = arith.constant 0 : i32
    return %c0_i32, %c0_i32_0 : i32, i32
  }
}

module attributes {stable_mosaic.version = 14 : i64} {
  func.func @_tc2_body(%arg0: i32, %arg1: memref<1000x128xf32, #tpu.memory_space<vmem>>, %arg2: memref<1x1000x128xf32, #tpu.memory_space<vmem>>, %arg3: memref<1x1000x128xf32, #tpu.memory_space<vmem>>, %arg4: memref<1000x128xf32, #tpu.memory_space<vmem>>) attributes {dimension_semantics = [#tpu.dimension_semantics<parallel>], iteration_bounds = array<i64: 5>, scalar_prefetch = 0 : i64, scratch_operands = 0 : i64, tpu.core_type = #tpu.core_type<tc>, window_params = [{transform_indices = @transform_0, window_bounds = array<i64: 1000, 128>}, {transform_indices = @transform_1, window_bounds = array<i64: 1, 1000, 128>}, {transform_indices = @transform_2, window_bounds = array<i64: 1, 1000, 128>}, {transform_indices = @transform_3, window_bounds = array<i64: 1000, 128>}]} {
    %get3A = arith.constant 0 : index
    %get3A_0 = arith.constant 0 : index
    %get3A_1 = vector.load %arg1[%get3A, %get3A_0] : memref<1000x128xf32, #tpu.memory_space<vmem>>, vector<1000x128xf32>
    %get3A_2 = arith.constant 0 : index
    %get3A_3 = arith.constant 0 : index
    %get3A_4 = arith.constant 0 : index
    %get3A_5 = vector.load %arg2[%get3A_2, %get3A_3, %get3A_4] : memref<1x1000x128xf32, #tpu.memory_space<vmem>>, vector<1x1000x128xf32>
    %get3A_6 = vector.shape_cast %get3A_5 : vector<1x1000x128xf32> to vector<1000x128xf32>
    %add3A = arith.addf %get3A_1, %get3A_6 : vector<1000x128xf32>
    %get3A_7 = arith.constant 0 : index
    %get3A_8 = arith.constant 0 : index
    %get3A_9 = arith.constant 0 : index
    %get3A_10 = vector.load %arg3[%get3A_7, %get3A_8, %get3A_9] : memref<1x1000x128xf32, #tpu.memory_space<vmem>>, vector<1x1000x128xf32>
    %get3A_11 = vector.shape_cast %get3A_10 : vector<1x1000x128xf32> to vector<1000x128xf32>
    %add3A_12 = arith.addf %add3A, %get3A_11 : vector<1000x128xf32>
    %swap3A = arith.constant 0 : index
    %swap3A_13 = arith.constant 0 : index
    %swap3A_14 = vector.load %arg4[%swap3A, %swap3A_13] : memref<1000x128xf32, #tpu.memory_space<vmem>>, vector<1000x128xf32>
    tpu.vector_store %arg4[%swap3A, %swap3A_13], %add3A_12 {strides = array<i32>} : memref<1000x128xf32, #tpu.memory_space<vmem>>, vector<1000x128xf32>,
    return
  }
  func.func @transform_0(%arg0: i32) -> (i32, i32) {
    %c0_i32 = arith.constant 0 : i32
    %c0_i32_0 = arith.constant 0 : i32
    return %arg0, %c0_i32 : i32, i32
  }
  func.func @transform_1(%arg0: i32) -> (i32, i32, i32) {
    %c0_i32 = arith.constant 0 : i32
    %c0_i32_0 = arith.constant 0 : i32
    %c0_i32_1 = arith.constant 0 : i32
    return %c0_i32, %arg0, %c0_i32_0 : i32, i32, i32
  }
  func.func @transform_2(%arg0: i32) -> (i32, i32, i32) {
    %c1_i32 = arith.constant 1 : i32
    %c0_i32 = arith.constant 0 : i32
    %c0_i32_0 = arith.constant 0 : i32
    return %c1_i32, %arg0, %c0_i32 : i32, i32, i32
  }
  func.func @transform_3(%arg0: i32) -> (i32, i32) {
    %c0_i32 = arith.constant 0 : i32
    %c0_i32_0 = arith.constant 0 : i32
    return %arg0, %c0_i32 : i32, i32
  }
}

</mosaic_0001>

<sc_bundles>
// kernel: kernel.6.cloned.1.call-start
scs
__scs_entry_jumppad:
0x0: {  	(pc) =	sbr.rel $0x88, $3  }
0x1: {  	(tag) =	ssettag $0x0;
	lr =	simm.s32 $0x1  }
0x2: {  	[smem:$0x3F96] =	sst lr;
	_ =	strace $0xD0000000  }
0x3: {  	_ = 	snop  }
0x4: {  	_ = 	snop  }
0x5: {  	_ = 	snop  }
0x6: {  	_ = 	snop  }
0x7: {  	_ = 	snop  }
__scs_overlays_trampoline_lowered:
0x8: {  	[smem:$0x3FA5] =	sst s0  }
0x9: {  	[smem:$0x3FA6] =	sst s1  }
0xa: {  	[smem:$0x3FA7] =	sst s2  }
0xb: {  	[smem:$0x3FA8] =	sst s3  }
0xc: {  	[smem:$0x3FA9] =	sst s4  }
0xd: {  	[smem:$0x3FAA] =	sst s5  }
0xe: {  	[smem:$0x3FAB] =	sst s6  }
0xf: {  	[smem:$0x3FAC] =	sst s7  }
0x10: {  	[smem:$0x3FAD] =	sst s8  }
0x11: {  	[smem:$0x3FAE] =	sst s9;
	s0 =	simm.s32 @!p0 $0x0  }
0x12: {  	s1 =	sld [smem:$0x3F94];
	s0 =	simm.s32 @p0 $0x1  }
0x13: {  	[smem:$0x3FAF] =	sst s0;
	s0 =	simm.s32 @!p1 $0x0  }
0x14: {  	s2 =	sld [smem:$0x3F93];
	s0 =	simm.s32 @p1 $0x1  }
0x15: {  	[smem:$0x3FB0] =	sst s0;
	s0 =	simm.s32 @!p2 $0x0  }
0x16: {  	s3 =	sld [smem:$0x3FDB];
	s0 =	simm.s32 @p2 $0x1  }
0x17: {  	s4 =	simm.s32 $0x1BF5;
	[smem:$0x3FB2] =	sst s0  }
0x18: {  	s0 =	sld [smem:$0x3F95];
	_ =	swait.ge [sflag:s4], $0x0  }
0x19: {  	s7 =	sld [smem:$0x3F96]  }
0x1a: {  	s8 =	sadd.s32 $0xFFFFE003, lr  }
0x1b: {  	s9 =	sadd.s32 $0xFFFFFEF7, lr;
	s5 =	simm.s32 $0xFFFFFFFF;
	p2 =	slt.u32 s8, $0xFFFFF086  }
0x1c: {  	p1 =	slt.u32 s9, $0xF7A;
	s5 =	simm.s32 @!p2 $0x0  }
0x1d: {  	s5 =	simm.s32 @p1 $0x1;
	p0 =	seq.s32 s7, s2  }
0x1e: {  	s7 =	smul.u32 @!p0 $0xF7A, s2;
	p2 =	seq.s32 @!p0 s5, $0x0  }
0x1f: {  	s9 =	smul.u32 $0xF7A, s1;
	s8 =	simm.s32 @!p0 $0x1BF5;
	p2 =	por !p2, p0  }
0x20: {  	[sflag:s8] =	ssyncset.s32 @!p0 $0xFFFFF086;
	s6 =	sadd.s32 @!p0 s3, s7;
	s7 =	simm.s32 @!p0 $0x108  }
0x21: {  	s3 =	sadd.s32 s3, s9;
	s6 =	sadd.s32 @!p0 $0x88, s6;
	s7 =	simm.s32 @p2 $0x1082  }
0x22: {  	[simem:s7], [sflag:s8] =	dma.local @!p0 [hbm:s6], $0xF7A  }
0x23: {  	s9 =	sor.u32 $0xD0000000, s2;
	s6 =	simm.s32 $0x108;
	_ =	swait.ge @!p0 [sflag:s8], $0x0  }
0x24: {  	s3 =	sadd.s32 $0x88, s3;
	s6 =	simm.s32 @!p1 $0x1082;
	[sflag:s4] =	ssyncset.s32 $0xFFFFF086  }
0x25: {  	[simem:s6], [sflag:s4] =	dma.local [hbm:s3], $0xF7A  }
0x26: {  	[smem:$0x3F96] =	sst s1;
	(tag) =	ssettag s2;
	_ =	strace s9  }
0x27: {  	s1 =	sld [smem:$0x3FA6]  }
0x28: {  	s2 =	sld [smem:$0x3FA7]  }
0x29: {  	s4 =	sld [smem:$0x3FA9]  }
0x2a: {  	p0 =	seq.s32 s5, $0x0;
	s5 =	sld [smem:$0x3FAA]  }
0x2b: {  	s6 =	sld [smem:$0x3FAB]  }
0x2c: {  	s7 =	sld [smem:$0x3FAC]  }
0x2d: {  	s3 =	simm.s32 $0x108;
	s8 =	sld [smem:$0x3FAD]  }
0x2e: {  	s3 =	simm.s32 @!p0 $0x1082;
	s9 =	sld [smem:$0x3FAE]  }
0x2f: {  	lr =	sadd.s32 s0, s3;
	s0 =	sld [smem:$0x3FA5]  }
0x30: {  	s3 =	sld [smem:$0x3FA8]  }
0x31: {  	[smem:$0x3FB1] =	sst s10  }
0x32: {  	s10 =	sld [smem:$0x3FAF];
	_ =	sdelay $0x3  }
0x33: {  	p0 =	seq.s32 s10, $0x1;
	s10 =	sld [smem:$0x3FB1];
	_ =	sdelay $0x3  }
0x34: {  	[smem:$0x3FB1] =	sst s10  }
0x35: {  	s10 =	sld [smem:$0x3FB0];
	_ =	sdelay $0x3  }
0x36: {  	p1 =	seq.s32 s10, $0x1;
	s10 =	sld [smem:$0x3FB1];
	_ =	sdelay $0x3  }
0x37: {  	[smem:$0x3FB1] =	sst s10  }
0x38: {  	s10 =	sld [smem:$0x3FB2]  }
0x39: {  	_ = 	snop;
	(pc) =	sbr.ind lr, $3  }
0x3a: {  	_ = 	snop  }
0x3b: {  	_ = 	snop  }
0x3c: {  	p2 =	seq.s32 s10, $0x1;
	s10 =	sld [smem:$0x3FB1]  }
0x3d: {  	_ =	shalt  }
0x3e: {  	_ =	shalt  }
0x3f: {  	_ =	shalt  }
0x40: {  	_ =	shalt  }
0x41: {  	_ =	shalt  }
0x42: {  	_ =	shalt  }
0x43: {  	_ =	shalt  }
0x44: {  	_ =	shalt  }
0x45: {  	_ =	shalt  }
0x46: {  	_ =	shalt  }
0x47: {  	_ =	shalt  }
0x48: {  	_ =	shalt  }
0x49: {  	_ =	shalt  }
0x4a: {  	_ =	shalt  }
0x4b: {  	_ =	shalt  }
0x4c: {  	_ =	shalt  }
0x4d: {  	_ =	shalt  }
0x4e: {  	_ =	shalt  }
0x4f: {  	_ =	shalt  }
0x50: {  	_ =	shalt  }
0x51: {  	_ =	shalt  }
0x52: {  	_ =	shalt  }
0x53: {  	_ =	shalt  }
0x54: {  	_ =	shalt  }
0x55: {  	_ =	shalt  }
0x56: {  	_ =	shalt  }
0x57: {  	_ =	shalt  }
0x58: {  	_ =	shalt  }
0x59: {  	_ =	shalt  }
0x5a: {  	_ =	shalt  }
0x5b: {  	_ =	shalt  }
0x5c: {  	_ =	shalt  }
0x5d: {  	_ =	shalt  }
0x5e: {  	_ =	shalt  }
0x5f: {  	_ =	shalt  }
0x60: {  	_ =	shalt  }
0x61: {  	_ =	shalt  }
0x62: {  	_ =	shalt  }
0x63: {  	_ =	shalt  }
0x64: {  	_ =	shalt  }
0x65: {  	_ =	shalt  }
0x66: {  	_ =	shalt  }
0x67: {  	_ =	shalt  }
0x68: {  	_ =	shalt  }
0x69: {  	_ =	shalt  }
0x6a: {  	_ =	shalt  }
0x6b: {  	_ =	shalt  }
0x6c: {  	_ =	shalt  }
0x6d: {  	_ =	shalt  }
0x6e: {  	_ =	shalt  }
0x6f: {  	_ =	shalt  }
0x70: {  	_ =	shalt  }
0x71: {  	_ =	shalt  }
0x72: {  	_ =	shalt  }
0x73: {  	_ =	shalt  }
0x74: {  	_ =	shalt  }
0x75: {  	_ =	shalt  }
0x76: {  	_ =	shalt  }
0x77: {  	_ =	shalt  }
0x78: {  	_ =	shalt  }
0x79: {  	_ =	shalt  }
0x7a: {  	_ =	shalt  }
0x7b: {  	_ =	shalt  }
0x7c: {  	_ =	shalt  }
0x7d: {  	_ =	shalt  }
0x7e: {  	_ =	shalt  }
0x7f: {  	_ =	shalt  }
0x80: {  	_ =	shalt  }
0x81: {  	_ =	shalt  }
0x82: {  	_ =	shalt  }
0x83: {  	_ =	shalt  }
0x84: {  	_ =	shalt  }
0x85: {  	_ =	shalt  }
0x86: {  	_ =	shalt  }
0x87: {  	_ =	shalt  }
.Lfunc_end0:
.L_simem_size_0:
called_computation_lowered:
.L_overlay_start_0:
0x88: {  	s2 =	sld [smem:$0x3FD9]  }
0x89: {  	s3 =	sld [smem:$0x3FFE];
	_ =	sdelay $0x1  }
0x8a: {  	s1 =	srdreg.scid  }
0x8b: {  	s0 =	sand.u32 $0x1, s1  }
0x8c: {  	s17 =	sshll.u32 s0, $0xA;
	s2 =	sadd.s32 s3, s2  }
0x8d: {  	s2 =	sadd.s32 s2, s17  }
0x8e: {  	[smem:$0x3FBD] =	sst s2  }
0x8f: {  	_ = 	snop  }
0x90: {  	s2 =	sld [smem:$0x3FD0];
	(tm) =	ssettm $0x1  }
0x91: {  	s18 =	sld [smem:$0x3FFB];
	_ =	sdelay $0x3  }
0x92: {  	_ =	strace s18  }
0x93: {  	s3 =	sld [smem:$0x3FFC];
	_ =	sdelay $0x3  }
0x94: {  	_ =	strace s3  }
0x95: {  	s3 =	sld [smem:$0x3FFD];
	_ =	sdelay $0x3  }
0x96: {  	_ =	strace s3  }
0x97: {  	_ =	strace $0x8FFFFFFF  }
0x98: {  	s19 =	sld [smem:$0x3FDB];
	_ =	sdelay $0x1  }
0x99: {  	s4 =	simm.s32 $_scs_section_size  }
0x9a: {  	s5 =	simm.s32 $_size__tile_overlayer_lowered;
	s6 =	simm.s32 $_tile_overlayer_lowered  }
0x9b: {  	s22 =	simm.s32 $0x1BFF;
	s21 =	sshll.u32 s6, $0x1;
	s3 =	sadd.s32 s4, s19  }
0x9c: {  	s7 =	simm.s32 $0x0;
	s20 =	sshll.u32 s5, $0x1;
	s5 =	sadd.s32 s21, s3  }
0x9d: {  	[timem:s7], [sflag:s22] =	dma.local [hbm:s5], s20  }
0x9e: {  	_ =	swait.ge [sflag:s22], s20  }
0x9f: {  	s4 =	ssub.s32 $0x0, s20;
	[sflag:s22] =	ssyncset.done $0x0  }
0xa0: {  	[sflag:s22] =	ssyncadd.s32 s4;
	_ =	sdelay $0x1  }
0xa1: {  	s23 =	simm.s32 $0x1B8B  }
0xa2: {  	_ =	swait.ge [sflag:s23], $0x1  }
0xa3: {  	[sflag:s23] =	ssyncset.done $0x0  }
0xa4: {  	s25 =	simm.s32 $0x1B8E;
	s24 =	sld [smem:$0x3FFE];
	[sflag:s23] =	ssyncadd.s32 $0xFFFFFFFF  }
0xa5: {  	s26 =	simm.s32 $execute0_lowered;
	[smem:$0x3FD2] =	sst s25  }
0xa6: {  	s5 =	sshll.u32 s26, $0x1;
	_ =	strace $0x80000046;
	[dreg:$0x1] =	wrdreg $0xFFFFFFFF  }
0xa7: {  	s28 =	simm.s32 $_size_execute0_lowered;
	s3 =	sadd.s32 s3, s5;
	[dreg:$0x0] =	wrdreg $0x0  }
0xa8: {  	s5 =	sshll.u32 s28, $0x1;
	[dreg:$0x2] =	wrdreg s3  }
0xa9: {  	[dreg:$0x3] =	wrdreg s5  }
0xaa: {  	[dreg:$0x4] =	wrdreg $0xC0  }
0xab: {  	_ =	task [dreg:s7], $0x5FFFF  }
0xac: {  	[dreg:$0x1] =	wrdreg $0xFFFFFFFF  }
0xad: {  	[dreg:$0x0] =	wrdreg $0x60  }
0xae: {  	[dreg:$0x2] =	wrdreg s24  }
0xaf: {  	[dreg:$0x3] =	wrdreg s2  }
0xb0: {  	[dreg:$0x4] =	wrdreg $0xD9300  }
0xb1: {  	[dreg:$0x5] =	wrdreg $0x9  }
0xb2: {  	_ =	task.clear_ibuf [dreg:s7], $0x6FFFF;
	_ =	strace $0x90000046  }
0xb3: {  	s29 =	simm.s32 $0x9;
	_ =	strace $0x80000048  }
0xb4: {  	_ =	swait.ge [sflag:s29], $0x1  }
0xb5: {  	[sflag:s29] =	ssyncadd.s32 $0xFFFFFFFF  }
0xb6: {  	_ =	strace $0x90000048  }
0xb7: {  	_ =	sfence  }
0xb8: {  	s30 =	sld [smem:$0x0];
	_ =	sdelay $0x2  }
0xb9: {  	s31 =	sshll.u32 s1, $0xD;
	s1 =	sshrl.u32 s1, $0x2  }
0xba: {  	s3 =	sand.u32 $0x4000, s31;
	s1 =	sadd.s32 s1, s30  }
0xbb: {  	s0 =	sor.u32 s3, s0;
	s1 =	sshll.u32 s1, $0x11  }
0xbc: {  	s0 =	sor.u32 s1, s0  }
0xbd: {  	s0 =	sadd.s32 $0x8F2B, s0  }
0xbe: {  	[sflag:s0] =	ssyncadd.remote.s32 $0x1  }
0xbf: {  	_ =	sfence.sel $0xFFFF  }
0xc0: {  	[dreg:$0x0] =	wrdreg $0xFFFFFFFF;
	(pc) =	sbr.abs _section_cstart, $3  }
0xc1: {  	[dreg:$0x1] =	wrdreg $0xFFFFFFFF  }
0xc2: {  	_ =	task.clear_ibuf [dreg:s7], $0x2FFFF;
	_ =	strace $0x9FFFFFFF  }
0xc3: {  	(tm) =	ssettm $0x7FFFFFFF  }
tec
execute0_lowered:
.L_overlay_start_1:
0x0: {  	(tag) =	ssettag $0x1  }
0x1: {  	s0 =	rddreg [dreg:$0x0]  }
0x2: {  	s1 =	srdreg.scid;
	s5 =	rddreg [dreg:$0x1]  }
0x3: {  	s12 =	stileid.u32;
	s2 =	rddreg [dreg:$0x2]  }
0x4: {  	s22 =	simm.s32 $0x0;
	s14 =	simm.s32 $0x4E20;
	s15 =	simm.s32 $0x50  }
0x5: {  	s16 =	simm.s32 $0x7530;
	s17 =	simm.s32 $0x8930;
	s19 =	simm.s32 $0x9D30  }
0x6: {  	s20 =	simm.s32 $0x1;
	s21 =	simm.s32 $0xB130;
	s28 =	simm.s32 $0x5  }
0x7: {  	s31 =	simm.s32 $0x8;
	s13 =	simm.s32 $0x0;
	s1 =	sand.u32 $0x1, s1  }
0x8: {  	s3 =	sshll.u32 s12, $0x1;
	[smem:$0x7FF] =	sst s22;
	s6 =	smul.u32 $0x9E00, s12  }
0x9: {  	s25 =	sshll.u32 s12, $0x6;
	s12 =	simm.s32 $0xB;
	s22 =	simm.s32 $0x2  }
0xa: {  	s4 =	sor.u32 s1, s3;
	_ =	strace $0x80000047;
	s8 =	smul.u32 $0x13C00, s1  }
0xb: {  	s1 =	ssub.s32 $0x2, s1;
	s3 =	sor.u32 $0x1C0B, s25;
	s25 =	simm.s32 $0x3  }
0xc: {  	s7 =	smul.u32 $0x4E2, s4;
	s4 =	sadd.s32 $0x28600, s0;
	s10 =	sshrl.u32 s6, $0x3  }
0xd: {  	s23 =	sshrl.u32 s1, $0x1;
	s24 =	sadd.s32 s6, s2;
	s11 =	sadd.s32 s10, s0  }
0xe: {  	[dreg:$0x9] =	wrdreg s3;
	s1 =	ssub.s32 s1, s23;
	s26 =	sadd.s32 $0x3C000, s11  }
0xf: {  	s9 =	sadd.s32 s7, s0;
	s5 =	sadd.s32 s5, s7;
	[dreg:$0x4] =	wrdreg s26  }
.Ltmp0:
0x10: {  	s1 =	smax.u32 s1, $0x1;
	[dreg:$0x5] =	wrdreg s5;
	(pc) =	sbr.rel .LBB2_1-.Ltmp0, $4  }
0x11: {  	s0 =	sadd.s32 s8, s0;
	s29 =	sadd.s32 $0x1000, s9;
	[dreg:$0x8] =	wrdreg s1  }
0x12: {  	s30 =	sadd.s32 $0x1E800, s9;
	s0 =	sadd.s32 $0x4FC00, s0;
	[dreg:$0x6] =	wrdreg s29  }
0x13: {  	s23 =	simm.s32 $0xC530;
	[dreg:$0x7] =	wrdreg s30;
	s0 =	sadd.s32 s10, s0  }
0x14: {  	s1 =	sshrl.u32 s24, $0x3;
	s26 =	simm.s32 $0x4;
	[dreg:$0xa] =	wrdreg s0  }
.LBB2_14:
0x15: {  	s0 =	simm.s32 $0x6  }
0x16: {  	_ =	swait.ge [sflag:s0], $0x1400  }
0x17: {  	[sflag:s0] =	ssyncset.done $0x0  }
0x18: {  	s10 =	simm.s32 $0x7;
	[sflag:s0] =	ssyncadd.s32 $0xFFFFEC00  }
0x19: {  	_ =	swait.ge [sflag:s10], $0x1400  }
0x1a: {  	[sflag:s10] =	ssyncset.done $0x0  }
0x1b: {  	[sflag:s10] =	ssyncadd.s32 $0xFFFFEC00  }
0x1c: {  	_ =	swait.ge [sflag:s31], $0x1400  }
0x1d: {  	[sflag:s31] =	ssyncset.done $0x0  }
0x1e: {  	s18 =	simm.s32 $0x9;
	[sflag:s31] =	ssyncadd.s32 $0xFFFFEC00  }
0x1f: {  	_ =	swait.ge [sflag:s18], $0x1400  }
0x20: {  	[sflag:s18] =	ssyncset.done $0x0  }
0x21: {  	s24 =	simm.s32 $0xA;
	[sflag:s18] =	ssyncadd.s32 $0xFFFFEC00  }
0x22: {  	_ =	swait.ge [sflag:s24], $0x1400  }
0x23: {  	[sflag:s24] =	ssyncset.done $0x0  }
0x24: {  	[sflag:s24] =	ssyncadd.s32 $0xFFFFEC00  }
0x25: {  	[bflag:$0x0] =	sbarrier.arrive $0xFFFF  }
0x26: {  	s3 =	rddreg [dreg:$0x9]  }
0x27: {  	s29 =	rddreg [dreg:$0xa]  }
0x28: {  	[hbm:s29], [sflag:s3] =	dma.local [spmem:s11], $0x13C0  }
0x29: {  	_ =	swait.ge [sflag:s12], $0x13C0  }
0x2a: {  	s13 =	sadd.s32 $0x1, s13;
	s30 =	rddreg [dreg:$0x8]  }
0x2b: {  	p0 =	sne.s32 s13, s30  }
.Ltmp1:
0x2c: {  	_ = 	snop;
	(pc) =	sbr.rel @!p0 .LBB2_15-.Ltmp1, $3  }
0x2d: {  	_ =	sdelay $0x1  }
0x2e: {  	[sflag:s12] =	ssyncset.done $0x0  }
0x2f: {  	s1 =	smov.u32 s11;
	[sflag:s12] =	ssyncadd.s32 $0xFFFFEC40  }
.LBB2_1:
0x30: {  	s0 =	rddreg [dreg:$0x4]  }
0x31: {  	[spmem:s1], [sflag:s3] =	dma.local [hbm:s0], $0x13C0  }
0x32: {  	_ =	swait.ge [sflag:s12], $0x13C0  }
0x33: {  	[sflag:s12] =	ssyncset.done $0x0  }
0x34: {  	s9 =	simm.s32 $0x0;
	s10 =	rddreg [dreg:$0x5];
	[sflag:s12] =	ssyncadd.s32 $0xFFFFEC40  }
0x35: {  	[tilespmem:s9], [sflag:$0xB] =	stream.linear.gather [hbm4b:s10+s9], $0x2710, $0x38;
	[tilespmem:$0x17730] =	vst v63  }
0x36: {  	_ =	swait.ge [sflag:s12], $0x2710  }
0x37: {  	[sflag:s12] =	ssyncset.done $0x0  }
0x38: {  	s24 =	simm.s32 $0x2710;
	s18 =	rddreg [dreg:$0x6];
	[sflag:s12] =	ssyncadd.s32 $0xFFFFD8F0  }
0x39: {  	[tilespmem:s24], [sflag:$0xB] =	stream.linear.gather [hbm4b:s18+s9], $0x2710, $0x38;
	[tilespmem:$0x17730] =	vst v63  }
0x3a: {  	_ =	swait.ge [sflag:s12], $0x2710  }
0x3b: {  	[sflag:s12] =	ssyncset.done $0x0  }
0x3c: {  	s29 =	rddreg [dreg:$0x7];
	[sflag:s12] =	ssyncadd.s32 $0xFFFFD8F0  }
0x3d: {  	[tilespmem:s14], [sflag:$0xB] =	stream.linear.gather [hbm4b:s29+s9], $0x2710, $0x38;
	[tilespmem:$0x17730] =	vst v63  }
0x3e: {  	_ =	swait.ge [sflag:s12], $0x2710  }
0x3f: {  	[sflag:s12] =	ssyncset.done $0x0  }
0x40: {  	[sflag:s12] =	ssyncadd.s32 $0xFFFFD8F0  }
0x41: {  	[bflag:$0x0] =	sbarrier.arrive $0xFFFF  }
0x42: {  	[tilespmem:s16], [sflag:$0x1] =	stream.indirect.gather [hbm4b:s4+s15], $0x40, s9, s15, $0xb8;
	[tilespmem:$0x17730] =	vst v63  }
0x43: {  	s11 =	smov.u32 s1  }
0x44: {  	[tilespmem:s17], [sflag:$0x2] =	stream.indirect.gather [hbm4b:s4+s15], $0x40, s15, s15, $0xb8;
	[tilespmem:$0x17730] =	vst v63  }
0x45: {  	s30 =	simm.s32 $0xA0;
	s5 =	simm.s32 $0x0;
	s18 =	simm.s32 $0x0  }
0x46: {  	[tilespmem:s19], [sflag:$0x3] =	stream.indirect.gather [hbm4b:s4+s15], $0x40, s30, s15, $0xb8;
	[tilespmem:$0x17730] =	vst v63  }
.LBB2_2:
0x47: {  	s1 =	sadd.s32 $0xFFFFFFFC, s18  }
0x48: {  	s7 =	sadd.s32 $0x6, s1  }
0x49: {  	v0 =	vmov s7  }
0x4a: {  	v0 =	vand.u32 $0xFFFFFFFE, v0  }
0x4b: {  	s29 =	sadd.s32 $0x4, s1;
	v0 =	vbroadcast v0, $0x0  }
0x4c: {  	_ =	swait.ge [sflag:s20], $0x1400;
	v1 =	vmov s29  }
0x4d: {  	[sflag:s20] =	ssyncset.done $0x0;
	v1 =	vand.u32 $0xFFFFFFFC, v1  }
0x4e: {  	s30 =	sadd.s32 $0x5, s1;
	[sflag:s20] =	ssyncadd.s32 $0xFFFFEC00;
	s7 =	simm.s32 $0x75B0;
	v3 =	vbroadcast v1, $0x0  }
0x4f: {  	s1 =	sadd.s32 $0x7, s1;
	v2 =	vmov s30;
	v5 =	vld [tilespmem:s7+$0x30]  }
0x50: {  	v4 =	vmov s1;
	v8 =	vld [tilespmem:s7+$0xFFFFFF80];
	v1 =	vand.u32 $0xFFFFFFFD, v2  }
0x51: {  	v2 =	vbroadcast v1, $0x0;
	v1 =	vld.idx.msk [tilespmem:v0+s14+$0x0], $0xffff  }
0x52: {  	v7 =	vld [tilespmem:s7+$0xFFFFFF90]  }
0x53: {  	v6 =	vld [tilespmem:s7+$0xFFFFFFA0]  }
0x54: {  	v3 =	vld.idx.msk [tilespmem:v3+s14+$0x0], $0xffff  }
0x55: {  	v0 =	vld.idx.msk [tilespmem:v4+s14+$0x0], $0xffff  }
0x56: {  	v4 =	vld [tilespmem:s7+$0xFFFFFFB0];
	v5 =	vmul.f32 v5, v1  }
0x57: {  	v2 =	vld.idx.msk [tilespmem:v2+s14+$0x0], $0xffff  }
0x58: {  	s9 =	simm.s32 $0x0;
	s8 =	simm.s32 $0x75B0;
	[tilespmem:s7+$0x30] =	vst v5;
	v5 =	vld [tilespmem:s7+$0xFFFFFFC0]  }
.LBB2_3:
0x59: {  	s1 =	sadd.s32 s9, s18;
	s9 =	sadd.s32 $0x4, s9;
	v8 =	vmul.f32 v8, v3;
	v9 =	vld [tilespmem:s7+$0xFFFFFFD0]  }
0x5a: {  	s10 =	sadd.s32 $0x4, s1;
	s24 =	sadd.s32 $0x6, s1;
	p0 =	slt.u32 s9, $0x4C;
	v7 =	vmul.f32 v7, v3;
	v10 =	vld [tilespmem:s7+$0xFFFFFFE0]  }
0x5b: {  	v11 =	vmov s10;
	s10 =	sadd.s32 $0x5, s1;
	v12 =	vmov s24;
	s1 =	sadd.s32 $0x7, s1;
	[tilespmem:s7+$0xFFFFFF80] =	vst v8;
	v6 =	vmul.f32 v6, v3;
	v8 =	vld [tilespmem:s7+$0xFFFFFFF0]  }
0x5c: {  	v11 =	vand.u32 $0xFFFFFFFC, v11;
	v13 =	vmov s10;
	v12 =	vand.u32 $0xFFFFFFFE, v12;
	[tilespmem:s7+$0xFFFFFF90] =	vst v7;
	v7 =	vld [tilespmem:s7+$0x0]  }
0x5d: {  	v11 =	vbroadcast v11, $0x0;
	v13 =	vand.u32 $0xFFFFFFFD, v13;
	v12 =	vbroadcast v12, $0x0;
	[tilespmem:s7+$0xFFFFFFA0] =	vst v6;
	v6 =	vld [tilespmem:s7+$0x10]  }
0x5e: {  	v14 =	vmov s1;
	v3 =	vmul.f32 v4, v3;
	v13 =	vbroadcast v13, $0x0;
	v4 =	vld [tilespmem:s7+$0x20]  }
0x5f: {  	v5 =	vmul.f32 v5, v2;
	v9 =	vmul.f32 v9, v2;
	v15 =	vld [tilespmem:s7+$0x40]  }
0x60: {  	[tilespmem:s7+$0xFFFFFFB0] =	vst v3;
	v3 =	vmul.f32 v10, v2;
	v2 =	vmul.f32 v8, v2;
	v8 =	vld [tilespmem:s7+$0x50]  }
0x61: {  	[tilespmem:s7+$0xFFFFFFC0] =	vst v5;
	v5 =	vmul.f32 v7, v1;
	v7 =	vld [tilespmem:s7+$0x60]  }
0x62: {  	[tilespmem:s7+$0xFFFFFFD0] =	vst v9;
	v6 =	vmul.f32 v6, v1;
	v9 =	vld [tilespmem:s7+$0x70]  }
0x63: {  	s7 =	sadd.s32 $0x100, s7;
	[tilespmem:s8+$0xFFFFFFE0] =	vst v3;
	v4 =	vmul.f32 v4, v1;
	v1 =	vld.idx.msk [tilespmem:v12+s14+$0x0], $0xffff  }
0x64: {  	v10 =	vld [tilespmem:s7+$0x30];
	[tilespmem:s8+$0xFFFFFFF0] =	vst v2;
	v12 =	vmul.f32 v15, v0  }
0x65: {  	v3 =	vld.idx.msk [tilespmem:v11+s14+$0x0], $0xffff;
	[tilespmem:s8+$0x0] =	vst v5;
	v5 =	vmul.f32 v8, v0  }
0x66: {  	v2 =	vld.idx.msk [tilespmem:v13+s14+$0x0], $0xffff;
	[tilespmem:s8+$0x10] =	vst v6;
	v11 =	vmul.f32 v7, v0  }
0x67: {  	[tilespmem:s8+$0x20] =	vst v4;
	v9 =	vmul.f32 v9, v0;
	v0 =	vld.idx.msk [tilespmem:v14+s14+$0x0], $0xffff  }
.Ltmp2:
0x68: {  	v8 =	vld [tilespmem:s7+$0xFFFFFF80];
	[tilespmem:s8+$0x40] =	vst v12;
	(pc) =	sbr.rel @p0 .LBB2_3-.Ltmp2, $4  }
0x69: {  	v7 =	vld [tilespmem:s7+$0xFFFFFF90];
	v10 =	vmul.f32 v10, v1;
	[tilespmem:s8+$0x50] =	vst v5  }
0x6a: {  	v6 =	vld [tilespmem:s7+$0xFFFFFFA0];
	[tilespmem:s8+$0x60] =	vst v11  }
0x6b: {  	v4 =	vld [tilespmem:s7+$0xFFFFFFB0];
	[tilespmem:s7+$0x30] =	vst v10  }
0x6c: {  	v5 =	vld [tilespmem:s7+$0xFFFFFFC0];
	[tilespmem:s8+$0x70] =	vst v9;
	s8 =	smov.u32 s7  }
0x6d: {  	v8 =	vmul.f32 v8, v3;
	v9 =	vld [tilespmem:s7+$0xFFFFFFD0]  }
0x6e: {  	v10 =	vld [tilespmem:s7+$0xFFFFFFE0];
	v7 =	vmul.f32 v7, v3  }
0x6f: {  	[tilespmem:s7+$0xFFFFFF80] =	vst v8;
	v6 =	vmul.f32 v6, v3;
	v8 =	vld [tilespmem:s7+$0xFFFFFFF0]  }
0x70: {  	[tilespmem:s7+$0xFFFFFF90] =	vst v7;
	v7 =	vld [tilespmem:s7+$0x0];
	v3 =	vmul.f32 v4, v3  }
0x71: {  	v4 =	vld [tilespmem:s7+$0x10];
	[tilespmem:s7+$0xFFFFFFA0] =	vst v6;
	v5 =	vmul.f32 v5, v2  }
0x72: {  	v6 =	vld [tilespmem:s7+$0x20];
	v9 =	vmul.f32 v9, v2;
	[tilespmem:s7+$0xFFFFFFB0] =	vst v3  }
0x73: {  	v3 =	vld [tilespmem:s7+$0x40];
	v10 =	vmul.f32 v10, v2;
	[tilespmem:s7+$0xFFFFFFC0] =	vst v5  }
0x74: {  	v5 =	vld [tilespmem:s7+$0x50];
	v2 =	vmul.f32 v8, v2;
	[tilespmem:s7+$0xFFFFFFD0] =	vst v9  }
0x75: {  	v8 =	vld [tilespmem:s7+$0x60];
	v7 =	vmul.f32 v7, v1;
	[tilespmem:s8+$0xFFFFFFE0] =	vst v10  }
0x76: {  	v9 =	vld [tilespmem:s7+$0x70];
	v4 =	vmul.f32 v4, v1;
	[tilespmem:s8+$0xFFFFFFF0] =	vst v2  }
0x77: {  	v1 =	vmul.f32 v6, v1;
	[tilespmem:s8+$0x0] =	vst v7  }
0x78: {  	v2 =	vmul.f32 v3, v0;
	[tilespmem:s8+$0x10] =	vst v4  }
0x79: {  	s24 =	smul.u32 $0x5, s5;
	v3 =	vmul.f32 v5, v0;
	[tilespmem:s8+$0x20] =	vst v1  }
0x7a: {  	s10 =	smul.u32 $0x640, s5;
	v1 =	vmul.f32 v8, v0;
	[tilespmem:s8+$0x40] =	vst v2  }
0x7b: {  	s9 =	sadd.s32 $0xFFFFFFFC, s18;
	s6 =	sadd.s32 $0xFFFFFFFE, s24;
	v0 =	vmul.f32 v9, v0;
	[tilespmem:s8+$0x50] =	vst v3  }
0x7c: {  	s0 =	sadd.s32 $0x3, s24;
	p0 =	sgt.u32 s6, $0x77;
	s7 =	sshra.s32 s10, $0x2;
	[tilespmem:s8+$0x60] =	vst v1  }
0x7d: {  	s29 =	simm.s32 @!p0 $0x9;
	s1 =	sadd.s32 $0x2710, s7;
	[tilespmem:s8+$0x70] =	vst v0;
	s8 =	sadd.s32 $0x56, s9  }
0x7e: {  	[spmem:s2] =	stream.indirect.scatter.add.f32 [tilespmem:s16], [sflag:$0x6], $0x40, s1, s15, $0xb8;
	v0 =	vmov s8;
	[tilespmem:$0x17730] =	vst v63  }
0x7f: {  	s3 =	smul.u32 $0x140, s0;
	s6 =	sadd.s32 $0x54, s9;
	_ =	swait.ge @!p0 [sflag:s29], $0x1400;
	v0 =	vand.u32 $0xFFFFFFFE, v0  }
0x80: {  	s30 =	sadd.s32 $0x55, s9;
	v1 =	vmov s6;
	[sflag:s29] =	ssyncset.done @!p0 $0x0;
	v0 =	vbroadcast v0, $0x0  }
0x81: {  	v2 =	vmov s30;
	s8 =	sshra.s32 s3, $0x2;
	v1 =	vand.u32 $0xFFFFFFFC, v1;
	[sflag:s29] =	ssyncadd.s32 @!p0 $0xFFFFEC00  }
0x82: {  	v3 =	vbroadcast v1, $0x0;
	v1 =	vand.u32 $0xFFFFFFFD, v2;
	[tilespmem:s21], [sflag:$0x4] =	stream.indirect.gather [hbm4b:s4+s15], $0x40, s8, s15, $0xb8;
	[tilespmem:$0x17730] =	vst v63  }
0x83: {  	v2 =	vbroadcast v1, $0x0;
	_ =	swait.ge [sflag:s22], $0x1400  }
0x84: {  	s9 =	sadd.s32 $0x57, s9;
	[sflag:s22] =	ssyncset.done $0x0  }
0x85: {  	v4 =	vmov s9;
	[sflag:s22] =	ssyncadd.s32 $0xFFFFEC00  }
0x86: {  	s9 =	simm.s32 $0x89B0;
	v1 =	vld.idx.msk [tilespmem:v0+s14+$0x0], $0xffff  }
0x87: {  	v5 =	vld [tilespmem:s9+$0x30]  }
0x88: {  	v3 =	vld.idx.msk [tilespmem:v3+s14+$0x0], $0xffff  }
0x89: {  	v2 =	vld.idx.msk [tilespmem:v2+s14+$0x0], $0xffff  }
0x8a: {  	v0 =	vld.idx.msk [tilespmem:v4+s14+$0x0], $0xffff  }
0x8b: {  	v8 =	vld [tilespmem:s9+$0xFFFFFF80]  }
0x8c: {  	v7 =	vld [tilespmem:s9+$0xFFFFFF90]  }
0x8d: {  	v6 =	vld [tilespmem:s9+$0xFFFFFFA0];
	v5 =	vmul.f32 v5, v1  }
0x8e: {  	v4 =	vld [tilespmem:s9+$0xFFFFFFB0]  }
0x8f: {  	s30 =	sadd.s32 $0x1, s24;
	s1 =	simm.s32 $0x0;
	s29 =	simm.s32 $0x89B0;
	[tilespmem:s9+$0x30] =	vst v5;
	v5 =	vld [tilespmem:s9+$0xFFFFFFC0]  }
.LBB2_5:
0x90: {  	s0 =	sadd.s32 s1, s18;
	s1 =	sadd.s32 $0x4, s1;
	v8 =	vmul.f32 v8, v3;
	v9 =	vld [tilespmem:s9+$0xFFFFFFD0]  }
0x91: {  	s3 =	sadd.s32 $0x54, s0;
	s6 =	sadd.s32 $0x56, s0;
	p0 =	slt.u32 s1, $0x4C;
	v7 =	vmul.f32 v7, v3;
	v10 =	vld [tilespmem:s9+$0xFFFFFFE0]  }
0x92: {  	v11 =	vmov s3;
	s3 =	sadd.s32 $0x55, s0;
	v12 =	vmov s6;
	s0 =	sadd.s32 $0x57, s0;
	[tilespmem:s9+$0xFFFFFF80] =	vst v8;
	v6 =	vmul.f32 v6, v3;
	v8 =	vld [tilespmem:s9+$0xFFFFFFF0]  }
0x93: {  	v11 =	vand.u32 $0xFFFFFFFC, v11;
	v13 =	vmov s3;
	v12 =	vand.u32 $0xFFFFFFFE, v12;
	[tilespmem:s9+$0xFFFFFF90] =	vst v7;
	v7 =	vld [tilespmem:s9+$0x0]  }
0x94: {  	v11 =	vbroadcast v11, $0x0;
	v13 =	vand.u32 $0xFFFFFFFD, v13;
	v12 =	vbroadcast v12, $0x0;
	[tilespmem:s9+$0xFFFFFFA0] =	vst v6;
	v6 =	vld [tilespmem:s9+$0x10]  }
0x95: {  	v14 =	vmov s0;
	v3 =	vmul.f32 v4, v3;
	v13 =	vbroadcast v13, $0x0;
	v4 =	vld [tilespmem:s9+$0x20]  }
0x96: {  	v5 =	vmul.f32 v5, v2;
	v9 =	vmul.f32 v9, v2;
	v15 =	vld [tilespmem:s9+$0x40]  }
0x97: {  	[tilespmem:s9+$0xFFFFFFB0] =	vst v3;
	v3 =	vmul.f32 v10, v2;
	v2 =	vmul.f32 v8, v2;
	v8 =	vld [tilespmem:s9+$0x50]  }
0x98: {  	[tilespmem:s9+$0xFFFFFFC0] =	vst v5;
	v5 =	vmul.f32 v7, v1;
	v7 =	vld [tilespmem:s9+$0x60]  }
0x99: {  	[tilespmem:s9+$0xFFFFFFD0] =	vst v9;
	v6 =	vmul.f32 v6, v1;
	v9 =	vld [tilespmem:s9+$0x70]  }
0x9a: {  	s9 =	sadd.s32 $0x100, s9;
	[tilespmem:s29+$0xFFFFFFE0] =	vst v3;
	v4 =	vmul.f32 v4, v1;
	v1 =	vld.idx.msk [tilespmem:v12+s14+$0x0], $0xffff  }
0x9b: {  	v10 =	vld [tilespmem:s9+$0x30];
	[tilespmem:s29+$0xFFFFFFF0] =	vst v2;
	v12 =	vmul.f32 v15, v0  }
0x9c: {  	v3 =	vld.idx.msk [tilespmem:v11+s14+$0x0], $0xffff;
	[tilespmem:s29+$0x0] =	vst v5;
	v5 =	vmul.f32 v8, v0  }
0x9d: {  	v2 =	vld.idx.msk [tilespmem:v13+s14+$0x0], $0xffff;
	[tilespmem:s29+$0x10] =	vst v6;
	v11 =	vmul.f32 v7, v0  }
0x9e: {  	[tilespmem:s29+$0x20] =	vst v4;
	v9 =	vmul.f32 v9, v0;
	v0 =	vld.idx.msk [tilespmem:v14+s14+$0x0], $0xffff  }
.Ltmp3:
0x9f: {  	v8 =	vld [tilespmem:s9+$0xFFFFFF80];
	[tilespmem:s29+$0x40] =	vst v12;
	(pc) =	sbr.rel @p0 .LBB2_5-.Ltmp3, $4  }
0xa0: {  	v7 =	vld [tilespmem:s9+$0xFFFFFF90];
	v10 =	vmul.f32 v10, v1;
	[tilespmem:s29+$0x50] =	vst v5  }
0xa1: {  	v6 =	vld [tilespmem:s9+$0xFFFFFFA0];
	[tilespmem:s29+$0x60] =	vst v11  }
0xa2: {  	v4 =	vld [tilespmem:s9+$0xFFFFFFB0];
	[tilespmem:s9+$0x30] =	vst v10  }
0xa3: {  	v5 =	vld [tilespmem:s9+$0xFFFFFFC0];
	[tilespmem:s29+$0x70] =	vst v9;
	s29 =	smov.u32 s9  }
0xa4: {  	v8 =	vmul.f32 v8, v3;
	v9 =	vld [tilespmem:s9+$0xFFFFFFD0]  }
0xa5: {  	v10 =	vld [tilespmem:s9+$0xFFFFFFE0];
	v7 =	vmul.f32 v7, v3  }
0xa6: {  	[tilespmem:s9+$0xFFFFFF80] =	vst v8;
	v6 =	vmul.f32 v6, v3;
	v8 =	vld [tilespmem:s9+$0xFFFFFFF0]  }
0xa7: {  	[tilespmem:s9+$0xFFFFFF90] =	vst v7;
	v7 =	vld [tilespmem:s9+$0x0];
	v3 =	vmul.f32 v4, v3  }
0xa8: {  	v4 =	vld [tilespmem:s9+$0x10];
	[tilespmem:s9+$0xFFFFFFA0] =	vst v6;
	v5 =	vmul.f32 v5, v2  }
0xa9: {  	v6 =	vld [tilespmem:s9+$0x20];
	v9 =	vmul.f32 v9, v2;
	[tilespmem:s9+$0xFFFFFFB0] =	vst v3  }
0xaa: {  	v3 =	vld [tilespmem:s9+$0x40];
	v10 =	vmul.f32 v10, v2;
	[tilespmem:s9+$0xFFFFFFC0] =	vst v5  }
0xab: {  	v5 =	vld [tilespmem:s9+$0x50];
	v2 =	vmul.f32 v8, v2;
	[tilespmem:s9+$0xFFFFFFD0] =	vst v9  }
0xac: {  	v8 =	vld [tilespmem:s9+$0x60];
	v7 =	vmul.f32 v7, v1;
	[tilespmem:s29+$0xFFFFFFE0] =	vst v10  }
0xad: {  	v9 =	vld [tilespmem:s9+$0x70];
	v4 =	vmul.f32 v4, v1;
	[tilespmem:s29+$0xFFFFFFF0] =	vst v2  }
0xae: {  	v1 =	vmul.f32 v6, v1;
	[tilespmem:s29+$0x0] =	vst v7  }
0xaf: {  	v2 =	vmul.f32 v3, v0;
	[tilespmem:s29+$0x10] =	vst v4  }
0xb0: {  	v3 =	vmul.f32 v5, v0;
	[tilespmem:s29+$0x20] =	vst v1  }
0xb1: {  	s0 =	smul.u32 $0x140, s30;
	v1 =	vmul.f32 v8, v0;
	[tilespmem:s29+$0x40] =	vst v2  }
0xb2: {  	s6 =	sadd.s32 $0xFFFFFFFF, s24;
	s1 =	sadd.s32 $0xFFFFFFFC, s18;
	v0 =	vmul.f32 v9, v0;
	[tilespmem:s29+$0x50] =	vst v3  }
0xb3: {  	s3 =	sadd.s32 $0x4, s24;
	p0 =	sgt.u32 s6, $0x77;
	s0 =	sshra.s32 s0, $0x2;
	[tilespmem:s29+$0x60] =	vst v1  }
0xb4: {  	s6 =	simm.s32 @!p0 $0xA;
	s0 =	sadd.s32 $0x2710, s0;
	s9 =	sadd.s32 $0xA6, s1;
	[tilespmem:s29+$0x70] =	vst v0  }
0xb5: {  	v0 =	vmov s9;
	[spmem:s2] =	stream.indirect.scatter.add.f32 [tilespmem:s17], [sflag:$0x7], $0x40, s0, s15, $0xb8;
	[tilespmem:$0x17730] =	vst v63  }
0xb6: {  	s9 =	sadd.s32 $0xA4, s1;
	s0 =	smul.u32 $0x140, s3;
	v0 =	vand.u32 $0xFFFFFFFE, v0;
	_ =	swait.ge @!p0 [sflag:s6], $0x1400  }
0xb7: {  	v1 =	vmov s9;
	v0 =	vbroadcast v0, $0x0;
	[sflag:s6] =	ssyncset.done @!p0 $0x0  }
0xb8: {  	v1 =	vand.u32 $0xFFFFFFFC, v1;
	s9 =	sshra.s32 s0, $0x2;
	[sflag:s6] =	ssyncadd.s32 @!p0 $0xFFFFEC00  }
0xb9: {  	v3 =	vbroadcast v1, $0x0;
	[tilespmem:s23], [sflag:$0x5] =	stream.indirect.gather [hbm4b:s4+s15], $0x40, s9, s15, $0xb8;
	[tilespmem:$0x17730] =	vst v63  }
0xba: {  	s3 =	sadd.s32 $0xA5, s1;
	_ =	swait.ge [sflag:s25], $0x1400  }
0xbb: {  	v2 =	vmov s3;
	[sflag:s25] =	ssyncset.done $0x0  }
0xbc: {  	v1 =	vand.u32 $0xFFFFFFFD, v2;
	[sflag:s25] =	ssyncadd.s32 $0xFFFFEC00  }
0xbd: {  	s29 =	simm.s32 $0x9DB0;
	v2 =	vbroadcast v1, $0x0;
	v1 =	vld.idx.msk [tilespmem:v0+s14+$0x0], $0xffff  }
0xbe: {  	s6 =	sadd.s32 $0xA7, s1;
	v5 =	vld [tilespmem:s29+$0x30]  }
0xbf: {  	v4 =	vmov s6;
	v3 =	vld.idx.msk [tilespmem:v3+s14+$0x0], $0xffff  }
0xc0: {  	v8 =	vld [tilespmem:s29+$0xFFFFFF80]  }
0xc1: {  	v7 =	vld [tilespmem:s29+$0xFFFFFF90]  }
0xc2: {  	v6 =	vld [tilespmem:s29+$0xFFFFFFA0]  }
0xc3: {  	v2 =	vld.idx.msk [tilespmem:v2+s14+$0x0], $0xffff  }
0xc4: {  	v0 =	vld.idx.msk [tilespmem:v4+s14+$0x0], $0xffff;
	v5 =	vmul.f32 v5, v1  }
0xc5: {  	v4 =	vld [tilespmem:s29+$0xFFFFFFB0]  }
0xc6: {  	s30 =	sadd.s32 $0x2, s24;
	s24 =	simm.s32 $0x9DB0;
	s1 =	simm.s32 $0x0;
	[tilespmem:s29+$0x30] =	vst v5;
	v5 =	vld [tilespmem:s29+$0xFFFFFFC0]  }
.LBB2_7:
0xc7: {  	s0 =	sadd.s32 s1, s18;
	s1 =	sadd.s32 $0x4, s1;
	v8 =	vmul.f32 v8, v3;
	v9 =	vld [tilespmem:s29+$0xFFFFFFD0]  }
0xc8: {  	s3 =	sadd.s32 $0xA4, s0;
	s6 =	sadd.s32 $0xA6, s0;
	p0 =	slt.u32 s1, $0x4C;
	v7 =	vmul.f32 v7, v3;
	v10 =	vld [tilespmem:s29+$0xFFFFFFE0]  }
0xc9: {  	v11 =	vmov s3;
	s3 =	sadd.s32 $0xA5, s0;
	v12 =	vmov s6;
	s0 =	sadd.s32 $0xA7, s0;
	[tilespmem:s29+$0xFFFFFF80] =	vst v8;
	v6 =	vmul.f32 v6, v3;
	v8 =	vld [tilespmem:s29+$0xFFFFFFF0]  }
0xca: {  	v11 =	vand.u32 $0xFFFFFFFC, v11;
	v13 =	vmov s3;
	v12 =	vand.u32 $0xFFFFFFFE, v12;
	[tilespmem:s29+$0xFFFFFF90] =	vst v7;
	v7 =	vld [tilespmem:s29+$0x0]  }
0xcb: {  	v11 =	vbroadcast v11, $0x0;
	v13 =	vand.u32 $0xFFFFFFFD, v13;
	v12 =	vbroadcast v12, $0x0;
	[tilespmem:s29+$0xFFFFFFA0] =	vst v6;
	v6 =	vld [tilespmem:s29+$0x10]  }
0xcc: {  	v14 =	vmov s0;
	v3 =	vmul.f32 v4, v3;
	v13 =	vbroadcast v13, $0x0;
	v4 =	vld [tilespmem:s29+$0x20]  }
0xcd: {  	v5 =	vmul.f32 v5, v2;
	v9 =	vmul.f32 v9, v2;
	v15 =	vld [tilespmem:s29+$0x40]  }
0xce: {  	[tilespmem:s29+$0xFFFFFFB0] =	vst v3;
	v3 =	vmul.f32 v10, v2;
	v2 =	vmul.f32 v8, v2;
	v8 =	vld [tilespmem:s29+$0x50]  }
0xcf: {  	[tilespmem:s29+$0xFFFFFFC0] =	vst v5;
	v5 =	vmul.f32 v7, v1;
	v7 =	vld [tilespmem:s29+$0x60]  }
0xd0: {  	[tilespmem:s29+$0xFFFFFFD0] =	vst v9;
	v6 =	vmul.f32 v6, v1;
	v9 =	vld [tilespmem:s29+$0x70]  }
0xd1: {  	s29 =	sadd.s32 $0x100, s29;
	[tilespmem:s24+$0xFFFFFFE0] =	vst v3;
	v4 =	vmul.f32 v4, v1;
	v1 =	vld.idx.msk [tilespmem:v12+s14+$0x0], $0xffff  }
0xd2: {  	v10 =	vld [tilespmem:s29+$0x30];
	[tilespmem:s24+$0xFFFFFFF0] =	vst v2;
	v12 =	vmul.f32 v15, v0  }
0xd3: {  	v3 =	vld.idx.msk [tilespmem:v11+s14+$0x0], $0xffff;
	[tilespmem:s24+$0x0] =	vst v5;
	v5 =	vmul.f32 v8, v0  }
0xd4: {  	v2 =	vld.idx.msk [tilespmem:v13+s14+$0x0], $0xffff;
	[tilespmem:s24+$0x10] =	vst v6;
	v11 =	vmul.f32 v7, v0  }
0xd5: {  	[tilespmem:s24+$0x20] =	vst v4;
	v9 =	vmul.f32 v9, v0;
	v0 =	vld.idx.msk [tilespmem:v14+s14+$0x0], $0xffff  }
.Ltmp4:
0xd6: {  	v8 =	vld [tilespmem:s29+$0xFFFFFF80];
	[tilespmem:s24+$0x40] =	vst v12;
	(pc) =	sbr.rel @p0 .LBB2_7-.Ltmp4, $4  }
0xd7: {  	v7 =	vld [tilespmem:s29+$0xFFFFFF90];
	v10 =	vmul.f32 v10, v1;
	[tilespmem:s24+$0x50] =	vst v5  }
0xd8: {  	v6 =	vld [tilespmem:s29+$0xFFFFFFA0];
	[tilespmem:s24+$0x60] =	vst v11  }
0xd9: {  	v4 =	vld [tilespmem:s29+$0xFFFFFFB0];
	[tilespmem:s29+$0x30] =	vst v10  }
0xda: {  	v5 =	vld [tilespmem:s29+$0xFFFFFFC0];
	[tilespmem:s24+$0x70] =	vst v9;
	s24 =	smov.u32 s29  }
0xdb: {  	v8 =	vmul.f32 v8, v3;
	v9 =	vld [tilespmem:s29+$0xFFFFFFD0]  }
0xdc: {  	v10 =	vld [tilespmem:s29+$0xFFFFFFE0];
	v7 =	vmul.f32 v7, v3  }
0xdd: {  	[tilespmem:s29+$0xFFFFFF80] =	vst v8;
	v6 =	vmul.f32 v6, v3;
	v8 =	vld [tilespmem:s29+$0xFFFFFFF0]  }
0xde: {  	[tilespmem:s29+$0xFFFFFF90] =	vst v7;
	v7 =	vld [tilespmem:s29+$0x0];
	v3 =	vmul.f32 v4, v3  }
0xdf: {  	v4 =	vld [tilespmem:s29+$0x10];
	[tilespmem:s29+$0xFFFFFFA0] =	vst v6;
	v5 =	vmul.f32 v5, v2  }
0xe0: {  	v6 =	vld [tilespmem:s29+$0x20];
	v9 =	vmul.f32 v9, v2;
	[tilespmem:s29+$0xFFFFFFB0] =	vst v3  }
0xe1: {  	v3 =	vld [tilespmem:s29+$0x40];
	v10 =	vmul.f32 v10, v2;
	[tilespmem:s29+$0xFFFFFFC0] =	vst v5  }
0xe2: {  	v5 =	vld [tilespmem:s29+$0x50];
	v2 =	vmul.f32 v8, v2;
	[tilespmem:s29+$0xFFFFFFD0] =	vst v9  }
0xe3: {  	v8 =	vld [tilespmem:s29+$0x60];
	v7 =	vmul.f32 v7, v1;
	[tilespmem:s24+$0xFFFFFFE0] =	vst v10  }
0xe4: {  	v9 =	vld [tilespmem:s29+$0x70];
	v4 =	vmul.f32 v4, v1;
	[tilespmem:s24+$0xFFFFFFF0] =	vst v2  }
0xe5: {  	v1 =	vmul.f32 v6, v1;
	[tilespmem:s24+$0x0] =	vst v7  }
0xe6: {  	v2 =	vmul.f32 v3, v0;
	[tilespmem:s24+$0x10] =	vst v4  }
0xe7: {  	v3 =	vmul.f32 v5, v0;
	[tilespmem:s24+$0x20] =	vst v1  }
0xe8: {  	s0 =	smul.u32 $0x140, s30;
	v1 =	vmul.f32 v8, v0;
	[tilespmem:s24+$0x40] =	vst v2  }
0xe9: {  	v0 =	vmul.f32 v9, v0;
	[tilespmem:s24+$0x50] =	vst v3  }
0xea: {  	s0 =	sshra.s32 s0, $0x2;
	[tilespmem:s24+$0x60] =	vst v1  }
0xeb: {  	p0 =	seq.s32 s5, $0x18;
	s0 =	sadd.s32 $0x2710, s0;
	[tilespmem:s24+$0x70] =	vst v0  }
0xec: {  	[spmem:s2] =	stream.indirect.scatter.add.f32 [tilespmem:s19], [sflag:$0x8], $0x40, s0, s15, $0xb8;
	[tilespmem:$0x17730] =	vst v63  }
0xed: {  	s1 =	simm.s32 @!p0 $0x6;
	s0 =	sadd.s32 $0xFFFFFFFC, s18  }
0xee: {  	s10 =	sshra.s32 @!p0 s10, $0x2;
	s3 =	sadd.s32 $0xF6, s0;
	_ =	swait.ge @!p0 [sflag:s1], $0x1400  }
0xef: {  	s6 =	simm.s32 @!p0 $0x50;
	s24 =	sadd.s32 $0xF4, s0;
	v0 =	vmov s3;
	[sflag:s1] =	ssyncset.done @!p0 $0x0  }
0xf0: {  	v1 =	vmov s24;
	s3 =	sadd.s32 @!p0 $0x190, s10;
	s24 =	simm.s32 @!p0 $0x7530;
	v0 =	vand.u32 $0xFFFFFFFE, v0;
	[sflag:s1] =	ssyncadd.s32 @!p0 $0xFFFFEC00  }
0xf1: {  	v0 =	vbroadcast v0, $0x0;
	[tilespmem:s24], [sflag:$0x1] =	stream.indirect.gather @!p0 [hbm4b:s4+s6], $0x40, s3, s6, $0xb8;
	[tilespmem:$0x17730] =	vst v63  }
0xf2: {  	_ =	swait.ge [sflag:s26], $0x1400  }
0xf3: {  	v1 =	vand.u32 $0xFFFFFFFC, v1;
	[sflag:s26] =	ssyncset.done $0x0  }
0xf4: {  	s30 =	sadd.s32 $0xF5, s0;
	v3 =	vbroadcast v1, $0x0;
	s24 =	simm.s32 $0xB1B0;
	[sflag:s26] =	ssyncadd.s32 $0xFFFFEC00  }
0xf5: {  	s0 =	sadd.s32 $0xF7, s0;
	v2 =	vmov s30;
	v5 =	vld [tilespmem:s24+$0x30]  }
0xf6: {  	v4 =	vmov s0;
	v1 =	vand.u32 $0xFFFFFFFD, v2;
	v8 =	vld [tilespmem:s24+$0xFFFFFF80]  }
0xf7: {  	v2 =	vbroadcast v1, $0x0;
	v1 =	vld.idx.msk [tilespmem:v0+s14+$0x0], $0xffff  }
0xf8: {  	v7 =	vld [tilespmem:s24+$0xFFFFFF90]  }
0xf9: {  	v6 =	vld [tilespmem:s24+$0xFFFFFFA0]  }
0xfa: {  	v3 =	vld.idx.msk [tilespmem:v3+s14+$0x0], $0xffff  }
0xfb: {  	v0 =	vld.idx.msk [tilespmem:v4+s14+$0x0], $0xffff  }
0xfc: {  	v4 =	vld [tilespmem:s24+$0xFFFFFFB0];
	v5 =	vmul.f32 v5, v1  }
0xfd: {  	v2 =	vld.idx.msk [tilespmem:v2+s14+$0x0], $0xffff  }
0xfe: {  	s29 =	simm.s32 $0xB1B0;
	s1 =	simm.s32 $0x0;
	[tilespmem:s24+$0x30] =	vst v5;
	v5 =	vld [tilespmem:s24+$0xFFFFFFC0]  }
.LBB2_9:
0xff: {  	s0 =	sadd.s32 s1, s18;
	s1 =	sadd.s32 $0x4, s1;
	v8 =	vmul.f32 v8, v3;
	v9 =	vld [tilespmem:s24+$0xFFFFFFD0]  }
0x100: {  	s3 =	sadd.s32 $0xF4, s0;
	s6 =	sadd.s32 $0xF6, s0;
	p1 =	slt.u32 s1, $0x4C;
	v7 =	vmul.f32 v7, v3;
	v10 =	vld [tilespmem:s24+$0xFFFFFFE0]  }
0x101: {  	v11 =	vmov s3;
	s3 =	sadd.s32 $0xF5, s0;
	v12 =	vmov s6;
	s0 =	sadd.s32 $0xF7, s0;
	[tilespmem:s24+$0xFFFFFF80] =	vst v8;
	v6 =	vmul.f32 v6, v3;
	v8 =	vld [tilespmem:s24+$0xFFFFFFF0]  }
0x102: {  	v11 =	vand.u32 $0xFFFFFFFC, v11;
	v13 =	vmov s3;
	v12 =	vand.u32 $0xFFFFFFFE, v12;
	[tilespmem:s24+$0xFFFFFF90] =	vst v7;
	v7 =	vld [tilespmem:s24+$0x0]  }
0x103: {  	v11 =	vbroadcast v11, $0x0;
	v13 =	vand.u32 $0xFFFFFFFD, v13;
	v12 =	vbroadcast v12, $0x0;
	[tilespmem:s24+$0xFFFFFFA0] =	vst v6;
	v6 =	vld [tilespmem:s24+$0x10]  }
0x104: {  	v14 =	vmov s0;
	v3 =	vmul.f32 v4, v3;
	v13 =	vbroadcast v13, $0x0;
	v4 =	vld [tilespmem:s24+$0x20]  }
0x105: {  	v5 =	vmul.f32 v5, v2;
	v9 =	vmul.f32 v9, v2;
	v15 =	vld [tilespmem:s24+$0x40]  }
0x106: {  	[tilespmem:s24+$0xFFFFFFB0] =	vst v3;
	v3 =	vmul.f32 v10, v2;
	v2 =	vmul.f32 v8, v2;
	v8 =	vld [tilespmem:s24+$0x50]  }
0x107: {  	[tilespmem:s24+$0xFFFFFFC0] =	vst v5;
	v5 =	vmul.f32 v7, v1;
	v7 =	vld [tilespmem:s24+$0x60]  }
0x108: {  	[tilespmem:s24+$0xFFFFFFD0] =	vst v9;
	v6 =	vmul.f32 v6, v1;
	v9 =	vld [tilespmem:s24+$0x70]  }
0x109: {  	s24 =	sadd.s32 $0x100, s24;
	[tilespmem:s29+$0xFFFFFFE0] =	vst v3;
	v4 =	vmul.f32 v4, v1;
	v1 =	vld.idx.msk [tilespmem:v12+s14+$0x0], $0xffff  }
0x10a: {  	v10 =	vld [tilespmem:s24+$0x30];
	[tilespmem:s29+$0xFFFFFFF0] =	vst v2;
	v12 =	vmul.f32 v15, v0  }
0x10b: {  	v3 =	vld.idx.msk [tilespmem:v11+s14+$0x0], $0xffff;
	[tilespmem:s29+$0x0] =	vst v5;
	v5 =	vmul.f32 v8, v0  }
0x10c: {  	v2 =	vld.idx.msk [tilespmem:v13+s14+$0x0], $0xffff;
	[tilespmem:s29+$0x10] =	vst v6;
	v11 =	vmul.f32 v7, v0  }
0x10d: {  	[tilespmem:s29+$0x20] =	vst v4;
	v9 =	vmul.f32 v9, v0;
	v0 =	vld.idx.msk [tilespmem:v14+s14+$0x0], $0xffff  }
.Ltmp5:
0x10e: {  	v8 =	vld [tilespmem:s24+$0xFFFFFF80];
	[tilespmem:s29+$0x40] =	vst v12;
	(pc) =	sbr.rel @p1 .LBB2_9-.Ltmp5, $4  }
0x10f: {  	v7 =	vld [tilespmem:s24+$0xFFFFFF90];
	v10 =	vmul.f32 v10, v1;
	[tilespmem:s29+$0x50] =	vst v5  }
0x110: {  	v6 =	vld [tilespmem:s24+$0xFFFFFFA0];
	[tilespmem:s29+$0x60] =	vst v11  }
0x111: {  	v4 =	vld [tilespmem:s24+$0xFFFFFFB0];
	[tilespmem:s24+$0x30] =	vst v10  }
0x112: {  	v5 =	vld [tilespmem:s24+$0xFFFFFFC0];
	[tilespmem:s29+$0x70] =	vst v9;
	s29 =	smov.u32 s24  }
0x113: {  	v8 =	vmul.f32 v8, v3;
	v9 =	vld [tilespmem:s24+$0xFFFFFFD0]  }
0x114: {  	v10 =	vld [tilespmem:s24+$0xFFFFFFE0];
	v7 =	vmul.f32 v7, v3  }
0x115: {  	[tilespmem:s24+$0xFFFFFF80] =	vst v8;
	v6 =	vmul.f32 v6, v3;
	v8 =	vld [tilespmem:s24+$0xFFFFFFF0]  }
0x116: {  	[tilespmem:s24+$0xFFFFFF90] =	vst v7;
	v7 =	vld [tilespmem:s24+$0x0];
	v3 =	vmul.f32 v4, v3  }
0x117: {  	v4 =	vld [tilespmem:s24+$0x10];
	[tilespmem:s24+$0xFFFFFFA0] =	vst v6;
	v5 =	vmul.f32 v5, v2  }
0x118: {  	v6 =	vld [tilespmem:s24+$0x20];
	v9 =	vmul.f32 v9, v2;
	[tilespmem:s24+$0xFFFFFFB0] =	vst v3  }
0x119: {  	v3 =	vld [tilespmem:s24+$0x40];
	v10 =	vmul.f32 v10, v2;
	[tilespmem:s24+$0xFFFFFFC0] =	vst v5  }
0x11a: {  	v5 =	vld [tilespmem:s24+$0x50];
	v2 =	vmul.f32 v8, v2;
	[tilespmem:s24+$0xFFFFFFD0] =	vst v9  }
0x11b: {  	v8 =	vld [tilespmem:s24+$0x60];
	v7 =	vmul.f32 v7, v1;
	[tilespmem:s29+$0xFFFFFFE0] =	vst v10  }
0x11c: {  	v9 =	vld [tilespmem:s24+$0x70];
	v4 =	vmul.f32 v4, v1;
	[tilespmem:s29+$0xFFFFFFF0] =	vst v2  }
0x11d: {  	v1 =	vmul.f32 v6, v1;
	[tilespmem:s29+$0x0] =	vst v7  }
0x11e: {  	v2 =	vmul.f32 v3, v0;
	[tilespmem:s29+$0x10] =	vst v4  }
0x11f: {  	v3 =	vmul.f32 v5, v0;
	[tilespmem:s29+$0x20] =	vst v1  }
0x120: {  	v1 =	vmul.f32 v8, v0;
	[tilespmem:s29+$0x40] =	vst v2  }
0x121: {  	v0 =	vmul.f32 v9, v0;
	[tilespmem:s29+$0x50] =	vst v3  }
0x122: {  	s24 =	sadd.s32 $0xFFFFFFFC, s18;
	[tilespmem:s29+$0x60] =	vst v1  }
0x123: {  	s0 =	sadd.s32 $0x2710, s8;
	s1 =	simm.s32 @!p0 $0x7;
	s3 =	sadd.s32 $0x146, s24;
	[tilespmem:s29+$0x70] =	vst v0  }
0x124: {  	v0 =	vmov s3;
	[spmem:s2] =	stream.indirect.scatter.add.f32 [tilespmem:s21], [sflag:$0x9], $0x40, s0, s15, $0xb8;
	[tilespmem:$0x17730] =	vst v63  }
0x125: {  	s29 =	sadd.s32 $0x144, s24;
	v0 =	vand.u32 $0xFFFFFFFE, v0;
	_ =	swait.ge @!p0 [sflag:s1], $0x1400  }
0x126: {  	s6 =	simm.s32 @!p0 $0x50;
	v1 =	vmov s29;
	v0 =	vbroadcast v0, $0x0;
	[sflag:s1] =	ssyncset.done @!p0 $0x0  }
0x127: {  	s8 =	simm.s32 @!p0 $0x8930;
	s3 =	sadd.s32 @!p0 $0x1E0, s10;
	v1 =	vand.u32 $0xFFFFFFFC, v1;
	[sflag:s1] =	ssyncadd.s32 @!p0 $0xFFFFEC00  }
0x128: {  	v3 =	vbroadcast v1, $0x0;
	[tilespmem:s8], [sflag:$0x2] =	stream.indirect.gather @!p0 [hbm4b:s4+s6], $0x40, s3, s6, $0xb8;
	[tilespmem:$0x17730] =	vst v63  }
0x129: {  	s30 =	sadd.s32 $0x145, s24;
	s0 =	sadd.s32 $0x147, s24;
	_ =	swait.ge [sflag:s28], $0x1400  }
0x12a: {  	v2 =	vmov s30;
	v4 =	vmov s0;
	[sflag:s28] =	ssyncset.done $0x0  }
0x12b: {  	v1 =	vand.u32 $0xFFFFFFFD, v2;
	[sflag:s28] =	ssyncadd.s32 $0xFFFFEC00  }
0x12c: {  	v2 =	vbroadcast v1, $0x0;
	s8 =	simm.s32 $0xC5B0;
	v1 =	vld.idx.msk [tilespmem:v0+s14+$0x0], $0xffff  }
0x12d: {  	v5 =	vld [tilespmem:s8+$0x30]  }
0x12e: {  	v3 =	vld.idx.msk [tilespmem:v3+s14+$0x0], $0xffff  }
0x12f: {  	v0 =	vld.idx.msk [tilespmem:v4+s14+$0x0], $0xffff  }
0x130: {  	v8 =	vld [tilespmem:s8+$0xFFFFFF80]  }
0x131: {  	v7 =	vld [tilespmem:s8+$0xFFFFFF90]  }
0x132: {  	v6 =	vld [tilespmem:s8+$0xFFFFFFA0]  }
0x133: {  	v4 =	vld [tilespmem:s8+$0xFFFFFFB0];
	v5 =	vmul.f32 v5, v1  }
0x134: {  	v2 =	vld.idx.msk [tilespmem:v2+s14+$0x0], $0xffff  }
0x135: {  	s10 =	simm.s32 $0xC5B0;
	s1 =	simm.s32 $0x0;
	[tilespmem:s8+$0x30] =	vst v5;
	v5 =	vld [tilespmem:s8+$0xFFFFFFC0]  }
.LBB2_11:
0x136: {  	s0 =	sadd.s32 s1, s18;
	s1 =	sadd.s32 $0x4, s1;
	v8 =	vmul.f32 v8, v3;
	v9 =	vld [tilespmem:s8+$0xFFFFFFD0]  }
0x137: {  	s3 =	sadd.s32 $0x144, s0;
	s6 =	sadd.s32 $0x146, s0;
	p1 =	slt.u32 s1, $0x4C;
	v7 =	vmul.f32 v7, v3;
	v10 =	vld [tilespmem:s8+$0xFFFFFFE0]  }
0x138: {  	v11 =	vmov s3;
	s3 =	sadd.s32 $0x145, s0;
	v12 =	vmov s6;
	s0 =	sadd.s32 $0x147, s0;
	[tilespmem:s8+$0xFFFFFF80] =	vst v8;
	v6 =	vmul.f32 v6, v3;
	v8 =	vld [tilespmem:s8+$0xFFFFFFF0]  }
0x139: {  	v11 =	vand.u32 $0xFFFFFFFC, v11;
	v13 =	vmov s3;
	v12 =	vand.u32 $0xFFFFFFFE, v12;
	[tilespmem:s8+$0xFFFFFF90] =	vst v7;
	v7 =	vld [tilespmem:s8+$0x0]  }
0x13a: {  	v11 =	vbroadcast v11, $0x0;
	v13 =	vand.u32 $0xFFFFFFFD, v13;
	v12 =	vbroadcast v12, $0x0;
	[tilespmem:s8+$0xFFFFFFA0] =	vst v6;
	v6 =	vld [tilespmem:s8+$0x10]  }
0x13b: {  	v14 =	vmov s0;
	v3 =	vmul.f32 v4, v3;
	v13 =	vbroadcast v13, $0x0;
	v4 =	vld [tilespmem:s8+$0x20]  }
0x13c: {  	v5 =	vmul.f32 v5, v2;
	v9 =	vmul.f32 v9, v2;
	v15 =	vld [tilespmem:s8+$0x40]  }
0x13d: {  	[tilespmem:s8+$0xFFFFFFB0] =	vst v3;
	v3 =	vmul.f32 v10, v2;
	v2 =	vmul.f32 v8, v2;
	v8 =	vld [tilespmem:s8+$0x50]  }
0x13e: {  	[tilespmem:s8+$0xFFFFFFC0] =	vst v5;
	v5 =	vmul.f32 v7, v1;
	v7 =	vld [tilespmem:s8+$0x60]  }
0x13f: {  	[tilespmem:s8+$0xFFFFFFD0] =	vst v9;
	v6 =	vmul.f32 v6, v1;
	v9 =	vld [tilespmem:s8+$0x70]  }
0x140: {  	s8 =	sadd.s32 $0x100, s8;
	[tilespmem:s10+$0xFFFFFFE0] =	vst v3;
	v4 =	vmul.f32 v4, v1;
	v1 =	vld.idx.msk [tilespmem:v12+s14+$0x0], $0xffff  }
0x141: {  	v10 =	vld [tilespmem:s8+$0x30];
	[tilespmem:s10+$0xFFFFFFF0] =	vst v2;
	v12 =	vmul.f32 v15, v0  }
0x142: {  	v3 =	vld.idx.msk [tilespmem:v11+s14+$0x0], $0xffff;
	[tilespmem:s10+$0x0] =	vst v5;
	v5 =	vmul.f32 v8, v0  }
0x143: {  	v2 =	vld.idx.msk [tilespmem:v13+s14+$0x0], $0xffff;
	[tilespmem:s10+$0x10] =	vst v6;
	v11 =	vmul.f32 v7, v0  }
0x144: {  	[tilespmem:s10+$0x20] =	vst v4;
	v9 =	vmul.f32 v9, v0;
	v0 =	vld.idx.msk [tilespmem:v14+s14+$0x0], $0xffff  }
.Ltmp6:
0x145: {  	v8 =	vld [tilespmem:s8+$0xFFFFFF80];
	[tilespmem:s10+$0x40] =	vst v12;
	(pc) =	sbr.rel @p1 .LBB2_11-.Ltmp6, $4  }
0x146: {  	v7 =	vld [tilespmem:s8+$0xFFFFFF90];
	v10 =	vmul.f32 v10, v1;
	[tilespmem:s10+$0x50] =	vst v5  }
0x147: {  	v6 =	vld [tilespmem:s8+$0xFFFFFFA0];
	[tilespmem:s10+$0x60] =	vst v11  }
0x148: {  	v4 =	vld [tilespmem:s8+$0xFFFFFFB0];
	[tilespmem:s8+$0x30] =	vst v10  }
0x149: {  	v5 =	vld [tilespmem:s8+$0xFFFFFFC0];
	[tilespmem:s10+$0x70] =	vst v9;
	s10 =	smov.u32 s8  }
0x14a: {  	v8 =	vmul.f32 v8, v3;
	v9 =	vld [tilespmem:s8+$0xFFFFFFD0]  }
0x14b: {  	v50 =	vld [tilespmem:s8+$0x0];
	v7 =	vmul.f32 v7, v3  }
0x14c: {  	v52 =	vld [tilespmem:s8+$0x10];
	[tilespmem:s8+$0xFFFFFF80] =	vst v8;
	v6 =	vmul.f32 v6, v3  }
0x14d: {  	v53 =	vld [tilespmem:s8+$0x20];
	[tilespmem:s8+$0xFFFFFF90] =	vst v7;
	v51 =	vmul.f32 v4, v3  }
0x14e: {  	v54 =	vld [tilespmem:s8+$0x40];
	[tilespmem:s8+$0xFFFFFFA0] =	vst v6;
	v5 =	vmul.f32 v5, v2  }
0x14f: {  	v56 =	vld [tilespmem:s8+$0x50];
	v9 =	vmul.f32 v9, v2;
	[tilespmem:s8+$0xFFFFFFB0] =	vst v51  }
0x150: {  	v57 =	vld [tilespmem:s8+$0x60];
	v7 =	vmul.f32 v50, v1;
	[tilespmem:s8+$0xFFFFFFC0] =	vst v5  }
0x151: {  	v58 =	vld [tilespmem:s8+$0x70];
	v4 =	vmul.f32 v52, v1;
	[tilespmem:s8+$0xFFFFFFD0] =	vst v9  }
0x152: {  	v10 =	vld [tilespmem:s8+$0xFFFFFFE0];
	v59 =	vmul.f32 v53, v1;
	[tilespmem:s10+$0x0] =	vst v7  }
0x153: {  	v49 =	vld [tilespmem:s8+$0xFFFFFFF0];
	v60 =	vmul.f32 v54, v0;
	[tilespmem:s10+$0x10] =	vst v4  }
0x154: {  	v61 =	vmul.f32 v56, v0;
	[tilespmem:s10+$0x20] =	vst v59  }
0x155: {  	v62 =	vmul.f32 v57, v0;
	[tilespmem:s10+$0x40] =	vst v60  }
0x156: {  	v63 =	vmul.f32 v58, v0;
	[tilespmem:s10+$0x50] =	vst v61  }
.Ltmp7:
0x157: {  	v10 =	vmul.f32 v10, v2;
	[tilespmem:s10+$0x60] =	vst v62;
	(pc) =	sbr.rel @p0 .LBB2_14-.Ltmp7, $4  }
0x158: {  	v55 =	vmul.f32 v49, v2;
	[tilespmem:s10+$0x70] =	vst v63  }
0x159: {  	[tilespmem:s10+$0xFFFFFFE0] =	vst v10  }
0x15a: {  	s0 =	sadd.s32 $0x2710, s9;
	[tilespmem:s10+$0xFFFFFFF0] =	vst v55  }
0x15b: {  	[spmem:s2] =	stream.indirect.scatter.add.f32 [tilespmem:s23], [sflag:$0xA], $0x40, s0, s15, $0xb8;
	[tilespmem:$0x17730] =	vst v63  }
.Ltmp8:
0x15c: {  	(pc) =	sbr.rel .LBB2_2-.Ltmp8, $4  }
0x15d: {  	_ =	swait.ge [sflag:s31], $0x1400  }
0x15e: {  	s0 =	sadd.s32 $0x230, s7;
	[sflag:s31] =	ssyncset.done $0x0  }
0x15f: {  	s5 =	sadd.s32 $0x1, s5;
	s18 =	sadd.s32 $0x190, s18;
	[sflag:s31] =	ssyncadd.s32 $0xFFFFEC00  }
0x160: {  	[tilespmem:s19], [sflag:$0x3] =	stream.indirect.gather [hbm4b:s4+s15], $0x40, s0, s15, $0xb8;
	[tilespmem:$0x17730] =	vst v63  }
.LBB2_15:
0x161: {  	_ =	sfence.sel $0x180000  }
0x162: {  	[bflag:$0x0] =	sbarrier.arrive $0xFFFF  }
0x163: {  	_ =	strace $0x90000047  }
0x164: {  	s0 =	stileid.u32;
	[bflag:$0x2] =	sbarrier.arrive $0xFFFF  }
0x165: {  	p0 =	sne.s32 s0, $0x0;
	s0 =	rddreg [dreg:$0x3]  }
0x166: {  	s0 =	sadd.s32 @!p0 $0x100000, s0  }
0x167: {  	[sflag:s0] =	ssyncadd.tile.s32 @!p0 $0x1;
	_ =	shalt  }
.Lfunc_end2:
_tile_overlayer_lowered:
.L_overlay_start_2:
0x168: {  	(tag) =	ssettag $0x2  }
0x169: {  	s0 =	rddreg [dreg:$0x0];
	s2 =	stileid.u32  }
0x16a: {  	s1 =	rddreg [dreg:$0x1];
	p0 =	sne.s32 s2, $0x0  }
0x16b: {  	s3 =	rddreg [dreg:$0x2];
	[bflag:$0x3] =	sbarrier.arrive $0xFFFF;
	s2 =	simm.s32 @!p0 $0x1C0B  }
0x16c: {  	[timem:s3], [sflag:s2] =	dma.local @!p0 [hbm:s0], s1  }
0x16d: {  	s0 =	simm.s32 @!p0 $0xB  }
0x16e: {  	_ =	swait.ge @!p0 [sflag:s0], s1  }
0x16f: {  	s1 =	ssub.s32 @!p0 $0x0, s1;
	[sflag:s0] =	ssyncset.done @!p0 $0x0  }
0x170: {  	[sflag:s0] =	ssyncadd.s32 @!p0 s1  }
0x171: {  	[bflag:$0x3] =	sbarrier.arrive $0xFFFF  }
0x172: {  	_ =	shalt  }

// kernel: kernel.9.cloned.1.call-start
scs
__scs_entry_jumppad:
0x0: {  	(pc) =	sbr.rel $0x88, $3  }
0x1: {  	(tag) =	ssettag $0x0;
	lr =	simm.s32 $0x1  }
0x2: {  	[smem:$0x3F96] =	sst lr;
	_ =	strace $0xD0000000  }
0x3: {  	_ = 	snop  }
0x4: {  	_ = 	snop  }
0x5: {  	_ = 	snop  }
0x6: {  	_ = 	snop  }
0x7: {  	_ = 	snop  }
__scs_overlays_trampoline_lowered:
0x8: {  	[smem:$0x3FA5] =	sst s0  }
0x9: {  	[smem:$0x3FA6] =	sst s1  }
0xa: {  	[smem:$0x3FA7] =	sst s2  }
0xb: {  	[smem:$0x3FA8] =	sst s3  }
0xc: {  	[smem:$0x3FA9] =	sst s4  }
0xd: {  	[smem:$0x3FAA] =	sst s5  }
0xe: {  	[smem:$0x3FAB] =	sst s6  }
0xf: {  	[smem:$0x3FAC] =	sst s7  }
0x10: {  	[smem:$0x3FAD] =	sst s8  }
0x11: {  	[smem:$0x3FAE] =	sst s9;
	s0 =	simm.s32 @!p0 $0x0  }
0x12: {  	s1 =	sld [smem:$0x3F94];
	s0 =	simm.s32 @p0 $0x1  }
0x13: {  	[smem:$0x3FAF] =	sst s0;
	s0 =	simm.s32 @!p1 $0x0  }
0x14: {  	s2 =	sld [smem:$0x3F93];
	s0 =	simm.s32 @p1 $0x1  }
0x15: {  	[smem:$0x3FB0] =	sst s0;
	s0 =	simm.s32 @!p2 $0x0  }
0x16: {  	s3 =	sld [smem:$0x3FDB];
	s0 =	simm.s32 @p2 $0x1  }
0x17: {  	s4 =	simm.s32 $0x1BF5;
	[smem:$0x3FB2] =	sst s0  }
0x18: {  	s0 =	sld [smem:$0x3F95];
	_ =	swait.ge [sflag:s4], $0x0  }
0x19: {  	s7 =	sld [smem:$0x3F96]  }
0x1a: {  	s8 =	sadd.s32 $0xFFFFE003, lr  }
0x1b: {  	s9 =	sadd.s32 $0xFFFFFEF7, lr;
	s5 =	simm.s32 $0xFFFFFFFF;
	p2 =	slt.u32 s8, $0xFFFFF086  }
0x1c: {  	p1 =	slt.u32 s9, $0xF7A;
	s5 =	simm.s32 @!p2 $0x0  }
0x1d: {  	s5 =	simm.s32 @p1 $0x1;
	p0 =	seq.s32 s7, s2  }
0x1e: {  	s7 =	smul.u32 @!p0 $0xF7A, s2;
	p2 =	seq.s32 @!p0 s5, $0x0  }
0x1f: {  	s9 =	smul.u32 $0xF7A, s1;
	s8 =	simm.s32 @!p0 $0x1BF5;
	p2 =	por !p2, p0  }
0x20: {  	[sflag:s8] =	ssyncset.s32 @!p0 $0xFFFFF086;
	s6 =	sadd.s32 @!p0 s3, s7;
	s7 =	simm.s32 @!p0 $0x108  }
0x21: {  	s3 =	sadd.s32 s3, s9;
	s6 =	sadd.s32 @!p0 $0x88, s6;
	s7 =	simm.s32 @p2 $0x1082  }
0x22: {  	[simem:s7], [sflag:s8] =	dma.local @!p0 [hbm:s6], $0xF7A  }
0x23: {  	s9 =	sor.u32 $0xD0000000, s2;
	s6 =	simm.s32 $0x108;
	_ =	swait.ge @!p0 [sflag:s8], $0x0  }
0x24: {  	s3 =	sadd.s32 $0x88, s3;
	s6 =	simm.s32 @!p1 $0x1082;
	[sflag:s4] =	ssyncset.s32 $0xFFFFF086  }
0x25: {  	[simem:s6], [sflag:s4] =	dma.local [hbm:s3], $0xF7A  }
0x26: {  	[smem:$0x3F96] =	sst s1;
	(tag) =	ssettag s2;
	_ =	strace s9  }
0x27: {  	s1 =	sld [smem:$0x3FA6]  }
0x28: {  	s2 =	sld [smem:$0x3FA7]  }
0x29: {  	s4 =	sld [smem:$0x3FA9]  }
0x2a: {  	p0 =	seq.s32 s5, $0x0;
	s5 =	sld [smem:$0x3FAA]  }
0x2b: {  	s6 =	sld [smem:$0x3FAB]  }
0x2c: {  	s7 =	sld [smem:$0x3FAC]  }
0x2d: {  	s3 =	simm.s32 $0x108;
	s8 =	sld [smem:$0x3FAD]  }
0x2e: {  	s3 =	simm.s32 @!p0 $0x1082;
	s9 =	sld [smem:$0x3FAE]  }
0x2f: {  	lr =	sadd.s32 s0, s3;
	s0 =	sld [smem:$0x3FA5]  }
0x30: {  	s3 =	sld [smem:$0x3FA8]  }
0x31: {  	[smem:$0x3FB1] =	sst s10  }
0x32: {  	s10 =	sld [smem:$0x3FAF];
	_ =	sdelay $0x3  }
0x33: {  	p0 =	seq.s32 s10, $0x1;
	s10 =	sld [smem:$0x3FB1];
	_ =	sdelay $0x3  }
0x34: {  	[smem:$0x3FB1] =	sst s10  }
0x35: {  	s10 =	sld [smem:$0x3FB0];
	_ =	sdelay $0x3  }
0x36: {  	p1 =	seq.s32 s10, $0x1;
	s10 =	sld [smem:$0x3FB1];
	_ =	sdelay $0x3  }
0x37: {  	[smem:$0x3FB1] =	sst s10  }
0x38: {  	s10 =	sld [smem:$0x3FB2]  }
0x39: {  	_ = 	snop;
	(pc) =	sbr.ind lr, $3  }
0x3a: {  	_ = 	snop  }
0x3b: {  	_ = 	snop  }
0x3c: {  	p2 =	seq.s32 s10, $0x1;
	s10 =	sld [smem:$0x3FB1]  }
0x3d: {  	_ =	shalt  }
0x3e: {  	_ =	shalt  }
0x3f: {  	_ =	shalt  }
0x40: {  	_ =	shalt  }
0x41: {  	_ =	shalt  }
0x42: {  	_ =	shalt  }
0x43: {  	_ =	shalt  }
0x44: {  	_ =	shalt  }
0x45: {  	_ =	shalt  }
0x46: {  	_ =	shalt  }
0x47: {  	_ =	shalt  }
0x48: {  	_ =	shalt  }
0x49: {  	_ =	shalt  }
0x4a: {  	_ =	shalt  }
0x4b: {  	_ =	shalt  }
0x4c: {  	_ =	shalt  }
0x4d: {  	_ =	shalt  }
0x4e: {  	_ =	shalt  }
0x4f: {  	_ =	shalt  }
0x50: {  	_ =	shalt  }
0x51: {  	_ =	shalt  }
0x52: {  	_ =	shalt  }
0x53: {  	_ =	shalt  }
0x54: {  	_ =	shalt  }
0x55: {  	_ =	shalt  }
0x56: {  	_ =	shalt  }
0x57: {  	_ =	shalt  }
0x58: {  	_ =	shalt  }
0x59: {  	_ =	shalt  }
0x5a: {  	_ =	shalt  }
0x5b: {  	_ =	shalt  }
0x5c: {  	_ =	shalt  }
0x5d: {  	_ =	shalt  }
0x5e: {  	_ =	shalt  }
0x5f: {  	_ =	shalt  }
0x60: {  	_ =	shalt  }
0x61: {  	_ =	shalt  }
0x62: {  	_ =	shalt  }
0x63: {  	_ =	shalt  }
0x64: {  	_ =	shalt  }
0x65: {  	_ =	shalt  }
0x66: {  	_ =	shalt  }
0x67: {  	_ =	shalt  }
0x68: {  	_ =	shalt  }
0x69: {  	_ =	shalt  }
0x6a: {  	_ =	shalt  }
0x6b: {  	_ =	shalt  }
0x6c: {  	_ =	shalt  }
0x6d: {  	_ =	shalt  }
0x6e: {  	_ =	shalt  }
0x6f: {  	_ =	shalt  }
0x70: {  	_ =	shalt  }
0x71: {  	_ =	shalt  }
0x72: {  	_ =	shalt  }
0x73: {  	_ =	shalt  }
0x74: {  	_ =	shalt  }
0x75: {  	_ =	shalt  }
0x76: {  	_ =	shalt  }
0x77: {  	_ =	shalt  }
0x78: {  	_ =	shalt  }
0x79: {  	_ =	shalt  }
0x7a: {  	_ =	shalt  }
0x7b: {  	_ =	shalt  }
0x7c: {  	_ =	shalt  }
0x7d: {  	_ =	shalt  }
0x7e: {  	_ =	shalt  }
0x7f: {  	_ =	shalt  }
0x80: {  	_ =	shalt  }
0x81: {  	_ =	shalt  }
0x82: {  	_ =	shalt  }
0x83: {  	_ =	shalt  }
0x84: {  	_ =	shalt  }
0x85: {  	_ =	shalt  }
0x86: {  	_ =	shalt  }
0x87: {  	_ =	shalt  }
.Lfunc_end0:
.L_simem_size_0:
called_computation.1_lowered:
.L_overlay_start_0:
0x88: {  	s2 =	sld [smem:$0x3FD9]  }
0x89: {  	s3 =	sld [smem:$0x3FFE];
	_ =	sdelay $0x1  }
0x8a: {  	s1 =	srdreg.scid  }
0x8b: {  	s0 =	sand.u32 $0x1, s1  }
0x8c: {  	s17 =	sshll.u32 s0, $0xA;
	s2 =	sadd.s32 s3, s2  }
0x8d: {  	s2 =	sadd.s32 s2, s17  }
0x8e: {  	[smem:$0x3FBD] =	sst s2  }
0x8f: {  	_ = 	snop  }
0x90: {  	s2 =	sld [smem:$0x3FD0];
	(tm) =	ssettm $0x1  }
0x91: {  	s18 =	sld [smem:$0x3FFB];
	_ =	sdelay $0x3  }
0x92: {  	_ =	strace s18  }
0x93: {  	s3 =	sld [smem:$0x3FFC];
	_ =	sdelay $0x3  }
0x94: {  	_ =	strace s3  }
0x95: {  	s3 =	sld [smem:$0x3FFD];
	_ =	sdelay $0x3  }
0x96: {  	_ =	strace s3  }
0x97: {  	_ =	strace $0x8FFFFFFF  }
0x98: {  	s19 =	sld [smem:$0x3FDB];
	_ =	sdelay $0x1  }
0x99: {  	s4 =	simm.s32 $_scs_section_size  }
0x9a: {  	s5 =	simm.s32 $_size__tile_overlayer_lowered;
	s6 =	simm.s32 $_tile_overlayer_lowered  }
0x9b: {  	s22 =	simm.s32 $0x1BFF;
	s21 =	sshll.u32 s6, $0x1;
	s3 =	sadd.s32 s4, s19  }
0x9c: {  	s7 =	simm.s32 $0x0;
	s20 =	sshll.u32 s5, $0x1;
	s5 =	sadd.s32 s21, s3  }
0x9d: {  	[timem:s7], [sflag:s22] =	dma.local [hbm:s5], s20  }
0x9e: {  	_ =	swait.ge [sflag:s22], s20  }
0x9f: {  	s4 =	ssub.s32 $0x0, s20;
	[sflag:s22] =	ssyncset.done $0x0  }
0xa0: {  	[sflag:s22] =	ssyncadd.s32 s4;
	_ =	sdelay $0x1  }
0xa1: {  	s23 =	simm.s32 $0x1B8B  }
0xa2: {  	_ =	swait.ge [sflag:s23], $0x1  }
0xa3: {  	[sflag:s23] =	ssyncset.done $0x0  }
0xa4: {  	s25 =	simm.s32 $0x1B8E;
	s24 =	sld [smem:$0x3FFE];
	[sflag:s23] =	ssyncadd.s32 $0xFFFFFFFF  }
0xa5: {  	s26 =	simm.s32 $execute0_lowered;
	[smem:$0x3FD2] =	sst s25  }
0xa6: {  	s5 =	sshll.u32 s26, $0x1;
	_ =	strace $0x80000049;
	[dreg:$0x1] =	wrdreg $0xFFFFFFFF  }
0xa7: {  	s28 =	simm.s32 $_size_execute0_lowered;
	s3 =	sadd.s32 s3, s5;
	[dreg:$0x0] =	wrdreg $0x0  }
0xa8: {  	s5 =	sshll.u32 s28, $0x1;
	[dreg:$0x2] =	wrdreg s3  }
0xa9: {  	[dreg:$0x3] =	wrdreg s5  }
0xaa: {  	[dreg:$0x4] =	wrdreg $0xC0  }
0xab: {  	_ =	task [dreg:s7], $0x5FFFF  }
0xac: {  	[dreg:$0x1] =	wrdreg $0xFFFFFFFF  }
0xad: {  	[dreg:$0x0] =	wrdreg $0x60  }
0xae: {  	[dreg:$0x2] =	wrdreg s24  }
0xaf: {  	[dreg:$0x3] =	wrdreg s2  }
0xb0: {  	[dreg:$0x4] =	wrdreg $0x9  }
0xb1: {  	_ =	task.clear_ibuf [dreg:s7], $0x5FFFF;
	_ =	strace $0x90000049  }
0xb2: {  	s29 =	simm.s32 $0x9;
	_ =	strace $0x8000004B  }
0xb3: {  	_ =	swait.ge [sflag:s29], $0x1  }
0xb4: {  	[sflag:s29] =	ssyncadd.s32 $0xFFFFFFFF  }
0xb5: {  	_ =	strace $0x9000004B  }
0xb6: {  	_ =	sfence  }
0xb7: {  	s30 =	sld [smem:$0x0];
	_ =	sdelay $0x2  }
0xb8: {  	s31 =	sshll.u32 s1, $0xD;
	s1 =	sshrl.u32 s1, $0x2  }
0xb9: {  	s3 =	sand.u32 $0x4000, s31;
	s1 =	sadd.s32 s1, s30  }
0xba: {  	s0 =	sor.u32 s3, s0;
	s1 =	sshll.u32 s1, $0x11  }
0xbb: {  	s0 =	sor.u32 s1, s0  }
0xbc: {  	s0 =	sadd.s32 $0x8F2B, s0  }
0xbd: {  	[sflag:s0] =	ssyncadd.remote.s32 $0x1  }
0xbe: {  	_ =	sfence.sel $0xFFFF  }
0xbf: {  	[dreg:$0x0] =	wrdreg $0xFFFFFFFF;
	(pc) =	sbr.abs _section_cstart, $3  }
0xc0: {  	[dreg:$0x1] =	wrdreg $0xFFFFFFFF  }
0xc1: {  	_ =	task.clear_ibuf [dreg:s7], $0x2FFFF;
	_ =	strace $0x9FFFFFFF  }
0xc2: {  	(tm) =	ssettm $0x7FFFFFFF  }
0xc3: {  	_ =	shalt  }
tec
execute0_lowered:
.L_overlay_start_1:
0x0: {  	(tag) =	ssettag $0x1  }
0x1: {  	s0 =	rddreg [dreg:$0x0]  }
0x2: {  	s1 =	srdreg.scid;
	s3 =	stileid.u32  }
0x3: {  	s2 =	rddreg [dreg:$0x1];
	s12 =	simm.s32 $0xB;
	s14 =	simm.s32 $0x50  }
0x4: {  	s24 =	simm.s32 $0x1;
	s25 =	simm.s32 $0x6;
	s26 =	simm.s32 $0x11620  }
0x5: {  	s30 =	simm.s32 $0x2;
	s31 =	simm.s32 $0x7;
	s15 =	simm.s32 $0x3  }
0x6: {  	s16 =	simm.s32 $0x8;
	s17 =	simm.s32 $0x4;
	s18 =	simm.s32 $0x9  }
0x7: {  	s19 =	simm.s32 $0x5;
	s1 =	sand.u32 $0x1, s1;
	s4 =	sshll.u32 s3, $0x1  }
0x8: {  	s20 =	simm.s32 $0xA;
	s3 =	simm.s32 $0x0;
	s4 =	sor.u32 s1, s4  }
0x9: {  	s5 =	sadd.s32 $0xAE00, s0;
	s1 =	ssub.s32 $0x2, s1;
	s4 =	smul.u32 $0x2710, s4  }
0xa: {  	s6 =	sadd.s32 $0x1E800, s0;
	[smem:$0x7FF] =	sst s3;
	s8 =	sshrl.u32 s1, $0x1  }
.Ltmp0:
0xb: {  	s1 =	ssub.s32 s1, s8;
	s7 =	sshrl.u32 s4, $0x3;
	(pc) =	sbr.rel .LBB2_1-.Ltmp0, $4  }
0xc: {  	_ =	strace $0x8000004A;
	s29 =	smax.u32 s1, $0x1;
	s0 =	sadd.s32 s7, s0  }
0xd: {  	s9 =	sadd.s32 $0x50, s4;
	[dreg:$0x5] =	wrdreg s29;
	s7 =	sadd.s32 $0x77400, s0  }
0xe: {  	s10 =	sadd.s32 $0xA0, s4;
	s0 =	sadd.s32 $0x81200, s0;
	[dreg:$0x3] =	wrdreg s7  }
0xf: {  	vm0 =	vcmask $0x3F3C;
	[dreg:$0x4] =	wrdreg s0;
	s0 =	simm.s32 $0x10220;
	s7 =	simm.s32 $0x0  }
.LBB2_14:
0x10: {  	s7 =	rddreg [dreg:$0x6]  }
0x11: {  	s1 =	rddreg [dreg:$0x5];
	s7 =	sadd.s32 $0x1, s7  }
0x12: {  	p0 =	sne.s32 s7, s1  }
.Ltmp1:
0x13: {  	_ = 	snop;
	(pc) =	sbr.rel @!p0 .LBB2_15-.Ltmp1, $1  }
0x14: {  	_ =	sdelay $0x3  }
.LBB2_1:
0x15: {  	[dreg:$0x6] =	wrdreg s7  }
0x16: {  	s1 =	rddreg [dreg:$0x3]  }
0x17: {  	[tilespmem:s3], [sflag:$0xB] =	stream.linear.gather [hbm4b:s1+s3], $0x2710, $0x38;
	[tilespmem:$0x11670] =	vst v63  }
0x18: {  	_ =	swait.ge [sflag:s12], $0x2710  }
0x19: {  	[sflag:s12] =	ssyncset.done $0x0  }
0x1a: {  	s28 =	simm.s32 $0x2710;
	s23 =	rddreg [dreg:$0x4];
	[sflag:s12] =	ssyncadd.s32 $0xFFFFD8F0  }
0x1b: {  	[tilespmem:s28], [sflag:$0xB] =	stream.linear.gather [hbm4b:s23+s3], $0x2710, $0x38;
	[tilespmem:$0x11670] =	vst v63  }
0x1c: {  	_ =	swait.ge [sflag:s12], $0x2710  }
0x1d: {  	[sflag:s12] =	ssyncset.done $0x0  }
0x1e: {  	s29 =	simm.s32 $0x4E20;
	[sflag:s12] =	ssyncadd.s32 $0xFFFFD8F0  }
0x1f: {  	[tilespmem:s29], [sflag:$0x1] =	stream.indirect.gather [hbm4b:s5+s14], $0x40, s3, s14, $0xb8;
	[tilespmem:$0x11670] =	vst v63  }
0x20: {  	s8 =	simm.s32 $0xB220  }
0x21: {  	[tilespmem:s8], [sflag:$0x6] =	stream.indirect.gather [hbm4b:s6+s14], $0x40, s28, s14, $0xb8;
	[tilespmem:$0x11670] =	vst v63  }
0x22: {  	s11 =	simm.s32 $0x6220  }
0x23: {  	[tilespmem:s11], [sflag:$0x2] =	stream.indirect.gather [hbm4b:s5+s14], $0x40, s14, s14, $0xb8;
	[tilespmem:$0x11670] =	vst v63  }
0x24: {  	s13 =	simm.s32 $0x2760;
	s21 =	simm.s32 $0xC620  }
0x25: {  	[tilespmem:s21], [sflag:$0x7] =	stream.indirect.gather [hbm4b:s6+s14], $0x40, s13, s14, $0xb8;
	[tilespmem:$0x11670] =	vst v63  }
0x26: {  	s22 =	simm.s32 $0xA0;
	s23 =	simm.s32 $0x7620  }
0x27: {  	[tilespmem:s23], [sflag:$0x3] =	stream.indirect.gather [hbm4b:s5+s14], $0x40, s22, s14, $0xb8;
	[tilespmem:$0x11670] =	vst v63  }
0x28: {  	s29 =	simm.s32 $0xDA20;
	s28 =	simm.s32 $0x27B0;
	s13 =	simm.s32 $0x0  }
0x29: {  	[tilespmem:s29], [sflag:$0x8] =	stream.indirect.gather [hbm4b:s6+s14], $0x40, s28, s14, $0xb8;
	[tilespmem:$0x11670] =	vst v63  }
.LBB2_2:
0x2a: {  	_ =	swait.ge [sflag:s24], $0x1400  }
0x2b: {  	[sflag:s24] =	ssyncset.done $0x0  }
0x2c: {  	[sflag:s24] =	ssyncadd.s32 $0xFFFFEC00  }
0x2d: {  	_ =	swait.ge [sflag:s25], $0x1400  }
0x2e: {  	[sflag:s25] =	ssyncset.done $0x0  }
0x2f: {  	s7 =	simm.s32 $0x4EA0;
	[sflag:s25] =	ssyncadd.s32 $0xFFFFEC00  }
0x30: {  	s8 =	simm.s32 $0xB2A0;
	v0 =	vld [tilespmem:s7+$0x40]  }
0x31: {  	v1 =	vld [tilespmem:s8+$0x40]  }
0x32: {  	v2 =	vld [tilespmem:s7+$0x50]  }
0x33: {  	v3 =	vld [tilespmem:s8+$0x50]  }
0x34: {  	v4 =	vld [tilespmem:s7+$0x60]  }
0x35: {  	v5 =	vld [tilespmem:s8+$0x60]  }
0x36: {  	v6 =	vld [tilespmem:s7+$0x70]  }
0x37: {  	v7 =	vld [tilespmem:s8+$0x70]  }
0x38: {  	v8 =	vld [tilespmem:s8+$0xFFFFFF80]  }
0x39: {  	v9 =	vld [tilespmem:s7+$0xFFFFFF90]  }
0x3a: {  	v10 =	vld [tilespmem:s8+$0xFFFFFF90]  }
0x3b: {  	v11 =	vld [tilespmem:s7+$0xFFFFFFC0]  }
0x3c: {  	v12 =	vld [tilespmem:s8+$0xFFFFFFC0]  }
0x3d: {  	v13 =	vld [tilespmem:s7+$0xFFFFFFD0]  }
0x3e: {  	v14 =	vld [tilespmem:s8+$0xFFFFFFD0];
	v0 =	vmul.f32 v1, v0;
	v1 =	vmul.f32 v3, v2  }
0x3f: {  	v15 =	vld [tilespmem:s7+$0xFFFFFFE0]  }
0x40: {  	v16 =	vld [tilespmem:s8+$0xFFFFFFE0];
	v0 =	vadd.f32 v1, v0;
	v1 =	vmul.f32 v5, v4  }
0x41: {  	v17 =	vld [tilespmem:s7+$0x20]  }
0x42: {  	v2 =	vld [tilespmem:s7+$0x0];
	v0 =	vadd.f32 v1, v0;
	v1 =	vmul.f32 v7, v6  }
0x43: {  	v4 =	vld [tilespmem:s7+$0x10]  }
0x44: {  	v5 =	vld [tilespmem:s8+$0x10];
	v0 =	vadd.f32 v1, v0  }
0x45: {  	v6 =	vld [tilespmem:s7+$0xFFFFFF80]  }
0x46: {  	v7 =	vld [tilespmem:s7+$0xFFFFFFA0];
	(xrf2) =	vadd.scan.msk.f32 $0xffff, v0  }
0x47: {  	v1 =	vld [tilespmem:s8+$0xFFFFFFA0]  }
0x48: {  	v3 =	vld [tilespmem:s8+$0x0]  }
0x49: {  	v18 =	vld [tilespmem:s8+$0x20]  }
0x4a: {  	s11 =	simm.s32 $0x3;
	v19 =	vld [tilespmem:s7+$0xFFFFFFB0];
	v9 =	vmul.f32 v10, v9;
	v6 =	vmul.f32 v8, v6  }
0x4b: {  	v62 =	vmov s11;
	v20 =	vld [tilespmem:s8+$0xFFFFFFB0];
	v10 =	vmul.f32 v12, v11  }
0x4c: {  	v11 =	vld [tilespmem:s7+$0xFFFFFFF0];
	v4 =	vmul.f32 v5, v4;
	v5 =	vadd.f32 v9, v6;
	v6 =	vmul.f32 v1, v7  }
0x4d: {  	v61 =	vmul.f32 v14, v13;
	v3 =	vmul.f32 v3, v2;
	v8 =	vld [tilespmem:s8+$0xFFFFFFF0]  }
0x4e: {  	v2 =	vld [tilespmem:s8+$0x30]  }
0x4f: {  	s11 =	simm.s32 $0x4FA0;
	v0 =	vld [tilespmem:s7+$0x30];
	v3 =	vadd.f32 v4, v3;
	v4 =	vmul.f32 v16, v15;
	v7 =	vadd.f32 v61, v10  }
0x50: {  	s21 =	simm.s32 $0xB3A0;
	v63 =	vmul.f32 v20, v19;
	v1 =	vld [tilespmem:s11+$0x40];
	v10 =	vmul.f32 v18, v17;
	v9 =	vadd.f32 v6, v5;
	v6, _, _ =	vpop (xrf2)  }
0x51: {  	v5 =	vld [tilespmem:s21+$0x40];
	[tilespmem:v62+s26+$0x0] =	vst.idx.msk vm0, v6;
	v6 =	vadd.f32 v4, v7  }
0x52: {  	v7 =	vld [tilespmem:s11+$0x50];
	v4 =	vadd.f32 v10, v3;
	v3 =	vadd.f32 v63, v9;
	v9 =	vmul.f32 v8, v11  }
0x53: {  	s22 =	simm.s32 $0x8;
	s7 =	simm.s32 $0x4;
	s8 =	simm.s32 $0x0;
	v8 =	vld [tilespmem:s21+$0x50]  }
.LBB2_3:
0x54: {  	p0 =	slt.u32 s22, $0x4C;
	v10 =	vld [tilespmem:s11+$0x60];
	v6 =	vadd.f32 v9, v6;
	v0 =	vmul.f32 v2, v0;
	(xrf2) =	vadd.scan.msk.f32 $0xffff, v3  }
0x55: {  	v2 =	vld [tilespmem:s21+$0x60]  }
0x56: {  	v3 =	vld [tilespmem:s11+$0x70];
	v0 =	vadd.f32 v0, v4  }
0x57: {  	v9 =	vmov s8;
	v4 =	vld [tilespmem:s21+$0x70];
	(xrf2) =	vadd.scan.msk.f32 $0xffff, v6  }
0x58: {  	v1 =	vmul.f32 v5, v1;
	v6 =	vld [tilespmem:s21+$0xFFFFFF80];
	v5 =	vmul.f32 v8, v7;
	v7 =	vand.u32 $0xFFFFFFFC, v9  }
0x59: {  	s23 =	sadd.s32 $0x1, s8;
	v8 =	vld [tilespmem:s11+$0xFFFFFF90];
	v7 =	vbroadcast v7, $0x0  }
0x5a: {  	v9 =	vld [tilespmem:s21+$0xFFFFFF90];
	v1 =	vadd.f32 v5, v1;
	v2 =	vmul.f32 v2, v10;
	v5 =	vmov s23;
	(xrf2) =	vadd.scan.msk.f32 $0xffff, v0  }
0x5b: {  	v0 =	vld [tilespmem:s11+$0xFFFFFFC0];
	v5 =	vand.u32 $0xFFFFFFFD, v5  }
0x5c: {  	s23 =	sadd.s32 $0x2, s8;
	s8 =	smov.u32 s7;
	s7 =	smov.u32 s22;
	v10 =	vld [tilespmem:s21+$0xFFFFFFC0];
	v1 =	vadd.f32 v2, v1;
	v2 =	vmul.f32 v4, v3;
	v3 =	vbroadcast v5, $0x0  }
0x5d: {  	v12 =	vmov s23;
	v4 =	vld [tilespmem:s11+$0xFFFFFFD0]  }
0x5e: {  	v11 =	vld [tilespmem:s21+$0xFFFFFFD0];
	v1 =	vadd.f32 v2, v1;
	v2 =	vand.u32 $0xFFFFFFFE, v12;
	v5, _, _ =	vpop (xrf2)  }
0x5f: {  	v8 =	vmul.f32 v9, v8;
	v9 =	vld [tilespmem:s11+$0x0];
	[tilespmem:v7+s26+$0x0] =	vst.idx.msk vm0, v5;
	v2 =	vbroadcast v2, $0x0  }
0x60: {  	v5 =	vld [tilespmem:s21+$0x0];
	(xrf2) =	vadd.scan.msk.f32 $0xffff, v1  }
0x61: {  	v0 =	vmul.f32 v10, v0;
	v1 =	vld [tilespmem:s11+$0x10];
	v7, _, _ =	vpop (xrf2)  }
0x62: {  	v10 =	vld [tilespmem:s21+$0x10];
	[tilespmem:v3+s26+$0x0] =	vst.idx.msk vm0, v7  }
0x63: {  	v3 =	vld [tilespmem:s11+$0xFFFFFF80];
	v4 =	vmul.f32 v11, v4  }
0x64: {  	v7 =	vld [tilespmem:s11+$0xFFFFFFA0];
	v11, _, _ =	vpop (xrf2)  }
0x65: {  	s23 =	sadd.s32 $0x3, s8;
	v12 =	vld [tilespmem:s21+$0xFFFFFFA0];
	v0 =	vadd.f32 v4, v0;
	v4 =	vmul.f32 v5, v9;
	[tilespmem:v2+s26+$0x0] =	vst.idx.msk vm0, v11  }
0x66: {  	v5 =	vmov s23;
	v2 =	vld [tilespmem:s11+$0xFFFFFFE0]  }
0x67: {  	v9 =	vld [tilespmem:s21+$0xFFFFFFE0];
	v1 =	vmul.f32 v10, v1  }
0x68: {  	v3 =	vmul.f32 v6, v3;
	v10 =	vld [tilespmem:s11+$0x20]  }
0x69: {  	v4 =	vadd.f32 v1, v4;
	v1 =	vld [tilespmem:s21+$0x20]  }
0x6a: {  	v3 =	vadd.f32 v8, v3;
	v6 =	vmul.f32 v12, v7;
	v7 =	vld [tilespmem:s11+$0xFFFFFFB0];
	v8, _, _ =	vpop (xrf2)  }
0x6b: {  	v11 =	vld [tilespmem:s21+$0xFFFFFFB0];
	[tilespmem:v5+s26+$0x0] =	vst.idx.msk vm0, v8  }
0x6c: {  	v3 =	vadd.f32 v6, v3;
	v2 =	vmul.f32 v9, v2;
	v8 =	vld [tilespmem:s11+$0xFFFFFFF0]  }
0x6d: {  	v9 =	vld [tilespmem:s21+$0xFFFFFFF0]  }
0x6e: {  	v6 =	vadd.f32 v2, v0;
	v5 =	vmul.f32 v1, v10;
	v0 =	vld [tilespmem:s11+$0x30]  }
.Ltmp2:
0x6f: {  	s11 =	sadd.s32 $0x100, s11;
	v2 =	vld [tilespmem:s21+$0x30];
	(pc) =	sbr.rel @p0 .LBB2_3-.Ltmp2, $4  }
0x70: {  	s21 =	sadd.s32 $0x100, s21;
	v1 =	vld [tilespmem:s11+$0x40];
	v10 =	vmul.f32 v11, v7;
	v4 =	vadd.f32 v5, v4  }
0x71: {  	v5 =	vld [tilespmem:s21+$0x40]  }
0x72: {  	v7 =	vld [tilespmem:s11+$0x50];
	v3 =	vadd.f32 v10, v3;
	v9 =	vmul.f32 v9, v8  }
0x73: {  	s22 =	sadd.s32 $0x4, s22;
	v8 =	vld [tilespmem:s21+$0x50]  }
0x74: {  	v10 =	vld [tilespmem:s11+$0x60]  }
0x75: {  	v11 =	vld [tilespmem:s21+$0x60]  }
0x76: {  	v12 =	vld [tilespmem:s11+$0x70]  }
0x77: {  	v13 =	vld [tilespmem:s21+$0x70]  }
0x78: {  	v14 =	vld [tilespmem:s21+$0xFFFFFF80]  }
0x79: {  	v15 =	vld [tilespmem:s11+$0xFFFFFF90]  }
0x7a: {  	v16 =	vld [tilespmem:s21+$0xFFFFFF90]  }
0x7b: {  	v17 =	vld [tilespmem:s11+$0xFFFFFFC0]  }
0x7c: {  	v18 =	vld [tilespmem:s21+$0xFFFFFFC0]  }
0x7d: {  	v19 =	vld [tilespmem:s11+$0xFFFFFFD0]  }
0x7e: {  	v20 =	vld [tilespmem:s21+$0xFFFFFFD0]  }
0x7f: {  	v21 =	vld [tilespmem:s11+$0x0]  }
0x80: {  	v22 =	vld [tilespmem:s21+$0x0]  }
0x81: {  	v23 =	vld [tilespmem:s11+$0x10]  }
0x82: {  	v24 =	vld [tilespmem:s21+$0x10]  }
0x83: {  	v25 =	vld [tilespmem:s11+$0xFFFFFF80]  }
0x84: {  	v26 =	vld [tilespmem:s11+$0xFFFFFFA0]  }
0x85: {  	v27 =	vld [tilespmem:s21+$0xFFFFFFA0]  }
0x86: {  	v28 =	vld [tilespmem:s11+$0xFFFFFFE0]  }
0x87: {  	v29 =	vld [tilespmem:s21+$0xFFFFFFE0]  }
0x88: {  	v30 =	vld [tilespmem:s11+$0x20]  }
0x89: {  	v31 =	vld [tilespmem:s21+$0x20]  }
0x8a: {  	v32 =	vld [tilespmem:s11+$0xFFFFFFB0];
	v0 =	vmul.f32 v2, v0  }
0x8b: {  	v49 =	vld [tilespmem:s11+$0x30];
	v1 =	vmul.f32 v5, v1;
	v5 =	vmul.f32 v8, v7  }
0x8c: {  	v6 =	vadd.f32 v9, v6;
	v0 =	vadd.f32 v0, v4;
	v7 =	vld [tilespmem:s21+$0xFFFFFFB0];
	v2 =	vmul.f32 v11, v10  }
0x8d: {  	v8 =	vld [tilespmem:s11+$0xFFFFFFF0];
	v9 =	vmul.f32 v18, v17;
	v4 =	vmul.f32 v20, v19;
	v1 =	vadd.f32 v5, v1  }
0x8e: {  	v10 =	vld [tilespmem:s21+$0xFFFFFFF0];
	v11 =	vmul.f32 v14, v25;
	v5 =	vmul.f32 v16, v15  }
0x8f: {  	v51 =	vld [tilespmem:s21+$0x30];
	v50 =	vmul.f32 v24, v23;
	v12 =	vmul.f32 v13, v12;
	v1 =	vadd.f32 v2, v1  }
0x90: {  	v2 =	vmul.f32 v22, v21;
	v5 =	vadd.f32 v5, v11;
	v11 =	vmul.f32 v27, v26  }
0x91: {  	v4 =	vadd.f32 v4, v9;
	v9 =	vmul.f32 v29, v28;
	v7 =	vmul.f32 v7, v32  }
0x92: {  	(xrf2) =	vadd.scan.msk.f32 $0xffff, v3;
	v2 =	vadd.f32 v50, v2;
	v3 =	vadd.f32 v11, v5;
	v5 =	vmul.f32 v31, v30  }
0x93: {  	(xrf2) =	vadd.scan.msk.f32 $0xffff, v6;
	v4 =	vadd.f32 v9, v4;
	v1 =	vadd.f32 v12, v1;
	v6 =	vmul.f32 v10, v8  }
0x94: {  	(xrf2) =	vadd.scan.msk.f32 $0xffff, v0;
	v0 =	vadd.f32 v5, v2;
	v2 =	vadd.f32 v7, v3;
	v3 =	vmul.f32 v51, v49  }
0x95: {  	s22 =	sadd.s32 $0x1, s8;
	v5 =	vmov s8;
	(xrf2) =	vadd.scan.msk.f32 $0xffff, v1;
	v1 =	vadd.f32 v6, v4  }
0x96: {  	s23 =	sadd.s32 $0x2, s8;
	v4 =	vand.u32 $0xFFFFFFFC, v5;
	v5 =	vmov s22;
	(xrf2) =	vadd.scan.msk.f32 $0xffff, v2;
	v0 =	vadd.f32 v3, v0  }
0x97: {  	v2 =	vbroadcast v4, $0x0;
	v3 =	vand.u32 $0xFFFFFFFD, v5;
	v4 =	vmov s23;
	(xrf2) =	vadd.scan.msk.f32 $0xffff, v1  }
0x98: {  	s8 =	sadd.s32 $0x2, s7;
	v1 =	vbroadcast v3, $0x0;
	v3 =	vand.u32 $0xFFFFFFFE, v4;
	(xrf2) =	vadd.scan.msk.f32 $0xffff, v0  }
0x99: {  	s1 =	sadd.s32 $0x1, s7;
	v6 =	vmov s8;
	v0 =	vbroadcast v3, $0x0;
	v3 =	vmov s7  }
0x9a: {  	s29 =	sadd.s32 $0x3, s7;
	v5 =	vmov s1;
	v6 =	vand.u32 $0xFFFFFFFE, v6;
	v3 =	vand.u32 $0xFFFFFFFC, v3  }
0x9b: {  	v4 =	vmov s29;
	v5 =	vand.u32 $0xFFFFFFFD, v5;
	v3 =	vbroadcast v3, $0x0  }
0x9c: {  	v7, _, _ =	vpop (xrf2);
	v5 =	vbroadcast v5, $0x0  }
0x9d: {  	v8, _, _ =	vpop (xrf2);
	[tilespmem:v2+s26+$0x0] =	vst.idx.msk vm0, v7;
	v2 =	vbroadcast v6, $0x0  }
0x9e: {  	v6, _, _ =	vpop (xrf2);
	[tilespmem:v1+s26+$0x0] =	vst.idx.msk vm0, v8  }
0x9f: {  	v1, _, _ =	vpop (xrf2);
	[tilespmem:v0+s26+$0x0] =	vst.idx.msk vm0, v6  }
0xa0: {  	[tilespmem:v4+s26+$0x0] =	vst.idx.msk vm0, v1;
	v0, _, _ =	vpop (xrf2)  }
0xa1: {  	[tilespmem:v3+s26+$0x0] =	vst.idx.msk vm0, v0;
	v0, _, _ =	vpop (xrf2)  }
0xa2: {  	[tilespmem:v5+s26+$0x0] =	vst.idx.msk vm0, v0;
	v0, _, _ =	vpop (xrf2)  }
0xa3: {  	[tilespmem:v2+s26+$0x0] =	vst.idx.msk vm0, v0  }
0xa4: {  	v0 =	vld [tilespmem:$0x11620];
	_ =	sdelay $0x4  }
0xa5: {  	v0 =	vsub.f32 $0.0e+00, v0;
	_ =	sdelay $0x1  }
0xa6: {  	v0 =	vmul.f32 $1.442695020e+00, v0;
	_ =	sdelay $0x1  }
0xa7: {  	(erf) = vpow2.f32 v0;
	_ =	sdelay $0x3  }
0xa8: {  	v0 =	vld [tilespmem:$0x11630];
	_ =	sdelay $0x4  }
0xa9: {  	v0 =	vsub.f32 $0.0e+00, v0;
	v1 =	vpop (erf)  }
0xaa: {  	v1 =	vadd.f32 $1.000000000e+00, v1  }
0xab: {  	v0 =	vmul.f32 $1.442695020e+00, v0  }
0xac: {  	(erf) = vrcp.f32 v1  }
0xad: {  	(erf) = vpow2.f32 v0;
	_ =	sdelay $0x3  }
0xae: {  	v0 =	vld [tilespmem:$0x11640];
	_ =	sdelay $0x3  }
0xaf: {  	v1 =	vpop (erf)  }
0xb0: {  	v0 =	vsub.f32 $0.0e+00, v0;
	v2 =	vpop (erf)  }
0xb1: {  	v2 =	vadd.f32 $1.000000000e+00, v2  }
0xb2: {  	v0 =	vmul.f32 $1.442695020e+00, v0  }
0xb3: {  	(erf) = vrcp.f32 v2  }
0xb4: {  	(erf) = vpow2.f32 v0;
	_ =	sdelay $0x3  }
0xb5: {  	v0 =	vld [tilespmem:$0x11650];
	_ =	sdelay $0x3  }
0xb6: {  	v2 =	vpop (erf)  }
0xb7: {  	v0 =	vsub.f32 $0.0e+00, v0;
	v3 =	vpop (erf)  }
0xb8: {  	v3 =	vadd.f32 $1.000000000e+00, v3  }
0xb9: {  	v0 =	vmul.f32 $1.442695020e+00, v0  }
0xba: {  	(erf) = vrcp.f32 v3  }
0xbb: {  	(erf) = vpow2.f32 v0;
	_ =	sdelay $0x3  }
0xbc: {  	v0 =	vld [tilespmem:$0x11660];
	_ =	sdelay $0x3  }
0xbd: {  	v3 =	vpop (erf)  }
0xbe: {  	v0 =	vsub.f32 $0.0e+00, v0;
	v4 =	vpop (erf)  }
0xbf: {  	v4 =	vadd.f32 $1.000000000e+00, v4  }
0xc0: {  	v0 =	vmul.f32 $1.442695020e+00, v0  }
0xc1: {  	(erf) = vrcp.f32 v4  }
0xc2: {  	(erf) = vpow2.f32 v0;
	_ =	sdelay $0x7  }
0xc3: {  	v0 =	vpop (erf)  }
0xc4: {  	v4 =	vpop (erf)  }
0xc5: {  	v4 =	vadd.f32 $1.000000000e+00, v4;
	_ =	sdelay $0x1  }
0xc6: {  	(erf) = vrcp.f32 v4;
	_ =	sdelay $0x5  }
0xc7: {  	s7 =	smul.u32 $0x190, s13;
	[tilespmem:$0x11620] =	vst v1  }
0xc8: {  	[tilespmem:$0x11630] =	vst v2  }
0xc9: {  	s11 =	sadd.s32 s4, s7;
	[tilespmem:$0x11640] =	vst v3  }
0xca: {  	s8 =	sshrl.u32 s11, $0x3;
	[tilespmem:$0x11650] =	vst v0;
	v0 =	vpop (erf)  }
0xcb: {  	s21 =	sadd.s32 s2, s8;
	s8 =	simm.s32 $0x0;
	[tilespmem:$0x11660] =	vst v0  }
0xcc: {  	[hbm4b:s21+s8] =	stream.linear.scatter [tilespmem:s26], [sflag:$0xB], $0x50, $0x38;
	[tilespmem:$0x11670] =	vst v63  }
0xcd: {  	_ =	swait.ge [sflag:s12], $0x50  }
0xce: {  	[sflag:s12] =	ssyncset.done $0x0  }
0xcf: {  	s1 =	simm.s32 $0x8A20;
	s11 =	sadd.s32 $0xF0, s7;
	[sflag:s12] =	ssyncadd.s32 $0xFFFFFFB0  }
0xd0: {  	[tilespmem:s1], [sflag:$0x4] =	stream.indirect.gather [hbm4b:s5+s14], $0x40, s11, s14, $0xb8;
	[tilespmem:$0x11670] =	vst v63  }
0xd1: {  	s23 =	simm.s32 $0xEE20;
	s22 =	sadd.s32 $0x2800, s7  }
0xd2: {  	[tilespmem:s23], [sflag:$0x9] =	stream.indirect.gather [hbm4b:s6+s14], $0x40, s22, s14, $0xb8;
	[tilespmem:$0x11670] =	vst v63  }
0xd3: {  	_ =	swait.ge [sflag:s30], $0x1400  }
0xd4: {  	[sflag:s30] =	ssyncset.done $0x0  }
0xd5: {  	[sflag:s30] =	ssyncadd.s32 $0xFFFFEC00  }
0xd6: {  	_ =	swait.ge [sflag:s31], $0x1400  }
0xd7: {  	[sflag:s31] =	ssyncset.done $0x0  }
0xd8: {  	s29 =	simm.s32 $0x62A0;
	[sflag:s31] =	ssyncadd.s32 $0xFFFFEC00  }
0xd9: {  	s22 =	simm.s32 $0xC6A0;
	v0 =	vld [tilespmem:s29+$0x40]  }
0xda: {  	v1 =	vld [tilespmem:s22+$0x40]  }
0xdb: {  	v2 =	vld [tilespmem:s29+$0x50]  }
0xdc: {  	v3 =	vld [tilespmem:s22+$0x50]  }
0xdd: {  	v4 =	vld [tilespmem:s29+$0x60]  }
0xde: {  	v5 =	vld [tilespmem:s22+$0x60]  }
0xdf: {  	v6 =	vld [tilespmem:s29+$0x70]  }
0xe0: {  	v7 =	vld [tilespmem:s22+$0x70]  }
0xe1: {  	v8 =	vld [tilespmem:s22+$0xFFFFFF80]  }
0xe2: {  	v9 =	vld [tilespmem:s29+$0xFFFFFF90]  }
0xe3: {  	v10 =	vld [tilespmem:s22+$0xFFFFFF90]  }
0xe4: {  	v11 =	vld [tilespmem:s29+$0xFFFFFFC0]  }
0xe5: {  	v52 =	vld [tilespmem:s22+$0xFFFFFFC0]  }
0xe6: {  	v53 =	vld [tilespmem:s29+$0xFFFFFFD0]  }
0xe7: {  	v54 =	vld [tilespmem:s22+$0xFFFFFFD0];
	v0 =	vmul.f32 v1, v0;
	v1 =	vmul.f32 v3, v2  }
0xe8: {  	v55 =	vld [tilespmem:s29+$0xFFFFFFE0]  }
0xe9: {  	v56 =	vld [tilespmem:s22+$0xFFFFFFE0];
	v0 =	vadd.f32 v1, v0;
	v1 =	vmul.f32 v5, v4  }
0xea: {  	v57 =	vld [tilespmem:s29+$0x20]  }
0xeb: {  	v2 =	vld [tilespmem:s29+$0x0];
	v0 =	vadd.f32 v1, v0;
	v1 =	vmul.f32 v7, v6  }
0xec: {  	v4 =	vld [tilespmem:s29+$0x10]  }
0xed: {  	v5 =	vld [tilespmem:s22+$0x10];
	v0 =	vadd.f32 v1, v0  }
0xee: {  	v6 =	vld [tilespmem:s29+$0xFFFFFF80]  }
0xef: {  	v7 =	vld [tilespmem:s29+$0xFFFFFFA0];
	(xrf2) =	vadd.scan.msk.f32 $0xffff, v0  }
0xf0: {  	v1 =	vld [tilespmem:s22+$0xFFFFFFA0]  }
0xf1: {  	v3 =	vld [tilespmem:s22+$0x0]  }
0xf2: {  	v58 =	vld [tilespmem:s22+$0x20]  }
0xf3: {  	s23 =	simm.s32 $0x3;
	v59 =	vld [tilespmem:s29+$0xFFFFFFB0];
	v9 =	vmul.f32 v10, v9;
	v6 =	vmul.f32 v8, v6  }
0xf4: {  	v62 =	vmov s23;
	v60 =	vld [tilespmem:s22+$0xFFFFFFB0];
	v10 =	vmul.f32 v52, v11  }
0xf5: {  	v11 =	vld [tilespmem:s29+$0xFFFFFFF0];
	v4 =	vmul.f32 v5, v4;
	v5 =	vadd.f32 v9, v6;
	v6 =	vmul.f32 v1, v7  }
0xf6: {  	v61 =	vmul.f32 v54, v53;
	v3 =	vmul.f32 v3, v2;
	v8 =	vld [tilespmem:s22+$0xFFFFFFF0]  }
0xf7: {  	v2 =	vld [tilespmem:s22+$0x30]  }
0xf8: {  	s21 =	simm.s32 $0x63A0;
	v0 =	vld [tilespmem:s29+$0x30];
	v3 =	vadd.f32 v4, v3;
	v4 =	vmul.f32 v56, v55;
	v7 =	vadd.f32 v61, v10  }
0xf9: {  	s23 =	simm.s32 $0xC7A0;
	v63 =	vmul.f32 v60, v59;
	v1 =	vld [tilespmem:s21+$0x40];
	v10 =	vmul.f32 v58, v57;
	v9 =	vadd.f32 v6, v5;
	v6, _, _ =	vpop (xrf2)  }
0xfa: {  	v5 =	vld [tilespmem:s23+$0x40];
	[tilespmem:v62+s26+$0x0] =	vst.idx.msk vm0, v6;
	v6 =	vadd.f32 v4, v7  }
0xfb: {  	v7 =	vld [tilespmem:s21+$0x50];
	v4 =	vadd.f32 v10, v3;
	v3 =	vadd.f32 v63, v9;
	v9 =	vmul.f32 v8, v11  }
0xfc: {  	s28 =	simm.s32 $0x8;
	s22 =	simm.s32 $0x4;
	v8 =	vld [tilespmem:s23+$0x50]  }
.LBB2_5:
0xfd: {  	p0 =	slt.u32 s28, $0x4C;
	v10 =	vld [tilespmem:s21+$0x60];
	v6 =	vadd.f32 v9, v6;
	v0 =	vmul.f32 v2, v0;
	(xrf2) =	vadd.scan.msk.f32 $0xffff, v3  }
0xfe: {  	v2 =	vld [tilespmem:s23+$0x60]  }
0xff: {  	v3 =	vld [tilespmem:s21+$0x70];
	v0 =	vadd.f32 v0, v4  }
0x100: {  	v9 =	vmov s8;
	v4 =	vld [tilespmem:s23+$0x70];
	(xrf2) =	vadd.scan.msk.f32 $0xffff, v6  }
0x101: {  	v1 =	vmul.f32 v5, v1;
	v6 =	vld [tilespmem:s23+$0xFFFFFF80];
	v5 =	vmul.f32 v8, v7;
	v7 =	vand.u32 $0xFFFFFFFC, v9  }
0x102: {  	s29 =	sadd.s32 $0x1, s8;
	v8 =	vld [tilespmem:s21+$0xFFFFFF90];
	v7 =	vbroadcast v7, $0x0  }
0x103: {  	v9 =	vld [tilespmem:s23+$0xFFFFFF90];
	v1 =	vadd.f32 v5, v1;
	v2 =	vmul.f32 v2, v10;
	v5 =	vmov s29;
	(xrf2) =	vadd.scan.msk.f32 $0xffff, v0  }
0x104: {  	v0 =	vld [tilespmem:s21+$0xFFFFFFC0];
	v5 =	vand.u32 $0xFFFFFFFD, v5  }
0x105: {  	s29 =	sadd.s32 $0x2, s8;
	s8 =	smov.u32 s22;
	s22 =	smov.u32 s28;
	v10 =	vld [tilespmem:s23+$0xFFFFFFC0];
	v1 =	vadd.f32 v2, v1;
	v2 =	vmul.f32 v4, v3;
	v3 =	vbroadcast v5, $0x0  }
0x106: {  	v12 =	vmov s29;
	v4 =	vld [tilespmem:s21+$0xFFFFFFD0]  }
0x107: {  	v11 =	vld [tilespmem:s23+$0xFFFFFFD0];
	v1 =	vadd.f32 v2, v1;
	v2 =	vand.u32 $0xFFFFFFFE, v12;
	v5, _, _ =	vpop (xrf2)  }
0x108: {  	v8 =	vmul.f32 v9, v8;
	v9 =	vld [tilespmem:s21+$0x0];
	[tilespmem:v7+s26+$0x0] =	vst.idx.msk vm0, v5;
	v2 =	vbroadcast v2, $0x0  }
0x109: {  	v5 =	vld [tilespmem:s23+$0x0];
	(xrf2) =	vadd.scan.msk.f32 $0xffff, v1  }
0x10a: {  	v0 =	vmul.f32 v10, v0;
	v1 =	vld [tilespmem:s21+$0x10];
	v7, _, _ =	vpop (xrf2)  }
0x10b: {  	v10 =	vld [tilespmem:s23+$0x10];
	[tilespmem:v3+s26+$0x0] =	vst.idx.msk vm0, v7  }
0x10c: {  	v3 =	vld [tilespmem:s21+$0xFFFFFF80];
	v4 =	vmul.f32 v11, v4  }
0x10d: {  	v7 =	vld [tilespmem:s21+$0xFFFFFFA0];
	v11, _, _ =	vpop (xrf2)  }
0x10e: {  	s29 =	sadd.s32 $0x3, s8;
	v12 =	vld [tilespmem:s23+$0xFFFFFFA0];
	v0 =	vadd.f32 v4, v0;
	v4 =	vmul.f32 v5, v9;
	[tilespmem:v2+s26+$0x0] =	vst.idx.msk vm0, v11  }
0x10f: {  	v5 =	vmov s29;
	v2 =	vld [tilespmem:s21+$0xFFFFFFE0]  }
0x110: {  	v9 =	vld [tilespmem:s23+$0xFFFFFFE0];
	v1 =	vmul.f32 v10, v1  }
0x111: {  	v3 =	vmul.f32 v6, v3;
	v10 =	vld [tilespmem:s21+$0x20]  }
0x112: {  	v4 =	vadd.f32 v1, v4;
	v1 =	vld [tilespmem:s23+$0x20]  }
0x113: {  	v3 =	vadd.f32 v8, v3;
	v6 =	vmul.f32 v12, v7;
	v7 =	vld [tilespmem:s21+$0xFFFFFFB0];
	v8, _, _ =	vpop (xrf2)  }
0x114: {  	v11 =	vld [tilespmem:s23+$0xFFFFFFB0];
	[tilespmem:v5+s26+$0x0] =	vst.idx.msk vm0, v8  }
0x115: {  	v3 =	vadd.f32 v6, v3;
	v2 =	vmul.f32 v9, v2;
	v8 =	vld [tilespmem:s21+$0xFFFFFFF0]  }
0x116: {  	v9 =	vld [tilespmem:s23+$0xFFFFFFF0]  }
0x117: {  	v6 =	vadd.f32 v2, v0;
	v5 =	vmul.f32 v1, v10;
	v0 =	vld [tilespmem:s21+$0x30]  }
.Ltmp3:
0x118: {  	s21 =	sadd.s32 $0x100, s21;
	v2 =	vld [tilespmem:s23+$0x30];
	(pc) =	sbr.rel @p0 .LBB2_5-.Ltmp3, $4  }
0x119: {  	s23 =	sadd.s32 $0x100, s23;
	v1 =	vld [tilespmem:s21+$0x40];
	v10 =	vmul.f32 v11, v7;
	v4 =	vadd.f32 v5, v4  }
0x11a: {  	v5 =	vld [tilespmem:s23+$0x40]  }
0x11b: {  	v7 =	vld [tilespmem:s21+$0x50];
	v3 =	vadd.f32 v10, v3;
	v9 =	vmul.f32 v9, v8  }
0x11c: {  	s28 =	sadd.s32 $0x4, s28;
	v8 =	vld [tilespmem:s23+$0x50]  }
0x11d: {  	v10 =	vld [tilespmem:s21+$0x60]  }
0x11e: {  	v11 =	vld [tilespmem:s23+$0x60]  }
0x11f: {  	v12 =	vld [tilespmem:s21+$0x70]  }
0x120: {  	v13 =	vld [tilespmem:s23+$0x70]  }
0x121: {  	v14 =	vld [tilespmem:s23+$0xFFFFFF80]  }
0x122: {  	v15 =	vld [tilespmem:s21+$0xFFFFFF90]  }
0x123: {  	v16 =	vld [tilespmem:s23+$0xFFFFFF90]  }
0x124: {  	v17 =	vld [tilespmem:s21+$0xFFFFFFC0]  }
0x125: {  	v18 =	vld [tilespmem:s23+$0xFFFFFFC0]  }
0x126: {  	v19 =	vld [tilespmem:s21+$0xFFFFFFD0]  }
0x127: {  	v20 =	vld [tilespmem:s23+$0xFFFFFFD0]  }
0x128: {  	v21 =	vld [tilespmem:s21+$0x0]  }
0x129: {  	v22 =	vld [tilespmem:s23+$0x0]  }
0x12a: {  	v23 =	vld [tilespmem:s21+$0x10]  }
0x12b: {  	v24 =	vld [tilespmem:s23+$0x10]  }
0x12c: {  	v25 =	vld [tilespmem:s21+$0xFFFFFF80]  }
0x12d: {  	v26 =	vld [tilespmem:s21+$0xFFFFFFA0]  }
0x12e: {  	v27 =	vld [tilespmem:s23+$0xFFFFFFA0]  }
0x12f: {  	v28 =	vld [tilespmem:s21+$0xFFFFFFE0]  }
0x130: {  	v29 =	vld [tilespmem:s23+$0xFFFFFFE0]  }
0x131: {  	v30 =	vld [tilespmem:s21+$0x20]  }
0x132: {  	v31 =	vld [tilespmem:s23+$0x20]  }
0x133: {  	v32 =	vld [tilespmem:s21+$0xFFFFFFB0];
	v0 =	vmul.f32 v2, v0  }
0x134: {  	v49 =	vld [tilespmem:s21+$0x30];
	v1 =	vmul.f32 v5, v1;
	v5 =	vmul.f32 v8, v7  }
0x135: {  	v6 =	vadd.f32 v9, v6;
	v0 =	vadd.f32 v0, v4;
	v7 =	vld [tilespmem:s23+$0xFFFFFFB0];
	v2 =	vmul.f32 v11, v10  }
0x136: {  	v8 =	vld [tilespmem:s21+$0xFFFFFFF0];
	v9 =	vmul.f32 v18, v17;
	v4 =	vmul.f32 v20, v19;
	v1 =	vadd.f32 v5, v1  }
0x137: {  	v10 =	vld [tilespmem:s23+$0xFFFFFFF0];
	v11 =	vmul.f32 v14, v25;
	v5 =	vmul.f32 v16, v15  }
0x138: {  	v51 =	vld [tilespmem:s23+$0x30];
	v50 =	vmul.f32 v24, v23;
	v12 =	vmul.f32 v13, v12;
	v1 =	vadd.f32 v2, v1  }
0x139: {  	v2 =	vmul.f32 v22, v21;
	v5 =	vadd.f32 v5, v11;
	v11 =	vmul.f32 v27, v26  }
0x13a: {  	v4 =	vadd.f32 v4, v9;
	v9 =	vmul.f32 v29, v28;
	v7 =	vmul.f32 v7, v32  }
0x13b: {  	(xrf2) =	vadd.scan.msk.f32 $0xffff, v3;
	v2 =	vadd.f32 v50, v2;
	v3 =	vadd.f32 v11, v5;
	v5 =	vmul.f32 v31, v30  }
0x13c: {  	(xrf2) =	vadd.scan.msk.f32 $0xffff, v6;
	v4 =	vadd.f32 v9, v4;
	v1 =	vadd.f32 v12, v1;
	v6 =	vmul.f32 v10, v8  }
0x13d: {  	(xrf2) =	vadd.scan.msk.f32 $0xffff, v0;
	v0 =	vadd.f32 v5, v2;
	v2 =	vadd.f32 v7, v3;
	v3 =	vmul.f32 v51, v49  }
0x13e: {  	s1 =	sadd.s32 $0x1, s8;
	v5 =	vmov s8;
	(xrf2) =	vadd.scan.msk.f32 $0xffff, v1;
	v1 =	vadd.f32 v6, v4  }
0x13f: {  	s21 =	sadd.s32 $0x2, s8;
	v4 =	vand.u32 $0xFFFFFFFC, v5;
	v5 =	vmov s1;
	(xrf2) =	vadd.scan.msk.f32 $0xffff, v2;
	v0 =	vadd.f32 v3, v0  }
0x140: {  	v2 =	vbroadcast v4, $0x0;
	v3 =	vand.u32 $0xFFFFFFFD, v5;
	v4 =	vmov s21;
	(xrf2) =	vadd.scan.msk.f32 $0xffff, v1  }
0x141: {  	s1 =	sadd.s32 $0x1, s22;
	v1 =	vbroadcast v3, $0x0;
	v3 =	vand.u32 $0xFFFFFFFE, v4;
	(xrf2) =	vadd.scan.msk.f32 $0xffff, v0  }
0x142: {  	s23 =	sadd.s32 $0x3, s22;
	v5 =	vmov s1;
	v0 =	vbroadcast v3, $0x0;
	v3 =	vmov s22;
	s22 =	sadd.s32 $0x2, s22  }
0x143: {  	v4 =	vmov s23;
	v3 =	vand.u32 $0xFFFFFFFC, v3;
	v6 =	vmov s22  }
0x144: {  	v5 =	vand.u32 $0xFFFFFFFD, v5;
	v3 =	vbroadcast v3, $0x0;
	v6 =	vand.u32 $0xFFFFFFFE, v6  }
0x145: {  	v7, _, _ =	vpop (xrf2);
	v5 =	vbroadcast v5, $0x0  }
0x146: {  	v8, _, _ =	vpop (xrf2);
	[tilespmem:v2+s26+$0x0] =	vst.idx.msk vm0, v7;
	v2 =	vbroadcast v6, $0x0  }
0x147: {  	v6, _, _ =	vpop (xrf2);
	[tilespmem:v1+s26+$0x0] =	vst.idx.msk vm0, v8  }
0x148: {  	v1, _, _ =	vpop (xrf2);
	[tilespmem:v0+s26+$0x0] =	vst.idx.msk vm0, v6  }
0x149: {  	[tilespmem:v4+s26+$0x0] =	vst.idx.msk vm0, v1;
	v0, _, _ =	vpop (xrf2)  }
0x14a: {  	[tilespmem:v3+s26+$0x0] =	vst.idx.msk vm0, v0;
	v0, _, _ =	vpop (xrf2)  }
0x14b: {  	[tilespmem:v5+s26+$0x0] =	vst.idx.msk vm0, v0;
	v0, _, _ =	vpop (xrf2)  }
0x14c: {  	[tilespmem:v2+s26+$0x0] =	vst.idx.msk vm0, v0  }
0x14d: {  	v0 =	vld [tilespmem:$0x11620];
	_ =	sdelay $0x4  }
0x14e: {  	v0 =	vsub.f32 $0.0e+00, v0;
	_ =	sdelay $0x1  }
0x14f: {  	v0 =	vmul.f32 $1.442695020e+00, v0;
	_ =	sdelay $0x1  }
0x150: {  	(erf) = vpow2.f32 v0;
	_ =	sdelay $0x3  }
0x151: {  	v0 =	vld [tilespmem:$0x11630];
	_ =	sdelay $0x4  }
0x152: {  	v0 =	vsub.f32 $0.0e+00, v0;
	v1 =	vpop (erf)  }
0x153: {  	v1 =	vadd.f32 $1.000000000e+00, v1  }
0x154: {  	v0 =	vmul.f32 $1.442695020e+00, v0  }
0x155: {  	(erf) = vrcp.f32 v1  }
0x156: {  	(erf) = vpow2.f32 v0;
	_ =	sdelay $0x3  }
0x157: {  	v0 =	vld [tilespmem:$0x11640];
	_ =	sdelay $0x3  }
0x158: {  	v1 =	vpop (erf)  }
0x159: {  	v0 =	vsub.f32 $0.0e+00, v0;
	v2 =	vpop (erf)  }
0x15a: {  	v2 =	vadd.f32 $1.000000000e+00, v2  }
0x15b: {  	v0 =	vmul.f32 $1.442695020e+00, v0  }
0x15c: {  	(erf) = vrcp.f32 v2  }
0x15d: {  	(erf) = vpow2.f32 v0;
	_ =	sdelay $0x3  }
0x15e: {  	v0 =	vld [tilespmem:$0x11650];
	_ =	sdelay $0x3  }
0x15f: {  	v2 =	vpop (erf)  }
0x160: {  	v0 =	vsub.f32 $0.0e+00, v0;
	v3 =	vpop (erf)  }
0x161: {  	v3 =	vadd.f32 $1.000000000e+00, v3  }
0x162: {  	v0 =	vmul.f32 $1.442695020e+00, v0  }
0x163: {  	(erf) = vrcp.f32 v3  }
0x164: {  	(erf) = vpow2.f32 v0;
	_ =	sdelay $0x3  }
0x165: {  	v0 =	vld [tilespmem:$0x11660];
	_ =	sdelay $0x3  }
0x166: {  	v3 =	vpop (erf)  }
0x167: {  	v0 =	vsub.f32 $0.0e+00, v0;
	v4 =	vpop (erf)  }
0x168: {  	v4 =	vadd.f32 $1.000000000e+00, v4  }
0x169: {  	v0 =	vmul.f32 $1.442695020e+00, v0  }
0x16a: {  	(erf) = vrcp.f32 v4  }
0x16b: {  	(erf) = vpow2.f32 v0;
	_ =	sdelay $0x7  }
0x16c: {  	v0 =	vpop (erf)  }
0x16d: {  	v4 =	vpop (erf)  }
0x16e: {  	v4 =	vadd.f32 $1.000000000e+00, v4;
	_ =	sdelay $0x1  }
0x16f: {  	(erf) = vrcp.f32 v4;
	_ =	sdelay $0x5  }
0x170: {  	[tilespmem:$0x11620] =	vst v1  }
0x171: {  	[tilespmem:$0x11630] =	vst v2  }
0x172: {  	s23 =	sadd.s32 s7, s9;
	[tilespmem:$0x11640] =	vst v3  }
0x173: {  	s8 =	sshrl.u32 s23, $0x3;
	[tilespmem:$0x11650] =	vst v0;
	v0 =	vpop (erf)  }
0x174: {  	s8 =	sadd.s32 s2, s8;
	s22 =	simm.s32 $0x0;
	[tilespmem:$0x11660] =	vst v0  }
0x175: {  	[hbm4b:s8+s22] =	stream.linear.scatter [tilespmem:s26], [sflag:$0xB], $0x50, $0x38;
	[tilespmem:$0x11670] =	vst v63  }
0x176: {  	_ =	swait.ge [sflag:s12], $0x50  }
0x177: {  	[sflag:s12] =	ssyncset.done $0x0  }
0x178: {  	s1 =	simm.s32 $0x9E20;
	s8 =	sadd.s32 $0x140, s7;
	[sflag:s12] =	ssyncadd.s32 $0xFFFFFFB0  }
0x179: {  	[tilespmem:s1], [sflag:$0x5] =	stream.indirect.gather [hbm4b:s5+s14], $0x40, s8, s14, $0xb8;
	[tilespmem:$0x11670] =	vst v63  }
0x17a: {  	s1 =	sadd.s32 $0x2850, s7  }
0x17b: {  	[tilespmem:s0], [sflag:$0xA] =	stream.indirect.gather [hbm4b:s6+s14], $0x40, s1, s14, $0xb8;
	[tilespmem:$0x11670] =	vst v63  }
0x17c: {  	_ =	swait.ge [sflag:s15], $0x1400  }
0x17d: {  	[sflag:s15] =	ssyncset.done $0x0  }
0x17e: {  	[sflag:s15] =	ssyncadd.s32 $0xFFFFEC00  }
0x17f: {  	_ =	swait.ge [sflag:s16], $0x1400  }
0x180: {  	[sflag:s16] =	ssyncset.done $0x0  }
0x181: {  	s23 =	simm.s32 $0x76A0;
	[sflag:s16] =	ssyncadd.s32 $0xFFFFEC00  }
0x182: {  	s1 =	simm.s32 $0xDAA0;
	v0 =	vld [tilespmem:s23+$0x40]  }
0x183: {  	v1 =	vld [tilespmem:s1+$0x40]  }
0x184: {  	v2 =	vld [tilespmem:s23+$0x50]  }
0x185: {  	v3 =	vld [tilespmem:s1+$0x50]  }
0x186: {  	v4 =	vld [tilespmem:s23+$0x60]  }
0x187: {  	v5 =	vld [tilespmem:s1+$0x60]  }
0x188: {  	v6 =	vld [tilespmem:s23+$0x70]  }
0x189: {  	v7 =	vld [tilespmem:s1+$0x70]  }
0x18a: {  	v8 =	vld [tilespmem:s1+$0xFFFFFF80]  }
0x18b: {  	v9 =	vld [tilespmem:s23+$0xFFFFFF90]  }
0x18c: {  	v10 =	vld [tilespmem:s1+$0xFFFFFF90]  }
0x18d: {  	v11 =	vld [tilespmem:s23+$0xFFFFFFC0]  }
0x18e: {  	v52 =	vld [tilespmem:s1+$0xFFFFFFC0]  }
0x18f: {  	v53 =	vld [tilespmem:s23+$0xFFFFFFD0]  }
0x190: {  	v54 =	vld [tilespmem:s1+$0xFFFFFFD0];
	v0 =	vmul.f32 v1, v0;
	v1 =	vmul.f32 v3, v2  }
0x191: {  	v55 =	vld [tilespmem:s23+$0xFFFFFFE0]  }
0x192: {  	v56 =	vld [tilespmem:s1+$0xFFFFFFE0];
	v0 =	vadd.f32 v1, v0;
	v1 =	vmul.f32 v5, v4  }
0x193: {  	v57 =	vld [tilespmem:s23+$0x20]  }
0x194: {  	v2 =	vld [tilespmem:s23+$0x0];
	v0 =	vadd.f32 v1, v0;
	v1 =	vmul.f32 v7, v6  }
0x195: {  	v4 =	vld [tilespmem:s23+$0x10]  }
0x196: {  	v5 =	vld [tilespmem:s1+$0x10];
	v0 =	vadd.f32 v1, v0  }
0x197: {  	v6 =	vld [tilespmem:s23+$0xFFFFFF80]  }
0x198: {  	v7 =	vld [tilespmem:s23+$0xFFFFFFA0];
	(xrf2) =	vadd.scan.msk.f32 $0xffff, v0  }
0x199: {  	v1 =	vld [tilespmem:s1+$0xFFFFFFA0]  }
0x19a: {  	v3 =	vld [tilespmem:s1+$0x0]  }
0x19b: {  	v58 =	vld [tilespmem:s1+$0x20]  }
0x19c: {  	s28 =	simm.s32 $0x3;
	v59 =	vld [tilespmem:s23+$0xFFFFFFB0];
	v9 =	vmul.f32 v10, v9;
	v6 =	vmul.f32 v8, v6  }
0x19d: {  	v62 =	vmov s28;
	v60 =	vld [tilespmem:s1+$0xFFFFFFB0];
	v10 =	vmul.f32 v52, v11  }
0x19e: {  	v11 =	vld [tilespmem:s23+$0xFFFFFFF0];
	v4 =	vmul.f32 v5, v4;
	v5 =	vadd.f32 v9, v6;
	v6 =	vmul.f32 v1, v7  }
0x19f: {  	v61 =	vmul.f32 v54, v53;
	v3 =	vmul.f32 v3, v2;
	v8 =	vld [tilespmem:s1+$0xFFFFFFF0]  }
0x1a0: {  	v2 =	vld [tilespmem:s1+$0x30]  }
0x1a1: {  	v0 =	vld [tilespmem:s23+$0x30];
	s23 =	simm.s32 $0x77A0;
	v3 =	vadd.f32 v4, v3;
	v4 =	vmul.f32 v56, v55;
	v7 =	vadd.f32 v61, v10  }
0x1a2: {  	s28 =	simm.s32 $0xDBA0;
	v63 =	vmul.f32 v60, v59;
	v1 =	vld [tilespmem:s23+$0x40];
	v10 =	vmul.f32 v58, v57;
	v9 =	vadd.f32 v6, v5;
	v6, _, _ =	vpop (xrf2)  }
0x1a3: {  	v5 =	vld [tilespmem:s28+$0x40];
	[tilespmem:v62+s26+$0x0] =	vst.idx.msk vm0, v6;
	v6 =	vadd.f32 v4, v7  }
0x1a4: {  	v7 =	vld [tilespmem:s23+$0x50];
	v4 =	vadd.f32 v10, v3;
	v3 =	vadd.f32 v63, v9;
	v9 =	vmul.f32 v8, v11  }
0x1a5: {  	s29 =	simm.s32 $0x8;
	s21 =	simm.s32 $0x4;
	v8 =	vld [tilespmem:s28+$0x50]  }
.LBB2_7:
0x1a6: {  	p0 =	slt.u32 s29, $0x4C;
	v10 =	vld [tilespmem:s23+$0x60];
	v6 =	vadd.f32 v9, v6;
	v0 =	vmul.f32 v2, v0;
	(xrf2) =	vadd.scan.msk.f32 $0xffff, v3  }
0x1a7: {  	v2 =	vld [tilespmem:s28+$0x60]  }
0x1a8: {  	v3 =	vld [tilespmem:s23+$0x70];
	v0 =	vadd.f32 v0, v4  }
0x1a9: {  	v9 =	vmov s22;
	v4 =	vld [tilespmem:s28+$0x70];
	(xrf2) =	vadd.scan.msk.f32 $0xffff, v6  }
0x1aa: {  	v1 =	vmul.f32 v5, v1;
	v6 =	vld [tilespmem:s28+$0xFFFFFF80];
	v5 =	vmul.f32 v8, v7;
	v7 =	vand.u32 $0xFFFFFFFC, v9  }
0x1ab: {  	s1 =	sadd.s32 $0x1, s22;
	v8 =	vld [tilespmem:s23+$0xFFFFFF90];
	v7 =	vbroadcast v7, $0x0  }
0x1ac: {  	v9 =	vld [tilespmem:s28+$0xFFFFFF90];
	v1 =	vadd.f32 v5, v1;
	v2 =	vmul.f32 v2, v10;
	v5 =	vmov s1;
	(xrf2) =	vadd.scan.msk.f32 $0xffff, v0  }
0x1ad: {  	v0 =	vld [tilespmem:s23+$0xFFFFFFC0];
	v5 =	vand.u32 $0xFFFFFFFD, v5  }
0x1ae: {  	s1 =	sadd.s32 $0x2, s22;
	s22 =	smov.u32 s21;
	s21 =	smov.u32 s29;
	v10 =	vld [tilespmem:s28+$0xFFFFFFC0];
	v1 =	vadd.f32 v2, v1;
	v2 =	vmul.f32 v4, v3;
	v3 =	vbroadcast v5, $0x0  }
0x1af: {  	v12 =	vmov s1;
	v4 =	vld [tilespmem:s23+$0xFFFFFFD0]  }
0x1b0: {  	v11 =	vld [tilespmem:s28+$0xFFFFFFD0];
	v1 =	vadd.f32 v2, v1;
	v2 =	vand.u32 $0xFFFFFFFE, v12;
	v5, _, _ =	vpop (xrf2)  }
0x1b1: {  	v8 =	vmul.f32 v9, v8;
	v9 =	vld [tilespmem:s23+$0x0];
	[tilespmem:v7+s26+$0x0] =	vst.idx.msk vm0, v5;
	v2 =	vbroadcast v2, $0x0  }
0x1b2: {  	v5 =	vld [tilespmem:s28+$0x0];
	(xrf2) =	vadd.scan.msk.f32 $0xffff, v1  }
0x1b3: {  	v0 =	vmul.f32 v10, v0;
	v1 =	vld [tilespmem:s23+$0x10];
	v7, _, _ =	vpop (xrf2)  }
0x1b4: {  	v10 =	vld [tilespmem:s28+$0x10];
	[tilespmem:v3+s26+$0x0] =	vst.idx.msk vm0, v7  }
0x1b5: {  	v3 =	vld [tilespmem:s23+$0xFFFFFF80];
	v4 =	vmul.f32 v11, v4  }
0x1b6: {  	v7 =	vld [tilespmem:s23+$0xFFFFFFA0];
	v11, _, _ =	vpop (xrf2)  }
0x1b7: {  	s1 =	sadd.s32 $0x3, s22;
	v12 =	vld [tilespmem:s28+$0xFFFFFFA0];
	v0 =	vadd.f32 v4, v0;
	v4 =	vmul.f32 v5, v9;
	[tilespmem:v2+s26+$0x0] =	vst.idx.msk vm0, v11  }
0x1b8: {  	v5 =	vmov s1;
	v2 =	vld [tilespmem:s23+$0xFFFFFFE0]  }
0x1b9: {  	v9 =	vld [tilespmem:s28+$0xFFFFFFE0];
	v1 =	vmul.f32 v10, v1  }
0x1ba: {  	v3 =	vmul.f32 v6, v3;
	v10 =	vld [tilespmem:s23+$0x20]  }
0x1bb: {  	v4 =	vadd.f32 v1, v4;
	v1 =	vld [tilespmem:s28+$0x20]  }
0x1bc: {  	v3 =	vadd.f32 v8, v3;
	v6 =	vmul.f32 v12, v7;
	v7 =	vld [tilespmem:s23+$0xFFFFFFB0];
	v8, _, _ =	vpop (xrf2)  }
0x1bd: {  	v11 =	vld [tilespmem:s28+$0xFFFFFFB0];
	[tilespmem:v5+s26+$0x0] =	vst.idx.msk vm0, v8  }
0x1be: {  	v3 =	vadd.f32 v6, v3;
	v2 =	vmul.f32 v9, v2;
	v8 =	vld [tilespmem:s23+$0xFFFFFFF0]  }
0x1bf: {  	v9 =	vld [tilespmem:s28+$0xFFFFFFF0]  }
0x1c0: {  	v6 =	vadd.f32 v2, v0;
	v5 =	vmul.f32 v1, v10;
	v0 =	vld [tilespmem:s23+$0x30]  }
.Ltmp4:
0x1c1: {  	s23 =	sadd.s32 $0x100, s23;
	v2 =	vld [tilespmem:s28+$0x30];
	(pc) =	sbr.rel @p0 .LBB2_7-.Ltmp4, $4  }
0x1c2: {  	s28 =	sadd.s32 $0x100, s28;
	v1 =	vld [tilespmem:s23+$0x40];
	v10 =	vmul.f32 v11, v7;
	v4 =	vadd.f32 v5, v4  }
0x1c3: {  	v5 =	vld [tilespmem:s28+$0x40]  }
0x1c4: {  	v7 =	vld [tilespmem:s23+$0x50];
	v3 =	vadd.f32 v10, v3;
	v9 =	vmul.f32 v9, v8  }
0x1c5: {  	s29 =	sadd.s32 $0x4, s29;
	v8 =	vld [tilespmem:s28+$0x50]  }
0x1c6: {  	v10 =	vld [tilespmem:s23+$0x60]  }
0x1c7: {  	v11 =	vld [tilespmem:s28+$0x60]  }
0x1c8: {  	v12 =	vld [tilespmem:s23+$0x70]  }
0x1c9: {  	v13 =	vld [tilespmem:s28+$0x70]  }
0x1ca: {  	v14 =	vld [tilespmem:s28+$0xFFFFFF80]  }
0x1cb: {  	v15 =	vld [tilespmem:s23+$0xFFFFFF90]  }
0x1cc: {  	v16 =	vld [tilespmem:s28+$0xFFFFFF90]  }
0x1cd: {  	v17 =	vld [tilespmem:s23+$0xFFFFFFC0]  }
0x1ce: {  	v18 =	vld [tilespmem:s28+$0xFFFFFFC0]  }
0x1cf: {  	v19 =	vld [tilespmem:s23+$0xFFFFFFD0]  }
0x1d0: {  	v20 =	vld [tilespmem:s28+$0xFFFFFFD0]  }
0x1d1: {  	v21 =	vld [tilespmem:s23+$0x0]  }
0x1d2: {  	v22 =	vld [tilespmem:s28+$0x0]  }
0x1d3: {  	v23 =	vld [tilespmem:s23+$0x10]  }
0x1d4: {  	v24 =	vld [tilespmem:s28+$0x10]  }
0x1d5: {  	v25 =	vld [tilespmem:s23+$0xFFFFFF80]  }
0x1d6: {  	v26 =	vld [tilespmem:s23+$0xFFFFFFA0]  }
0x1d7: {  	v27 =	vld [tilespmem:s28+$0xFFFFFFA0]  }
0x1d8: {  	v28 =	vld [tilespmem:s23+$0xFFFFFFE0]  }
0x1d9: {  	v29 =	vld [tilespmem:s28+$0xFFFFFFE0]  }
0x1da: {  	v30 =	vld [tilespmem:s23+$0x20]  }
0x1db: {  	v31 =	vld [tilespmem:s28+$0x20]  }
0x1dc: {  	v32 =	vld [tilespmem:s23+$0xFFFFFFB0];
	v0 =	vmul.f32 v2, v0  }
0x1dd: {  	v49 =	vld [tilespmem:s23+$0x30];
	v1 =	vmul.f32 v5, v1;
	v5 =	vmul.f32 v8, v7  }
0x1de: {  	v6 =	vadd.f32 v9, v6;
	v0 =	vadd.f32 v0, v4;
	v7 =	vld [tilespmem:s28+$0xFFFFFFB0];
	v2 =	vmul.f32 v11, v10  }
0x1df: {  	v8 =	vld [tilespmem:s23+$0xFFFFFFF0];
	v9 =	vmul.f32 v18, v17;
	v4 =	vmul.f32 v20, v19;
	v1 =	vadd.f32 v5, v1  }
0x1e0: {  	v10 =	vld [tilespmem:s28+$0xFFFFFFF0];
	v11 =	vmul.f32 v14, v25;
	v5 =	vmul.f32 v16, v15  }
0x1e1: {  	v51 =	vld [tilespmem:s28+$0x30];
	v50 =	vmul.f32 v24, v23;
	v12 =	vmul.f32 v13, v12;
	v1 =	vadd.f32 v2, v1  }
0x1e2: {  	v2 =	vmul.f32 v22, v21;
	v5 =	vadd.f32 v5, v11;
	v11 =	vmul.f32 v27, v26  }
0x1e3: {  	v4 =	vadd.f32 v4, v9;
	v9 =	vmul.f32 v29, v28;
	v7 =	vmul.f32 v7, v32  }
0x1e4: {  	(xrf2) =	vadd.scan.msk.f32 $0xffff, v3;
	v2 =	vadd.f32 v50, v2;
	v3 =	vadd.f32 v11, v5;
	v5 =	vmul.f32 v31, v30  }
0x1e5: {  	(xrf2) =	vadd.scan.msk.f32 $0xffff, v6;
	v4 =	vadd.f32 v9, v4;
	v1 =	vadd.f32 v12, v1;
	v6 =	vmul.f32 v10, v8  }
0x1e6: {  	(xrf2) =	vadd.scan.msk.f32 $0xffff, v0;
	v0 =	vadd.f32 v5, v2;
	v2 =	vadd.f32 v7, v3;
	v3 =	vmul.f32 v51, v49  }
0x1e7: {  	s1 =	sadd.s32 $0x1, s22;
	v5 =	vmov s22;
	(xrf2) =	vadd.scan.msk.f32 $0xffff, v1;
	v1 =	vadd.f32 v6, v4  }
0x1e8: {  	s23 =	sadd.s32 $0x2, s22;
	v4 =	vand.u32 $0xFFFFFFFC, v5;
	v5 =	vmov s1;
	(xrf2) =	vadd.scan.msk.f32 $0xffff, v2;
	v0 =	vadd.f32 v3, v0  }
0x1e9: {  	v2 =	vbroadcast v4, $0x0;
	v3 =	vand.u32 $0xFFFFFFFD, v5;
	v4 =	vmov s23;
	(xrf2) =	vadd.scan.msk.f32 $0xffff, v1  }
0x1ea: {  	s22 =	sadd.s32 $0x3, s21;
	v1 =	vbroadcast v3, $0x0;
	v3 =	vand.u32 $0xFFFFFFFE, v4;
	(xrf2) =	vadd.scan.msk.f32 $0xffff, v0  }
0x1eb: {  	s23 =	sadd.s32 $0x1, s21;
	v4 =	vmov s22;
	v0 =	vbroadcast v3, $0x0;
	v3 =	vmov s21;
	s21 =	sadd.s32 $0x2, s21  }
0x1ec: {  	v5 =	vmov s23;
	v3 =	vand.u32 $0xFFFFFFFC, v3;
	v6 =	vmov s21  }
0x1ed: {  	v5 =	vand.u32 $0xFFFFFFFD, v5;
	v3 =	vbroadcast v3, $0x0;
	v6 =	vand.u32 $0xFFFFFFFE, v6  }
0x1ee: {  	v7, _, _ =	vpop (xrf2);
	v5 =	vbroadcast v5, $0x0  }
0x1ef: {  	v8, _, _ =	vpop (xrf2);
	[tilespmem:v2+s26+$0x0] =	vst.idx.msk vm0, v7;
	v2 =	vbroadcast v6, $0x0  }
0x1f0: {  	v6, _, _ =	vpop (xrf2);
	[tilespmem:v1+s26+$0x0] =	vst.idx.msk vm0, v8  }
0x1f1: {  	v1, _, _ =	vpop (xrf2);
	[tilespmem:v0+s26+$0x0] =	vst.idx.msk vm0, v6  }
0x1f2: {  	[tilespmem:v4+s26+$0x0] =	vst.idx.msk vm0, v1;
	v0, _, _ =	vpop (xrf2)  }
0x1f3: {  	[tilespmem:v3+s26+$0x0] =	vst.idx.msk vm0, v0;
	v0, _, _ =	vpop (xrf2)  }
0x1f4: {  	[tilespmem:v5+s26+$0x0] =	vst.idx.msk vm0, v0;
	v0, _, _ =	vpop (xrf2)  }
0x1f5: {  	[tilespmem:v2+s26+$0x0] =	vst.idx.msk vm0, v0  }
0x1f6: {  	v0 =	vld [tilespmem:$0x11620];
	_ =	sdelay $0x4  }
0x1f7: {  	v0 =	vsub.f32 $0.0e+00, v0;
	_ =	sdelay $0x1  }
0x1f8: {  	v0 =	vmul.f32 $1.442695020e+00, v0;
	_ =	sdelay $0x1  }
0x1f9: {  	(erf) = vpow2.f32 v0;
	_ =	sdelay $0x3  }
0x1fa: {  	v0 =	vld [tilespmem:$0x11630];
	_ =	sdelay $0x4  }
0x1fb: {  	v0 =	vsub.f32 $0.0e+00, v0;
	v1 =	vpop (erf)  }
0x1fc: {  	v1 =	vadd.f32 $1.000000000e+00, v1  }
0x1fd: {  	v0 =	vmul.f32 $1.442695020e+00, v0  }
0x1fe: {  	(erf) = vrcp.f32 v1  }
0x1ff: {  	(erf) = vpow2.f32 v0;
	_ =	sdelay $0x3  }
0x200: {  	v0 =	vld [tilespmem:$0x11640];
	_ =	sdelay $0x3  }
0x201: {  	v1 =	vpop (erf)  }
0x202: {  	v0 =	vsub.f32 $0.0e+00, v0;
	v2 =	vpop (erf)  }
0x203: {  	v2 =	vadd.f32 $1.000000000e+00, v2  }
0x204: {  	v0 =	vmul.f32 $1.442695020e+00, v0  }
0x205: {  	(erf) = vrcp.f32 v2  }
0x206: {  	(erf) = vpow2.f32 v0;
	_ =	sdelay $0x3  }
0x207: {  	v0 =	vld [tilespmem:$0x11650];
	_ =	sdelay $0x3  }
0x208: {  	v2 =	vpop (erf)  }
0x209: {  	v0 =	vsub.f32 $0.0e+00, v0;
	v3 =	vpop (erf)  }
0x20a: {  	v3 =	vadd.f32 $1.000000000e+00, v3  }
0x20b: {  	v0 =	vmul.f32 $1.442695020e+00, v0  }
0x20c: {  	(erf) = vrcp.f32 v3  }
0x20d: {  	(erf) = vpow2.f32 v0;
	_ =	sdelay $0x3  }
0x20e: {  	v0 =	vld [tilespmem:$0x11660];
	_ =	sdelay $0x3  }
0x20f: {  	v3 =	vpop (erf)  }
0x210: {  	v0 =	vsub.f32 $0.0e+00, v0;
	v4 =	vpop (erf)  }
0x211: {  	v4 =	vadd.f32 $1.000000000e+00, v4  }
0x212: {  	v0 =	vmul.f32 $1.442695020e+00, v0  }
0x213: {  	(erf) = vrcp.f32 v4  }
0x214: {  	(erf) = vpow2.f32 v0;
	_ =	sdelay $0x7  }
0x215: {  	v0 =	vpop (erf)  }
0x216: {  	v4 =	vpop (erf)  }
0x217: {  	v4 =	vadd.f32 $1.000000000e+00, v4;
	_ =	sdelay $0x1  }
0x218: {  	(erf) = vrcp.f32 v4;
	_ =	sdelay $0x5  }
0x219: {  	[tilespmem:$0x11620] =	vst v1  }
0x21a: {  	[tilespmem:$0x11630] =	vst v2  }
0x21b: {  	s22 =	sadd.s32 s7, s10;
	[tilespmem:$0x11640] =	vst v3  }
0x21c: {  	s1 =	sshrl.u32 s22, $0x3;
	[tilespmem:$0x11650] =	vst v0;
	v0 =	vpop (erf)  }
0x21d: {  	s1 =	sadd.s32 s2, s1;
	[tilespmem:$0x11660] =	vst v0  }
0x21e: {  	[hbm4b:s1+s3] =	stream.linear.scatter [tilespmem:s26], [sflag:$0xB], $0x50, $0x38;
	[tilespmem:$0x11670] =	vst v63  }
0x21f: {  	p0 =	seq.s32 s13, $0x18;
	_ =	swait.ge [sflag:s12], $0x50  }
0x220: {  	s22 =	simm.s32 @!p0 $0x4E20;
	[sflag:s12] =	ssyncset.done $0x0  }
0x221: {  	s21 =	simm.s32 @!p0 $0x50;
	s1 =	sadd.s32 @!p0 $0x190, s7;
	[sflag:s12] =	ssyncadd.s32 $0xFFFFFFB0  }
0x222: {  	[tilespmem:s22], [sflag:$0x1] =	stream.indirect.gather @!p0 [hbm4b:s5+s21], $0x40, s1, s21, $0xb8;
	[tilespmem:$0x11670] =	vst v63  }
0x223: {  	s1 =	sadd.s32 @!p0 $0x28A0, s7;
	s22 =	simm.s32 @!p0 $0xB220  }
0x224: {  	[tilespmem:s22], [sflag:$0x6] =	stream.indirect.gather @!p0 [hbm4b:s6+s21], $0x40, s1, s21, $0xb8;
	[tilespmem:$0x11670] =	vst v63  }
0x225: {  	_ =	swait.ge [sflag:s17], $0x1400  }
0x226: {  	[sflag:s17] =	ssyncset.done $0x0  }
0x227: {  	[sflag:s17] =	ssyncadd.s32 $0xFFFFEC00  }
0x228: {  	_ =	swait.ge [sflag:s18], $0x1400  }
0x229: {  	[sflag:s18] =	ssyncset.done $0x0  }
0x22a: {  	s1 =	simm.s32 $0x8AA0;
	[sflag:s18] =	ssyncadd.s32 $0xFFFFEC00  }
0x22b: {  	s21 =	simm.s32 $0xEEA0;
	v0 =	vld [tilespmem:s1+$0x40]  }
0x22c: {  	v1 =	vld [tilespmem:s21+$0x40]  }
0x22d: {  	v2 =	vld [tilespmem:s1+$0x50]  }
0x22e: {  	v3 =	vld [tilespmem:s21+$0x50]  }
0x22f: {  	v4 =	vld [tilespmem:s1+$0x60]  }
0x230: {  	v5 =	vld [tilespmem:s21+$0x60]  }
0x231: {  	v6 =	vld [tilespmem:s1+$0x70]  }
0x232: {  	v7 =	vld [tilespmem:s21+$0x70]  }
0x233: {  	v8 =	vld [tilespmem:s21+$0xFFFFFF80]  }
0x234: {  	v9 =	vld [tilespmem:s1+$0xFFFFFF90]  }
0x235: {  	v10 =	vld [tilespmem:s21+$0xFFFFFF90]  }
0x236: {  	v11 =	vld [tilespmem:s1+$0xFFFFFFC0]  }
0x237: {  	v52 =	vld [tilespmem:s21+$0xFFFFFFC0]  }
0x238: {  	v53 =	vld [tilespmem:s1+$0xFFFFFFD0]  }
0x239: {  	v54 =	vld [tilespmem:s21+$0xFFFFFFD0];
	v0 =	vmul.f32 v1, v0;
	v1 =	vmul.f32 v3, v2  }
0x23a: {  	v55 =	vld [tilespmem:s1+$0xFFFFFFE0]  }
0x23b: {  	v56 =	vld [tilespmem:s21+$0xFFFFFFE0];
	v0 =	vadd.f32 v1, v0;
	v1 =	vmul.f32 v5, v4  }
0x23c: {  	v57 =	vld [tilespmem:s1+$0x20]  }
0x23d: {  	v2 =	vld [tilespmem:s1+$0x0];
	v0 =	vadd.f32 v1, v0;
	v1 =	vmul.f32 v7, v6  }
0x23e: {  	v4 =	vld [tilespmem:s1+$0x10]  }
0x23f: {  	v5 =	vld [tilespmem:s21+$0x10];
	v0 =	vadd.f32 v1, v0  }
0x240: {  	v6 =	vld [tilespmem:s1+$0xFFFFFF80]  }
0x241: {  	v7 =	vld [tilespmem:s1+$0xFFFFFFA0];
	(xrf2) =	vadd.scan.msk.f32 $0xffff, v0  }
0x242: {  	v1 =	vld [tilespmem:s21+$0xFFFFFFA0]  }
0x243: {  	v3 =	vld [tilespmem:s21+$0x0]  }
0x244: {  	v58 =	vld [tilespmem:s21+$0x20]  }
0x245: {  	s23 =	simm.s32 $0x3;
	v59 =	vld [tilespmem:s1+$0xFFFFFFB0];
	v9 =	vmul.f32 v10, v9;
	v6 =	vmul.f32 v8, v6  }
0x246: {  	v62 =	vmov s23;
	v60 =	vld [tilespmem:s21+$0xFFFFFFB0];
	v10 =	vmul.f32 v52, v11  }
0x247: {  	v11 =	vld [tilespmem:s1+$0xFFFFFFF0];
	v4 =	vmul.f32 v5, v4;
	v5 =	vadd.f32 v9, v6;
	v6 =	vmul.f32 v1, v7  }
0x248: {  	v61 =	vmul.f32 v54, v53;
	v3 =	vmul.f32 v3, v2;
	v8 =	vld [tilespmem:s21+$0xFFFFFFF0]  }
0x249: {  	v2 =	vld [tilespmem:s21+$0x30]  }
0x24a: {  	s23 =	simm.s32 $0x8BA0;
	v0 =	vld [tilespmem:s1+$0x30];
	v3 =	vadd.f32 v4, v3;
	v4 =	vmul.f32 v56, v55;
	v7 =	vadd.f32 v61, v10  }
0x24b: {  	s28 =	simm.s32 $0xEFA0;
	v63 =	vmul.f32 v60, v59;
	v1 =	vld [tilespmem:s23+$0x40];
	v10 =	vmul.f32 v58, v57;
	v9 =	vadd.f32 v6, v5;
	v6, _, _ =	vpop (xrf2)  }
0x24c: {  	v5 =	vld [tilespmem:s28+$0x40];
	[tilespmem:v62+s26+$0x0] =	vst.idx.msk vm0, v6;
	v6 =	vadd.f32 v4, v7  }
0x24d: {  	v7 =	vld [tilespmem:s23+$0x50];
	v4 =	vadd.f32 v10, v3;
	v3 =	vadd.f32 v63, v9;
	v9 =	vmul.f32 v8, v11  }
0x24e: {  	s29 =	simm.s32 $0x8;
	s22 =	simm.s32 $0x0;
	s21 =	simm.s32 $0x4;
	v8 =	vld [tilespmem:s28+$0x50]  }
.LBB2_9:
0x24f: {  	p1 =	slt.u32 s29, $0x4C;
	v10 =	vld [tilespmem:s23+$0x60];
	v6 =	vadd.f32 v9, v6;
	v0 =	vmul.f32 v2, v0;
	(xrf2) =	vadd.scan.msk.f32 $0xffff, v3  }
0x250: {  	v2 =	vld [tilespmem:s28+$0x60]  }
0x251: {  	v3 =	vld [tilespmem:s23+$0x70];
	v0 =	vadd.f32 v0, v4  }
0x252: {  	v9 =	vmov s22;
	v4 =	vld [tilespmem:s28+$0x70];
	(xrf2) =	vadd.scan.msk.f32 $0xffff, v6  }
0x253: {  	v1 =	vmul.f32 v5, v1;
	v6 =	vld [tilespmem:s28+$0xFFFFFF80];
	v5 =	vmul.f32 v8, v7;
	v7 =	vand.u32 $0xFFFFFFFC, v9  }
0x254: {  	s1 =	sadd.s32 $0x1, s22;
	v8 =	vld [tilespmem:s23+$0xFFFFFF90];
	v7 =	vbroadcast v7, $0x0  }
0x255: {  	v9 =	vld [tilespmem:s28+$0xFFFFFF90];
	v1 =	vadd.f32 v5, v1;
	v2 =	vmul.f32 v2, v10;
	v5 =	vmov s1;
	(xrf2) =	vadd.scan.msk.f32 $0xffff, v0  }
0x256: {  	v0 =	vld [tilespmem:s23+$0xFFFFFFC0];
	v5 =	vand.u32 $0xFFFFFFFD, v5  }
0x257: {  	s1 =	sadd.s32 $0x2, s22;
	s22 =	smov.u32 s21;
	s21 =	smov.u32 s29;
	v10 =	vld [tilespmem:s28+$0xFFFFFFC0];
	v1 =	vadd.f32 v2, v1;
	v2 =	vmul.f32 v4, v3;
	v3 =	vbroadcast v5, $0x0  }
0x258: {  	v12 =	vmov s1;
	v4 =	vld [tilespmem:s23+$0xFFFFFFD0]  }
0x259: {  	v11 =	vld [tilespmem:s28+$0xFFFFFFD0];
	v1 =	vadd.f32 v2, v1;
	v2 =	vand.u32 $0xFFFFFFFE, v12;
	v5, _, _ =	vpop (xrf2)  }
0x25a: {  	v8 =	vmul.f32 v9, v8;
	v9 =	vld [tilespmem:s23+$0x0];
	[tilespmem:v7+s26+$0x0] =	vst.idx.msk vm0, v5;
	v2 =	vbroadcast v2, $0x0  }
0x25b: {  	v5 =	vld [tilespmem:s28+$0x0];
	(xrf2) =	vadd.scan.msk.f32 $0xffff, v1  }
0x25c: {  	v0 =	vmul.f32 v10, v0;
	v1 =	vld [tilespmem:s23+$0x10];
	v7, _, _ =	vpop (xrf2)  }
0x25d: {  	v10 =	vld [tilespmem:s28+$0x10];
	[tilespmem:v3+s26+$0x0] =	vst.idx.msk vm0, v7  }
0x25e: {  	v3 =	vld [tilespmem:s23+$0xFFFFFF80];
	v4 =	vmul.f32 v11, v4  }
0x25f: {  	v7 =	vld [tilespmem:s23+$0xFFFFFFA0];
	v11, _, _ =	vpop (xrf2)  }
0x260: {  	s1 =	sadd.s32 $0x3, s22;
	v12 =	vld [tilespmem:s28+$0xFFFFFFA0];
	v0 =	vadd.f32 v4, v0;
	v4 =	vmul.f32 v5, v9;
	[tilespmem:v2+s26+$0x0] =	vst.idx.msk vm0, v11  }
0x261: {  	v5 =	vmov s1;
	v2 =	vld [tilespmem:s23+$0xFFFFFFE0]  }
0x262: {  	v9 =	vld [tilespmem:s28+$0xFFFFFFE0];
	v1 =	vmul.f32 v10, v1  }
0x263: {  	v3 =	vmul.f32 v6, v3;
	v10 =	vld [tilespmem:s23+$0x20]  }
0x264: {  	v4 =	vadd.f32 v1, v4;
	v1 =	vld [tilespmem:s28+$0x20]  }
0x265: {  	v3 =	vadd.f32 v8, v3;
	v6 =	vmul.f32 v12, v7;
	v7 =	vld [tilespmem:s23+$0xFFFFFFB0];
	v8, _, _ =	vpop (xrf2)  }
0x266: {  	v11 =	vld [tilespmem:s28+$0xFFFFFFB0];
	[tilespmem:v5+s26+$0x0] =	vst.idx.msk vm0, v8  }
0x267: {  	v3 =	vadd.f32 v6, v3;
	v2 =	vmul.f32 v9, v2;
	v8 =	vld [tilespmem:s23+$0xFFFFFFF0]  }
0x268: {  	v9 =	vld [tilespmem:s28+$0xFFFFFFF0]  }
0x269: {  	v6 =	vadd.f32 v2, v0;
	v5 =	vmul.f32 v1, v10;
	v0 =	vld [tilespmem:s23+$0x30]  }
.Ltmp5:
0x26a: {  	s23 =	sadd.s32 $0x100, s23;
	v2 =	vld [tilespmem:s28+$0x30];
	(pc) =	sbr.rel @p1 .LBB2_9-.Ltmp5, $4  }
0x26b: {  	s28 =	sadd.s32 $0x100, s28;
	v1 =	vld [tilespmem:s23+$0x40];
	v10 =	vmul.f32 v11, v7;
	v4 =	vadd.f32 v5, v4  }
0x26c: {  	v5 =	vld [tilespmem:s28+$0x40]  }
0x26d: {  	v7 =	vld [tilespmem:s23+$0x50];
	v3 =	vadd.f32 v10, v3;
	v9 =	vmul.f32 v9, v8  }
0x26e: {  	s29 =	sadd.s32 $0x4, s29;
	v8 =	vld [tilespmem:s28+$0x50]  }
0x26f: {  	v10 =	vld [tilespmem:s23+$0x60]  }
0x270: {  	v11 =	vld [tilespmem:s28+$0x60]  }
0x271: {  	v12 =	vld [tilespmem:s23+$0x70]  }
0x272: {  	v13 =	vld [tilespmem:s28+$0x70]  }
0x273: {  	v14 =	vld [tilespmem:s28+$0xFFFFFF80]  }
0x274: {  	v15 =	vld [tilespmem:s23+$0xFFFFFF90]  }
0x275: {  	v16 =	vld [tilespmem:s28+$0xFFFFFF90]  }
0x276: {  	v17 =	vld [tilespmem:s23+$0xFFFFFFC0]  }
0x277: {  	v18 =	vld [tilespmem:s28+$0xFFFFFFC0]  }
0x278: {  	v19 =	vld [tilespmem:s23+$0xFFFFFFD0]  }
0x279: {  	v20 =	vld [tilespmem:s28+$0xFFFFFFD0]  }
0x27a: {  	v21 =	vld [tilespmem:s23+$0x0]  }
0x27b: {  	v22 =	vld [tilespmem:s28+$0x0]  }
0x27c: {  	v23 =	vld [tilespmem:s23+$0x10]  }
0x27d: {  	v24 =	vld [tilespmem:s28+$0x10]  }
0x27e: {  	v25 =	vld [tilespmem:s23+$0xFFFFFF80]  }
0x27f: {  	v26 =	vld [tilespmem:s23+$0xFFFFFFA0]  }
0x280: {  	v27 =	vld [tilespmem:s28+$0xFFFFFFA0]  }
0x281: {  	v28 =	vld [tilespmem:s23+$0xFFFFFFE0]  }
0x282: {  	v29 =	vld [tilespmem:s28+$0xFFFFFFE0]  }
0x283: {  	v30 =	vld [tilespmem:s23+$0x20]  }
0x284: {  	v31 =	vld [tilespmem:s28+$0x20]  }
0x285: {  	v32 =	vld [tilespmem:s23+$0xFFFFFFB0];
	v0 =	vmul.f32 v2, v0  }
0x286: {  	v49 =	vld [tilespmem:s23+$0x30];
	v1 =	vmul.f32 v5, v1;
	v5 =	vmul.f32 v8, v7  }
0x287: {  	v6 =	vadd.f32 v9, v6;
	v0 =	vadd.f32 v0, v4;
	v7 =	vld [tilespmem:s28+$0xFFFFFFB0];
	v2 =	vmul.f32 v11, v10  }
0x288: {  	v8 =	vld [tilespmem:s23+$0xFFFFFFF0];
	v9 =	vmul.f32 v18, v17;
	v4 =	vmul.f32 v20, v19;
	v1 =	vadd.f32 v5, v1  }
0x289: {  	v10 =	vld [tilespmem:s28+$0xFFFFFFF0];
	v11 =	vmul.f32 v14, v25;
	v5 =	vmul.f32 v16, v15  }
0x28a: {  	v51 =	vld [tilespmem:s28+$0x30];
	v50 =	vmul.f32 v24, v23;
	v12 =	vmul.f32 v13, v12;
	v1 =	vadd.f32 v2, v1  }
0x28b: {  	v2 =	vmul.f32 v22, v21;
	v5 =	vadd.f32 v5, v11;
	v11 =	vmul.f32 v27, v26  }
0x28c: {  	v4 =	vadd.f32 v4, v9;
	v9 =	vmul.f32 v29, v28;
	v7 =	vmul.f32 v7, v32  }
0x28d: {  	(xrf2) =	vadd.scan.msk.f32 $0xffff, v3;
	v2 =	vadd.f32 v50, v2;
	v3 =	vadd.f32 v11, v5;
	v5 =	vmul.f32 v31, v30  }
0x28e: {  	(xrf2) =	vadd.scan.msk.f32 $0xffff, v6;
	v4 =	vadd.f32 v9, v4;
	v1 =	vadd.f32 v12, v1;
	v6 =	vmul.f32 v10, v8  }
0x28f: {  	(xrf2) =	vadd.scan.msk.f32 $0xffff, v0;
	v0 =	vadd.f32 v5, v2;
	v2 =	vadd.f32 v7, v3;
	v3 =	vmul.f32 v51, v49  }
0x290: {  	s1 =	sadd.s32 $0x1, s22;
	v5 =	vmov s22;
	(xrf2) =	vadd.scan.msk.f32 $0xffff, v1;
	v1 =	vadd.f32 v6, v4  }
0x291: {  	s29 =	sadd.s32 $0x2, s22;
	v4 =	vand.u32 $0xFFFFFFFC, v5;
	v5 =	vmov s1;
	(xrf2) =	vadd.scan.msk.f32 $0xffff, v2;
	v0 =	vadd.f32 v3, v0  }
0x292: {  	v2 =	vbroadcast v4, $0x0;
	v3 =	vand.u32 $0xFFFFFFFD, v5;
	v4 =	vmov s29;
	(xrf2) =	vadd.scan.msk.f32 $0xffff, v1  }
0x293: {  	s23 =	sadd.s32 $0x1, s21;
	v1 =	vbroadcast v3, $0x0;
	v3 =	vand.u32 $0xFFFFFFFE, v4;
	(xrf2) =	vadd.scan.msk.f32 $0xffff, v0  }
0x294: {  	s22 =	sadd.s32 $0x3, s21;
	v5 =	vmov s23;
	s29 =	sadd.s32 $0x2, s21;
	v0 =	vbroadcast v3, $0x0;
	v3 =	vmov s21  }
0x295: {  	v4 =	vmov s22;
	v6 =	vmov s29;
	v3 =	vand.u32 $0xFFFFFFFC, v3  }
0x296: {  	v5 =	vand.u32 $0xFFFFFFFD, v5;
	v6 =	vand.u32 $0xFFFFFFFE, v6;
	v3 =	vbroadcast v3, $0x0  }
0x297: {  	v7, _, _ =	vpop (xrf2);
	v5 =	vbroadcast v5, $0x0  }
0x298: {  	v8, _, _ =	vpop (xrf2);
	[tilespmem:v2+s26+$0x0] =	vst.idx.msk vm0, v7;
	v2 =	vbroadcast v6, $0x0  }
0x299: {  	v6, _, _ =	vpop (xrf2);
	[tilespmem:v1+s26+$0x0] =	vst.idx.msk vm0, v8  }
0x29a: {  	v1, _, _ =	vpop (xrf2);
	[tilespmem:v0+s26+$0x0] =	vst.idx.msk vm0, v6  }
0x29b: {  	[tilespmem:v4+s26+$0x0] =	vst.idx.msk vm0, v1;
	v0, _, _ =	vpop (xrf2)  }
0x29c: {  	[tilespmem:v3+s26+$0x0] =	vst.idx.msk vm0, v0;
	v0, _, _ =	vpop (xrf2)  }
0x29d: {  	[tilespmem:v5+s26+$0x0] =	vst.idx.msk vm0, v0;
	v0, _, _ =	vpop (xrf2)  }
0x29e: {  	[tilespmem:v2+s26+$0x0] =	vst.idx.msk vm0, v0  }
0x29f: {  	v0 =	vld [tilespmem:$0x11620];
	_ =	sdelay $0x4  }
0x2a0: {  	v0 =	vsub.f32 $0.0e+00, v0;
	_ =	sdelay $0x1  }
0x2a1: {  	v0 =	vmul.f32 $1.442695020e+00, v0;
	_ =	sdelay $0x1  }
0x2a2: {  	(erf) = vpow2.f32 v0;
	_ =	sdelay $0x3  }
0x2a3: {  	v0 =	vld [tilespmem:$0x11630];
	_ =	sdelay $0x4  }
0x2a4: {  	v0 =	vsub.f32 $0.0e+00, v0;
	v1 =	vpop (erf)  }
0x2a5: {  	v1 =	vadd.f32 $1.000000000e+00, v1  }
0x2a6: {  	v0 =	vmul.f32 $1.442695020e+00, v0  }
0x2a7: {  	(erf) = vrcp.f32 v1  }
0x2a8: {  	(erf) = vpow2.f32 v0;
	_ =	sdelay $0x3  }
0x2a9: {  	v0 =	vld [tilespmem:$0x11640];
	_ =	sdelay $0x3  }
0x2aa: {  	v1 =	vpop (erf)  }
0x2ab: {  	v0 =	vsub.f32 $0.0e+00, v0;
	v2 =	vpop (erf)  }
0x2ac: {  	v2 =	vadd.f32 $1.000000000e+00, v2  }
0x2ad: {  	v0 =	vmul.f32 $1.442695020e+00, v0  }
0x2ae: {  	(erf) = vrcp.f32 v2  }
0x2af: {  	(erf) = vpow2.f32 v0;
	_ =	sdelay $0x3  }
0x2b0: {  	v0 =	vld [tilespmem:$0x11650];
	_ =	sdelay $0x3  }
0x2b1: {  	v2 =	vpop (erf)  }
0x2b2: {  	v0 =	vsub.f32 $0.0e+00, v0;
	v3 =	vpop (erf)  }
0x2b3: {  	v3 =	vadd.f32 $1.000000000e+00, v3  }
0x2b4: {  	v0 =	vmul.f32 $1.442695020e+00, v0  }
0x2b5: {  	(erf) = vrcp.f32 v3  }
0x2b6: {  	(erf) = vpow2.f32 v0;
	_ =	sdelay $0x3  }
0x2b7: {  	v0 =	vld [tilespmem:$0x11660];
	_ =	sdelay $0x3  }
0x2b8: {  	v3 =	vpop (erf)  }
0x2b9: {  	v0 =	vsub.f32 $0.0e+00, v0;
	v4 =	vpop (erf)  }
0x2ba: {  	v4 =	vadd.f32 $1.000000000e+00, v4  }
0x2bb: {  	v0 =	vmul.f32 $1.442695020e+00, v0  }
0x2bc: {  	(erf) = vrcp.f32 v4  }
0x2bd: {  	(erf) = vpow2.f32 v0;
	_ =	sdelay $0x7  }
0x2be: {  	v0 =	vpop (erf)  }
0x2bf: {  	v4 =	vpop (erf)  }
0x2c0: {  	v4 =	vadd.f32 $1.000000000e+00, v4;
	_ =	sdelay $0x1  }
0x2c1: {  	(erf) = vrcp.f32 v4;
	_ =	sdelay $0x5  }
0x2c2: {  	[tilespmem:$0x11620] =	vst v1  }
0x2c3: {  	[tilespmem:$0x11630] =	vst v2  }
0x2c4: {  	s21 =	sadd.s32 s4, s11;
	[tilespmem:$0x11640] =	vst v3  }
0x2c5: {  	s1 =	sshrl.u32 s21, $0x3;
	[tilespmem:$0x11650] =	vst v0;
	v0 =	vpop (erf)  }
0x2c6: {  	s1 =	sadd.s32 s2, s1;
	[tilespmem:$0x11660] =	vst v0  }
0x2c7: {  	[hbm4b:s1+s3] =	stream.linear.scatter [tilespmem:s26], [sflag:$0xB], $0x50, $0x38;
	[tilespmem:$0x11670] =	vst v63  }
0x2c8: {  	_ =	swait.ge [sflag:s12], $0x50  }
0x2c9: {  	s11 =	simm.s32 @!p0 $0x50;
	[sflag:s12] =	ssyncset.done $0x0  }
0x2ca: {  	s21 =	simm.s32 @!p0 $0x6220;
	s1 =	sadd.s32 @!p0 $0x1E0, s7;
	[sflag:s12] =	ssyncadd.s32 $0xFFFFFFB0  }
0x2cb: {  	[tilespmem:s21], [sflag:$0x2] =	stream.indirect.gather @!p0 [hbm4b:s5+s11], $0x40, s1, s11, $0xb8;
	[tilespmem:$0x11670] =	vst v63  }
0x2cc: {  	s1 =	sadd.s32 @!p0 $0x28F0, s7;
	s21 =	simm.s32 @!p0 $0xC620  }
0x2cd: {  	[tilespmem:s21], [sflag:$0x7] =	stream.indirect.gather @!p0 [hbm4b:s6+s11], $0x40, s1, s11, $0xb8;
	[tilespmem:$0x11670] =	vst v63  }
0x2ce: {  	_ =	swait.ge [sflag:s19], $0x1400  }
0x2cf: {  	[sflag:s19] =	ssyncset.done $0x0  }
0x2d0: {  	[sflag:s19] =	ssyncadd.s32 $0xFFFFEC00  }
0x2d1: {  	_ =	swait.ge [sflag:s20], $0x1400  }
0x2d2: {  	[sflag:s20] =	ssyncset.done $0x0  }
0x2d3: {  	s22 =	simm.s32 $0x9EA0;
	[sflag:s20] =	ssyncadd.s32 $0xFFFFEC00  }
0x2d4: {  	s23 =	simm.s32 $0x102A0;
	v0 =	vld [tilespmem:s22+$0x40]  }
0x2d5: {  	v1 =	vld [tilespmem:s23+$0x40]  }
0x2d6: {  	v2 =	vld [tilespmem:s22+$0x50]  }
0x2d7: {  	v3 =	vld [tilespmem:s23+$0x50]  }
0x2d8: {  	v4 =	vld [tilespmem:s22+$0x60]  }
0x2d9: {  	v5 =	vld [tilespmem:s23+$0x60]  }
0x2da: {  	v6 =	vld [tilespmem:s22+$0x70]  }
0x2db: {  	v7 =	vld [tilespmem:s23+$0x70]  }
0x2dc: {  	v8 =	vld [tilespmem:s23+$0xFFFFFF80]  }
0x2dd: {  	v9 =	vld [tilespmem:s22+$0xFFFFFF90]  }
0x2de: {  	v10 =	vld [tilespmem:s23+$0xFFFFFF90]  }
0x2df: {  	v11 =	vld [tilespmem:s22+$0xFFFFFFC0]  }
0x2e0: {  	v52 =	vld [tilespmem:s23+$0xFFFFFFC0]  }
0x2e1: {  	v53 =	vld [tilespmem:s22+$0xFFFFFFD0]  }
0x2e2: {  	v54 =	vld [tilespmem:s23+$0xFFFFFFD0];
	v0 =	vmul.f32 v1, v0;
	v1 =	vmul.f32 v3, v2  }
0x2e3: {  	v55 =	vld [tilespmem:s22+$0xFFFFFFE0]  }
0x2e4: {  	v56 =	vld [tilespmem:s23+$0xFFFFFFE0];
	v0 =	vadd.f32 v1, v0;
	v1 =	vmul.f32 v5, v4  }
0x2e5: {  	v57 =	vld [tilespmem:s22+$0x20]  }
0x2e6: {  	v2 =	vld [tilespmem:s22+$0x0];
	v0 =	vadd.f32 v1, v0;
	v1 =	vmul.f32 v7, v6  }
0x2e7: {  	v4 =	vld [tilespmem:s22+$0x10]  }
0x2e8: {  	v5 =	vld [tilespmem:s23+$0x10];
	v0 =	vadd.f32 v1, v0  }
0x2e9: {  	v6 =	vld [tilespmem:s22+$0xFFFFFF80]  }
0x2ea: {  	v7 =	vld [tilespmem:s22+$0xFFFFFFA0];
	(xrf2) =	vadd.scan.msk.f32 $0xffff, v0  }
0x2eb: {  	v1 =	vld [tilespmem:s23+$0xFFFFFFA0]  }
0x2ec: {  	v3 =	vld [tilespmem:s23+$0x0]  }
0x2ed: {  	v58 =	vld [tilespmem:s23+$0x20]  }
0x2ee: {  	s29 =	simm.s32 $0x3;
	v59 =	vld [tilespmem:s22+$0xFFFFFFB0];
	v9 =	vmul.f32 v10, v9;
	v6 =	vmul.f32 v8, v6  }
0x2ef: {  	v62 =	vmov s29;
	v60 =	vld [tilespmem:s23+$0xFFFFFFB0];
	v10 =	vmul.f32 v52, v11  }
0x2f0: {  	v11 =	vld [tilespmem:s22+$0xFFFFFFF0];
	v4 =	vmul.f32 v5, v4;
	v5 =	vadd.f32 v9, v6;
	v6 =	vmul.f32 v1, v7  }
0x2f1: {  	v61 =	vmul.f32 v54, v53;
	v3 =	vmul.f32 v3, v2;
	v8 =	vld [tilespmem:s23+$0xFFFFFFF0]  }
0x2f2: {  	v2 =	vld [tilespmem:s23+$0x30]  }
0x2f3: {  	v0 =	vld [tilespmem:s22+$0x30];
	s22 =	simm.s32 $0x9FA0;
	v3 =	vadd.f32 v4, v3;
	v4 =	vmul.f32 v56, v55;
	v7 =	vadd.f32 v61, v10  }
0x2f4: {  	v63 =	vmul.f32 v60, v59;
	s23 =	simm.s32 $0x103A0;
	v1 =	vld [tilespmem:s22+$0x40];
	v10 =	vmul.f32 v58, v57;
	v9 =	vadd.f32 v6, v5;
	v6, _, _ =	vpop (xrf2)  }
0x2f5: {  	v5 =	vld [tilespmem:s23+$0x40];
	[tilespmem:v62+s26+$0x0] =	vst.idx.msk vm0, v6;
	v6 =	vadd.f32 v4, v7  }
0x2f6: {  	v7 =	vld [tilespmem:s22+$0x50];
	v4 =	vadd.f32 v10, v3;
	v3 =	vadd.f32 v63, v9;
	v9 =	vmul.f32 v8, v11  }
0x2f7: {  	s28 =	simm.s32 $0x8;
	s21 =	simm.s32 $0x0;
	s11 =	simm.s32 $0x4;
	v8 =	vld [tilespmem:s23+$0x50]  }
.LBB2_11:
0x2f8: {  	p1 =	slt.u32 s28, $0x4C;
	v10 =	vld [tilespmem:s22+$0x60];
	v6 =	vadd.f32 v9, v6;
	v0 =	vmul.f32 v2, v0;
	(xrf2) =	vadd.scan.msk.f32 $0xffff, v3  }
0x2f9: {  	v2 =	vld [tilespmem:s23+$0x60]  }
0x2fa: {  	v3 =	vld [tilespmem:s22+$0x70];
	v0 =	vadd.f32 v0, v4  }
0x2fb: {  	v9 =	vmov s21;
	v4 =	vld [tilespmem:s23+$0x70];
	(xrf2) =	vadd.scan.msk.f32 $0xffff, v6  }
0x2fc: {  	v1 =	vmul.f32 v5, v1;
	v6 =	vld [tilespmem:s23+$0xFFFFFF80];
	v5 =	vmul.f32 v8, v7;
	v7 =	vand.u32 $0xFFFFFFFC, v9  }
0x2fd: {  	s1 =	sadd.s32 $0x1, s21;
	v8 =	vld [tilespmem:s22+$0xFFFFFF90];
	v7 =	vbroadcast v7, $0x0  }
0x2fe: {  	v9 =	vld [tilespmem:s23+$0xFFFFFF90];
	v1 =	vadd.f32 v5, v1;
	v2 =	vmul.f32 v2, v10;
	v5 =	vmov s1;
	(xrf2) =	vadd.scan.msk.f32 $0xffff, v0  }
0x2ff: {  	v0 =	vld [tilespmem:s22+$0xFFFFFFC0];
	v5 =	vand.u32 $0xFFFFFFFD, v5  }
0x300: {  	s1 =	sadd.s32 $0x2, s21;
	s21 =	smov.u32 s11;
	s11 =	smov.u32 s28;
	v10 =	vld [tilespmem:s23+$0xFFFFFFC0];
	v1 =	vadd.f32 v2, v1;
	v2 =	vmul.f32 v4, v3;
	v3 =	vbroadcast v5, $0x0  }
0x301: {  	v12 =	vmov s1;
	v4 =	vld [tilespmem:s22+$0xFFFFFFD0]  }
0x302: {  	v11 =	vld [tilespmem:s23+$0xFFFFFFD0];
	v1 =	vadd.f32 v2, v1;
	v2 =	vand.u32 $0xFFFFFFFE, v12;
	v5, _, _ =	vpop (xrf2)  }
0x303: {  	v8 =	vmul.f32 v9, v8;
	v9 =	vld [tilespmem:s22+$0x0];
	[tilespmem:v7+s26+$0x0] =	vst.idx.msk vm0, v5;
	v2 =	vbroadcast v2, $0x0  }
0x304: {  	v5 =	vld [tilespmem:s23+$0x0];
	(xrf2) =	vadd.scan.msk.f32 $0xffff, v1  }
0x305: {  	v0 =	vmul.f32 v10, v0;
	v1 =	vld [tilespmem:s22+$0x10];
	v7, _, _ =	vpop (xrf2)  }
0x306: {  	v10 =	vld [tilespmem:s23+$0x10];
	[tilespmem:v3+s26+$0x0] =	vst.idx.msk vm0, v7  }
0x307: {  	v3 =	vld [tilespmem:s22+$0xFFFFFF80];
	v4 =	vmul.f32 v11, v4  }
0x308: {  	v7 =	vld [tilespmem:s22+$0xFFFFFFA0];
	v11, _, _ =	vpop (xrf2)  }
0x309: {  	s1 =	sadd.s32 $0x3, s21;
	v12 =	vld [tilespmem:s23+$0xFFFFFFA0];
	v0 =	vadd.f32 v4, v0;
	v4 =	vmul.f32 v5, v9;
	[tilespmem:v2+s26+$0x0] =	vst.idx.msk vm0, v11  }
0x30a: {  	v5 =	vmov s1;
	v2 =	vld [tilespmem:s22+$0xFFFFFFE0]  }
0x30b: {  	v9 =	vld [tilespmem:s23+$0xFFFFFFE0];
	v1 =	vmul.f32 v10, v1  }
0x30c: {  	v3 =	vmul.f32 v6, v3;
	v10 =	vld [tilespmem:s22+$0x20]  }
0x30d: {  	v4 =	vadd.f32 v1, v4;
	v1 =	vld [tilespmem:s23+$0x20]  }
0x30e: {  	v3 =	vadd.f32 v8, v3;
	v6 =	vmul.f32 v12, v7;
	v7 =	vld [tilespmem:s22+$0xFFFFFFB0];
	v8, _, _ =	vpop (xrf2)  }
0x30f: {  	v11 =	vld [tilespmem:s23+$0xFFFFFFB0];
	[tilespmem:v5+s26+$0x0] =	vst.idx.msk vm0, v8  }
0x310: {  	v3 =	vadd.f32 v6, v3;
	v2 =	vmul.f32 v9, v2;
	v8 =	vld [tilespmem:s22+$0xFFFFFFF0]  }
0x311: {  	v9 =	vld [tilespmem:s23+$0xFFFFFFF0]  }
0x312: {  	v6 =	vadd.f32 v2, v0;
	v5 =	vmul.f32 v1, v10;
	v0 =	vld [tilespmem:s22+$0x30]  }
.Ltmp6:
0x313: {  	s22 =	sadd.s32 $0x100, s22;
	v2 =	vld [tilespmem:s23+$0x30];
	(pc) =	sbr.rel @p1 .LBB2_11-.Ltmp6, $4  }
0x314: {  	s23 =	sadd.s32 $0x100, s23;
	v1 =	vld [tilespmem:s22+$0x40];
	v10 =	vmul.f32 v11, v7;
	v4 =	vadd.f32 v5, v4  }
0x315: {  	v5 =	vld [tilespmem:s23+$0x40]  }
0x316: {  	v7 =	vld [tilespmem:s22+$0x50];
	v3 =	vadd.f32 v10, v3;
	v9 =	vmul.f32 v9, v8  }
0x317: {  	s28 =	sadd.s32 $0x4, s28;
	v8 =	vld [tilespmem:s23+$0x50]  }
0x318: {  	v10 =	vld [tilespmem:s22+$0x60]  }
0x319: {  	v11 =	vld [tilespmem:s23+$0x60]  }
0x31a: {  	v12 =	vld [tilespmem:s22+$0x70]  }
0x31b: {  	v13 =	vld [tilespmem:s23+$0x70]  }
0x31c: {  	v14 =	vld [tilespmem:s23+$0xFFFFFF80]  }
0x31d: {  	v15 =	vld [tilespmem:s22+$0xFFFFFF90]  }
0x31e: {  	v16 =	vld [tilespmem:s23+$0xFFFFFF90]  }
0x31f: {  	v17 =	vld [tilespmem:s22+$0xFFFFFFC0]  }
0x320: {  	v18 =	vld [tilespmem:s23+$0xFFFFFFC0]  }
0x321: {  	v19 =	vld [tilespmem:s22+$0xFFFFFFD0]  }
0x322: {  	v20 =	vld [tilespmem:s23+$0xFFFFFFD0]  }
0x323: {  	v21 =	vld [tilespmem:s22+$0x0]  }
0x324: {  	v22 =	vld [tilespmem:s23+$0x0]  }
0x325: {  	v23 =	vld [tilespmem:s22+$0x10]  }
0x326: {  	v24 =	vld [tilespmem:s23+$0x10]  }
0x327: {  	v25 =	vld [tilespmem:s22+$0xFFFFFF80]  }
0x328: {  	v26 =	vld [tilespmem:s22+$0xFFFFFFA0]  }
0x329: {  	v27 =	vld [tilespmem:s23+$0xFFFFFFA0]  }
0x32a: {  	v28 =	vld [tilespmem:s22+$0xFFFFFFE0]  }
0x32b: {  	v29 =	vld [tilespmem:s23+$0xFFFFFFE0]  }
0x32c: {  	v30 =	vld [tilespmem:s22+$0x20]  }
0x32d: {  	v31 =	vld [tilespmem:s23+$0x20]  }
0x32e: {  	v32 =	vld [tilespmem:s22+$0xFFFFFFB0];
	v0 =	vmul.f32 v2, v0  }
0x32f: {  	v55 =	vld [tilespmem:s23+$0xFFFFFFB0];
	v1 =	vmul.f32 v5, v1;
	v54 =	vmul.f32 v8, v7  }
0x330: {  	v57 =	vld [tilespmem:s22+$0xFFFFFFF0];
	v56 =	vmul.f32 v11, v10;
	v58 =	vmul.f32 v16, v15  }
0x331: {  	v6 =	vadd.f32 v9, v6;
	v60 =	vld [tilespmem:s23+$0xFFFFFFF0];
	v59 =	vmul.f32 v18, v17;
	v61 =	vmul.f32 v20, v19  }
0x332: {  	v63 =	vld [tilespmem:s22+$0x30];
	v0 =	vadd.f32 v0, v4;
	v62 =	vmul.f32 v14, v25;
	v20 =	vmul.f32 v22, v21  }
0x333: {  	v21 =	vmul.f32 v24, v23;
	v22 =	vld [tilespmem:s23+$0x30];
	v12 =	vmul.f32 v13, v12;
	v1 =	vadd.f32 v54, v1  }
0x334: {  	v23 =	vmul.f32 v27, v26;
	v24 =	vmul.f32 v29, v28;
	v5 =	vadd.f32 v58, v62  }
0x335: {  	v26 =	vmul.f32 v31, v30;
	v4 =	vadd.f32 v61, v59;
	v1 =	vadd.f32 v56, v1  }
0x336: {  	(xrf2) =	vadd.scan.msk.f32 $0xffff, v3;
	v7 =	vmul.f32 v55, v32;
	v2 =	vadd.f32 v21, v20;
	v25 =	vadd.f32 v23, v5  }
0x337: {  	(xrf2) =	vadd.scan.msk.f32 $0xffff, v6;
	v27 =	vmul.f32 v60, v57;
	v4 =	vadd.f32 v24, v4;
	v1 =	vadd.f32 v12, v1  }
0x338: {  	(xrf2) =	vadd.scan.msk.f32 $0xffff, v0;
	v28 =	vadd.f32 v26, v2;
	v30 =	vmul.f32 v22, v63;
	v29 =	vadd.f32 v7, v25  }
0x339: {  	s1 =	sadd.s32 $0x1, s21;
	v31 =	vmov s21;
	v32 =	vadd.f32 v27, v4;
	(xrf2) =	vadd.scan.msk.f32 $0xffff, v1  }
0x33a: {  	v34 =	vmov s1;
	s21 =	sadd.s32 $0x2, s21;
	v33 =	vand.u32 $0xFFFFFFFC, v31;
	v0 =	vadd.f32 v30, v28;
	(xrf2) =	vadd.scan.msk.f32 $0xffff, v29  }
0x33b: {  	v36 =	vand.u32 $0xFFFFFFFD, v34;
	v37 =	vmov s21;
	v35 =	vbroadcast v33, $0x0;
	(xrf2) =	vadd.scan.msk.f32 $0xffff, v32  }
0x33c: {  	v38 =	vbroadcast v36, $0x0;
	v39 =	vand.u32 $0xFFFFFFFE, v37;
	(xrf2) =	vadd.scan.msk.f32 $0xffff, v0  }
0x33d: {  	s22 =	sadd.s32 $0x3, s11;
	v41 =	vmov s11;
	s23 =	sadd.s32 $0x1, s11;
	v40 =	vbroadcast v39, $0x0  }
0x33e: {  	s28 =	sadd.s32 $0x2, s11;
	v42 =	vmov s22;
	v3 =	vand.u32 $0xFFFFFFFC, v41;
	v43 =	vmov s23  }
0x33f: {  	v44 =	vmov s28;
	v3 =	vbroadcast v3, $0x0;
	v5 =	vand.u32 $0xFFFFFFFD, v43  }
0x340: {  	v6 =	vand.u32 $0xFFFFFFFE, v44;
	v45, _, _ =	vpop (xrf2);
	v5 =	vbroadcast v5, $0x0  }
0x341: {  	v47 =	vbroadcast v6, $0x0;
	v46, _, _ =	vpop (xrf2);
	[tilespmem:v35+s26+$0x0] =	vst.idx.msk vm0, v45  }
0x342: {  	[tilespmem:v38+s26+$0x0] =	vst.idx.msk vm0, v46;
	v48, _, _ =	vpop (xrf2)  }
0x343: {  	[tilespmem:v40+s26+$0x0] =	vst.idx.msk vm0, v48;
	v49, _, _ =	vpop (xrf2)  }
0x344: {  	[tilespmem:v42+s26+$0x0] =	vst.idx.msk vm0, v49;
	v50, _, _ =	vpop (xrf2)  }
0x345: {  	[tilespmem:v3+s26+$0x0] =	vst.idx.msk vm0, v50;
	v51, _, _ =	vpop (xrf2)  }
0x346: {  	[tilespmem:v5+s26+$0x0] =	vst.idx.msk vm0, v51;
	v52, _, _ =	vpop (xrf2)  }
0x347: {  	[tilespmem:v47+s26+$0x0] =	vst.idx.msk vm0, v52  }
0x348: {  	v0 =	vld [tilespmem:$0x11620];
	_ =	sdelay $0x4  }
0x349: {  	v0 =	vsub.f32 $0.0e+00, v0;
	_ =	sdelay $0x1  }
0x34a: {  	v0 =	vmul.f32 $1.442695020e+00, v0;
	_ =	sdelay $0x1  }
0x34b: {  	(erf) = vpow2.f32 v0;
	_ =	sdelay $0x3  }
0x34c: {  	v53 =	vld [tilespmem:$0x11630];
	_ =	sdelay $0x4  }
0x34d: {  	v0 =	vsub.f32 $0.0e+00, v53;
	v54 =	vpop (erf)  }
0x34e: {  	v1 =	vadd.f32 $1.000000000e+00, v54  }
0x34f: {  	v0 =	vmul.f32 $1.442695020e+00, v0  }
0x350: {  	(erf) = vrcp.f32 v1  }
0x351: {  	(erf) = vpow2.f32 v0;
	_ =	sdelay $0x3  }
0x352: {  	v55 =	vld [tilespmem:$0x11640];
	_ =	sdelay $0x3  }
0x353: {  	v1 =	vpop (erf)  }
0x354: {  	v0 =	vsub.f32 $0.0e+00, v55;
	v56 =	vpop (erf)  }
0x355: {  	v2 =	vadd.f32 $1.000000000e+00, v56  }
0x356: {  	v0 =	vmul.f32 $1.442695020e+00, v0  }
0x357: {  	(erf) = vrcp.f32 v2  }
0x358: {  	(erf) = vpow2.f32 v0;
	_ =	sdelay $0x3  }
0x359: {  	v57 =	vld [tilespmem:$0x11650];
	_ =	sdelay $0x3  }
0x35a: {  	v2 =	vpop (erf)  }
0x35b: {  	v0 =	vsub.f32 $0.0e+00, v57;
	v58 =	vpop (erf)  }
0x35c: {  	v3 =	vadd.f32 $1.000000000e+00, v58  }
0x35d: {  	v0 =	vmul.f32 $1.442695020e+00, v0  }
0x35e: {  	(erf) = vrcp.f32 v3  }
0x35f: {  	(erf) = vpow2.f32 v0;
	_ =	sdelay $0x3  }
0x360: {  	v59 =	vld [tilespmem:$0x11660];
	_ =	sdelay $0x3  }
0x361: {  	v3 =	vpop (erf)  }
0x362: {  	v0 =	vsub.f32 $0.0e+00, v59;
	v60 =	vpop (erf)  }
0x363: {  	v4 =	vadd.f32 $1.000000000e+00, v60  }
0x364: {  	v0 =	vmul.f32 $1.442695020e+00, v0  }
0x365: {  	(erf) = vrcp.f32 v4  }
0x366: {  	(erf) = vpow2.f32 v0;
	_ =	sdelay $0x7  }
0x367: {  	v61 =	vpop (erf)  }
0x368: {  	v62 =	vpop (erf)  }
0x369: {  	v4 =	vadd.f32 $1.000000000e+00, v62;
	_ =	sdelay $0x1  }
0x36a: {  	(erf) = vrcp.f32 v4;
	_ =	sdelay $0x5  }
0x36b: {  	[tilespmem:$0x11620] =	vst v1  }
0x36c: {  	[tilespmem:$0x11630] =	vst v2  }
0x36d: {  	s29 =	sadd.s32 s4, s8;
	[tilespmem:$0x11640] =	vst v3  }
0x36e: {  	s1 =	sshrl.u32 s29, $0x3;
	[tilespmem:$0x11650] =	vst v61;
	v63 =	vpop (erf)  }
.Ltmp7:
0x36f: {  	s1 =	sadd.s32 s2, s1;
	[tilespmem:$0x11660] =	vst v63;
	(pc) =	sbr.rel @p0 .LBB2_14-.Ltmp7, $4  }
0x370: {  	[hbm4b:s1+s3] =	stream.linear.scatter [tilespmem:s26], [sflag:$0xB], $0x50, $0x38;
	[tilespmem:$0x11670] =	vst v63  }
0x371: {  	_ =	swait.ge [sflag:s12], $0x50  }
0x372: {  	[sflag:s12] =	ssyncset.done $0x0  }
0x373: {  	[sflag:s12] =	ssyncadd.s32 $0xFFFFFFB0  }
.Ltmp8:
0x374: {  	(pc) =	sbr.rel .LBB2_2-.Ltmp8, $4  }
0x375: {  	s1 =	sadd.s32 $0x230, s7;
	s8 =	simm.s32 $0x7620  }
0x376: {  	[tilespmem:s8], [sflag:$0x3] =	stream.indirect.gather [hbm4b:s5+s14], $0x40, s1, s14, $0xb8;
	[tilespmem:$0x11670] =	vst v63  }
0x377: {  	s28 =	sadd.s32 $0x2940, s7;
	s29 =	simm.s32 $0xDA20;
	s13 =	sadd.s32 $0x1, s13  }
0x378: {  	[tilespmem:s29], [sflag:$0x8] =	stream.indirect.gather [hbm4b:s6+s14], $0x40, s28, s14, $0xb8;
	[tilespmem:$0x11670] =	vst v63  }
.LBB2_15:
0x379: {  	_ =	sfence.sel $0x180000  }
0x37a: {  	[bflag:$0x0] =	sbarrier.arrive $0xFFFF  }
0x37b: {  	_ =	strace $0x9000004A  }
0x37c: {  	s0 =	stileid.u32;
	[bflag:$0x2] =	sbarrier.arrive $0xFFFF  }
0x37d: {  	p0 =	sne.s32 s0, $0x0;
	s0 =	rddreg [dreg:$0x2]  }
0x37e: {  	s0 =	sadd.s32 @!p0 $0x100000, s0  }
0x37f: {  	[sflag:s0] =	ssyncadd.tile.s32 @!p0 $0x1;
	_ =	shalt  }
.Lfunc_end2:
_tile_overlayer_lowered:
.L_overlay_start_2:
0x380: {  	(tag) =	ssettag $0x2  }
0x381: {  	s0 =	rddreg [dreg:$0x0];
	s2 =	stileid.u32  }
0x382: {  	s1 =	rddreg [dreg:$0x1];
	p0 =	sne.s32 s2, $0x0  }
0x383: {  	s3 =	rddreg [dreg:$0x2];
	[bflag:$0x3] =	sbarrier.arrive $0xFFFF;
	s2 =	simm.s32 @!p0 $0x1C0B  }
0x384: {  	[timem:s3], [sflag:s2] =	dma.local @!p0 [hbm:s0], s1  }
0x385: {  	s0 =	simm.s32 @!p0 $0xB  }
0x386: {  	_ =	swait.ge @!p0 [sflag:s0], s1  }
0x387: {  	s1 =	ssub.s32 @!p0 $0x0, s1;
	[sflag:s0] =	ssyncset.done @!p0 $0x0  }
0x388: {  	[sflag:s0] =	ssyncadd.s32 @!p0 s1  }
0x389: {  	[bflag:$0x3] =	sbarrier.arrive $0xFFFF  }
0x38a: {  	_ =	shalt  }

</sc_bundles>
